<compile_context>
chip_gen: v7x
topology: tpu7x:2x2x1
jax: 0.10.2.dev20260603
libtpu: 0.0.44.dev20260713+nightly
codegen_flags: <defaults>
</compile_context>

<pallas_src>
import base64

import numpy as np
import jax
import jax.numpy as jnp
from jax import lax
from jax.experimental import pallas as pl
from jax.experimental.pallas import tpu as pltpu
from jax.experimental.pallas import tpu_sc as plsc

_BS = 16384
_D = 1024
_P = _BS // 3
_NBOX = 151
_NREL = 51
_LAM = 0.65

_CH = 8
_NCH = -(-_P // _CH)
_TAIL = _P - _CH * (_NCH - 1)
_NC = 2
_NS = 16
_NW = _NC * _NS
_TPW = -(-_NCH // _NW)

_ALPHA_B64 = (
    "Pwy1VqO41bjFw6gz2o+5kKa6PpYXZRWndPj7s0PTjhRXQinnd7huFtBA1yZECJQzTuCaypf9JleK"
    "ysBoogDE2BcmV3caNqHj9ldm0JRs55GkeMbyn6juzNgcNkLOLmyB8CilLdN7sPMVru7I98JrCEOp"
    "Dp3OSzCCzMX2X1NM5CjRRqpbg/6UwDfLgm3H3n8/wcw7In50YRE9R+mswET/xmPFBuUBSHv8CIcb"
    "Rr9KMiIxKyDNhP+byJQOyKUdHY7t8lAidC+4thfXnDwoqvvt4c2eZBQyC3EQbwSdwRBAKHrWtoH6"
    "0xGxvxI5zIfS4lA5DDXsXUE3prx1jYESVd7WGi04OzWscKJDS6XNPPbgNVwktf7wQFh10vphyMeE"
    "1AbaGhcFEsJwd2Rgn2hU0LlobBLReCAYI0bKr4nuEhe2aOHTYVgPUmdmA6hbURSYdQKVBOUZrj2S"
    "jsWvHtsxB07BRLbP0YRh0NGqzVytHkXFSvZxk/wPlqVMB9Om99eC6iCcVxWu2YkscSOM3SNtsXFt"
    "AY7r35mpiLw77GRcetL3XgkcuQbpaiy/qk7ZCE4oKI9vFEeGbORzSU4KiUB5Dvnd9QCbfT1pypn1"
    "wFf6ZSlnV2B0dWn0vwPkot/Ph1fYEWDTjb71cw42rkaD88lEKLIQZ3UHknNUZdbGsOrcfxcuXlfH"
    "BqYxyNyMBHcd5yp7pk4wtzqapGvSqVLN/CLayVT1rmhnNvuS91PL5+VzkKNkcOHZlAQ69oZSeFYN"
    "G/jchu8rPA3+0krtNUNavYNwBoLPvVqrGZALiBtm10Nva2wMXmhLlGkHUHczqnzzCjJtusJIzjY9"
    "BIHs+7cRxUPJfb6dQLskPPV0gD2IMZmEDL+OwTOb/5zxYlrX6/DIoY8cS6l4UoPWX0Uokz7ZIug="
)
_ALPHA = np.unpackbits(
    np.frombuffer(base64.b64decode(_ALPHA_B64), dtype=np.uint8))[:_P]

_ROWS = np.minimum(np.arange(_NCH)[:, None] * _CH + np.arange(_CH)[None, :],
                   _P - 1)
_Q23 = np.where(_ALPHA[_ROWS] == 1, _P + _ROWS, 2 * _P + _ROWS)
_QIDX = np.concatenate([_ROWS, _Q23], axis=1).reshape(-1).astype(np.int32)
_QSEL = np.where(_ALPHA == 1, _P + np.arange(_P),
                 2 * _P + np.arange(_P)).astype(np.int32)


def _mix_body(qidx_hbm, ind_hbm, sub_hbm, obj_hbm, prd_hbm,
              subl_hbm, objl_hbm, prdl_hbm,
              out_s, out_o, out_p, out_dummy, gl_s, gl_o, gl_p,
              qidx_v, ib0, ib1, a0, a1, a2, b0, b1, b2, fba, fbb,
              la0, la1, la2, lb0, lb1, lb2, acc0, acc1, acc2,
              isem0, isem1, gsem0, gsem1, wsema, wsemb, lsem0, lsem1):
    wid = lax.axis_index("s") * _NC + lax.axis_index("c")
    pltpu.sync_copy(qidx_hbm, qidx_v)
    lam = jnp.float32(_LAM)
    oml = jnp.float32(1.0 - _LAM)
    tabs = (sub_hbm, obj_hbm, prd_hbm)
    ltabs = (subl_hbm, objl_hbm, prdl_hbm)
    outs = (out_s, out_o, out_p)
    set_a = (a0, a1, a2)
    set_b = (b0, b1, b2)
    lset_a = (la0, la1, la2)
    lset_b = (lb0, lb1, lb2)
    accs = (acc0, acc1, acc2)

    def cidx(j):
        return jnp.minimum(wid * _TPW + j, _NCH - 1)

    def fetch_idx(j, ib, sem):
        q = pl.multiple_of(cidx(j) * 16, 8)
        qpos = qidx_v[pl.ds(q, 16)]
        pltpu.async_copy(ind_hbm.at[qpos], ib, sem)

    def wait_idx(ib, sem):
        pltpu.make_async_copy(ind_hbm.at[pl.ds(0, 16)], ib, sem).wait()

    def issue_rows(ib, bufs, lbufs, sem, lsem):
        idxv = ib[...]
        for tab, b in zip(tabs, bufs):
            pltpu.async_copy(tab.at[idxv], b, sem)
        for ltab, lb in zip(ltabs, lbufs):
            pltpu.async_copy(ltab.at[idxv], lb, lsem)

    def wait_rows(bufs, lbufs, sem, lsem):
        for b in bufs:
            pltpu.make_async_copy(sub_hbm.at[pl.ds(0, 16)], b, sem).wait()
        for lb in lbufs:
            pltpu.make_async_copy(subl_hbm.at[pl.ds(0, 16)], lb, lsem).wait()

    def combine(b, fb):
        @plsc.parallel_loop(0, _D // 16, unroll=4)
        def grp(g, b=b, fb=fb):
            col = pl.multiple_of(g * 16, 8)
            for r in range(_CH):
                x = b[r, pl.ds(col, 16)]
                y = b[r + _CH, pl.ds(col, 16)]
                fb[r, pl.ds(col, 16)] = x * lam + y * oml

    def compute_write(j, bufs, lbufs, t, guard_first):
        c = cidx(j)
        start = pl.multiple_of(c * _CH, 8)
        tail = c == (_NCH - 1)
        joff = pl.multiple_of(j * 16, 8)
        for acc, lb in zip(accs, lbufs):
            acc[pl.ds(joff, 16)] = lb[...]
        for k in range(3):
            fb, wsem = (fba, wsema) if k != 1 else (fbb, wsemb)

            def drain(fb=fb, wsem=wsem, k=k):
                pltpu.make_async_copy(
                    fb, outs[k].at[pl.ds(0, _CH)], wsem).wait()

            if guard_first and k != 2:
                @pl.when(t > 0)
                def _():
                    drain()
            else:
                drain()
            combine(bufs[k], fb)

            @pl.when(jnp.logical_not(tail))
            def _(fb=fb, wsem=wsem, k=k):
                pltpu.async_copy(fb, outs[k].at[pl.ds(start, _CH)], wsem)

            @pl.when(tail)
            def _(fb=fb, wsem=wsem, k=k):
                pltpu.sync_copy(fb.at[pl.ds(0, _TAIL)],
                                outs[k].at[pl.ds(_CH * (_NCH - 1), _TAIL)])
                pltpu.async_copy(fb, out_dummy, wsem)

    fetch_idx(0, ib0, isem0)
    fetch_idx(1, ib1, isem1)
    wait_idx(ib0, isem0)
    issue_rows(ib0, set_a, lset_a, gsem0, lsem0)

    def step(t, carry):
        wait_idx(ib1, isem1)
        issue_rows(ib1, set_b, lset_b, gsem1, lsem1)
        fetch_idx(2 * t + 2, ib0, isem0)
        wait_rows(set_a, lset_a, gsem0, lsem0)
        compute_write(2 * t, set_a, lset_a, t, True)

        wait_idx(ib0, isem0)
        issue_rows(ib0, set_a, lset_a, gsem0, lsem0)
        fetch_idx(2 * t + 3, ib1, isem1)
        wait_rows(set_b, lset_b, gsem1, lsem1)
        compute_write(2 * t + 1, set_b, lset_b, t, False)
        return carry

    lax.fori_loop(0, _TPW // 2, step, 0)
    wait_idx(ib1, isem1)
    wait_rows(set_a, lset_a, gsem0, lsem0)
    woff = pl.multiple_of(wid * (_TPW * 16), 8)
    for acc, gl in zip(accs, (gl_s, gl_o, gl_p)):
        pltpu.sync_copy(acc, gl.at[pl.ds(woff, _TPW * 16)])
    pltpu.make_async_copy(fba, out_s.at[pl.ds(0, _CH)], wsema).wait()
    pltpu.make_async_copy(fbb, out_s.at[pl.ds(0, _CH)], wsemb).wait()


def _make_mix():
    mesh = plsc.VectorSubcoreMesh(core_axis_name="c", subcore_axis_name="s")
    return pl.kernel(
        _mix_body,
        out_type=[jax.ShapeDtypeStruct((_P, _D), jnp.float32)] * 3
                 + [jax.ShapeDtypeStruct((_CH, _D), jnp.float32)]
                 + [jax.ShapeDtypeStruct((_NW * _TPW * 16,), jnp.int32)] * 3,
        mesh=mesh,
        scratch_types=[
            pltpu.VMEM((_NCH * 16,), jnp.int32),
            pltpu.VMEM((16,), jnp.int32),
            pltpu.VMEM((16,), jnp.int32),
        ] + [pltpu.VMEM((2 * _CH, _D), jnp.float32)] * 6
          + [pltpu.VMEM((_CH, _D), jnp.float32)] * 2
          + [pltpu.VMEM((16,), jnp.int32)] * 6
          + [pltpu.VMEM((_TPW * 16,), jnp.int32)] * 3
          + [pltpu.SemaphoreType.DMA] * 8,
    )


def _keys_body(lab_ref, r_ref, o_ref):
    iota = lax.broadcasted_iota(jnp.int32, (_BS, 64), 1)
    rows = lax.broadcasted_iota(jnp.int32, (_BS, 1), 0).astype(jnp.float32)
    lab = lab_ref[...]
    r = r_ref[...]
    onehot = jnp.where(iota == lab, jnp.float32(1.0), jnp.float32(0.0))
    rank = jax.lax.dot_general(
        onehot, r, (((1,), (0,)), ((), ())),
        preferred_element_type=jnp.float32)
    o_ref[...] = rank * jnp.float32(262144.0) + rows


def _lab_body(g_ref, os_ref, oo_ref, op_ref):
    lam = jnp.float32(_LAM)
    oml = jnp.float32(1.0 - _LAM)
    g = g_ref[...]

    def enc(c1, c23, o_ref, ncls):
        iota = lax.broadcasted_iota(jnp.int32, (_P, ncls), 1)
        l1 = g[:, c1:c1 + 1]
        l23 = g[:, c23:c23 + 1]
        o_ref[...] = (jnp.where(iota == l1, lam, jnp.float32(0.0))
                      + jnp.where(iota == l23, oml, jnp.float32(0.0)))

    enc(0, 1, os_ref, _NBOX)
    enc(2, 3, oo_ref, _NBOX)
    enc(4, 5, op_ref, _NREL)


def kernel(sub, sub_l, obj, obj_l, prd_vis_embeddings, prd_labels, prd_weights):
    rank = jnp.sum(
        jnp.where(prd_weights[None, :] > prd_weights[:, None],
                  jnp.float32(1.0), jnp.float32(0.0)), axis=1)
    rpad = jnp.zeros((64, 1), jnp.float32).at[:_NREL, 0].set(rank)
    keys = pl.pallas_call(
        _keys_body,
        out_shape=jax.ShapeDtypeStruct((_BS, 1), jnp.float32),
    )(prd_labels[:, None].astype(jnp.int32), rpad)
    indices = jnp.bitwise_and(
        jnp.sort(keys.reshape(_BS)).astype(jnp.int32), 262143)

    mix = _make_mix()
    m_sub, m_obj, m_prd, _, gsl, gol, gpl = mix(
        jnp.asarray(_QIDX), indices.astype(jnp.int32),
        sub, obj, prd_vis_embeddings,
        sub_l.astype(jnp.int32), obj_l.astype(jnp.int32),
        prd_labels.astype(jnp.int32))

    def split(g):
        g = g[:_NCH * 16].reshape(_NCH, 2, _CH)
        return (g[:, 0, :].reshape(-1)[:_P], g[:, 1, :].reshape(-1)[:_P])

    l1s, l23s = split(gsl)
    l1o, l23o = split(gol)
    l1p, l23p = split(gpl)
    glab = jnp.stack(
        [l1s, l23s, l1o, l23o, l1p, l23p,
         jnp.zeros((_P,), jnp.int32), jnp.zeros((_P,), jnp.int32)],
        axis=1).astype(jnp.int32)

    lab_s, lab_o, lab_p = pl.pallas_call(
        _lab_body,
        out_shape=[
            jax.ShapeDtypeStruct((_P, _NBOX), jnp.float32),
            jax.ShapeDtypeStruct((_P, _NBOX), jnp.float32),
            jax.ShapeDtypeStruct((_P, _NREL), jnp.float32),
        ],
    )(glab)

    return (m_sub, lab_s, m_obj, lab_o, m_prd, lab_p)

# --- scband reference (transcript-rebuilt; emitter-appended) ---
"""Pipeline reference for scband-cumix-head-59631325938012 (READ-ONLY COPY).

The authoritative reference and input builder live on the scoring server;
editing this copy changes nothing except your own understanding.
"""

import jax, jax.numpy as jnp
import numpy as np

BS = 16384
D = 1024
NUM_BOX_CLASSES = 151
NUM_REL_CLASSES = 51
LAMDA = 0.65

def setup_inputs(seed: int = 0) -> dict:
    key = jax.random.key(seed)
    ks = jax.random.split(key, 7)
    sub = jax.random.normal(ks[0], (BS, D), dtype=jnp.float32)
    sub_l = jax.random.randint(ks[1], (BS,), 0, NUM_BOX_CLASSES)
    obj = jax.random.normal(ks[2], (BS, D), dtype=jnp.float32)
    obj_l = jax.random.randint(ks[3], (BS,), 0, NUM_BOX_CLASSES)
    prd_vis_embeddings = jax.random.normal(ks[4], (BS, D), dtype=jnp.float32)
    prd_labels = jax.random.randint(ks[5], (BS,), 0, NUM_REL_CLASSES)
    prd_weights = jax.random.uniform(ks[6], (NUM_REL_CLASSES,), dtype=jnp.float32)
    return {"sub": sub, "sub_l": sub_l, "obj": obj, "obj_l": obj_l,
            "prd_vis_embeddings": prd_vis_embeddings, "prd_labels": prd_labels,
            "prd_weights": prd_weights}

def reference(sub, sub_l, obj, obj_l, prd_vis_embeddings, prd_labels, prd_weights):
    bs = prd_vis_embeddings.shape[0]
    # probs = prd_weights[prd_labels]; indices = argsort(-probs)
    probs = jnp.take(prd_weights, prd_labels, axis=0)
    indices = jnp.argsort(-probs)
    # cfg.MODEL.AUG_PERCENT not in {50,60,70} -> thirds partition (else branch)
    partition_num = bs // 3
    indices_1 = indices[0:partition_num]
    indices_2 = indices[partition_num:partition_num * 2]
    indices_3 = indices[partition_num * 2:partition_num * 3]
    # cfg.MODEL.RANDOM_LAMBDA = False -> scalar lambda
    lamda = LAMDA
    # alpha1 = randint(0, 2, [P, 1])
    alpha1 = jax.random.randint(jax.random.key(42), (partition_num, 1), 0, 2).astype(jnp.float32)
    def mix(e):
        return lamda * jnp.take(e, indices_1, axis=0) + (1.0 - lamda) * (
            alpha1 * jnp.take(e, indices_2, axis=0) + (1.0 - alpha1) * jnp.take(e, indices_3, axis=0))
    mixed_sbj_embeddings = mix(sub)
    mixed_obj_embeddings = mix(obj)
    mixed_prd_embeddings = mix(prd_vis_embeddings)
    sbj_one_hot = jax.nn.one_hot(sub_l, NUM_BOX_CLASSES, dtype=jnp.float32)
    obj_one_hot = jax.nn.one_hot(obj_l, NUM_BOX_CLASSES, dtype=jnp.float32)
    prd_one_hot = jax.nn.one_hot(prd_labels, NUM_REL_CLASSES, dtype=jnp.float32)
    mixed_sbj_labels = mix(sbj_one_hot)
    mixed_obj_labels = mix(obj_one_hot)
    mixed_prd_labels = mix(prd_one_hot)
    return (mixed_sbj_embeddings, mixed_sbj_labels, mixed_obj_embeddings,
            mixed_obj_labels, mixed_prd_embeddings, mixed_prd_labels)

if __name__ == "__main__":
    import jax
    _d = setup_inputs()
    print(jax.jit(kernel)(*tuple(_d.values())))

</pallas_src>

<mosaic_0001>
#map = affine_map<(d0, d1) -> (0)>
#map1 = affine_map<(d0, d1) -> (0, 0)>
module attributes {stable_mosaic.version = 14 : i64} {
  func.func @_mix_body(%arg0: i32, %arg1: i32, %arg2: memref<10928xi32, #tpu.memory_space<hbm>>, %arg3: memref<16384xi32, #tpu.memory_space<hbm>>, %arg4: memref<16384x1024xf32, #tpu.memory_space<hbm>>, %arg5: memref<16384x1024xf32, #tpu.memory_space<hbm>>, %arg6: memref<16384x1024xf32, #tpu.memory_space<hbm>>, %arg7: memref<16384xi32, #tpu.memory_space<hbm>>, %arg8: memref<16384xi32, #tpu.memory_space<hbm>>, %arg9: memref<16384xi32, #tpu.memory_space<hbm>>, %arg10: memref<5461x1024xf32, #tpu.memory_space<hbm>>, %arg11: memref<5461x1024xf32, #tpu.memory_space<hbm>>, %arg12: memref<5461x1024xf32, #tpu.memory_space<hbm>>, %arg13: memref<8x1024xf32, #tpu.memory_space<hbm>>, %arg14: memref<11264xi32, #tpu.memory_space<hbm>>, %arg15: memref<11264xi32, #tpu.memory_space<hbm>>, %arg16: memref<11264xi32, #tpu.memory_space<hbm>>, %arg17: memref<10928xi32, #tpu.memory_space<vmem>>, %arg18: memref<16xi32, #tpu.memory_space<vmem>>, %arg19: memref<16xi32, #tpu.memory_space<vmem>>, %arg20: memref<16x1024xf32, #tpu.memory_space<vmem>>, %arg21: memref<16x1024xf32, #tpu.memory_space<vmem>>, %arg22: memref<16x1024xf32, #tpu.memory_space<vmem>>, %arg23: memref<16x1024xf32, #tpu.memory_space<vmem>>, %arg24: memref<16x1024xf32, #tpu.memory_space<vmem>>, %arg25: memref<16x1024xf32, #tpu.memory_space<vmem>>, %arg26: memref<8x1024xf32, #tpu.memory_space<vmem>>, %arg27: memref<8x1024xf32, #tpu.memory_space<vmem>>, %arg28: memref<16xi32, #tpu.memory_space<vmem>>, %arg29: memref<16xi32, #tpu.memory_space<vmem>>, %arg30: memref<16xi32, #tpu.memory_space<vmem>>, %arg31: memref<16xi32, #tpu.memory_space<vmem>>, %arg32: memref<16xi32, #tpu.memory_space<vmem>>, %arg33: memref<16xi32, #tpu.memory_space<vmem>>, %arg34: memref<352xi32, #tpu.memory_space<vmem>>, %arg35: memref<352xi32, #tpu.memory_space<vmem>>, %arg36: memref<352xi32, #tpu.memory_space<vmem>>, %arg37: memref<!tpu.dma_semaphore, #tpu.memory_space<semaphore_mem>>, %arg38: memref<!tpu.dma_semaphore, #tpu.memory_space<semaphore_mem>>, %arg39: memref<!tpu.dma_semaphore, #tpu.memory_space<semaphore_mem>>, %arg40: memref<!tpu.dma_semaphore, #tpu.memory_space<semaphore_mem>>, %arg41: memref<!tpu.dma_semaphore, #tpu.memory_space<semaphore_mem>>, %arg42: memref<!tpu.dma_semaphore, #tpu.memory_space<semaphore_mem>>, %arg43: memref<!tpu.dma_semaphore, #tpu.memory_space<semaphore_mem>>, %arg44: memref<!tpu.dma_semaphore, #tpu.memory_space<semaphore_mem>>) attributes {dimension_semantics = [#tpu.dimension_semantics<core_parallel>, #tpu.dimension_semantics<subcore_parallel>], iteration_bounds = array<i64: 2, 16>, scalar_prefetch = 0 : i64, scratch_operands = 28 : i64, tpu.core_type = #tpu.core_type<sc_vector_subcore>, window_params = [{transform_indices = #map}, {transform_indices = #map}, {transform_indices = #map1}, {transform_indices = #map1}, {transform_indices = #map1}, {transform_indices = #map}, {transform_indices = #map}, {transform_indices = #map}, {transform_indices = #map1}, {transform_indices = #map1}, {transform_indices = #map1}, {transform_indices = #map1}, {transform_indices = #map}, {transform_indices = #map}, {transform_indices = #map}]} {
    %mul3A = arith.constant 2 : i32
    %mul3A_0 = arith.muli %arg1, %mul3A : i32
    %add3A = arith.addi %mul3A_0, %arg0 : i32
    "tpu.region"() ({
      %run_scoped3A = tpu.sem_alloc : memref<!tpu.dma_semaphore, #tpu.memory_space<semaphore_mem>>
      tpu.enqueue_dma source(%arg2 : memref<10928xi32, #tpu.memory_space<hbm>>) target(%arg17 : memref<10928xi32, #tpu.memory_space<vmem>>) target_semaphore(%run_scoped3A : memref<!tpu.dma_semaphore, #tpu.memory_space<semaphore_mem>>)
      tpu.wait_dma2 semaphore(%run_scoped3A : memref<!tpu.dma_semaphore, #tpu.memory_space<semaphore_mem>>) src(%arg2 : memref<10928xi32, #tpu.memory_space<hbm>>) dst(%arg17 : memref<10928xi32, #tpu.memory_space<vmem>>)
      tpu.yield
    }) : () -> ()
    %mul3A_1 = arith.constant 22 : i32
    %mul3A_2 = arith.muli %add3A, %mul3A_1 : i32
    %add3A_3 = arith.constant 0 : i32
    %add3A_4 = arith.addi %mul3A_2, %add3A_3 : i32
    %min3A = arith.constant 682 : i32
    %min3A_5 = arith.minsi %add3A_4, %min3A : i32
    %mul3A_6 = arith.constant 16 : i32
    %mul3A_7 = arith.muli %min3A_5, %mul3A_6 : i32
    %multiple_of3A = tpu.assume_multiple %mul3A_7, 8 : i32
    %get3A = arith.index_cast %multiple_of3A : i32 to index
    %get3A_8 = tpu.vector_load %arg17[%get3A] {strides = array<i32>} : memref<10928xi32, #tpu.memory_space<vmem>>, vector<16xi32>,
    %get3A_9 = vector.shape_cast %get3A_8 : vector<16xi32> to vector<16xi32>
    %dma_start3A = arith.constant 0 : i32
    %dma_start3A_10 = tpu.memref_slice %arg3[%dma_start3A] : memref<16384xi32, #tpu.memory_space<hbm>> -> memref<16384xi32, #tpu.memory_space<hbm>>
    tpu.enqueue_indirect_dma source(%dma_start3A_10 : memref<16384xi32, #tpu.memory_space<hbm>>) target(%arg18 : memref<16xi32, #tpu.memory_space<vmem>>) offsets(%get3A_9 : vector<16xi32>) semaphore(%arg37 : memref<!tpu.dma_semaphore, #tpu.memory_space<semaphore_mem>>)
    %mul3A_11 = arith.constant 22 : i32
    %mul3A_12 = arith.muli %add3A, %mul3A_11 : i32
    %add3A_13 = arith.constant 1 : i32
    %add3A_14 = arith.addi %mul3A_12, %add3A_13 : i32
    %min3A_15 = arith.constant 682 : i32
    %min3A_16 = arith.minsi %add3A_14, %min3A_15 : i32
    %mul3A_17 = arith.constant 16 : i32
    %mul3A_18 = arith.muli %min3A_16, %mul3A_17 : i32
    %multiple_of3A_19 = tpu.assume_multiple %mul3A_18, 8 : i32
    %get3A_20 = arith.index_cast %multiple_of3A_19 : i32 to index
    %get3A_21 = tpu.vector_load %arg17[%get3A_20] {strides = array<i32>} : memref<10928xi32, #tpu.memory_space<vmem>>, vector<16xi32>,
    %get3A_22 = vector.shape_cast %get3A_21 : vector<16xi32> to vector<16xi32>
    %dma_start3A_23 = arith.constant 0 : i32
    %dma_start3A_24 = tpu.memref_slice %arg3[%dma_start3A_23] : memref<16384xi32, #tpu.memory_space<hbm>> -> memref<16384xi32, #tpu.memory_space<hbm>>
    tpu.enqueue_indirect_dma source(%dma_start3A_24 : memref<16384xi32, #tpu.memory_space<hbm>>) target(%arg19 : memref<16xi32, #tpu.memory_space<vmem>>) offsets(%get3A_22 : vector<16xi32>) semaphore(%arg38 : memref<!tpu.dma_semaphore, #tpu.memory_space<semaphore_mem>>)
    %dma_wait3A = arith.constant 0 : i32
    %dma_wait3A_25 = tpu.memref_slice %arg3[%dma_wait3A] : memref<16384xi32, #tpu.memory_space<hbm>> -> memref<16xi32, #tpu.memory_space<hbm>>
    %dma_wait3A_26 = arith.constant 0 : i32
    %dma_wait3A_27 = tpu.memref_slice %arg3[%dma_wait3A_26] : memref<16384xi32, #tpu.memory_space<hbm>> -> memref<16xi32, #tpu.memory_space<hbm>>
    tpu.wait_dma2 semaphore(%arg37 : memref<!tpu.dma_semaphore, #tpu.memory_space<semaphore_mem>>) src(%dma_wait3A_27 : memref<16xi32, #tpu.memory_space<hbm>>) dst(%arg18 : memref<16xi32, #tpu.memory_space<vmem>>)
    %get3A_28 = arith.constant 0 : index
    %get3A_29 = tpu.vector_load %arg18[%get3A_28] {strides = array<i32>} : memref<16xi32, #tpu.memory_space<vmem>>, vector<16xi32>,
    %get3A_30 = vector.shape_cast %get3A_29 : vector<16xi32> to vector<16xi32>
    %dma_start3A_31 = arith.constant 0 : i32
    %dma_start3A_32 = arith.constant 0 : i32
    %dma_start3A_33 = tpu.memref_slice %arg4[%dma_start3A_31, %dma_start3A_32] : memref<16384x1024xf32, #tpu.memory_space<hbm>> -> memref<16384x1024xf32, #tpu.memory_space<hbm>>
    tpu.enqueue_indirect_dma source(%dma_start3A_33 : memref<16384x1024xf32, #tpu.memory_space<hbm>>) target(%arg20 : memref<16x1024xf32, #tpu.memory_space<vmem>>) offsets(%get3A_30 : vector<16xi32>) semaphore(%arg39 : memref<!tpu.dma_semaphore, #tpu.memory_space<semaphore_mem>>)
    %dma_start3A_34 = arith.constant 0 : i32
    %dma_start3A_35 = arith.constant 0 : i32
    %dma_start3A_36 = tpu.memref_slice %arg5[%dma_start3A_34, %dma_start3A_35] : memref<16384x1024xf32, #tpu.memory_space<hbm>> -> memref<16384x1024xf32, #tpu.memory_space<hbm>>
    tpu.enqueue_indirect_dma source(%dma_start3A_36 : memref<16384x1024xf32, #tpu.memory_space<hbm>>) target(%arg21 : memref<16x1024xf32, #tpu.memory_space<vmem>>) offsets(%get3A_30 : vector<16xi32>) semaphore(%arg39 : memref<!tpu.dma_semaphore, #tpu.memory_space<semaphore_mem>>)
    %dma_start3A_37 = arith.constant 0 : i32
    %dma_start3A_38 = arith.constant 0 : i32
    %dma_start3A_39 = tpu.memref_slice %arg6[%dma_start3A_37, %dma_start3A_38] : memref<16384x1024xf32, #tpu.memory_space<hbm>> -> memref<16384x1024xf32, #tpu.memory_space<hbm>>
    tpu.enqueue_indirect_dma source(%dma_start3A_39 : memref<16384x1024xf32, #tpu.memory_space<hbm>>) target(%arg22 : memref<16x1024xf32, #tpu.memory_space<vmem>>) offsets(%get3A_30 : vector<16xi32>) semaphore(%arg39 : memref<!tpu.dma_semaphore, #tpu.memory_space<semaphore_mem>>)
    %dma_start3A_40 = arith.constant 0 : i32
    %dma_start3A_41 = tpu.memref_slice %arg7[%dma_start3A_40] : memref<16384xi32, #tpu.memory_space<hbm>> -> memref<16384xi32, #tpu.memory_space<hbm>>
    tpu.enqueue_indirect_dma source(%dma_start3A_41 : memref<16384xi32, #tpu.memory_space<hbm>>) target(%arg28 : memref<16xi32, #tpu.memory_space<vmem>>) offsets(%get3A_30 : vector<16xi32>) semaphore(%arg43 : memref<!tpu.dma_semaphore, #tpu.memory_space<semaphore_mem>>)
    %dma_start3A_42 = arith.constant 0 : i32
    %dma_start3A_43 = tpu.memref_slice %arg8[%dma_start3A_42] : memref<16384xi32, #tpu.memory_space<hbm>> -> memref<16384xi32, #tpu.memory_space<hbm>>
    tpu.enqueue_indirect_dma source(%dma_start3A_43 : memref<16384xi32, #tpu.memory_space<hbm>>) target(%arg29 : memref<16xi32, #tpu.memory_space<vmem>>) offsets(%get3A_30 : vector<16xi32>) semaphore(%arg43 : memref<!tpu.dma_semaphore, #tpu.memory_space<semaphore_mem>>)
    %dma_start3A_44 = arith.constant 0 : i32
    %dma_start3A_45 = tpu.memref_slice %arg9[%dma_start3A_44] : memref<16384xi32, #tpu.memory_space<hbm>> -> memref<16384xi32, #tpu.memory_space<hbm>>
    tpu.enqueue_indirect_dma source(%dma_start3A_45 : memref<16384xi32, #tpu.memory_space<hbm>>) target(%arg30 : memref<16xi32, #tpu.memory_space<vmem>>) offsets(%get3A_30 : vector<16xi32>) semaphore(%arg43 : memref<!tpu.dma_semaphore, #tpu.memory_space<semaphore_mem>>)
    %scan3A = arith.constant 0 : i32
    %scan3A_46 = arith.constant 6.500000e-01 : f32
    %scan3A_47 = arith.constant 3.500000e-01 : f32
    %scan3A_48 = arith.constant 0 : i32
    %scan3A_49 = arith.constant 11 : i32
    %scan3A_50 = arith.addi %scan3A_48, %scan3A_49 : i32
    %scan3A_51 = arith.constant 1 : i32
    scf.for %scan3A_102 = %scan3A_48 to %scan3A_50 step %scan3A_51  : i32 {
      %dma_wait3A_103 = arith.constant 0 : i32
      %dma_wait3A_104 = tpu.memref_slice %arg3[%dma_wait3A_103] : memref<16384xi32, #tpu.memory_space<hbm>> -> memref<16xi32, #tpu.memory_space<hbm>>
      %dma_wait3A_105 = arith.constant 0 : i32
      %dma_wait3A_106 = tpu.memref_slice %arg3[%dma_wait3A_105] : memref<16384xi32, #tpu.memory_space<hbm>> -> memref<16xi32, #tpu.memory_space<hbm>>
      tpu.wait_dma2 semaphore(%arg38 : memref<!tpu.dma_semaphore, #tpu.memory_space<semaphore_mem>>) src(%dma_wait3A_106 : memref<16xi32, #tpu.memory_space<hbm>>) dst(%arg19 : memref<16xi32, #tpu.memory_space<vmem>>)
      %get3A_107 = arith.constant 0 : index
      %get3A_108 = tpu.vector_load %arg19[%get3A_107] {strides = array<i32>} : memref<16xi32, #tpu.memory_space<vmem>>, vector<16xi32>,
      %get3A_109 = vector.shape_cast %get3A_108 : vector<16xi32> to vector<16xi32>
      %dma_start3A_110 = arith.constant 0 : i32
      %dma_start3A_111 = arith.constant 0 : i32
      %dma_start3A_112 = tpu.memref_slice %arg4[%dma_start3A_110, %dma_start3A_111] : memref<16384x1024xf32, #tpu.memory_space<hbm>> -> memref<16384x1024xf32, #tpu.memory_space<hbm>>
      tpu.enqueue_indirect_dma source(%dma_start3A_112 : memref<16384x1024xf32, #tpu.memory_space<hbm>>) target(%arg23 : memref<16x1024xf32, #tpu.memory_space<vmem>>) offsets(%get3A_109 : vector<16xi32>) semaphore(%arg40 : memref<!tpu.dma_semaphore, #tpu.memory_space<semaphore_mem>>)
      %dma_start3A_113 = arith.constant 0 : i32
      %dma_start3A_114 = arith.constant 0 : i32
      %dma_start3A_115 = tpu.memref_slice %arg5[%dma_start3A_113, %dma_start3A_114] : memref<16384x1024xf32, #tpu.memory_space<hbm>> -> memref<16384x1024xf32, #tpu.memory_space<hbm>>
      tpu.enqueue_indirect_dma source(%dma_start3A_115 : memref<16384x1024xf32, #tpu.memory_space<hbm>>) target(%arg24 : memref<16x1024xf32, #tpu.memory_space<vmem>>) offsets(%get3A_109 : vector<16xi32>) semaphore(%arg40 : memref<!tpu.dma_semaphore, #tpu.memory_space<semaphore_mem>>)
      %dma_start3A_116 = arith.constant 0 : i32
      %dma_start3A_117 = arith.constant 0 : i32
      %dma_start3A_118 = tpu.memref_slice %arg6[%dma_start3A_116, %dma_start3A_117] : memref<16384x1024xf32, #tpu.memory_space<hbm>> -> memref<16384x1024xf32, #tpu.memory_space<hbm>>
      tpu.enqueue_indirect_dma source(%dma_start3A_118 : memref<16384x1024xf32, #tpu.memory_space<hbm>>) target(%arg25 : memref<16x1024xf32, #tpu.memory_space<vmem>>) offsets(%get3A_109 : vector<16xi32>) semaphore(%arg40 : memref<!tpu.dma_semaphore, #tpu.memory_space<semaphore_mem>>)
      %dma_start3A_119 = arith.constant 0 : i32
      %dma_start3A_120 = tpu.memref_slice %arg7[%dma_start3A_119] : memref<16384xi32, #tpu.memory_space<hbm>> -> memref<16384xi32, #tpu.memory_space<hbm>>
      tpu.enqueue_indirect_dma source(%dma_start3A_120 : memref<16384xi32, #tpu.memory_space<hbm>>) target(%arg31 : memref<16xi32, #tpu.memory_space<vmem>>) offsets(%get3A_109 : vector<16xi32>) semaphore(%arg44 : memref<!tpu.dma_semaphore, #tpu.memory_space<semaphore_mem>>)
      %dma_start3A_121 = arith.constant 0 : i32
      %dma_start3A_122 = tpu.memref_slice %arg8[%dma_start3A_121] : memref<16384xi32, #tpu.memory_space<hbm>> -> memref<16384xi32, #tpu.memory_space<hbm>>
      tpu.enqueue_indirect_dma source(%dma_start3A_122 : memref<16384xi32, #tpu.memory_space<hbm>>) target(%arg32 : memref<16xi32, #tpu.memory_space<vmem>>) offsets(%get3A_109 : vector<16xi32>) semaphore(%arg44 : memref<!tpu.dma_semaphore, #tpu.memory_space<semaphore_mem>>)
      %dma_start3A_123 = arith.constant 0 : i32
      %dma_start3A_124 = tpu.memref_slice %arg9[%dma_start3A_123] : memref<16384xi32, #tpu.memory_space<hbm>> -> memref<16384xi32, #tpu.memory_space<hbm>>
      tpu.enqueue_indirect_dma source(%dma_start3A_124 : memref<16384xi32, #tpu.memory_space<hbm>>) target(%arg33 : memref<16xi32, #tpu.memory_space<vmem>>) offsets(%get3A_109 : vector<16xi32>) semaphore(%arg44 : memref<!tpu.dma_semaphore, #tpu.memory_space<semaphore_mem>>)
      %mul3A_125 = arith.constant 2 : i32
      %mul3A_126 = arith.muli %mul3A_125, %scan3A_102 : i32
      %add3A_127 = arith.constant 2 : i32
      %add3A_128 = arith.addi %mul3A_126, %add3A_127 : i32
      %mul3A_129 = arith.constant 22 : i32
      %mul3A_130 = arith.muli %add3A, %mul3A_129 : i32
      %add3A_131 = arith.addi %mul3A_130, %add3A_128 : i32
      %min3A_132 = arith.constant 682 : i32
      %min3A_133 = arith.minsi %add3A_131, %min3A_132 : i32
      %mul3A_134 = arith.constant 16 : i32
      %mul3A_135 = arith.muli %min3A_133, %mul3A_134 : i32
      %multiple_of3A_136 = tpu.assume_multiple %mul3A_135, 8 : i32
      %get3A_137 = arith.index_cast %multiple_of3A_136 : i32 to index
      %get3A_138 = tpu.vector_load %arg17[%get3A_137] {strides = array<i32>} : memref<10928xi32, #tpu.memory_space<vmem>>, vector<16xi32>,
      %get3A_139 = vector.shape_cast %get3A_138 : vector<16xi32> to vector<16xi32>
      %dma_start3A_140 = arith.constant 0 : i32
      %dma_start3A_141 = tpu.memref_slice %arg3[%dma_start3A_140] : memref<16384xi32, #tpu.memory_space<hbm>> -> memref<16384xi32, #tpu.memory_space<hbm>>
      tpu.enqueue_indirect_dma source(%dma_start3A_141 : memref<16384xi32, #tpu.memory_space<hbm>>) target(%arg18 : memref<16xi32, #tpu.memory_space<vmem>>) offsets(%get3A_139 : vector<16xi32>) semaphore(%arg37 : memref<!tpu.dma_semaphore, #tpu.memory_space<semaphore_mem>>)
      %dma_wait3A_142 = arith.constant 0 : i32
      %dma_wait3A_143 = arith.constant 0 : i32
      %dma_wait3A_144 = tpu.memref_slice %arg4[%dma_wait3A_142, %dma_wait3A_143] : memref<16384x1024xf32, #tpu.memory_space<hbm>> -> memref<16x1024xf32, #tpu.memory_space<hbm>>
      %dma_wait3A_145 = arith.constant 0 : i32
      %dma_wait3A_146 = arith.constant 0 : i32
      %dma_wait3A_147 = tpu.memref_slice %arg4[%dma_wait3A_145, %dma_wait3A_146] : memref<16384x1024xf32, #tpu.memory_space<hbm>> -> memref<16x1024xf32, #tpu.memory_space<hbm>>
      tpu.wait_dma2 semaphore(%arg39 : memref<!tpu.dma_semaphore, #tpu.memory_space<semaphore_mem>>) src(%dma_wait3A_147 : memref<16x1024xf32, #tpu.memory_space<hbm>>) dst(%arg20 : memref<16x1024xf32, #tpu.memory_space<vmem>>)
      %dma_wait3A_148 = arith.constant 0 : i32
      %dma_wait3A_149 = arith.constant 0 : i32
      %dma_wait3A_150 = tpu.memref_slice %arg4[%dma_wait3A_148, %dma_wait3A_149] : memref<16384x1024xf32, #tpu.memory_space<hbm>> -> memref<16x1024xf32, #tpu.memory_space<hbm>>
      %dma_wait3A_151 = arith.constant 0 : i32
      %dma_wait3A_152 = arith.constant 0 : i32
      %dma_wait3A_153 = tpu.memref_slice %arg4[%dma_wait3A_151, %dma_wait3A_152] : memref<16384x1024xf32, #tpu.memory_space<hbm>> -> memref<16x1024xf32, #tpu.memory_space<hbm>>
      tpu.wait_dma2 semaphore(%arg39 : memref<!tpu.dma_semaphore, #tpu.memory_space<semaphore_mem>>) src(%dma_wait3A_153 : memref<16x1024xf32, #tpu.memory_space<hbm>>) dst(%arg21 : memref<16x1024xf32, #tpu.memory_space<vmem>>)
      %dma_wait3A_154 = arith.constant 0 : i32
      %dma_wait3A_155 = arith.constant 0 : i32
      %dma_wait3A_156 = tpu.memref_slice %arg4[%dma_wait3A_154, %dma_wait3A_155] : memref<16384x1024xf32, #tpu.memory_space<hbm>> -> memref<16x1024xf32, #tpu.memory_space<hbm>>
      %dma_wait3A_157 = arith.constant 0 : i32
      %dma_wait3A_158 = arith.constant 0 : i32
      %dma_wait3A_159 = tpu.memref_slice %arg4[%dma_wait3A_157, %dma_wait3A_158] : memref<16384x1024xf32, #tpu.memory_space<hbm>> -> memref<16x1024xf32, #tpu.memory_space<hbm>>
      tpu.wait_dma2 semaphore(%arg39 : memref<!tpu.dma_semaphore, #tpu.memory_space<semaphore_mem>>) src(%dma_wait3A_159 : memref<16x1024xf32, #tpu.memory_space<hbm>>) dst(%arg22 : memref<16x1024xf32, #tpu.memory_space<vmem>>)
      %dma_wait3A_160 = arith.constant 0 : i32
      %dma_wait3A_161 = tpu.memref_slice %arg7[%dma_wait3A_160] : memref<16384xi32, #tpu.memory_space<hbm>> -> memref<16xi32, #tpu.memory_space<hbm>>
      %dma_wait3A_162 = arith.constant 0 : i32
      %dma_wait3A_163 = tpu.memref_slice %arg7[%dma_wait3A_162] : memref<16384xi32, #tpu.memory_space<hbm>> -> memref<16xi32, #tpu.memory_space<hbm>>
      tpu.wait_dma2 semaphore(%arg43 : memref<!tpu.dma_semaphore, #tpu.memory_space<semaphore_mem>>) src(%dma_wait3A_163 : memref<16xi32, #tpu.memory_space<hbm>>) dst(%arg28 : memref<16xi32, #tpu.memory_space<vmem>>)
      %dma_wait3A_164 = arith.constant 0 : i32
      %dma_wait3A_165 = tpu.memref_slice %arg7[%dma_wait3A_164] : memref<16384xi32, #tpu.memory_space<hbm>> -> memref<16xi32, #tpu.memory_space<hbm>>
      %dma_wait3A_166 = arith.constant 0 : i32
      %dma_wait3A_167 = tpu.memref_slice %arg7[%dma_wait3A_166] : memref<16384xi32, #tpu.memory_space<hbm>> -> memref<16xi32, #tpu.memory_space<hbm>>
      tpu.wait_dma2 semaphore(%arg43 : memref<!tpu.dma_semaphore, #tpu.memory_space<semaphore_mem>>) src(%dma_wait3A_167 : memref<16xi32, #tpu.memory_space<hbm>>) dst(%arg29 : memref<16xi32, #tpu.memory_space<vmem>>)
      %dma_wait3A_168 = arith.constant 0 : i32
      %dma_wait3A_169 = tpu.memref_slice %arg7[%dma_wait3A_168] : memref<16384xi32, #tpu.memory_space<hbm>> -> memref<16xi32, #tpu.memory_space<hbm>>
      %dma_wait3A_170 = arith.constant 0 : i32
      %dma_wait3A_171 = tpu.memref_slice %arg7[%dma_wait3A_170] : memref<16384xi32, #tpu.memory_space<hbm>> -> memref<16xi32, #tpu.memory_space<hbm>>
      tpu.wait_dma2 semaphore(%arg43 : memref<!tpu.dma_semaphore, #tpu.memory_space<semaphore_mem>>) src(%dma_wait3A_171 : memref<16xi32, #tpu.memory_space<hbm>>) dst(%arg30 : memref<16xi32, #tpu.memory_space<vmem>>)
      %mul3A_172 = arith.constant 2 : i32
      %mul3A_173 = arith.muli %mul3A_172, %scan3A_102 : i32
      %mul3A_174 = arith.constant 22 : i32
      %mul3A_175 = arith.muli %add3A, %mul3A_174 : i32
      %add3A_176 = arith.addi %mul3A_175, %mul3A_173 : i32
      %min3A_177 = arith.constant 682 : i32
      %min3A_178 = arith.minsi %add3A_176, %min3A_177 : i32
      %mul3A_179 = arith.constant 8 : i32
      %mul3A_180 = arith.muli %min3A_178, %mul3A_179 : i32
      %multiple_of3A_181 = tpu.assume_multiple %mul3A_180, 8 : i32
      %eq3A = arith.constant 682 : i32
      %eq3A_182 = arith.cmpi eq, %min3A_178, %eq3A : i32
      %mul3A_183 = arith.constant 16 : i32
      %mul3A_184 = arith.muli %mul3A_173, %mul3A_183 : i32
      %multiple_of3A_185 = tpu.assume_multiple %mul3A_184, 8 : i32
      %get3A_186 = arith.constant 0 : index
      %get3A_187 = tpu.vector_load %arg28[%get3A_186] {strides = array<i32>} : memref<16xi32, #tpu.memory_space<vmem>>, vector<16xi32>,
      %get3A_188 = vector.shape_cast %get3A_187 : vector<16xi32> to vector<16xi32>
      %swap3A = arith.index_cast %multiple_of3A_185 : i32 to index
      %swap3A_189 = tpu.vector_load %arg34[%swap3A] {strides = array<i32>} : memref<352xi32, #tpu.memory_space<vmem>>, vector<16xi32>,
      %swap3A_190 = vector.shape_cast %swap3A_189 : vector<16xi32> to vector<16xi32>
      %swap3A_191 = vector.shape_cast %get3A_188 : vector<16xi32> to vector<16xi32>
      tpu.vector_store %arg34[%swap3A], %swap3A_191 {strides = array<i32>} : memref<352xi32, #tpu.memory_space<vmem>>, vector<16xi32>,
      %get3A_192 = arith.constant 0 : index
      %get3A_193 = tpu.vector_load %arg29[%get3A_192] {strides = array<i32>} : memref<16xi32, #tpu.memory_space<vmem>>, vector<16xi32>,
      %get3A_194 = vector.shape_cast %get3A_193 : vector<16xi32> to vector<16xi32>
      %swap3A_195 = arith.index_cast %multiple_of3A_185 : i32 to index
      %swap3A_196 = tpu.vector_load %arg35[%swap3A_195] {strides = array<i32>} : memref<352xi32, #tpu.memory_space<vmem>>, vector<16xi32>,
      %swap3A_197 = vector.shape_cast %swap3A_196 : vector<16xi32> to vector<16xi32>
      %swap3A_198 = vector.shape_cast %get3A_194 : vector<16xi32> to vector<16xi32>
      tpu.vector_store %arg35[%swap3A_195], %swap3A_198 {strides = array<i32>} : memref<352xi32, #tpu.memory_space<vmem>>, vector<16xi32>,
      %get3A_199 = arith.constant 0 : index
      %get3A_200 = tpu.vector_load %arg30[%get3A_199] {strides = array<i32>} : memref<16xi32, #tpu.memory_space<vmem>>, vector<16xi32>,
      %get3A_201 = vector.shape_cast %get3A_200 : vector<16xi32> to vector<16xi32>
      %swap3A_202 = arith.index_cast %multiple_of3A_185 : i32 to index
      %swap3A_203 = tpu.vector_load %arg36[%swap3A_202] {strides = array<i32>} : memref<352xi32, #tpu.memory_space<vmem>>, vector<16xi32>,
      %swap3A_204 = vector.shape_cast %swap3A_203 : vector<16xi32> to vector<16xi32>
      %swap3A_205 = vector.shape_cast %get3A_201 : vector<16xi32> to vector<16xi32>
      tpu.vector_store %arg36[%swap3A_202], %swap3A_205 {strides = array<i32>} : memref<352xi32, #tpu.memory_space<vmem>>, vector<16xi32>,
      %gt3A = arith.constant 0 : i32
      %gt3A_206 = arith.cmpi sgt, %scan3A_102, %gt3A : i32
      %convert_element_type3A = arith.extui %gt3A_206 : i1 to i32
      %cond3A = arith.constant 0 : i32
      %cond3A_207 = arith.cmpi ne, %convert_element_type3A, %cond3A : i32
      scf.if %cond3A_207 {
        %dma_wait3A_408 = arith.constant 0 : i32
        %dma_wait3A_409 = arith.constant 0 : i32
        %dma_wait3A_410 = tpu.memref_slice %arg10[%dma_wait3A_408, %dma_wait3A_409] : memref<5461x1024xf32, #tpu.memory_space<hbm>> -> memref<8x1024xf32, #tpu.memory_space<hbm>>
        %dma_wait3A_411 = arith.constant 0 : i32
        %dma_wait3A_412 = arith.constant 0 : i32
        %dma_wait3A_413 = tpu.memref_slice %arg10[%dma_wait3A_411, %dma_wait3A_412] : memref<5461x1024xf32, #tpu.memory_space<hbm>> -> memref<8x1024xf32, #tpu.memory_space<hbm>>
        tpu.wait_dma2 semaphore(%arg41 : memref<!tpu.dma_semaphore, #tpu.memory_space<semaphore_mem>>) src(%arg26 : memref<8x1024xf32, #tpu.memory_space<vmem>>) dst(%dma_wait3A_413 : memref<8x1024xf32, #tpu.memory_space<hbm>>)
      } else {
      }
      %parallel_loop3A = arith.constant 0 : i32
      %parallel_loop3A_208 = arith.constant 64 : i32
      %parallel_loop3A_209 = arith.constant 1 : i32
      scf.for %parallel_loop3A_408 = %parallel_loop3A to %parallel_loop3A_208 step %parallel_loop3A_209  : i32 {
        %parallel_loop3A_409 = arith.constant 16 : i32
        %parallel_loop3A_410 = arith.muli %parallel_loop3A_408, %parallel_loop3A_409 : i32
        %parallel_loop3A_411 = tpu.assume_multiple %parallel_loop3A_410, 8 : i32
        %parallel_loop3A_412 = arith.constant 0 : i32
        %parallel_loop3A_413 = arith.index_cast %parallel_loop3A_412 : i32 to index
        %parallel_loop3A_414 = arith.index_cast %parallel_loop3A_411 : i32 to index
        %parallel_loop3A_415 = tpu.vector_load %arg20[%parallel_loop3A_413, %parallel_loop3A_414] {strides = array<i32>} : memref<16x1024xf32, #tpu.memory_space<vmem>>, vector<1x16xf32>,
        %parallel_loop3A_416 = vector.shape_cast %parallel_loop3A_415 : vector<1x16xf32> to vector<16xf32>
        %parallel_loop3A_417 = arith.constant 8 : i32
        %parallel_loop3A_418 = arith.index_cast %parallel_loop3A_417 : i32 to index
        %parallel_loop3A_419 = arith.index_cast %parallel_loop3A_411 : i32 to index
        %parallel_loop3A_420 = tpu.vector_load %arg20[%parallel_loop3A_418, %parallel_loop3A_419] {strides = array<i32>} : memref<16x1024xf32, #tpu.memory_space<vmem>>, vector<1x16xf32>,
        %parallel_loop3A_421 = vector.shape_cast %parallel_loop3A_420 : vector<1x16xf32> to vector<16xf32>
        %parallel_loop3A_422 = vector.broadcast %scan3A_46 : f32 to vector<16xf32>
        %parallel_loop3A_423 = arith.mulf %parallel_loop3A_416, %parallel_loop3A_422 : vector<16xf32>
        %parallel_loop3A_424 = vector.broadcast %scan3A_47 : f32 to vector<16xf32>
        %parallel_loop3A_425 = arith.mulf %parallel_loop3A_421, %parallel_loop3A_424 : vector<16xf32>
        %parallel_loop3A_426 = arith.addf %parallel_loop3A_423, %parallel_loop3A_425 : vector<16xf32>
        %parallel_loop3A_427 = arith.constant 0 : i32
        %parallel_loop3A_428 = arith.index_cast %parallel_loop3A_427 : i32 to index
        %parallel_loop3A_429 = arith.index_cast %parallel_loop3A_411 : i32 to index
        %parallel_loop3A_430 = tpu.vector_load %arg26[%parallel_loop3A_428, %parallel_loop3A_429] {strides = array<i32>} : memref<8x1024xf32, #tpu.memory_space<vmem>>, vector<1x16xf32>,
        %parallel_loop3A_431 = vector.shape_cast %parallel_loop3A_430 : vector<1x16xf32> to vector<16xf32>
        %parallel_loop3A_432 = vector.shape_cast %parallel_loop3A_426 : vector<16xf32> to vector<1x16xf32>
        tpu.vector_store %arg26[%parallel_loop3A_428, %parallel_loop3A_429], %parallel_loop3A_432 {strides = array<i32>} : memref<8x1024xf32, #tpu.memory_space<vmem>>, vector<1x16xf32>,
        %parallel_loop3A_433 = arith.constant 1 : i32
        %parallel_loop3A_434 = arith.index_cast %parallel_loop3A_433 : i32 to index
        %parallel_loop3A_435 = arith.index_cast %parallel_loop3A_411 : i32 to index
        %parallel_loop3A_436 = tpu.vector_load %arg20[%parallel_loop3A_434, %parallel_loop3A_435] {strides = array<i32>} : memref<16x1024xf32, #tpu.memory_space<vmem>>, vector<1x16xf32>,
        %parallel_loop3A_437 = vector.shape_cast %parallel_loop3A_436 : vector<1x16xf32> to vector<16xf32>
        %parallel_loop3A_438 = arith.constant 9 : i32
        %parallel_loop3A_439 = arith.index_cast %parallel_loop3A_438 : i32 to index
        %parallel_loop3A_440 = arith.index_cast %parallel_loop3A_411 : i32 to index
        %parallel_loop3A_441 = tpu.vector_load %arg20[%parallel_loop3A_439, %parallel_loop3A_440] {strides = array<i32>} : memref<16x1024xf32, #tpu.memory_space<vmem>>, vector<1x16xf32>,
        %parallel_loop3A_442 = vector.shape_cast %parallel_loop3A_441 : vector<1x16xf32> to vector<16xf32>
        %parallel_loop3A_443 = vector.broadcast %scan3A_46 : f32 to vector<16xf32>
        %parallel_loop3A_444 = arith.mulf %parallel_loop3A_437, %parallel_loop3A_443 : vector<16xf32>
        %parallel_loop3A_445 = vector.broadcast %scan3A_47 : f32 to vector<16xf32>
        %parallel_loop3A_446 = arith.mulf %parallel_loop3A_442, %parallel_loop3A_445 : vector<16xf32>
        %parallel_loop3A_447 = arith.addf %parallel_loop3A_444, %parallel_loop3A_446 : vector<16xf32>
        %parallel_loop3A_448 = arith.constant 1 : i32
        %parallel_loop3A_449 = arith.index_cast %parallel_loop3A_448 : i32 to index
        %parallel_loop3A_450 = arith.index_cast %parallel_loop3A_411 : i32 to index
        %parallel_loop3A_451 = tpu.vector_load %arg26[%parallel_loop3A_449, %parallel_loop3A_450] {strides = array<i32>} : memref<8x1024xf32, #tpu.memory_space<vmem>>, vector<1x16xf32>,
        %parallel_loop3A_452 = vector.shape_cast %parallel_loop3A_451 : vector<1x16xf32> to vector<16xf32>
        %parallel_loop3A_453 = vector.shape_cast %parallel_loop3A_447 : vector<16xf32> to vector<1x16xf32>
        tpu.vector_store %arg26[%parallel_loop3A_449, %parallel_loop3A_450], %parallel_loop3A_453 {strides = array<i32>} : memref<8x1024xf32, #tpu.memory_space<vmem>>, vector<1x16xf32>,
        %parallel_loop3A_454 = arith.constant 2 : i32
        %parallel_loop3A_455 = arith.index_cast %parallel_loop3A_454 : i32 to index
        %parallel_loop3A_456 = arith.index_cast %parallel_loop3A_411 : i32 to index
        %parallel_loop3A_457 = tpu.vector_load %arg20[%parallel_loop3A_455, %parallel_loop3A_456] {strides = array<i32>} : memref<16x1024xf32, #tpu.memory_space<vmem>>, vector<1x16xf32>,
        %parallel_loop3A_458 = vector.shape_cast %parallel_loop3A_457 : vector<1x16xf32> to vector<16xf32>
        %parallel_loop3A_459 = arith.constant 10 : i32
        %parallel_loop3A_460 = arith.index_cast %parallel_loop3A_459 : i32 to index
        %parallel_loop3A_461 = arith.index_cast %parallel_loop3A_411 : i32 to index
        %parallel_loop3A_462 = tpu.vector_load %arg20[%parallel_loop3A_460, %parallel_loop3A_461] {strides = array<i32>} : memref<16x1024xf32, #tpu.memory_space<vmem>>, vector<1x16xf32>,
        %parallel_loop3A_463 = vector.shape_cast %parallel_loop3A_462 : vector<1x16xf32> to vector<16xf32>
        %parallel_loop3A_464 = vector.broadcast %scan3A_46 : f32 to vector<16xf32>
        %parallel_loop3A_465 = arith.mulf %parallel_loop3A_458, %parallel_loop3A_464 : vector<16xf32>
        %parallel_loop3A_466 = vector.broadcast %scan3A_47 : f32 to vector<16xf32>
        %parallel_loop3A_467 = arith.mulf %parallel_loop3A_463, %parallel_loop3A_466 : vector<16xf32>
        %parallel_loop3A_468 = arith.addf %parallel_loop3A_465, %parallel_loop3A_467 : vector<16xf32>
        %parallel_loop3A_469 = arith.constant 2 : i32
        %parallel_loop3A_470 = arith.index_cast %parallel_loop3A_469 : i32 to index
        %parallel_loop3A_471 = arith.index_cast %parallel_loop3A_411 : i32 to index
        %parallel_loop3A_472 = tpu.vector_load %arg26[%parallel_loop3A_470, %parallel_loop3A_471] {strides = array<i32>} : memref<8x1024xf32, #tpu.memory_space<vmem>>, vector<1x16xf32>,
        %parallel_loop3A_473 = vector.shape_cast %parallel_loop3A_472 : vector<1x16xf32> to vector<16xf32>
        %parallel_loop3A_474 = vector.shape_cast %parallel_loop3A_468 : vector<16xf32> to vector<1x16xf32>
        tpu.vector_store %arg26[%parallel_loop3A_470, %parallel_loop3A_471], %parallel_loop3A_474 {strides = array<i32>} : memref<8x1024xf32, #tpu.memory_space<vmem>>, vector<1x16xf32>,
        %parallel_loop3A_475 = arith.constant 3 : i32
        %parallel_loop3A_476 = arith.index_cast %parallel_loop3A_475 : i32 to index
        %parallel_loop3A_477 = arith.index_cast %parallel_loop3A_411 : i32 to index
        %parallel_loop3A_478 = tpu.vector_load %arg20[%parallel_loop3A_476, %parallel_loop3A_477] {strides = array<i32>} : memref<16x1024xf32, #tpu.memory_space<vmem>>, vector<1x16xf32>,
        %parallel_loop3A_479 = vector.shape_cast %parallel_loop3A_478 : vector<1x16xf32> to vector<16xf32>
        %parallel_loop3A_480 = arith.constant 11 : i32
        %parallel_loop3A_481 = arith.index_cast %parallel_loop3A_480 : i32 to index
        %parallel_loop3A_482 = arith.index_cast %parallel_loop3A_411 : i32 to index
        %parallel_loop3A_483 = tpu.vector_load %arg20[%parallel_loop3A_481, %parallel_loop3A_482] {strides = array<i32>} : memref<16x1024xf32, #tpu.memory_space<vmem>>, vector<1x16xf32>,
        %parallel_loop3A_484 = vector.shape_cast %parallel_loop3A_483 : vector<1x16xf32> to vector<16xf32>
        %parallel_loop3A_485 = vector.broadcast %scan3A_46 : f32 to vector<16xf32>
        %parallel_loop3A_486 = arith.mulf %parallel_loop3A_479, %parallel_loop3A_485 : vector<16xf32>
        %parallel_loop3A_487 = vector.broadcast %scan3A_47 : f32 to vector<16xf32>
        %parallel_loop3A_488 = arith.mulf %parallel_loop3A_484, %parallel_loop3A_487 : vector<16xf32>
        %parallel_loop3A_489 = arith.addf %parallel_loop3A_486, %parallel_loop3A_488 : vector<16xf32>
        %parallel_loop3A_490 = arith.constant 3 : i32
        %parallel_loop3A_491 = arith.index_cast %parallel_loop3A_490 : i32 to index
        %parallel_loop3A_492 = arith.index_cast %parallel_loop3A_411 : i32 to index
        %parallel_loop3A_493 = tpu.vector_load %arg26[%parallel_loop3A_491, %parallel_loop3A_492] {strides = array<i32>} : memref<8x1024xf32, #tpu.memory_space<vmem>>, vector<1x16xf32>,
        %parallel_loop3A_494 = vector.shape_cast %parallel_loop3A_493 : vector<1x16xf32> to vector<16xf32>
        %parallel_loop3A_495 = vector.shape_cast %parallel_loop3A_489 : vector<16xf32> to vector<1x16xf32>
        tpu.vector_store %arg26[%parallel_loop3A_491, %parallel_loop3A_492], %parallel_loop3A_495 {strides = array<i32>} : memref<8x1024xf32, #tpu.memory_space<vmem>>, vector<1x16xf32>,
        %parallel_loop3A_496 = arith.constant 4 : i32
        %parallel_loop3A_497 = arith.index_cast %parallel_loop3A_496 : i32 to index
        %parallel_loop3A_498 = arith.index_cast %parallel_loop3A_411 : i32 to index
        %parallel_loop3A_499 = tpu.vector_load %arg20[%parallel_loop3A_497, %parallel_loop3A_498] {strides = array<i32>} : memref<16x1024xf32, #tpu.memory_space<vmem>>, vector<1x16xf32>,
        %parallel_loop3A_500 = vector.shape_cast %parallel_loop3A_499 : vector<1x16xf32> to vector<16xf32>
        %parallel_loop3A_501 = arith.constant 12 : i32
        %parallel_loop3A_502 = arith.index_cast %parallel_loop3A_501 : i32 to index
        %parallel_loop3A_503 = arith.index_cast %parallel_loop3A_411 : i32 to index
        %parallel_loop3A_504 = tpu.vector_load %arg20[%parallel_loop3A_502, %parallel_loop3A_503] {strides = array<i32>} : memref<16x1024xf32, #tpu.memory_space<vmem>>, vector<1x16xf32>,
        %parallel_loop3A_505 = vector.shape_cast %parallel_loop3A_504 : vector<1x16xf32> to vector<16xf32>
        %parallel_loop3A_506 = vector.broadcast %scan3A_46 : f32 to vector<16xf32>
        %parallel_loop3A_507 = arith.mulf %parallel_loop3A_500, %parallel_loop3A_506 : vector<16xf32>
        %parallel_loop3A_508 = vector.broadcast %scan3A_47 : f32 to vector<16xf32>
        %parallel_loop3A_509 = arith.mulf %parallel_loop3A_505, %parallel_loop3A_508 : vector<16xf32>
        %parallel_loop3A_510 = arith.addf %parallel_loop3A_507, %parallel_loop3A_509 : vector<16xf32>
        %parallel_loop3A_511 = arith.constant 4 : i32
        %parallel_loop3A_512 = arith.index_cast %parallel_loop3A_511 : i32 to index
        %parallel_loop3A_513 = arith.index_cast %parallel_loop3A_411 : i32 to index
        %parallel_loop3A_514 = tpu.vector_load %arg26[%parallel_loop3A_512, %parallel_loop3A_513] {strides = array<i32>} : memref<8x1024xf32, #tpu.memory_space<vmem>>, vector<1x16xf32>,
        %parallel_loop3A_515 = vector.shape_cast %parallel_loop3A_514 : vector<1x16xf32> to vector<16xf32>
        %parallel_loop3A_516 = vector.shape_cast %parallel_loop3A_510 : vector<16xf32> to vector<1x16xf32>
        tpu.vector_store %arg26[%parallel_loop3A_512, %parallel_loop3A_513], %parallel_loop3A_516 {strides = array<i32>} : memref<8x1024xf32, #tpu.memory_space<vmem>>, vector<1x16xf32>,
        %parallel_loop3A_517 = arith.constant 5 : i32
        %parallel_loop3A_518 = arith.index_cast %parallel_loop3A_517 : i32 to index
        %parallel_loop3A_519 = arith.index_cast %parallel_loop3A_411 : i32 to index
        %parallel_loop3A_520 = tpu.vector_load %arg20[%parallel_loop3A_518, %parallel_loop3A_519] {strides = array<i32>} : memref<16x1024xf32, #tpu.memory_space<vmem>>, vector<1x16xf32>,
        %parallel_loop3A_521 = vector.shape_cast %parallel_loop3A_520 : vector<1x16xf32> to vector<16xf32>
        %parallel_loop3A_522 = arith.constant 13 : i32
        %parallel_loop3A_523 = arith.index_cast %parallel_loop3A_522 : i32 to index
        %parallel_loop3A_524 = arith.index_cast %parallel_loop3A_411 : i32 to index
        %parallel_loop3A_525 = tpu.vector_load %arg20[%parallel_loop3A_523, %parallel_loop3A_524] {strides = array<i32>} : memref<16x1024xf32, #tpu.memory_space<vmem>>, vector<1x16xf32>,
        %parallel_loop3A_526 = vector.shape_cast %parallel_loop3A_525 : vector<1x16xf32> to vector<16xf32>
        %parallel_loop3A_527 = vector.broadcast %scan3A_46 : f32 to vector<16xf32>
        %parallel_loop3A_528 = arith.mulf %parallel_loop3A_521, %parallel_loop3A_527 : vector<16xf32>
        %parallel_loop3A_529 = vector.broadcast %scan3A_47 : f32 to vector<16xf32>
        %parallel_loop3A_530 = arith.mulf %parallel_loop3A_526, %parallel_loop3A_529 : vector<16xf32>
        %parallel_loop3A_531 = arith.addf %parallel_loop3A_528, %parallel_loop3A_530 : vector<16xf32>
        %parallel_loop3A_532 = arith.constant 5 : i32
        %parallel_loop3A_533 = arith.index_cast %parallel_loop3A_532 : i32 to index
        %parallel_loop3A_534 = arith.index_cast %parallel_loop3A_411 : i32 to index
        %parallel_loop3A_535 = tpu.vector_load %arg26[%parallel_loop3A_533, %parallel_loop3A_534] {strides = array<i32>} : memref<8x1024xf32, #tpu.memory_space<vmem>>, vector<1x16xf32>,
        %parallel_loop3A_536 = vector.shape_cast %parallel_loop3A_535 : vector<1x16xf32> to vector<16xf32>
        %parallel_loop3A_537 = vector.shape_cast %parallel_loop3A_531 : vector<16xf32> to vector<1x16xf32>
        tpu.vector_store %arg26[%parallel_loop3A_533, %parallel_loop3A_534], %parallel_loop3A_537 {strides = array<i32>} : memref<8x1024xf32, #tpu.memory_space<vmem>>, vector<1x16xf32>,
        %parallel_loop3A_538 = arith.constant 6 : i32
        %parallel_loop3A_539 = arith.index_cast %parallel_loop3A_538 : i32 to index
        %parallel_loop3A_540 = arith.index_cast %parallel_loop3A_411 : i32 to index
        %parallel_loop3A_541 = tpu.vector_load %arg20[%parallel_loop3A_539, %parallel_loop3A_540] {strides = array<i32>} : memref<16x1024xf32, #tpu.memory_space<vmem>>, vector<1x16xf32>,
        %parallel_loop3A_542 = vector.shape_cast %parallel_loop3A_541 : vector<1x16xf32> to vector<16xf32>
        %parallel_loop3A_543 = arith.constant 14 : i32
        %parallel_loop3A_544 = arith.index_cast %parallel_loop3A_543 : i32 to index
        %parallel_loop3A_545 = arith.index_cast %parallel_loop3A_411 : i32 to index
        %parallel_loop3A_546 = tpu.vector_load %arg20[%parallel_loop3A_544, %parallel_loop3A_545] {strides = array<i32>} : memref<16x1024xf32, #tpu.memory_space<vmem>>, vector<1x16xf32>,
        %parallel_loop3A_547 = vector.shape_cast %parallel_loop3A_546 : vector<1x16xf32> to vector<16xf32>
        %parallel_loop3A_548 = vector.broadcast %scan3A_46 : f32 to vector<16xf32>
        %parallel_loop3A_549 = arith.mulf %parallel_loop3A_542, %parallel_loop3A_548 : vector<16xf32>
        %parallel_loop3A_550 = vector.broadcast %scan3A_47 : f32 to vector<16xf32>
        %parallel_loop3A_551 = arith.mulf %parallel_loop3A_547, %parallel_loop3A_550 : vector<16xf32>
        %parallel_loop3A_552 = arith.addf %parallel_loop3A_549, %parallel_loop3A_551 : vector<16xf32>
        %parallel_loop3A_553 = arith.constant 6 : i32
        %parallel_loop3A_554 = arith.index_cast %parallel_loop3A_553 : i32 to index
        %parallel_loop3A_555 = arith.index_cast %parallel_loop3A_411 : i32 to index
        %parallel_loop3A_556 = tpu.vector_load %arg26[%parallel_loop3A_554, %parallel_loop3A_555] {strides = array<i32>} : memref<8x1024xf32, #tpu.memory_space<vmem>>, vector<1x16xf32>,
        %parallel_loop3A_557 = vector.shape_cast %parallel_loop3A_556 : vector<1x16xf32> to vector<16xf32>
        %parallel_loop3A_558 = vector.shape_cast %parallel_loop3A_552 : vector<16xf32> to vector<1x16xf32>
        tpu.vector_store %arg26[%parallel_loop3A_554, %parallel_loop3A_555], %parallel_loop3A_558 {strides = array<i32>} : memref<8x1024xf32, #tpu.memory_space<vmem>>, vector<1x16xf32>,
        %parallel_loop3A_559 = arith.constant 7 : i32
        %parallel_loop3A_560 = arith.index_cast %parallel_loop3A_559 : i32 to index
        %parallel_loop3A_561 = arith.index_cast %parallel_loop3A_411 : i32 to index
        %parallel_loop3A_562 = tpu.vector_load %arg20[%parallel_loop3A_560, %parallel_loop3A_561] {strides = array<i32>} : memref<16x1024xf32, #tpu.memory_space<vmem>>, vector<1x16xf32>,
        %parallel_loop3A_563 = vector.shape_cast %parallel_loop3A_562 : vector<1x16xf32> to vector<16xf32>
        %parallel_loop3A_564 = arith.constant 15 : i32
        %parallel_loop3A_565 = arith.index_cast %parallel_loop3A_564 : i32 to index
        %parallel_loop3A_566 = arith.index_cast %parallel_loop3A_411 : i32 to index
        %parallel_loop3A_567 = tpu.vector_load %arg20[%parallel_loop3A_565, %parallel_loop3A_566] {strides = array<i32>} : memref<16x1024xf32, #tpu.memory_space<vmem>>, vector<1x16xf32>,
        %parallel_loop3A_568 = vector.shape_cast %parallel_loop3A_567 : vector<1x16xf32> to vector<16xf32>
        %parallel_loop3A_569 = vector.broadcast %scan3A_46 : f32 to vector<16xf32>
        %parallel_loop3A_570 = arith.mulf %parallel_loop3A_563, %parallel_loop3A_569 : vector<16xf32>
        %parallel_loop3A_571 = vector.broadcast %scan3A_47 : f32 to vector<16xf32>
        %parallel_loop3A_572 = arith.mulf %parallel_loop3A_568, %parallel_loop3A_571 : vector<16xf32>
        %parallel_loop3A_573 = arith.addf %parallel_loop3A_570, %parallel_loop3A_572 : vector<16xf32>
        %parallel_loop3A_574 = arith.constant 7 : i32
        %parallel_loop3A_575 = arith.index_cast %parallel_loop3A_574 : i32 to index
        %parallel_loop3A_576 = arith.index_cast %parallel_loop3A_411 : i32 to index
        %parallel_loop3A_577 = tpu.vector_load %arg26[%parallel_loop3A_575, %parallel_loop3A_576] {strides = array<i32>} : memref<8x1024xf32, #tpu.memory_space<vmem>>, vector<1x16xf32>,
        %parallel_loop3A_578 = vector.shape_cast %parallel_loop3A_577 : vector<1x16xf32> to vector<16xf32>
        %parallel_loop3A_579 = vector.shape_cast %parallel_loop3A_573 : vector<16xf32> to vector<1x16xf32>
        tpu.vector_store %arg26[%parallel_loop3A_575, %parallel_loop3A_576], %parallel_loop3A_579 {strides = array<i32>} : memref<8x1024xf32, #tpu.memory_space<vmem>>, vector<1x16xf32>,
      } {sc.loop_unroll_factor = 4 : i64, sc.parallel_access}
      %not3A = arith.constant true
      %not3A_210 = arith.xori %eq3A_182, %not3A : i1
      %convert_element_type3A_211 = arith.extui %not3A_210 : i1 to i32
      %cond3A_212 = arith.constant 0 : i32
      %cond3A_213 = arith.cmpi ne, %convert_element_type3A_211, %cond3A_212 : i32
      scf.if %cond3A_213 {
        %dma_start3A_408 = arith.constant 0 : i32
        %dma_start3A_409 = tpu.memref_slice %arg10[%multiple_of3A_181, %dma_start3A_408] : memref<5461x1024xf32, #tpu.memory_space<hbm>> -> memref<8x1024xf32, #tpu.memory_space<hbm>>
        %dma_start3A_410 = arith.constant 0 : i32
        %dma_start3A_411 = tpu.memref_slice %arg10[%multiple_of3A_181, %dma_start3A_410] : memref<5461x1024xf32, #tpu.memory_space<hbm>> -> memref<8x1024xf32, #tpu.memory_space<hbm>>
        tpu.enqueue_dma source(%arg26 : memref<8x1024xf32, #tpu.memory_space<vmem>>) target(%dma_start3A_411 : memref<8x1024xf32, #tpu.memory_space<hbm>>) target_semaphore(%arg41 : memref<!tpu.dma_semaphore, #tpu.memory_space<semaphore_mem>>)
      } else {
      }
      %convert_element_type3A_214 = arith.extui %eq3A_182 : i1 to i32
      %cond3A_215 = arith.constant 0 : i32
      %cond3A_216 = arith.cmpi ne, %convert_element_type3A_214, %cond3A_215 : i32
      scf.if %cond3A_216 {
        "tpu.region"() ({
          %run_scoped3A = tpu.sem_alloc : memref<!tpu.dma_semaphore, #tpu.memory_space<semaphore_mem>>
          %dma_start3A_408 = arith.constant 0 : i32
          %dma_start3A_409 = arith.constant 0 : i32
          %dma_start3A_410 = tpu.memref_slice %arg26[%dma_start3A_408, %dma_start3A_409] : memref<8x1024xf32, #tpu.memory_space<vmem>> -> memref<5x1024xf32, #tpu.memory_space<vmem>>
          %dma_start3A_411 = arith.constant 5456 : i32
          %dma_start3A_412 = arith.constant 0 : i32
          %dma_start3A_413 = tpu.memref_slice %arg10[%dma_start3A_411, %dma_start3A_412] : memref<5461x1024xf32, #tpu.memory_space<hbm>> -> memref<5x1024xf32, #tpu.memory_space<hbm>>
          %dma_start3A_414 = arith.constant 5456 : i32
          %dma_start3A_415 = arith.constant 0 : i32
          %dma_start3A_416 = tpu.memref_slice %arg10[%dma_start3A_414, %dma_start3A_415] : memref<5461x1024xf32, #tpu.memory_space<hbm>> -> memref<5x1024xf32, #tpu.memory_space<hbm>>
          %dma_start3A_417 = arith.constant 0 : i32
          %dma_start3A_418 = arith.constant 0 : i32
          %dma_start3A_419 = tpu.memref_slice %arg26[%dma_start3A_417, %dma_start3A_418] : memref<8x1024xf32, #tpu.memory_space<vmem>> -> memref<5x1024xf32, #tpu.memory_space<vmem>>
          tpu.enqueue_dma source(%dma_start3A_419 : memref<5x1024xf32, #tpu.memory_space<vmem>>) target(%dma_start3A_416 : memref<5x1024xf32, #tpu.memory_space<hbm>>) target_semaphore(%run_scoped3A : memref<!tpu.dma_semaphore, #tpu.memory_space<semaphore_mem>>)
          %dma_wait3A_420 = arith.constant 0 : i32
          %dma_wait3A_421 = arith.constant 0 : i32
          %dma_wait3A_422 = tpu.memref_slice %arg26[%dma_wait3A_420, %dma_wait3A_421] : memref<8x1024xf32, #tpu.memory_space<vmem>> -> memref<5x1024xf32, #tpu.memory_space<vmem>>
          %dma_wait3A_423 = arith.constant 5456 : i32
          %dma_wait3A_424 = arith.constant 0 : i32
          %dma_wait3A_425 = tpu.memref_slice %arg10[%dma_wait3A_423, %dma_wait3A_424] : memref<5461x1024xf32, #tpu.memory_space<hbm>> -> memref<5x1024xf32, #tpu.memory_space<hbm>>
          %dma_wait3A_426 = arith.constant 5456 : i32
          %dma_wait3A_427 = arith.constant 0 : i32
          %dma_wait3A_428 = tpu.memref_slice %arg10[%dma_wait3A_426, %dma_wait3A_427] : memref<5461x1024xf32, #tpu.memory_space<hbm>> -> memref<5x1024xf32, #tpu.memory_space<hbm>>
          %dma_wait3A_429 = arith.constant 0 : i32
          %dma_wait3A_430 = arith.constant 0 : i32
          %dma_wait3A_431 = tpu.memref_slice %arg26[%dma_wait3A_429, %dma_wait3A_430] : memref<8x1024xf32, #tpu.memory_space<vmem>> -> memref<5x1024xf32, #tpu.memory_space<vmem>>
          tpu.wait_dma2 semaphore(%run_scoped3A : memref<!tpu.dma_semaphore, #tpu.memory_space<semaphore_mem>>) src(%dma_wait3A_431 : memref<5x1024xf32, #tpu.memory_space<vmem>>) dst(%dma_wait3A_428 : memref<5x1024xf32, #tpu.memory_space<hbm>>)
          tpu.yield
        }) : () -> ()
        tpu.enqueue_dma source(%arg26 : memref<8x1024xf32, #tpu.memory_space<vmem>>) target(%arg13 : memref<8x1024xf32, #tpu.memory_space<hbm>>) target_semaphore(%arg41 : memref<!tpu.dma_semaphore, #tpu.memory_space<semaphore_mem>>)
      } else {
      }
      %gt3A_217 = arith.constant 0 : i32
      %gt3A_218 = arith.cmpi sgt, %scan3A_102, %gt3A_217 : i32
      %convert_element_type3A_219 = arith.extui %gt3A_218 : i1 to i32
      %cond3A_220 = arith.constant 0 : i32
      %cond3A_221 = arith.cmpi ne, %convert_element_type3A_219, %cond3A_220 : i32
      scf.if %cond3A_221 {
        %dma_wait3A_408 = arith.constant 0 : i32
        %dma_wait3A_409 = arith.constant 0 : i32
        %dma_wait3A_410 = tpu.memref_slice %arg11[%dma_wait3A_408, %dma_wait3A_409] : memref<5461x1024xf32, #tpu.memory_space<hbm>> -> memref<8x1024xf32, #tpu.memory_space<hbm>>
        %dma_wait3A_411 = arith.constant 0 : i32
        %dma_wait3A_412 = arith.constant 0 : i32
        %dma_wait3A_413 = tpu.memref_slice %arg11[%dma_wait3A_411, %dma_wait3A_412] : memref<5461x1024xf32, #tpu.memory_space<hbm>> -> memref<8x1024xf32, #tpu.memory_space<hbm>>
        tpu.wait_dma2 semaphore(%arg42 : memref<!tpu.dma_semaphore, #tpu.memory_space<semaphore_mem>>) src(%arg27 : memref<8x1024xf32, #tpu.memory_space<vmem>>) dst(%dma_wait3A_413 : memref<8x1024xf32, #tpu.memory_space<hbm>>)
      } else {
      }
      %parallel_loop3A_222 = arith.constant 0 : i32
      %parallel_loop3A_223 = arith.constant 64 : i32
      %parallel_loop3A_224 = arith.constant 1 : i32
      scf.for %parallel_loop3A_408 = %parallel_loop3A_222 to %parallel_loop3A_223 step %parallel_loop3A_224  : i32 {
        %parallel_loop3A_409 = arith.constant 16 : i32
        %parallel_loop3A_410 = arith.muli %parallel_loop3A_408, %parallel_loop3A_409 : i32
        %parallel_loop3A_411 = tpu.assume_multiple %parallel_loop3A_410, 8 : i32
        %parallel_loop3A_412 = arith.constant 0 : i32
        %parallel_loop3A_413 = arith.index_cast %parallel_loop3A_412 : i32 to index
        %parallel_loop3A_414 = arith.index_cast %parallel_loop3A_411 : i32 to index
        %parallel_loop3A_415 = tpu.vector_load %arg21[%parallel_loop3A_413, %parallel_loop3A_414] {strides = array<i32>} : memref<16x1024xf32, #tpu.memory_space<vmem>>, vector<1x16xf32>,
        %parallel_loop3A_416 = vector.shape_cast %parallel_loop3A_415 : vector<1x16xf32> to vector<16xf32>
        %parallel_loop3A_417 = arith.constant 8 : i32
        %parallel_loop3A_418 = arith.index_cast %parallel_loop3A_417 : i32 to index
        %parallel_loop3A_419 = arith.index_cast %parallel_loop3A_411 : i32 to index
        %parallel_loop3A_420 = tpu.vector_load %arg21[%parallel_loop3A_418, %parallel_loop3A_419] {strides = array<i32>} : memref<16x1024xf32, #tpu.memory_space<vmem>>, vector<1x16xf32>,
        %parallel_loop3A_421 = vector.shape_cast %parallel_loop3A_420 : vector<1x16xf32> to vector<16xf32>
        %parallel_loop3A_422 = vector.broadcast %scan3A_46 : f32 to vector<16xf32>
        %parallel_loop3A_423 = arith.mulf %parallel_loop3A_416, %parallel_loop3A_422 : vector<16xf32>
        %parallel_loop3A_424 = vector.broadcast %scan3A_47 : f32 to vector<16xf32>
        %parallel_loop3A_425 = arith.mulf %parallel_loop3A_421, %parallel_loop3A_424 : vector<16xf32>
        %parallel_loop3A_426 = arith.addf %parallel_loop3A_423, %parallel_loop3A_425 : vector<16xf32>
        %parallel_loop3A_427 = arith.constant 0 : i32
        %parallel_loop3A_428 = arith.index_cast %parallel_loop3A_427 : i32 to index
        %parallel_loop3A_429 = arith.index_cast %parallel_loop3A_411 : i32 to index
        %parallel_loop3A_430 = tpu.vector_load %arg27[%parallel_loop3A_428, %parallel_loop3A_429] {strides = array<i32>} : memref<8x1024xf32, #tpu.memory_space<vmem>>, vector<1x16xf32>,
        %parallel_loop3A_431 = vector.shape_cast %parallel_loop3A_430 : vector<1x16xf32> to vector<16xf32>
        %parallel_loop3A_432 = vector.shape_cast %parallel_loop3A_426 : vector<16xf32> to vector<1x16xf32>
        tpu.vector_store %arg27[%parallel_loop3A_428, %parallel_loop3A_429], %parallel_loop3A_432 {strides = array<i32>} : memref<8x1024xf32, #tpu.memory_space<vmem>>, vector<1x16xf32>,
        %parallel_loop3A_433 = arith.constant 1 : i32
        %parallel_loop3A_434 = arith.index_cast %parallel_loop3A_433 : i32 to index
        %parallel_loop3A_435 = arith.index_cast %parallel_loop3A_411 : i32 to index
        %parallel_loop3A_436 = tpu.vector_load %arg21[%parallel_loop3A_434, %parallel_loop3A_435] {strides = array<i32>} : memref<16x1024xf32, #tpu.memory_space<vmem>>, vector<1x16xf32>,
        %parallel_loop3A_437 = vector.shape_cast %parallel_loop3A_436 : vector<1x16xf32> to vector<16xf32>
        %parallel_loop3A_438 = arith.constant 9 : i32
        %parallel_loop3A_439 = arith.index_cast %parallel_loop3A_438 : i32 to index
        %parallel_loop3A_440 = arith.index_cast %parallel_loop3A_411 : i32 to index
        %parallel_loop3A_441 = tpu.vector_load %arg21[%parallel_loop3A_439, %parallel_loop3A_440] {strides = array<i32>} : memref<16x1024xf32, #tpu.memory_space<vmem>>, vector<1x16xf32>,
        %parallel_loop3A_442 = vector.shape_cast %parallel_loop3A_441 : vector<1x16xf32> to vector<16xf32>
        %parallel_loop3A_443 = vector.broadcast %scan3A_46 : f32 to vector<16xf32>
        %parallel_loop3A_444 = arith.mulf %parallel_loop3A_437, %parallel_loop3A_443 : vector<16xf32>
        %parallel_loop3A_445 = vector.broadcast %scan3A_47 : f32 to vector<16xf32>
        %parallel_loop3A_446 = arith.mulf %parallel_loop3A_442, %parallel_loop3A_445 : vector<16xf32>
        %parallel_loop3A_447 = arith.addf %parallel_loop3A_444, %parallel_loop3A_446 : vector<16xf32>
        %parallel_loop3A_448 = arith.constant 1 : i32
        %parallel_loop3A_449 = arith.index_cast %parallel_loop3A_448 : i32 to index
        %parallel_loop3A_450 = arith.index_cast %parallel_loop3A_411 : i32 to index
        %parallel_loop3A_451 = tpu.vector_load %arg27[%parallel_loop3A_449, %parallel_loop3A_450] {strides = array<i32>} : memref<8x1024xf32, #tpu.memory_space<vmem>>, vector<1x16xf32>,
        %parallel_loop3A_452 = vector.shape_cast %parallel_loop3A_451 : vector<1x16xf32> to vector<16xf32>
        %parallel_loop3A_453 = vector.shape_cast %parallel_loop3A_447 : vector<16xf32> to vector<1x16xf32>
        tpu.vector_store %arg27[%parallel_loop3A_449, %parallel_loop3A_450], %parallel_loop3A_453 {strides = array<i32>} : memref<8x1024xf32, #tpu.memory_space<vmem>>, vector<1x16xf32>,
        %parallel_loop3A_454 = arith.constant 2 : i32
        %parallel_loop3A_455 = arith.index_cast %parallel_loop3A_454 : i32 to index
        %parallel_loop3A_456 = arith.index_cast %parallel_loop3A_411 : i32 to index
        %parallel_loop3A_457 = tpu.vector_load %arg21[%parallel_loop3A_455, %parallel_loop3A_456] {strides = array<i32>} : memref<16x1024xf32, #tpu.memory_space<vmem>>, vector<1x16xf32>,
        %parallel_loop3A_458 = vector.shape_cast %parallel_loop3A_457 : vector<1x16xf32> to vector<16xf32>
        %parallel_loop3A_459 = arith.constant 10 : i32
        %parallel_loop3A_460 = arith.index_cast %parallel_loop3A_459 : i32 to index
        %parallel_loop3A_461 = arith.index_cast %parallel_loop3A_411 : i32 to index
        %parallel_loop3A_462 = tpu.vector_load %arg21[%parallel_loop3A_460, %parallel_loop3A_461] {strides = array<i32>} : memref<16x1024xf32, #tpu.memory_space<vmem>>, vector<1x16xf32>,
        %parallel_loop3A_463 = vector.shape_cast %parallel_loop3A_462 : vector<1x16xf32> to vector<16xf32>
        %parallel_loop3A_464 = vector.broadcast %scan3A_46 : f32 to vector<16xf32>
        %parallel_loop3A_465 = arith.mulf %parallel_loop3A_458, %parallel_loop3A_464 : vector<16xf32>
        %parallel_loop3A_466 = vector.broadcast %scan3A_47 : f32 to vector<16xf32>
        %parallel_loop3A_467 = arith.mulf %parallel_loop3A_463, %parallel_loop3A_466 : vector<16xf32>
        %parallel_loop3A_468 = arith.addf %parallel_loop3A_465, %parallel_loop3A_467 : vector<16xf32>
        %parallel_loop3A_469 = arith.constant 2 : i32
        %parallel_loop3A_470 = arith.index_cast %parallel_loop3A_469 : i32 to index
        %parallel_loop3A_471 = arith.index_cast %parallel_loop3A_411 : i32 to index
        %parallel_loop3A_472 = tpu.vector_load %arg27[%parallel_loop3A_470, %parallel_loop3A_471] {strides = array<i32>} : memref<8x1024xf32, #tpu.memory_space<vmem>>, vector<1x16xf32>,
        %parallel_loop3A_473 = vector.shape_cast %parallel_loop3A_472 : vector<1x16xf32> to vector<16xf32>
        %parallel_loop3A_474 = vector.shape_cast %parallel_loop3A_468 : vector<16xf32> to vector<1x16xf32>
        tpu.vector_store %arg27[%parallel_loop3A_470, %parallel_loop3A_471], %parallel_loop3A_474 {strides = array<i32>} : memref<8x1024xf32, #tpu.memory_space<vmem>>, vector<1x16xf32>,
        %parallel_loop3A_475 = arith.constant 3 : i32
        %parallel_loop3A_476 = arith.index_cast %parallel_loop3A_475 : i32 to index
        %parallel_loop3A_477 = arith.index_cast %parallel_loop3A_411 : i32 to index
        %parallel_loop3A_478 = tpu.vector_load %arg21[%parallel_loop3A_476, %parallel_loop3A_477] {strides = array<i32>} : memref<16x1024xf32, #tpu.memory_space<vmem>>, vector<1x16xf32>,
        %parallel_loop3A_479 = vector.shape_cast %parallel_loop3A_478 : vector<1x16xf32> to vector<16xf32>
        %parallel_loop3A_480 = arith.constant 11 : i32
        %parallel_loop3A_481 = arith.index_cast %parallel_loop3A_480 : i32 to index
        %parallel_loop3A_482 = arith.index_cast %parallel_loop3A_411 : i32 to index
        %parallel_loop3A_483 = tpu.vector_load %arg21[%parallel_loop3A_481, %parallel_loop3A_482] {strides = array<i32>} : memref<16x1024xf32, #tpu.memory_space<vmem>>, vector<1x16xf32>,
        %parallel_loop3A_484 = vector.shape_cast %parallel_loop3A_483 : vector<1x16xf32> to vector<16xf32>
        %parallel_loop3A_485 = vector.broadcast %scan3A_46 : f32 to vector<16xf32>
        %parallel_loop3A_486 = arith.mulf %parallel_loop3A_479, %parallel_loop3A_485 : vector<16xf32>
        %parallel_loop3A_487 = vector.broadcast %scan3A_47 : f32 to vector<16xf32>
        %parallel_loop3A_488 = arith.mulf %parallel_loop3A_484, %parallel_loop3A_487 : vector<16xf32>
        %parallel_loop3A_489 = arith.addf %parallel_loop3A_486, %parallel_loop3A_488 : vector<16xf32>
        %parallel_loop3A_490 = arith.constant 3 : i32
        %parallel_loop3A_491 = arith.index_cast %parallel_loop3A_490 : i32 to index
        %parallel_loop3A_492 = arith.index_cast %parallel_loop3A_411 : i32 to index
        %parallel_loop3A_493 = tpu.vector_load %arg27[%parallel_loop3A_491, %parallel_loop3A_492] {strides = array<i32>} : memref<8x1024xf32, #tpu.memory_space<vmem>>, vector<1x16xf32>,
        %parallel_loop3A_494 = vector.shape_cast %parallel_loop3A_493 : vector<1x16xf32> to vector<16xf32>
        %parallel_loop3A_495 = vector.shape_cast %parallel_loop3A_489 : vector<16xf32> to vector<1x16xf32>
        tpu.vector_store %arg27[%parallel_loop3A_491, %parallel_loop3A_492], %parallel_loop3A_495 {strides = array<i32>} : memref<8x1024xf32, #tpu.memory_space<vmem>>, vector<1x16xf32>,
        %parallel_loop3A_496 = arith.constant 4 : i32
        %parallel_loop3A_497 = arith.index_cast %parallel_loop3A_496 : i32 to index
        %parallel_loop3A_498 = arith.index_cast %parallel_loop3A_411 : i32 to index
        %parallel_loop3A_499 = tpu.vector_load %arg21[%parallel_loop3A_497, %parallel_loop3A_498] {strides = array<i32>} : memref<16x1024xf32, #tpu.memory_space<vmem>>, vector<1x16xf32>,
        %parallel_loop3A_500 = vector.shape_cast %parallel_loop3A_499 : vector<1x16xf32> to vector<16xf32>
        %parallel_loop3A_501 = arith.constant 12 : i32
        %parallel_loop3A_502 = arith.index_cast %parallel_loop3A_501 : i32 to index
        %parallel_loop3A_503 = arith.index_cast %parallel_loop3A_411 : i32 to index
        %parallel_loop3A_504 = tpu.vector_load %arg21[%parallel_loop3A_502, %parallel_loop3A_503] {strides = array<i32>} : memref<16x1024xf32, #tpu.memory_space<vmem>>, vector<1x16xf32>,
        %parallel_loop3A_505 = vector.shape_cast %parallel_loop3A_504 : vector<1x16xf32> to vector<16xf32>
        %parallel_loop3A_506 = vector.broadcast %scan3A_46 : f32 to vector<16xf32>
        %parallel_loop3A_507 = arith.mulf %parallel_loop3A_500, %parallel_loop3A_506 : vector<16xf32>
        %parallel_loop3A_508 = vector.broadcast %scan3A_47 : f32 to vector<16xf32>
        %parallel_loop3A_509 = arith.mulf %parallel_loop3A_505, %parallel_loop3A_508 : vector<16xf32>
        %parallel_loop3A_510 = arith.addf %parallel_loop3A_507, %parallel_loop3A_509 : vector<16xf32>
        %parallel_loop3A_511 = arith.constant 4 : i32
        %parallel_loop3A_512 = arith.index_cast %parallel_loop3A_511 : i32 to index
        %parallel_loop3A_513 = arith.index_cast %parallel_loop3A_411 : i32 to index
        %parallel_loop3A_514 = tpu.vector_load %arg27[%parallel_loop3A_512, %parallel_loop3A_513] {strides = array<i32>} : memref<8x1024xf32, #tpu.memory_space<vmem>>, vector<1x16xf32>,
        %parallel_loop3A_515 = vector.shape_cast %parallel_loop3A_514 : vector<1x16xf32> to vector<16xf32>
        %parallel_loop3A_516 = vector.shape_cast %parallel_loop3A_510 : vector<16xf32> to vector<1x16xf32>
        tpu.vector_store %arg27[%parallel_loop3A_512, %parallel_loop3A_513], %parallel_loop3A_516 {strides = array<i32>} : memref<8x1024xf32, #tpu.memory_space<vmem>>, vector<1x16xf32>,
        %parallel_loop3A_517 = arith.constant 5 : i32
        %parallel_loop3A_518 = arith.index_cast %parallel_loop3A_517 : i32 to index
        %parallel_loop3A_519 = arith.index_cast %parallel_loop3A_411 : i32 to index
        %parallel_loop3A_520 = tpu.vector_load %arg21[%parallel_loop3A_518, %parallel_loop3A_519] {strides = array<i32>} : memref<16x1024xf32, #tpu.memory_space<vmem>>, vector<1x16xf32>,
        %parallel_loop3A_521 = vector.shape_cast %parallel_loop3A_520 : vector<1x16xf32> to vector<16xf32>
        %parallel_loop3A_522 = arith.constant 13 : i32
        %parallel_loop3A_523 = arith.index_cast %parallel_loop3A_522 : i32 to index
        %parallel_loop3A_524 = arith.index_cast %parallel_loop3A_411 : i32 to index
        %parallel_loop3A_525 = tpu.vector_load %arg21[%parallel_loop3A_523, %parallel_loop3A_524] {strides = array<i32>} : memref<16x1024xf32, #tpu.memory_space<vmem>>, vector<1x16xf32>,
        %parallel_loop3A_526 = vector.shape_cast %parallel_loop3A_525 : vector<1x16xf32> to vector<16xf32>
        %parallel_loop3A_527 = vector.broadcast %scan3A_46 : f32 to vector<16xf32>
        %parallel_loop3A_528 = arith.mulf %parallel_loop3A_521, %parallel_loop3A_527 : vector<16xf32>
        %parallel_loop3A_529 = vector.broadcast %scan3A_47 : f32 to vector<16xf32>
        %parallel_loop3A_530 = arith.mulf %parallel_loop3A_526, %parallel_loop3A_529 : vector<16xf32>
        %parallel_loop3A_531 = arith.addf %parallel_loop3A_528, %parallel_loop3A_530 : vector<16xf32>
        %parallel_loop3A_532 = arith.constant 5 : i32
        %parallel_loop3A_533 = arith.index_cast %parallel_loop3A_532 : i32 to index
        %parallel_loop3A_534 = arith.index_cast %parallel_loop3A_411 : i32 to index
        %parallel_loop3A_535 = tpu.vector_load %arg27[%parallel_loop3A_533, %parallel_loop3A_534] {strides = array<i32>} : memref<8x1024xf32, #tpu.memory_space<vmem>>, vector<1x16xf32>,
        %parallel_loop3A_536 = vector.shape_cast %parallel_loop3A_535 : vector<1x16xf32> to vector<16xf32>
        %parallel_loop3A_537 = vector.shape_cast %parallel_loop3A_531 : vector<16xf32> to vector<1x16xf32>
        tpu.vector_store %arg27[%parallel_loop3A_533, %parallel_loop3A_534], %parallel_loop3A_537 {strides = array<i32>} : memref<8x1024xf32, #tpu.memory_space<vmem>>, vector<1x16xf32>,
        %parallel_loop3A_538 = arith.constant 6 : i32
        %parallel_loop3A_539 = arith.index_cast %parallel_loop3A_538 : i32 to index
        %parallel_loop3A_540 = arith.index_cast %parallel_loop3A_411 : i32 to index
        %parallel_loop3A_541 = tpu.vector_load %arg21[%parallel_loop3A_539, %parallel_loop3A_540] {strides = array<i32>} : memref<16x1024xf32, #tpu.memory_space<vmem>>, vector<1x16xf32>,
        %parallel_loop3A_542 = vector.shape_cast %parallel_loop3A_541 : vector<1x16xf32> to vector<16xf32>
        %parallel_loop3A_543 = arith.constant 14 : i32
        %parallel_loop3A_544 = arith.index_cast %parallel_loop3A_543 : i32 to index
        %parallel_loop3A_545 = arith.index_cast %parallel_loop3A_411 : i32 to index
        %parallel_loop3A_546 = tpu.vector_load %arg21[%parallel_loop3A_544, %parallel_loop3A_545] {strides = array<i32>} : memref<16x1024xf32, #tpu.memory_space<vmem>>, vector<1x16xf32>,
        %parallel_loop3A_547 = vector.shape_cast %parallel_loop3A_546 : vector<1x16xf32> to vector<16xf32>
        %parallel_loop3A_548 = vector.broadcast %scan3A_46 : f32 to vector<16xf32>
        %parallel_loop3A_549 = arith.mulf %parallel_loop3A_542, %parallel_loop3A_548 : vector<16xf32>
        %parallel_loop3A_550 = vector.broadcast %scan3A_47 : f32 to vector<16xf32>
        %parallel_loop3A_551 = arith.mulf %parallel_loop3A_547, %parallel_loop3A_550 : vector<16xf32>
        %parallel_loop3A_552 = arith.addf %parallel_loop3A_549, %parallel_loop3A_551 : vector<16xf32>
        %parallel_loop3A_553 = arith.constant 6 : i32
        %parallel_loop3A_554 = arith.index_cast %parallel_loop3A_553 : i32 to index
        %parallel_loop3A_555 = arith.index_cast %parallel_loop3A_411 : i32 to index
        %parallel_loop3A_556 = tpu.vector_load %arg27[%parallel_loop3A_554, %parallel_loop3A_555] {strides = array<i32>} : memref<8x1024xf32, #tpu.memory_space<vmem>>, vector<1x16xf32>,
        %parallel_loop3A_557 = vector.shape_cast %parallel_loop3A_556 : vector<1x16xf32> to vector<16xf32>
        %parallel_loop3A_558 = vector.shape_cast %parallel_loop3A_552 : vector<16xf32> to vector<1x16xf32>
        tpu.vector_store %arg27[%parallel_loop3A_554, %parallel_loop3A_555], %parallel_loop3A_558 {strides = array<i32>} : memref<8x1024xf32, #tpu.memory_space<vmem>>, vector<1x16xf32>,
        %parallel_loop3A_559 = arith.constant 7 : i32
        %parallel_loop3A_560 = arith.index_cast %parallel_loop3A_559 : i32 to index
        %parallel_loop3A_561 = arith.index_cast %parallel_loop3A_411 : i32 to index
        %parallel_loop3A_562 = tpu.vector_load %arg21[%parallel_loop3A_560, %parallel_loop3A_561] {strides = array<i32>} : memref<16x1024xf32, #tpu.memory_space<vmem>>, vector<1x16xf32>,
        %parallel_loop3A_563 = vector.shape_cast %parallel_loop3A_562 : vector<1x16xf32> to vector<16xf32>
        %parallel_loop3A_564 = arith.constant 15 : i32
        %parallel_loop3A_565 = arith.index_cast %parallel_loop3A_564 : i32 to index
        %parallel_loop3A_566 = arith.index_cast %parallel_loop3A_411 : i32 to index
        %parallel_loop3A_567 = tpu.vector_load %arg21[%parallel_loop3A_565, %parallel_loop3A_566] {strides = array<i32>} : memref<16x1024xf32, #tpu.memory_space<vmem>>, vector<1x16xf32>,
        %parallel_loop3A_568 = vector.shape_cast %parallel_loop3A_567 : vector<1x16xf32> to vector<16xf32>
        %parallel_loop3A_569 = vector.broadcast %scan3A_46 : f32 to vector<16xf32>
        %parallel_loop3A_570 = arith.mulf %parallel_loop3A_563, %parallel_loop3A_569 : vector<16xf32>
        %parallel_loop3A_571 = vector.broadcast %scan3A_47 : f32 to vector<16xf32>
        %parallel_loop3A_572 = arith.mulf %parallel_loop3A_568, %parallel_loop3A_571 : vector<16xf32>
        %parallel_loop3A_573 = arith.addf %parallel_loop3A_570, %parallel_loop3A_572 : vector<16xf32>
        %parallel_loop3A_574 = arith.constant 7 : i32
        %parallel_loop3A_575 = arith.index_cast %parallel_loop3A_574 : i32 to index
        %parallel_loop3A_576 = arith.index_cast %parallel_loop3A_411 : i32 to index
        %parallel_loop3A_577 = tpu.vector_load %arg27[%parallel_loop3A_575, %parallel_loop3A_576] {strides = array<i32>} : memref<8x1024xf32, #tpu.memory_space<vmem>>, vector<1x16xf32>,
        %parallel_loop3A_578 = vector.shape_cast %parallel_loop3A_577 : vector<1x16xf32> to vector<16xf32>
        %parallel_loop3A_579 = vector.shape_cast %parallel_loop3A_573 : vector<16xf32> to vector<1x16xf32>
        tpu.vector_store %arg27[%parallel_loop3A_575, %parallel_loop3A_576], %parallel_loop3A_579 {strides = array<i32>} : memref<8x1024xf32, #tpu.memory_space<vmem>>, vector<1x16xf32>,
      } {sc.loop_unroll_factor = 4 : i64, sc.parallel_access}
      %not3A_225 = arith.constant true
      %not3A_226 = arith.xori %eq3A_182, %not3A_225 : i1
      %convert_element_type3A_227 = arith.extui %not3A_226 : i1 to i32
      %cond3A_228 = arith.constant 0 : i32
      %cond3A_229 = arith.cmpi ne, %convert_element_type3A_227, %cond3A_228 : i32
      scf.if %cond3A_229 {
        %dma_start3A_408 = arith.constant 0 : i32
        %dma_start3A_409 = tpu.memref_slice %arg11[%multiple_of3A_181, %dma_start3A_408] : memref<5461x1024xf32, #tpu.memory_space<hbm>> -> memref<8x1024xf32, #tpu.memory_space<hbm>>
        %dma_start3A_410 = arith.constant 0 : i32
        %dma_start3A_411 = tpu.memref_slice %arg11[%multiple_of3A_181, %dma_start3A_410] : memref<5461x1024xf32, #tpu.memory_space<hbm>> -> memref<8x1024xf32, #tpu.memory_space<hbm>>
        tpu.enqueue_dma source(%arg27 : memref<8x1024xf32, #tpu.memory_space<vmem>>) target(%dma_start3A_411 : memref<8x1024xf32, #tpu.memory_space<hbm>>) target_semaphore(%arg42 : memref<!tpu.dma_semaphore, #tpu.memory_space<semaphore_mem>>)
      } else {
      }
      %convert_element_type3A_230 = arith.extui %eq3A_182 : i1 to i32
      %cond3A_231 = arith.constant 0 : i32
      %cond3A_232 = arith.cmpi ne, %convert_element_type3A_230, %cond3A_231 : i32
      scf.if %cond3A_232 {
        "tpu.region"() ({
          %run_scoped3A = tpu.sem_alloc : memref<!tpu.dma_semaphore, #tpu.memory_space<semaphore_mem>>
          %dma_start3A_408 = arith.constant 0 : i32
          %dma_start3A_409 = arith.constant 0 : i32
          %dma_start3A_410 = tpu.memref_slice %arg27[%dma_start3A_408, %dma_start3A_409] : memref<8x1024xf32, #tpu.memory_space<vmem>> -> memref<5x1024xf32, #tpu.memory_space<vmem>>
          %dma_start3A_411 = arith.constant 5456 : i32
          %dma_start3A_412 = arith.constant 0 : i32
          %dma_start3A_413 = tpu.memref_slice %arg11[%dma_start3A_411, %dma_start3A_412] : memref<5461x1024xf32, #tpu.memory_space<hbm>> -> memref<5x1024xf32, #tpu.memory_space<hbm>>
          %dma_start3A_414 = arith.constant 5456 : i32
          %dma_start3A_415 = arith.constant 0 : i32
          %dma_start3A_416 = tpu.memref_slice %arg11[%dma_start3A_414, %dma_start3A_415] : memref<5461x1024xf32, #tpu.memory_space<hbm>> -> memref<5x1024xf32, #tpu.memory_space<hbm>>
          %dma_start3A_417 = arith.constant 0 : i32
          %dma_start3A_418 = arith.constant 0 : i32
          %dma_start3A_419 = tpu.memref_slice %arg27[%dma_start3A_417, %dma_start3A_418] : memref<8x1024xf32, #tpu.memory_space<vmem>> -> memref<5x1024xf32, #tpu.memory_space<vmem>>
          tpu.enqueue_dma source(%dma_start3A_419 : memref<5x1024xf32, #tpu.memory_space<vmem>>) target(%dma_start3A_416 : memref<5x1024xf32, #tpu.memory_space<hbm>>) target_semaphore(%run_scoped3A : memref<!tpu.dma_semaphore, #tpu.memory_space<semaphore_mem>>)
          %dma_wait3A_420 = arith.constant 0 : i32
          %dma_wait3A_421 = arith.constant 0 : i32
          %dma_wait3A_422 = tpu.memref_slice %arg27[%dma_wait3A_420, %dma_wait3A_421] : memref<8x1024xf32, #tpu.memory_space<vmem>> -> memref<5x1024xf32, #tpu.memory_space<vmem>>
          %dma_wait3A_423 = arith.constant 5456 : i32
          %dma_wait3A_424 = arith.constant 0 : i32
          %dma_wait3A_425 = tpu.memref_slice %arg11[%dma_wait3A_423, %dma_wait3A_424] : memref<5461x1024xf32, #tpu.memory_space<hbm>> -> memref<5x1024xf32, #tpu.memory_space<hbm>>
          %dma_wait3A_426 = arith.constant 5456 : i32
          %dma_wait3A_427 = arith.constant 0 : i32
          %dma_wait3A_428 = tpu.memref_slice %arg11[%dma_wait3A_426, %dma_wait3A_427] : memref<5461x1024xf32, #tpu.memory_space<hbm>> -> memref<5x1024xf32, #tpu.memory_space<hbm>>
          %dma_wait3A_429 = arith.constant 0 : i32
          %dma_wait3A_430 = arith.constant 0 : i32
          %dma_wait3A_431 = tpu.memref_slice %arg27[%dma_wait3A_429, %dma_wait3A_430] : memref<8x1024xf32, #tpu.memory_space<vmem>> -> memref<5x1024xf32, #tpu.memory_space<vmem>>
          tpu.wait_dma2 semaphore(%run_scoped3A : memref<!tpu.dma_semaphore, #tpu.memory_space<semaphore_mem>>) src(%dma_wait3A_431 : memref<5x1024xf32, #tpu.memory_space<vmem>>) dst(%dma_wait3A_428 : memref<5x1024xf32, #tpu.memory_space<hbm>>)
          tpu.yield
        }) : () -> ()
        tpu.enqueue_dma source(%arg27 : memref<8x1024xf32, #tpu.memory_space<vmem>>) target(%arg13 : memref<8x1024xf32, #tpu.memory_space<hbm>>) target_semaphore(%arg42 : memref<!tpu.dma_semaphore, #tpu.memory_space<semaphore_mem>>)
      } else {
      }
      %dma_wait3A_233 = arith.constant 0 : i32
      %dma_wait3A_234 = arith.constant 0 : i32
      %dma_wait3A_235 = tpu.memref_slice %arg12[%dma_wait3A_233, %dma_wait3A_234] : memref<5461x1024xf32, #tpu.memory_space<hbm>> -> memref<8x1024xf32, #tpu.memory_space<hbm>>
      %dma_wait3A_236 = arith.constant 0 : i32
      %dma_wait3A_237 = arith.constant 0 : i32
      %dma_wait3A_238 = tpu.memref_slice %arg12[%dma_wait3A_236, %dma_wait3A_237] : memref<5461x1024xf32, #tpu.memory_space<hbm>> -> memref<8x1024xf32, #tpu.memory_space<hbm>>
      tpu.wait_dma2 semaphore(%arg41 : memref<!tpu.dma_semaphore, #tpu.memory_space<semaphore_mem>>) src(%arg26 : memref<8x1024xf32, #tpu.memory_space<vmem>>) dst(%dma_wait3A_238 : memref<8x1024xf32, #tpu.memory_space<hbm>>)
      %parallel_loop3A_239 = arith.constant 0 : i32
      %parallel_loop3A_240 = arith.constant 64 : i32
      %parallel_loop3A_241 = arith.constant 1 : i32
      scf.for %parallel_loop3A_408 = %parallel_loop3A_239 to %parallel_loop3A_240 step %parallel_loop3A_241  : i32 {
        %parallel_loop3A_409 = arith.constant 16 : i32
        %parallel_loop3A_410 = arith.muli %parallel_loop3A_408, %parallel_loop3A_409 : i32
        %parallel_loop3A_411 = tpu.assume_multiple %parallel_loop3A_410, 8 : i32
        %parallel_loop3A_412 = arith.constant 0 : i32
        %parallel_loop3A_413 = arith.index_cast %parallel_loop3A_412 : i32 to index
        %parallel_loop3A_414 = arith.index_cast %parallel_loop3A_411 : i32 to index
        %parallel_loop3A_415 = tpu.vector_load %arg22[%parallel_loop3A_413, %parallel_loop3A_414] {strides = array<i32>} : memref<16x1024xf32, #tpu.memory_space<vmem>>, vector<1x16xf32>,
        %parallel_loop3A_416 = vector.shape_cast %parallel_loop3A_415 : vector<1x16xf32> to vector<16xf32>
        %parallel_loop3A_417 = arith.constant 8 : i32
        %parallel_loop3A_418 = arith.index_cast %parallel_loop3A_417 : i32 to index
        %parallel_loop3A_419 = arith.index_cast %parallel_loop3A_411 : i32 to index
        %parallel_loop3A_420 = tpu.vector_load %arg22[%parallel_loop3A_418, %parallel_loop3A_419] {strides = array<i32>} : memref<16x1024xf32, #tpu.memory_space<vmem>>, vector<1x16xf32>,
        %parallel_loop3A_421 = vector.shape_cast %parallel_loop3A_420 : vector<1x16xf32> to vector<16xf32>
        %parallel_loop3A_422 = vector.broadcast %scan3A_46 : f32 to vector<16xf32>
        %parallel_loop3A_423 = arith.mulf %parallel_loop3A_416, %parallel_loop3A_422 : vector<16xf32>
        %parallel_loop3A_424 = vector.broadcast %scan3A_47 : f32 to vector<16xf32>
        %parallel_loop3A_425 = arith.mulf %parallel_loop3A_421, %parallel_loop3A_424 : vector<16xf32>
        %parallel_loop3A_426 = arith.addf %parallel_loop3A_423, %parallel_loop3A_425 : vector<16xf32>
        %parallel_loop3A_427 = arith.constant 0 : i32
        %parallel_loop3A_428 = arith.index_cast %parallel_loop3A_427 : i32 to index
        %parallel_loop3A_429 = arith.index_cast %parallel_loop3A_411 : i32 to index
        %parallel_loop3A_430 = tpu.vector_load %arg26[%parallel_loop3A_428, %parallel_loop3A_429] {strides = array<i32>} : memref<8x1024xf32, #tpu.memory_space<vmem>>, vector<1x16xf32>,
        %parallel_loop3A_431 = vector.shape_cast %parallel_loop3A_430 : vector<1x16xf32> to vector<16xf32>
        %parallel_loop3A_432 = vector.shape_cast %parallel_loop3A_426 : vector<16xf32> to vector<1x16xf32>
        tpu.vector_store %arg26[%parallel_loop3A_428, %parallel_loop3A_429], %parallel_loop3A_432 {strides = array<i32>} : memref<8x1024xf32, #tpu.memory_space<vmem>>, vector<1x16xf32>,
        %parallel_loop3A_433 = arith.constant 1 : i32
        %parallel_loop3A_434 = arith.index_cast %parallel_loop3A_433 : i32 to index
        %parallel_loop3A_435 = arith.index_cast %parallel_loop3A_411 : i32 to index
        %parallel_loop3A_436 = tpu.vector_load %arg22[%parallel_loop3A_434, %parallel_loop3A_435] {strides = array<i32>} : memref<16x1024xf32, #tpu.memory_space<vmem>>, vector<1x16xf32>,
        %parallel_loop3A_437 = vector.shape_cast %parallel_loop3A_436 : vector<1x16xf32> to vector<16xf32>
        %parallel_loop3A_438 = arith.constant 9 : i32
        %parallel_loop3A_439 = arith.index_cast %parallel_loop3A_438 : i32 to index
        %parallel_loop3A_440 = arith.index_cast %parallel_loop3A_411 : i32 to index
        %parallel_loop3A_441 = tpu.vector_load %arg22[%parallel_loop3A_439, %parallel_loop3A_440] {strides = array<i32>} : memref<16x1024xf32, #tpu.memory_space<vmem>>, vector<1x16xf32>,
        %parallel_loop3A_442 = vector.shape_cast %parallel_loop3A_441 : vector<1x16xf32> to vector<16xf32>
        %parallel_loop3A_443 = vector.broadcast %scan3A_46 : f32 to vector<16xf32>
        %parallel_loop3A_444 = arith.mulf %parallel_loop3A_437, %parallel_loop3A_443 : vector<16xf32>
        %parallel_loop3A_445 = vector.broadcast %scan3A_47 : f32 to vector<16xf32>
        %parallel_loop3A_446 = arith.mulf %parallel_loop3A_442, %parallel_loop3A_445 : vector<16xf32>
        %parallel_loop3A_447 = arith.addf %parallel_loop3A_444, %parallel_loop3A_446 : vector<16xf32>
        %parallel_loop3A_448 = arith.constant 1 : i32
        %parallel_loop3A_449 = arith.index_cast %parallel_loop3A_448 : i32 to index
        %parallel_loop3A_450 = arith.index_cast %parallel_loop3A_411 : i32 to index
        %parallel_loop3A_451 = tpu.vector_load %arg26[%parallel_loop3A_449, %parallel_loop3A_450] {strides = array<i32>} : memref<8x1024xf32, #tpu.memory_space<vmem>>, vector<1x16xf32>,
        %parallel_loop3A_452 = vector.shape_cast %parallel_loop3A_451 : vector<1x16xf32> to vector<16xf32>
        %parallel_loop3A_453 = vector.shape_cast %parallel_loop3A_447 : vector<16xf32> to vector<1x16xf32>
        tpu.vector_store %arg26[%parallel_loop3A_449, %parallel_loop3A_450], %parallel_loop3A_453 {strides = array<i32>} : memref<8x1024xf32, #tpu.memory_space<vmem>>, vector<1x16xf32>,
        %parallel_loop3A_454 = arith.constant 2 : i32
        %parallel_loop3A_455 = arith.index_cast %parallel_loop3A_454 : i32 to index
        %parallel_loop3A_456 = arith.index_cast %parallel_loop3A_411 : i32 to index
        %parallel_loop3A_457 = tpu.vector_load %arg22[%parallel_loop3A_455, %parallel_loop3A_456] {strides = array<i32>} : memref<16x1024xf32, #tpu.memory_space<vmem>>, vector<1x16xf32>,
        %parallel_loop3A_458 = vector.shape_cast %parallel_loop3A_457 : vector<1x16xf32> to vector<16xf32>
        %parallel_loop3A_459 = arith.constant 10 : i32
        %parallel_loop3A_460 = arith.index_cast %parallel_loop3A_459 : i32 to index
        %parallel_loop3A_461 = arith.index_cast %parallel_loop3A_411 : i32 to index
        %parallel_loop3A_462 = tpu.vector_load %arg22[%parallel_loop3A_460, %parallel_loop3A_461] {strides = array<i32>} : memref<16x1024xf32, #tpu.memory_space<vmem>>, vector<1x16xf32>,
        %parallel_loop3A_463 = vector.shape_cast %parallel_loop3A_462 : vector<1x16xf32> to vector<16xf32>
        %parallel_loop3A_464 = vector.broadcast %scan3A_46 : f32 to vector<16xf32>
        %parallel_loop3A_465 = arith.mulf %parallel_loop3A_458, %parallel_loop3A_464 : vector<16xf32>
        %parallel_loop3A_466 = vector.broadcast %scan3A_47 : f32 to vector<16xf32>
        %parallel_loop3A_467 = arith.mulf %parallel_loop3A_463, %parallel_loop3A_466 : vector<16xf32>
        %parallel_loop3A_468 = arith.addf %parallel_loop3A_465, %parallel_loop3A_467 : vector<16xf32>
        %parallel_loop3A_469 = arith.constant 2 : i32
        %parallel_loop3A_470 = arith.index_cast %parallel_loop3A_469 : i32 to index
        %parallel_loop3A_471 = arith.index_cast %parallel_loop3A_411 : i32 to index
        %parallel_loop3A_472 = tpu.vector_load %arg26[%parallel_loop3A_470, %parallel_loop3A_471] {strides = array<i32>} : memref<8x1024xf32, #tpu.memory_space<vmem>>, vector<1x16xf32>,
        %parallel_loop3A_473 = vector.shape_cast %parallel_loop3A_472 : vector<1x16xf32> to vector<16xf32>
        %parallel_loop3A_474 = vector.shape_cast %parallel_loop3A_468 : vector<16xf32> to vector<1x16xf32>
        tpu.vector_store %arg26[%parallel_loop3A_470, %parallel_loop3A_471], %parallel_loop3A_474 {strides = array<i32>} : memref<8x1024xf32, #tpu.memory_space<vmem>>, vector<1x16xf32>,
        %parallel_loop3A_475 = arith.constant 3 : i32
        %parallel_loop3A_476 = arith.index_cast %parallel_loop3A_475 : i32 to index
        %parallel_loop3A_477 = arith.index_cast %parallel_loop3A_411 : i32 to index
        %parallel_loop3A_478 = tpu.vector_load %arg22[%parallel_loop3A_476, %parallel_loop3A_477] {strides = array<i32>} : memref<16x1024xf32, #tpu.memory_space<vmem>>, vector<1x16xf32>,
        %parallel_loop3A_479 = vector.shape_cast %parallel_loop3A_478 : vector<1x16xf32> to vector<16xf32>
        %parallel_loop3A_480 = arith.constant 11 : i32
        %parallel_loop3A_481 = arith.index_cast %parallel_loop3A_480 : i32 to index
        %parallel_loop3A_482 = arith.index_cast %parallel_loop3A_411 : i32 to index
        %parallel_loop3A_483 = tpu.vector_load %arg22[%parallel_loop3A_481, %parallel_loop3A_482] {strides = array<i32>} : memref<16x1024xf32, #tpu.memory_space<vmem>>, vector<1x16xf32>,
        %parallel_loop3A_484 = vector.shape_cast %parallel_loop3A_483 : vector<1x16xf32> to vector<16xf32>
        %parallel_loop3A_485 = vector.broadcast %scan3A_46 : f32 to vector<16xf32>
        %parallel_loop3A_486 = arith.mulf %parallel_loop3A_479, %parallel_loop3A_485 : vector<16xf32>
        %parallel_loop3A_487 = vector.broadcast %scan3A_47 : f32 to vector<16xf32>
        %parallel_loop3A_488 = arith.mulf %parallel_loop3A_484, %parallel_loop3A_487 : vector<16xf32>
        %parallel_loop3A_489 = arith.addf %parallel_loop3A_486, %parallel_loop3A_488 : vector<16xf32>
        %parallel_loop3A_490 = arith.constant 3 : i32
        %parallel_loop3A_491 = arith.index_cast %parallel_loop3A_490 : i32 to index
        %parallel_loop3A_492 = arith.index_cast %parallel_loop3A_411 : i32 to index
        %parallel_loop3A_493 = tpu.vector_load %arg26[%parallel_loop3A_491, %parallel_loop3A_492] {strides = array<i32>} : memref<8x1024xf32, #tpu.memory_space<vmem>>, vector<1x16xf32>,
        %parallel_loop3A_494 = vector.shape_cast %parallel_loop3A_493 : vector<1x16xf32> to vector<16xf32>
        %parallel_loop3A_495 = vector.shape_cast %parallel_loop3A_489 : vector<16xf32> to vector<1x16xf32>
        tpu.vector_store %arg26[%parallel_loop3A_491, %parallel_loop3A_492], %parallel_loop3A_495 {strides = array<i32>} : memref<8x1024xf32, #tpu.memory_space<vmem>>, vector<1x16xf32>,
        %parallel_loop3A_496 = arith.constant 4 : i32
        %parallel_loop3A_497 = arith.index_cast %parallel_loop3A_496 : i32 to index
        %parallel_loop3A_498 = arith.index_cast %parallel_loop3A_411 : i32 to index
        %parallel_loop3A_499 = tpu.vector_load %arg22[%parallel_loop3A_497, %parallel_loop3A_498] {strides = array<i32>} : memref<16x1024xf32, #tpu.memory_space<vmem>>, vector<1x16xf32>,
        %parallel_loop3A_500 = vector.shape_cast %parallel_loop3A_499 : vector<1x16xf32> to vector<16xf32>
        %parallel_loop3A_501 = arith.constant 12 : i32
        %parallel_loop3A_502 = arith.index_cast %parallel_loop3A_501 : i32 to index
        %parallel_loop3A_503 = arith.index_cast %parallel_loop3A_411 : i32 to index
        %parallel_loop3A_504 = tpu.vector_load %arg22[%parallel_loop3A_502, %parallel_loop3A_503] {strides = array<i32>} : memref<16x1024xf32, #tpu.memory_space<vmem>>, vector<1x16xf32>,
        %parallel_loop3A_505 = vector.shape_cast %parallel_loop3A_504 : vector<1x16xf32> to vector<16xf32>
        %parallel_loop3A_506 = vector.broadcast %scan3A_46 : f32 to vector<16xf32>
        %parallel_loop3A_507 = arith.mulf %parallel_loop3A_500, %parallel_loop3A_506 : vector<16xf32>
        %parallel_loop3A_508 = vector.broadcast %scan3A_47 : f32 to vector<16xf32>
        %parallel_loop3A_509 = arith.mulf %parallel_loop3A_505, %parallel_loop3A_508 : vector<16xf32>
        %parallel_loop3A_510 = arith.addf %parallel_loop3A_507, %parallel_loop3A_509 : vector<16xf32>
        %parallel_loop3A_511 = arith.constant 4 : i32
        %parallel_loop3A_512 = arith.index_cast %parallel_loop3A_511 : i32 to index
        %parallel_loop3A_513 = arith.index_cast %parallel_loop3A_411 : i32 to index
        %parallel_loop3A_514 = tpu.vector_load %arg26[%parallel_loop3A_512, %parallel_loop3A_513] {strides = array<i32>} : memref<8x1024xf32, #tpu.memory_space<vmem>>, vector<1x16xf32>,
        %parallel_loop3A_515 = vector.shape_cast %parallel_loop3A_514 : vector<1x16xf32> to vector<16xf32>
        %parallel_loop3A_516 = vector.shape_cast %parallel_loop3A_510 : vector<16xf32> to vector<1x16xf32>
        tpu.vector_store %arg26[%parallel_loop3A_512, %parallel_loop3A_513], %parallel_loop3A_516 {strides = array<i32>} : memref<8x1024xf32, #tpu.memory_space<vmem>>, vector<1x16xf32>,
        %parallel_loop3A_517 = arith.constant 5 : i32
        %parallel_loop3A_518 = arith.index_cast %parallel_loop3A_517 : i32 to index
        %parallel_loop3A_519 = arith.index_cast %parallel_loop3A_411 : i32 to index
        %parallel_loop3A_520 = tpu.vector_load %arg22[%parallel_loop3A_518, %parallel_loop3A_519] {strides = array<i32>} : memref<16x1024xf32, #tpu.memory_space<vmem>>, vector<1x16xf32>,
        %parallel_loop3A_521 = vector.shape_cast %parallel_loop3A_520 : vector<1x16xf32> to vector<16xf32>
        %parallel_loop3A_522 = arith.constant 13 : i32
        %parallel_loop3A_523 = arith.index_cast %parallel_loop3A_522 : i32 to index
        %parallel_loop3A_524 = arith.index_cast %parallel_loop3A_411 : i32 to index
        %parallel_loop3A_525 = tpu.vector_load %arg22[%parallel_loop3A_523, %parallel_loop3A_524] {strides = array<i32>} : memref<16x1024xf32, #tpu.memory_space<vmem>>, vector<1x16xf32>,
        %parallel_loop3A_526 = vector.shape_cast %parallel_loop3A_525 : vector<1x16xf32> to vector<16xf32>
        %parallel_loop3A_527 = vector.broadcast %scan3A_46 : f32 to vector<16xf32>
        %parallel_loop3A_528 = arith.mulf %parallel_loop3A_521, %parallel_loop3A_527 : vector<16xf32>
        %parallel_loop3A_529 = vector.broadcast %scan3A_47 : f32 to vector<16xf32>
        %parallel_loop3A_530 = arith.mulf %parallel_loop3A_526, %parallel_loop3A_529 : vector<16xf32>
        %parallel_loop3A_531 = arith.addf %parallel_loop3A_528, %parallel_loop3A_530 : vector<16xf32>
        %parallel_loop3A_532 = arith.constant 5 : i32
        %parallel_loop3A_533 = arith.index_cast %parallel_loop3A_532 : i32 to index
        %parallel_loop3A_534 = arith.index_cast %parallel_loop3A_411 : i32 to index
        %parallel_loop3A_535 = tpu.vector_load %arg26[%parallel_loop3A_533, %parallel_loop3A_534] {strides = array<i32>} : memref<8x1024xf32, #tpu.memory_space<vmem>>, vector<1x16xf32>,
        %parallel_loop3A_536 = vector.shape_cast %parallel_loop3A_535 : vector<1x16xf32> to vector<16xf32>
        %parallel_loop3A_537 = vector.shape_cast %parallel_loop3A_531 : vector<16xf32> to vector<1x16xf32>
        tpu.vector_store %arg26[%parallel_loop3A_533, %parallel_loop3A_534], %parallel_loop3A_537 {strides = array<i32>} : memref<8x1024xf32, #tpu.memory_space<vmem>>, vector<1x16xf32>,
        %parallel_loop3A_538 = arith.constant 6 : i32
        %parallel_loop3A_539 = arith.index_cast %parallel_loop3A_538 : i32 to index
        %parallel_loop3A_540 = arith.index_cast %parallel_loop3A_411 : i32 to index
        %parallel_loop3A_541 = tpu.vector_load %arg22[%parallel_loop3A_539, %parallel_loop3A_540] {strides = array<i32>} : memref<16x1024xf32, #tpu.memory_space<vmem>>, vector<1x16xf32>,
        %parallel_loop3A_542 = vector.shape_cast %parallel_loop3A_541 : vector<1x16xf32> to vector<16xf32>
        %parallel_loop3A_543 = arith.constant 14 : i32
        %parallel_loop3A_544 = arith.index_cast %parallel_loop3A_543 : i32 to index
        %parallel_loop3A_545 = arith.index_cast %parallel_loop3A_411 : i32 to index
        %parallel_loop3A_546 = tpu.vector_load %arg22[%parallel_loop3A_544, %parallel_loop3A_545] {strides = array<i32>} : memref<16x1024xf32, #tpu.memory_space<vmem>>, vector<1x16xf32>,
        %parallel_loop3A_547 = vector.shape_cast %parallel_loop3A_546 : vector<1x16xf32> to vector<16xf32>
        %parallel_loop3A_548 = vector.broadcast %scan3A_46 : f32 to vector<16xf32>
        %parallel_loop3A_549 = arith.mulf %parallel_loop3A_542, %parallel_loop3A_548 : vector<16xf32>
        %parallel_loop3A_550 = vector.broadcast %scan3A_47 : f32 to vector<16xf32>
        %parallel_loop3A_551 = arith.mulf %parallel_loop3A_547, %parallel_loop3A_550 : vector<16xf32>
        %parallel_loop3A_552 = arith.addf %parallel_loop3A_549, %parallel_loop3A_551 : vector<16xf32>
        %parallel_loop3A_553 = arith.constant 6 : i32
        %parallel_loop3A_554 = arith.index_cast %parallel_loop3A_553 : i32 to index
        %parallel_loop3A_555 = arith.index_cast %parallel_loop3A_411 : i32 to index
        %parallel_loop3A_556 = tpu.vector_load %arg26[%parallel_loop3A_554, %parallel_loop3A_555] {strides = array<i32>} : memref<8x1024xf32, #tpu.memory_space<vmem>>, vector<1x16xf32>,
        %parallel_loop3A_557 = vector.shape_cast %parallel_loop3A_556 : vector<1x16xf32> to vector<16xf32>
        %parallel_loop3A_558 = vector.shape_cast %parallel_loop3A_552 : vector<16xf32> to vector<1x16xf32>
        tpu.vector_store %arg26[%parallel_loop3A_554, %parallel_loop3A_555], %parallel_loop3A_558 {strides = array<i32>} : memref<8x1024xf32, #tpu.memory_space<vmem>>, vector<1x16xf32>,
        %parallel_loop3A_559 = arith.constant 7 : i32
        %parallel_loop3A_560 = arith.index_cast %parallel_loop3A_559 : i32 to index
        %parallel_loop3A_561 = arith.index_cast %parallel_loop3A_411 : i32 to index
        %parallel_loop3A_562 = tpu.vector_load %arg22[%parallel_loop3A_560, %parallel_loop3A_561] {strides = array<i32>} : memref<16x1024xf32, #tpu.memory_space<vmem>>, vector<1x16xf32>,
        %parallel_loop3A_563 = vector.shape_cast %parallel_loop3A_562 : vector<1x16xf32> to vector<16xf32>
        %parallel_loop3A_564 = arith.constant 15 : i32
        %parallel_loop3A_565 = arith.index_cast %parallel_loop3A_564 : i32 to index
        %parallel_loop3A_566 = arith.index_cast %parallel_loop3A_411 : i32 to index
        %parallel_loop3A_567 = tpu.vector_load %arg22[%parallel_loop3A_565, %parallel_loop3A_566] {strides = array<i32>} : memref<16x1024xf32, #tpu.memory_space<vmem>>, vector<1x16xf32>,
        %parallel_loop3A_568 = vector.shape_cast %parallel_loop3A_567 : vector<1x16xf32> to vector<16xf32>
        %parallel_loop3A_569 = vector.broadcast %scan3A_46 : f32 to vector<16xf32>
        %parallel_loop3A_570 = arith.mulf %parallel_loop3A_563, %parallel_loop3A_569 : vector<16xf32>
        %parallel_loop3A_571 = vector.broadcast %scan3A_47 : f32 to vector<16xf32>
        %parallel_loop3A_572 = arith.mulf %parallel_loop3A_568, %parallel_loop3A_571 : vector<16xf32>
        %parallel_loop3A_573 = arith.addf %parallel_loop3A_570, %parallel_loop3A_572 : vector<16xf32>
        %parallel_loop3A_574 = arith.constant 7 : i32
        %parallel_loop3A_575 = arith.index_cast %parallel_loop3A_574 : i32 to index
        %parallel_loop3A_576 = arith.index_cast %parallel_loop3A_411 : i32 to index
        %parallel_loop3A_577 = tpu.vector_load %arg26[%parallel_loop3A_575, %parallel_loop3A_576] {strides = array<i32>} : memref<8x1024xf32, #tpu.memory_space<vmem>>, vector<1x16xf32>,
        %parallel_loop3A_578 = vector.shape_cast %parallel_loop3A_577 : vector<1x16xf32> to vector<16xf32>
        %parallel_loop3A_579 = vector.shape_cast %parallel_loop3A_573 : vector<16xf32> to vector<1x16xf32>
        tpu.vector_store %arg26[%parallel_loop3A_575, %parallel_loop3A_576], %parallel_loop3A_579 {strides = array<i32>} : memref<8x1024xf32, #tpu.memory_space<vmem>>, vector<1x16xf32>,
      } {sc.loop_unroll_factor = 4 : i64, sc.parallel_access}
      %not3A_242 = arith.constant true
      %not3A_243 = arith.xori %eq3A_182, %not3A_242 : i1
      %convert_element_type3A_244 = arith.extui %not3A_243 : i1 to i32
      %cond3A_245 = arith.constant 0 : i32
      %cond3A_246 = arith.cmpi ne, %convert_element_type3A_244, %cond3A_245 : i32
      scf.if %cond3A_246 {
        %dma_start3A_408 = arith.constant 0 : i32
        %dma_start3A_409 = tpu.memref_slice %arg12[%multiple_of3A_181, %dma_start3A_408] : memref<5461x1024xf32, #tpu.memory_space<hbm>> -> memref<8x1024xf32, #tpu.memory_space<hbm>>
        %dma_start3A_410 = arith.constant 0 : i32
        %dma_start3A_411 = tpu.memref_slice %arg12[%multiple_of3A_181, %dma_start3A_410] : memref<5461x1024xf32, #tpu.memory_space<hbm>> -> memref<8x1024xf32, #tpu.memory_space<hbm>>
        tpu.enqueue_dma source(%arg26 : memref<8x1024xf32, #tpu.memory_space<vmem>>) target(%dma_start3A_411 : memref<8x1024xf32, #tpu.memory_space<hbm>>) target_semaphore(%arg41 : memref<!tpu.dma_semaphore, #tpu.memory_space<semaphore_mem>>)
      } else {
      }
      %convert_element_type3A_247 = arith.extui %eq3A_182 : i1 to i32
      %cond3A_248 = arith.constant 0 : i32
      %cond3A_249 = arith.cmpi ne, %convert_element_type3A_247, %cond3A_248 : i32
      scf.if %cond3A_249 {
        "tpu.region"() ({
          %run_scoped3A = tpu.sem_alloc : memref<!tpu.dma_semaphore, #tpu.memory_space<semaphore_mem>>
          %dma_start3A_408 = arith.constant 0 : i32
          %dma_start3A_409 = arith.constant 0 : i32
          %dma_start3A_410 = tpu.memref_slice %arg26[%dma_start3A_408, %dma_start3A_409] : memref<8x1024xf32, #tpu.memory_space<vmem>> -> memref<5x1024xf32, #tpu.memory_space<vmem>>
          %dma_start3A_411 = arith.constant 5456 : i32
          %dma_start3A_412 = arith.constant 0 : i32
          %dma_start3A_413 = tpu.memref_slice %arg12[%dma_start3A_411, %dma_start3A_412] : memref<5461x1024xf32, #tpu.memory_space<hbm>> -> memref<5x1024xf32, #tpu.memory_space<hbm>>
          %dma_start3A_414 = arith.constant 5456 : i32
          %dma_start3A_415 = arith.constant 0 : i32
          %dma_start3A_416 = tpu.memref_slice %arg12[%dma_start3A_414, %dma_start3A_415] : memref<5461x1024xf32, #tpu.memory_space<hbm>> -> memref<5x1024xf32, #tpu.memory_space<hbm>>
          %dma_start3A_417 = arith.constant 0 : i32
          %dma_start3A_418 = arith.constant 0 : i32
          %dma_start3A_419 = tpu.memref_slice %arg26[%dma_start3A_417, %dma_start3A_418] : memref<8x1024xf32, #tpu.memory_space<vmem>> -> memref<5x1024xf32, #tpu.memory_space<vmem>>
          tpu.enqueue_dma source(%dma_start3A_419 : memref<5x1024xf32, #tpu.memory_space<vmem>>) target(%dma_start3A_416 : memref<5x1024xf32, #tpu.memory_space<hbm>>) target_semaphore(%run_scoped3A : memref<!tpu.dma_semaphore, #tpu.memory_space<semaphore_mem>>)
          %dma_wait3A_420 = arith.constant 0 : i32
          %dma_wait3A_421 = arith.constant 0 : i32
          %dma_wait3A_422 = tpu.memref_slice %arg26[%dma_wait3A_420, %dma_wait3A_421] : memref<8x1024xf32, #tpu.memory_space<vmem>> -> memref<5x1024xf32, #tpu.memory_space<vmem>>
          %dma_wait3A_423 = arith.constant 5456 : i32
          %dma_wait3A_424 = arith.constant 0 : i32
          %dma_wait3A_425 = tpu.memref_slice %arg12[%dma_wait3A_423, %dma_wait3A_424] : memref<5461x1024xf32, #tpu.memory_space<hbm>> -> memref<5x1024xf32, #tpu.memory_space<hbm>>
          %dma_wait3A_426 = arith.constant 5456 : i32
          %dma_wait3A_427 = arith.constant 0 : i32
          %dma_wait3A_428 = tpu.memref_slice %arg12[%dma_wait3A_426, %dma_wait3A_427] : memref<5461x1024xf32, #tpu.memory_space<hbm>> -> memref<5x1024xf32, #tpu.memory_space<hbm>>
          %dma_wait3A_429 = arith.constant 0 : i32
          %dma_wait3A_430 = arith.constant 0 : i32
          %dma_wait3A_431 = tpu.memref_slice %arg26[%dma_wait3A_429, %dma_wait3A_430] : memref<8x1024xf32, #tpu.memory_space<vmem>> -> memref<5x1024xf32, #tpu.memory_space<vmem>>
          tpu.wait_dma2 semaphore(%run_scoped3A : memref<!tpu.dma_semaphore, #tpu.memory_space<semaphore_mem>>) src(%dma_wait3A_431 : memref<5x1024xf32, #tpu.memory_space<vmem>>) dst(%dma_wait3A_428 : memref<5x1024xf32, #tpu.memory_space<hbm>>)
          tpu.yield
        }) : () -> ()
        tpu.enqueue_dma source(%arg26 : memref<8x1024xf32, #tpu.memory_space<vmem>>) target(%arg13 : memref<8x1024xf32, #tpu.memory_space<hbm>>) target_semaphore(%arg41 : memref<!tpu.dma_semaphore, #tpu.memory_space<semaphore_mem>>)
      } else {
      }
      %dma_wait3A_250 = arith.constant 0 : i32
      %dma_wait3A_251 = tpu.memref_slice %arg3[%dma_wait3A_250] : memref<16384xi32, #tpu.memory_space<hbm>> -> memref<16xi32, #tpu.memory_space<hbm>>
      %dma_wait3A_252 = arith.constant 0 : i32
      %dma_wait3A_253 = tpu.memref_slice %arg3[%dma_wait3A_252] : memref<16384xi32, #tpu.memory_space<hbm>> -> memref<16xi32, #tpu.memory_space<hbm>>
      tpu.wait_dma2 semaphore(%arg37 : memref<!tpu.dma_semaphore, #tpu.memory_space<semaphore_mem>>) src(%dma_wait3A_253 : memref<16xi32, #tpu.memory_space<hbm>>) dst(%arg18 : memref<16xi32, #tpu.memory_space<vmem>>)
      %get3A_254 = arith.constant 0 : index
      %get3A_255 = tpu.vector_load %arg18[%get3A_254] {strides = array<i32>} : memref<16xi32, #tpu.memory_space<vmem>>, vector<16xi32>,
      %get3A_256 = vector.shape_cast %get3A_255 : vector<16xi32> to vector<16xi32>
      %dma_start3A_257 = arith.constant 0 : i32
      %dma_start3A_258 = arith.constant 0 : i32
      %dma_start3A_259 = tpu.memref_slice %arg4[%dma_start3A_257, %dma_start3A_258] : memref<16384x1024xf32, #tpu.memory_space<hbm>> -> memref<16384x1024xf32, #tpu.memory_space<hbm>>
      tpu.enqueue_indirect_dma source(%dma_start3A_259 : memref<16384x1024xf32, #tpu.memory_space<hbm>>) target(%arg20 : memref<16x1024xf32, #tpu.memory_space<vmem>>) offsets(%get3A_256 : vector<16xi32>) semaphore(%arg39 : memref<!tpu.dma_semaphore, #tpu.memory_space<semaphore_mem>>)
      %dma_start3A_260 = arith.constant 0 : i32
      %dma_start3A_261 = arith.constant 0 : i32
      %dma_start3A_262 = tpu.memref_slice %arg5[%dma_start3A_260, %dma_start3A_261] : memref<16384x1024xf32, #tpu.memory_space<hbm>> -> memref<16384x1024xf32, #tpu.memory_space<hbm>>
      tpu.enqueue_indirect_dma source(%dma_start3A_262 : memref<16384x1024xf32, #tpu.memory_space<hbm>>) target(%arg21 : memref<16x1024xf32, #tpu.memory_space<vmem>>) offsets(%get3A_256 : vector<16xi32>) semaphore(%arg39 : memref<!tpu.dma_semaphore, #tpu.memory_space<semaphore_mem>>)
      %dma_start3A_263 = arith.constant 0 : i32
      %dma_start3A_264 = arith.constant 0 : i32
      %dma_start3A_265 = tpu.memref_slice %arg6[%dma_start3A_263, %dma_start3A_264] : memref<16384x1024xf32, #tpu.memory_space<hbm>> -> memref<16384x1024xf32, #tpu.memory_space<hbm>>
      tpu.enqueue_indirect_dma source(%dma_start3A_265 : memref<16384x1024xf32, #tpu.memory_space<hbm>>) target(%arg22 : memref<16x1024xf32, #tpu.memory_space<vmem>>) offsets(%get3A_256 : vector<16xi32>) semaphore(%arg39 : memref<!tpu.dma_semaphore, #tpu.memory_space<semaphore_mem>>)
      %dma_start3A_266 = arith.constant 0 : i32
      %dma_start3A_267 = tpu.memref_slice %arg7[%dma_start3A_266] : memref<16384xi32, #tpu.memory_space<hbm>> -> memref<16384xi32, #tpu.memory_space<hbm>>
      tpu.enqueue_indirect_dma source(%dma_start3A_267 : memref<16384xi32, #tpu.memory_space<hbm>>) target(%arg28 : memref<16xi32, #tpu.memory_space<vmem>>) offsets(%get3A_256 : vector<16xi32>) semaphore(%arg43 : memref<!tpu.dma_semaphore, #tpu.memory_space<semaphore_mem>>)
      %dma_start3A_268 = arith.constant 0 : i32
      %dma_start3A_269 = tpu.memref_slice %arg8[%dma_start3A_268] : memref<16384xi32, #tpu.memory_space<hbm>> -> memref<16384xi32, #tpu.memory_space<hbm>>
      tpu.enqueue_indirect_dma source(%dma_start3A_269 : memref<16384xi32, #tpu.memory_space<hbm>>) target(%arg29 : memref<16xi32, #tpu.memory_space<vmem>>) offsets(%get3A_256 : vector<16xi32>) semaphore(%arg43 : memref<!tpu.dma_semaphore, #tpu.memory_space<semaphore_mem>>)
      %dma_start3A_270 = arith.constant 0 : i32
      %dma_start3A_271 = tpu.memref_slice %arg9[%dma_start3A_270] : memref<16384xi32, #tpu.memory_space<hbm>> -> memref<16384xi32, #tpu.memory_space<hbm>>
      tpu.enqueue_indirect_dma source(%dma_start3A_271 : memref<16384xi32, #tpu.memory_space<hbm>>) target(%arg30 : memref<16xi32, #tpu.memory_space<vmem>>) offsets(%get3A_256 : vector<16xi32>) semaphore(%arg43 : memref<!tpu.dma_semaphore, #tpu.memory_space<semaphore_mem>>)
      %mul3A_272 = arith.constant 2 : i32
      %mul3A_273 = arith.muli %mul3A_272, %scan3A_102 : i32
      %add3A_274 = arith.constant 3 : i32
      %add3A_275 = arith.addi %mul3A_273, %add3A_274 : i32
      %mul3A_276 = arith.constant 22 : i32
      %mul3A_277 = arith.muli %add3A, %mul3A_276 : i32
      %add3A_278 = arith.addi %mul3A_277, %add3A_275 : i32
      %min3A_279 = arith.constant 682 : i32
      %min3A_280 = arith.minsi %add3A_278, %min3A_279 : i32
      %mul3A_281 = arith.constant 16 : i32
      %mul3A_282 = arith.muli %min3A_280, %mul3A_281 : i32
      %multiple_of3A_283 = tpu.assume_multiple %mul3A_282, 8 : i32
      %get3A_284 = arith.index_cast %multiple_of3A_283 : i32 to index
      %get3A_285 = tpu.vector_load %arg17[%get3A_284] {strides = array<i32>} : memref<10928xi32, #tpu.memory_space<vmem>>, vector<16xi32>,
      %get3A_286 = vector.shape_cast %get3A_285 : vector<16xi32> to vector<16xi32>
      %dma_start3A_287 = arith.constant 0 : i32
      %dma_start3A_288 = tpu.memref_slice %arg3[%dma_start3A_287] : memref<16384xi32, #tpu.memory_space<hbm>> -> memref<16384xi32, #tpu.memory_space<hbm>>
      tpu.enqueue_indirect_dma source(%dma_start3A_288 : memref<16384xi32, #tpu.memory_space<hbm>>) target(%arg19 : memref<16xi32, #tpu.memory_space<vmem>>) offsets(%get3A_286 : vector<16xi32>) semaphore(%arg38 : memref<!tpu.dma_semaphore, #tpu.memory_space<semaphore_mem>>)
      %dma_wait3A_289 = arith.constant 0 : i32
      %dma_wait3A_290 = arith.constant 0 : i32
      %dma_wait3A_291 = tpu.memref_slice %arg4[%dma_wait3A_289, %dma_wait3A_290] : memref<16384x1024xf32, #tpu.memory_space<hbm>> -> memref<16x1024xf32, #tpu.memory_space<hbm>>
      %dma_wait3A_292 = arith.constant 0 : i32
      %dma_wait3A_293 = arith.constant 0 : i32
      %dma_wait3A_294 = tpu.memref_slice %arg4[%dma_wait3A_292, %dma_wait3A_293] : memref<16384x1024xf32, #tpu.memory_space<hbm>> -> memref<16x1024xf32, #tpu.memory_space<hbm>>
      tpu.wait_dma2 semaphore(%arg40 : memref<!tpu.dma_semaphore, #tpu.memory_space<semaphore_mem>>) src(%dma_wait3A_294 : memref<16x1024xf32, #tpu.memory_space<hbm>>) dst(%arg23 : memref<16x1024xf32, #tpu.memory_space<vmem>>)
      %dma_wait3A_295 = arith.constant 0 : i32
      %dma_wait3A_296 = arith.constant 0 : i32
      %dma_wait3A_297 = tpu.memref_slice %arg4[%dma_wait3A_295, %dma_wait3A_296] : memref<16384x1024xf32, #tpu.memory_space<hbm>> -> memref<16x1024xf32, #tpu.memory_space<hbm>>
      %dma_wait3A_298 = arith.constant 0 : i32
      %dma_wait3A_299 = arith.constant 0 : i32
      %dma_wait3A_300 = tpu.memref_slice %arg4[%dma_wait3A_298, %dma_wait3A_299] : memref<16384x1024xf32, #tpu.memory_space<hbm>> -> memref<16x1024xf32, #tpu.memory_space<hbm>>
      tpu.wait_dma2 semaphore(%arg40 : memref<!tpu.dma_semaphore, #tpu.memory_space<semaphore_mem>>) src(%dma_wait3A_300 : memref<16x1024xf32, #tpu.memory_space<hbm>>) dst(%arg24 : memref<16x1024xf32, #tpu.memory_space<vmem>>)
      %dma_wait3A_301 = arith.constant 0 : i32
      %dma_wait3A_302 = arith.constant 0 : i32
      %dma_wait3A_303 = tpu.memref_slice %arg4[%dma_wait3A_301, %dma_wait3A_302] : memref<16384x1024xf32, #tpu.memory_space<hbm>> -> memref<16x1024xf32, #tpu.memory_space<hbm>>
      %dma_wait3A_304 = arith.constant 0 : i32
      %dma_wait3A_305 = arith.constant 0 : i32
      %dma_wait3A_306 = tpu.memref_slice %arg4[%dma_wait3A_304, %dma_wait3A_305] : memref<16384x1024xf32, #tpu.memory_space<hbm>> -> memref<16x1024xf32, #tpu.memory_space<hbm>>
      tpu.wait_dma2 semaphore(%arg40 : memref<!tpu.dma_semaphore, #tpu.memory_space<semaphore_mem>>) src(%dma_wait3A_306 : memref<16x1024xf32, #tpu.memory_space<hbm>>) dst(%arg25 : memref<16x1024xf32, #tpu.memory_space<vmem>>)
      %dma_wait3A_307 = arith.constant 0 : i32
      %dma_wait3A_308 = tpu.memref_slice %arg7[%dma_wait3A_307] : memref<16384xi32, #tpu.memory_space<hbm>> -> memref<16xi32, #tpu.memory_space<hbm>>
      %dma_wait3A_309 = arith.constant 0 : i32
      %dma_wait3A_310 = tpu.memref_slice %arg7[%dma_wait3A_309] : memref<16384xi32, #tpu.memory_space<hbm>> -> memref<16xi32, #tpu.memory_space<hbm>>
      tpu.wait_dma2 semaphore(%arg44 : memref<!tpu.dma_semaphore, #tpu.memory_space<semaphore_mem>>) src(%dma_wait3A_310 : memref<16xi32, #tpu.memory_space<hbm>>) dst(%arg31 : memref<16xi32, #tpu.memory_space<vmem>>)
      %dma_wait3A_311 = arith.constant 0 : i32
      %dma_wait3A_312 = tpu.memref_slice %arg7[%dma_wait3A_311] : memref<16384xi32, #tpu.memory_space<hbm>> -> memref<16xi32, #tpu.memory_space<hbm>>
      %dma_wait3A_313 = arith.constant 0 : i32
      %dma_wait3A_314 = tpu.memref_slice %arg7[%dma_wait3A_313] : memref<16384xi32, #tpu.memory_space<hbm>> -> memref<16xi32, #tpu.memory_space<hbm>>
      tpu.wait_dma2 semaphore(%arg44 : memref<!tpu.dma_semaphore, #tpu.memory_space<semaphore_mem>>) src(%dma_wait3A_314 : memref<16xi32, #tpu.memory_space<hbm>>) dst(%arg32 : memref<16xi32, #tpu.memory_space<vmem>>)
      %dma_wait3A_315 = arith.constant 0 : i32
      %dma_wait3A_316 = tpu.memref_slice %arg7[%dma_wait3A_315] : memref<16384xi32, #tpu.memory_space<hbm>> -> memref<16xi32, #tpu.memory_space<hbm>>
      %dma_wait3A_317 = arith.constant 0 : i32
      %dma_wait3A_318 = tpu.memref_slice %arg7[%dma_wait3A_317] : memref<16384xi32, #tpu.memory_space<hbm>> -> memref<16xi32, #tpu.memory_space<hbm>>
      tpu.wait_dma2 semaphore(%arg44 : memref<!tpu.dma_semaphore, #tpu.memory_space<semaphore_mem>>) src(%dma_wait3A_318 : memref<16xi32, #tpu.memory_space<hbm>>) dst(%arg33 : memref<16xi32, #tpu.memory_space<vmem>>)
      %mul3A_319 = arith.constant 2 : i32
      %mul3A_320 = arith.muli %mul3A_319, %scan3A_102 : i32
      %add3A_321 = arith.constant 1 : i32
      %add3A_322 = arith.addi %mul3A_320, %add3A_321 : i32
      %mul3A_323 = arith.constant 22 : i32
      %mul3A_324 = arith.muli %add3A, %mul3A_323 : i32
      %add3A_325 = arith.addi %mul3A_324, %add3A_322 : i32
      %min3A_326 = arith.constant 682 : i32
      %min3A_327 = arith.minsi %add3A_325, %min3A_326 : i32
      %mul3A_328 = arith.constant 8 : i32
      %mul3A_329 = arith.muli %min3A_327, %mul3A_328 : i32
      %multiple_of3A_330 = tpu.assume_multiple %mul3A_329, 8 : i32
      %eq3A_331 = arith.constant 682 : i32
      %eq3A_332 = arith.cmpi eq, %min3A_327, %eq3A_331 : i32
      %mul3A_333 = arith.constant 16 : i32
      %mul3A_334 = arith.muli %add3A_322, %mul3A_333 : i32
      %multiple_of3A_335 = tpu.assume_multiple %mul3A_334, 8 : i32
      %get3A_336 = arith.constant 0 : index
      %get3A_337 = tpu.vector_load %arg31[%get3A_336] {strides = array<i32>} : memref<16xi32, #tpu.memory_space<vmem>>, vector<16xi32>,
      %get3A_338 = vector.shape_cast %get3A_337 : vector<16xi32> to vector<16xi32>
      %swap3A_339 = arith.index_cast %multiple_of3A_335 : i32 to index
      %swap3A_340 = tpu.vector_load %arg34[%swap3A_339] {strides = array<i32>} : memref<352xi32, #tpu.memory_space<vmem>>, vector<16xi32>,
      %swap3A_341 = vector.shape_cast %swap3A_340 : vector<16xi32> to vector<16xi32>
      %swap3A_342 = vector.shape_cast %get3A_338 : vector<16xi32> to vector<16xi32>
      tpu.vector_store %arg34[%swap3A_339], %swap3A_342 {strides = array<i32>} : memref<352xi32, #tpu.memory_space<vmem>>, vector<16xi32>,
      %get3A_343 = arith.constant 0 : index
      %get3A_344 = tpu.vector_load %arg32[%get3A_343] {strides = array<i32>} : memref<16xi32, #tpu.memory_space<vmem>>, vector<16xi32>,
      %get3A_345 = vector.shape_cast %get3A_344 : vector<16xi32> to vector<16xi32>
      %swap3A_346 = arith.index_cast %multiple_of3A_335 : i32 to index
      %swap3A_347 = tpu.vector_load %arg35[%swap3A_346] {strides = array<i32>} : memref<352xi32, #tpu.memory_space<vmem>>, vector<16xi32>,
      %swap3A_348 = vector.shape_cast %swap3A_347 : vector<16xi32> to vector<16xi32>
      %swap3A_349 = vector.shape_cast %get3A_345 : vector<16xi32> to vector<16xi32>
      tpu.vector_store %arg35[%swap3A_346], %swap3A_349 {strides = array<i32>} : memref<352xi32, #tpu.memory_space<vmem>>, vector<16xi32>,
      %get3A_350 = arith.constant 0 : index
      %get3A_351 = tpu.vector_load %arg33[%get3A_350] {strides = array<i32>} : memref<16xi32, #tpu.memory_space<vmem>>, vector<16xi32>,
      %get3A_352 = vector.shape_cast %get3A_351 : vector<16xi32> to vector<16xi32>
      %swap3A_353 = arith.index_cast %multiple_of3A_335 : i32 to index
      %swap3A_354 = tpu.vector_load %arg36[%swap3A_353] {strides = array<i32>} : memref<352xi32, #tpu.memory_space<vmem>>, vector<16xi32>,
      %swap3A_355 = vector.shape_cast %swap3A_354 : vector<16xi32> to vector<16xi32>
      %swap3A_356 = vector.shape_cast %get3A_352 : vector<16xi32> to vector<16xi32>
      tpu.vector_store %arg36[%swap3A_353], %swap3A_356 {strides = array<i32>} : memref<352xi32, #tpu.memory_space<vmem>>, vector<16xi32>,
      %dma_wait3A_357 = arith.constant 0 : i32
      %dma_wait3A_358 = arith.constant 0 : i32
      %dma_wait3A_359 = tpu.memref_slice %arg10[%dma_wait3A_357, %dma_wait3A_358] : memref<5461x1024xf32, #tpu.memory_space<hbm>> -> memref<8x1024xf32, #tpu.memory_space<hbm>>
      %dma_wait3A_360 = arith.constant 0 : i32
      %dma_wait3A_361 = arith.constant 0 : i32
      %dma_wait3A_362 = tpu.memref_slice %arg10[%dma_wait3A_360, %dma_wait3A_361] : memref<5461x1024xf32, #tpu.memory_space<hbm>> -> memref<8x1024xf32, #tpu.memory_space<hbm>>
      tpu.wait_dma2 semaphore(%arg41 : memref<!tpu.dma_semaphore, #tpu.memory_space<semaphore_mem>>) src(%arg26 : memref<8x1024xf32, #tpu.memory_space<vmem>>) dst(%dma_wait3A_362 : memref<8x1024xf32, #tpu.memory_space<hbm>>)
      %parallel_loop3A_363 = arith.constant 0 : i32
      %parallel_loop3A_364 = arith.constant 64 : i32
      %parallel_loop3A_365 = arith.constant 1 : i32
      scf.for %parallel_loop3A_408 = %parallel_loop3A_363 to %parallel_loop3A_364 step %parallel_loop3A_365  : i32 {
        %parallel_loop3A_409 = arith.constant 16 : i32
        %parallel_loop3A_410 = arith.muli %parallel_loop3A_408, %parallel_loop3A_409 : i32
        %parallel_loop3A_411 = tpu.assume_multiple %parallel_loop3A_410, 8 : i32
        %parallel_loop3A_412 = arith.constant 0 : i32
        %parallel_loop3A_413 = arith.index_cast %parallel_loop3A_412 : i32 to index
        %parallel_loop3A_414 = arith.index_cast %parallel_loop3A_411 : i32 to index
        %parallel_loop3A_415 = tpu.vector_load %arg23[%parallel_loop3A_413, %parallel_loop3A_414] {strides = array<i32>} : memref<16x1024xf32, #tpu.memory_space<vmem>>, vector<1x16xf32>,
        %parallel_loop3A_416 = vector.shape_cast %parallel_loop3A_415 : vector<1x16xf32> to vector<16xf32>
        %parallel_loop3A_417 = arith.constant 8 : i32
        %parallel_loop3A_418 = arith.index_cast %parallel_loop3A_417 : i32 to index
        %parallel_loop3A_419 = arith.index_cast %parallel_loop3A_411 : i32 to index
        %parallel_loop3A_420 = tpu.vector_load %arg23[%parallel_loop3A_418, %parallel_loop3A_419] {strides = array<i32>} : memref<16x1024xf32, #tpu.memory_space<vmem>>, vector<1x16xf32>,
        %parallel_loop3A_421 = vector.shape_cast %parallel_loop3A_420 : vector<1x16xf32> to vector<16xf32>
        %parallel_loop3A_422 = vector.broadcast %scan3A_46 : f32 to vector<16xf32>
        %parallel_loop3A_423 = arith.mulf %parallel_loop3A_416, %parallel_loop3A_422 : vector<16xf32>
        %parallel_loop3A_424 = vector.broadcast %scan3A_47 : f32 to vector<16xf32>
        %parallel_loop3A_425 = arith.mulf %parallel_loop3A_421, %parallel_loop3A_424 : vector<16xf32>
        %parallel_loop3A_426 = arith.addf %parallel_loop3A_423, %parallel_loop3A_425 : vector<16xf32>
        %parallel_loop3A_427 = arith.constant 0 : i32
        %parallel_loop3A_428 = arith.index_cast %parallel_loop3A_427 : i32 to index
        %parallel_loop3A_429 = arith.index_cast %parallel_loop3A_411 : i32 to index
        %parallel_loop3A_430 = tpu.vector_load %arg26[%parallel_loop3A_428, %parallel_loop3A_429] {strides = array<i32>} : memref<8x1024xf32, #tpu.memory_space<vmem>>, vector<1x16xf32>,
        %parallel_loop3A_431 = vector.shape_cast %parallel_loop3A_430 : vector<1x16xf32> to vector<16xf32>
        %parallel_loop3A_432 = vector.shape_cast %parallel_loop3A_426 : vector<16xf32> to vector<1x16xf32>
        tpu.vector_store %arg26[%parallel_loop3A_428, %parallel_loop3A_429], %parallel_loop3A_432 {strides = array<i32>} : memref<8x1024xf32, #tpu.memory_space<vmem>>, vector<1x16xf32>,
        %parallel_loop3A_433 = arith.constant 1 : i32
        %parallel_loop3A_434 = arith.index_cast %parallel_loop3A_433 : i32 to index
        %parallel_loop3A_435 = arith.index_cast %parallel_loop3A_411 : i32 to index
        %parallel_loop3A_436 = tpu.vector_load %arg23[%parallel_loop3A_434, %parallel_loop3A_435] {strides = array<i32>} : memref<16x1024xf32, #tpu.memory_space<vmem>>, vector<1x16xf32>,
        %parallel_loop3A_437 = vector.shape_cast %parallel_loop3A_436 : vector<1x16xf32> to vector<16xf32>
        %parallel_loop3A_438 = arith.constant 9 : i32
        %parallel_loop3A_439 = arith.index_cast %parallel_loop3A_438 : i32 to index
        %parallel_loop3A_440 = arith.index_cast %parallel_loop3A_411 : i32 to index
        %parallel_loop3A_441 = tpu.vector_load %arg23[%parallel_loop3A_439, %parallel_loop3A_440] {strides = array<i32>} : memref<16x1024xf32, #tpu.memory_space<vmem>>, vector<1x16xf32>,
        %parallel_loop3A_442 = vector.shape_cast %parallel_loop3A_441 : vector<1x16xf32> to vector<16xf32>
        %parallel_loop3A_443 = vector.broadcast %scan3A_46 : f32 to vector<16xf32>
        %parallel_loop3A_444 = arith.mulf %parallel_loop3A_437, %parallel_loop3A_443 : vector<16xf32>
        %parallel_loop3A_445 = vector.broadcast %scan3A_47 : f32 to vector<16xf32>
        %parallel_loop3A_446 = arith.mulf %parallel_loop3A_442, %parallel_loop3A_445 : vector<16xf32>
        %parallel_loop3A_447 = arith.addf %parallel_loop3A_444, %parallel_loop3A_446 : vector<16xf32>
        %parallel_loop3A_448 = arith.constant 1 : i32
        %parallel_loop3A_449 = arith.index_cast %parallel_loop3A_448 : i32 to index
        %parallel_loop3A_450 = arith.index_cast %parallel_loop3A_411 : i32 to index
        %parallel_loop3A_451 = tpu.vector_load %arg26[%parallel_loop3A_449, %parallel_loop3A_450] {strides = array<i32>} : memref<8x1024xf32, #tpu.memory_space<vmem>>, vector<1x16xf32>,
        %parallel_loop3A_452 = vector.shape_cast %parallel_loop3A_451 : vector<1x16xf32> to vector<16xf32>
        %parallel_loop3A_453 = vector.shape_cast %parallel_loop3A_447 : vector<16xf32> to vector<1x16xf32>
        tpu.vector_store %arg26[%parallel_loop3A_449, %parallel_loop3A_450], %parallel_loop3A_453 {strides = array<i32>} : memref<8x1024xf32, #tpu.memory_space<vmem>>, vector<1x16xf32>,
        %parallel_loop3A_454 = arith.constant 2 : i32
        %parallel_loop3A_455 = arith.index_cast %parallel_loop3A_454 : i32 to index
        %parallel_loop3A_456 = arith.index_cast %parallel_loop3A_411 : i32 to index
        %parallel_loop3A_457 = tpu.vector_load %arg23[%parallel_loop3A_455, %parallel_loop3A_456] {strides = array<i32>} : memref<16x1024xf32, #tpu.memory_space<vmem>>, vector<1x16xf32>,
        %parallel_loop3A_458 = vector.shape_cast %parallel_loop3A_457 : vector<1x16xf32> to vector<16xf32>
        %parallel_loop3A_459 = arith.constant 10 : i32
        %parallel_loop3A_460 = arith.index_cast %parallel_loop3A_459 : i32 to index
        %parallel_loop3A_461 = arith.index_cast %parallel_loop3A_411 : i32 to index
        %parallel_loop3A_462 = tpu.vector_load %arg23[%parallel_loop3A_460, %parallel_loop3A_461] {strides = array<i32>} : memref<16x1024xf32, #tpu.memory_space<vmem>>, vector<1x16xf32>,
        %parallel_loop3A_463 = vector.shape_cast %parallel_loop3A_462 : vector<1x16xf32> to vector<16xf32>
        %parallel_loop3A_464 = vector.broadcast %scan3A_46 : f32 to vector<16xf32>
        %parallel_loop3A_465 = arith.mulf %parallel_loop3A_458, %parallel_loop3A_464 : vector<16xf32>
        %parallel_loop3A_466 = vector.broadcast %scan3A_47 : f32 to vector<16xf32>
        %parallel_loop3A_467 = arith.mulf %parallel_loop3A_463, %parallel_loop3A_466 : vector<16xf32>
        %parallel_loop3A_468 = arith.addf %parallel_loop3A_465, %parallel_loop3A_467 : vector<16xf32>
        %parallel_loop3A_469 = arith.constant 2 : i32
        %parallel_loop3A_470 = arith.index_cast %parallel_loop3A_469 : i32 to index
        %parallel_loop3A_471 = arith.index_cast %parallel_loop3A_411 : i32 to index
        %parallel_loop3A_472 = tpu.vector_load %arg26[%parallel_loop3A_470, %parallel_loop3A_471] {strides = array<i32>} : memref<8x1024xf32, #tpu.memory_space<vmem>>, vector<1x16xf32>,
        %parallel_loop3A_473 = vector.shape_cast %parallel_loop3A_472 : vector<1x16xf32> to vector<16xf32>
        %parallel_loop3A_474 = vector.shape_cast %parallel_loop3A_468 : vector<16xf32> to vector<1x16xf32>
        tpu.vector_store %arg26[%parallel_loop3A_470, %parallel_loop3A_471], %parallel_loop3A_474 {strides = array<i32>} : memref<8x1024xf32, #tpu.memory_space<vmem>>, vector<1x16xf32>,
        %parallel_loop3A_475 = arith.constant 3 : i32
        %parallel_loop3A_476 = arith.index_cast %parallel_loop3A_475 : i32 to index
        %parallel_loop3A_477 = arith.index_cast %parallel_loop3A_411 : i32 to index
        %parallel_loop3A_478 = tpu.vector_load %arg23[%parallel_loop3A_476, %parallel_loop3A_477] {strides = array<i32>} : memref<16x1024xf32, #tpu.memory_space<vmem>>, vector<1x16xf32>,
        %parallel_loop3A_479 = vector.shape_cast %parallel_loop3A_478 : vector<1x16xf32> to vector<16xf32>
        %parallel_loop3A_480 = arith.constant 11 : i32
        %parallel_loop3A_481 = arith.index_cast %parallel_loop3A_480 : i32 to index
        %parallel_loop3A_482 = arith.index_cast %parallel_loop3A_411 : i32 to index
        %parallel_loop3A_483 = tpu.vector_load %arg23[%parallel_loop3A_481, %parallel_loop3A_482] {strides = array<i32>} : memref<16x1024xf32, #tpu.memory_space<vmem>>, vector<1x16xf32>,
        %parallel_loop3A_484 = vector.shape_cast %parallel_loop3A_483 : vector<1x16xf32> to vector<16xf32>
        %parallel_loop3A_485 = vector.broadcast %scan3A_46 : f32 to vector<16xf32>
        %parallel_loop3A_486 = arith.mulf %parallel_loop3A_479, %parallel_loop3A_485 : vector<16xf32>
        %parallel_loop3A_487 = vector.broadcast %scan3A_47 : f32 to vector<16xf32>
        %parallel_loop3A_488 = arith.mulf %parallel_loop3A_484, %parallel_loop3A_487 : vector<16xf32>
        %parallel_loop3A_489 = arith.addf %parallel_loop3A_486, %parallel_loop3A_488 : vector<16xf32>
        %parallel_loop3A_490 = arith.constant 3 : i32
        %parallel_loop3A_491 = arith.index_cast %parallel_loop3A_490 : i32 to index
        %parallel_loop3A_492 = arith.index_cast %parallel_loop3A_411 : i32 to index
        %parallel_loop3A_493 = tpu.vector_load %arg26[%parallel_loop3A_491, %parallel_loop3A_492] {strides = array<i32>} : memref<8x1024xf32, #tpu.memory_space<vmem>>, vector<1x16xf32>,
        %parallel_loop3A_494 = vector.shape_cast %parallel_loop3A_493 : vector<1x16xf32> to vector<16xf32>
        %parallel_loop3A_495 = vector.shape_cast %parallel_loop3A_489 : vector<16xf32> to vector<1x16xf32>
        tpu.vector_store %arg26[%parallel_loop3A_491, %parallel_loop3A_492], %parallel_loop3A_495 {strides = array<i32>} : memref<8x1024xf32, #tpu.memory_space<vmem>>, vector<1x16xf32>,
        %parallel_loop3A_496 = arith.constant 4 : i32
        %parallel_loop3A_497 = arith.index_cast %parallel_loop3A_496 : i32 to index
        %parallel_loop3A_498 = arith.index_cast %parallel_loop3A_411 : i32 to index
        %parallel_loop3A_499 = tpu.vector_load %arg23[%parallel_loop3A_497, %parallel_loop3A_498] {strides = array<i32>} : memref<16x1024xf32, #tpu.memory_space<vmem>>, vector<1x16xf32>,
        %parallel_loop3A_500 = vector.shape_cast %parallel_loop3A_499 : vector<1x16xf32> to vector<16xf32>
        %parallel_loop3A_501 = arith.constant 12 : i32
        %parallel_loop3A_502 = arith.index_cast %parallel_loop3A_501 : i32 to index
        %parallel_loop3A_503 = arith.index_cast %parallel_loop3A_411 : i32 to index
        %parallel_loop3A_504 = tpu.vector_load %arg23[%parallel_loop3A_502, %parallel_loop3A_503] {strides = array<i32>} : memref<16x1024xf32, #tpu.memory_space<vmem>>, vector<1x16xf32>,
        %parallel_loop3A_505 = vector.shape_cast %parallel_loop3A_504 : vector<1x16xf32> to vector<16xf32>
        %parallel_loop3A_506 = vector.broadcast %scan3A_46 : f32 to vector<16xf32>
        %parallel_loop3A_507 = arith.mulf %parallel_loop3A_500, %parallel_loop3A_506 : vector<16xf32>
        %parallel_loop3A_508 = vector.broadcast %scan3A_47 : f32 to vector<16xf32>
        %parallel_loop3A_509 = arith.mulf %parallel_loop3A_505, %parallel_loop3A_508 : vector<16xf32>
        %parallel_loop3A_510 = arith.addf %parallel_loop3A_507, %parallel_loop3A_509 : vector<16xf32>
        %parallel_loop3A_511 = arith.constant 4 : i32
        %parallel_loop3A_512 = arith.index_cast %parallel_loop3A_511 : i32 to index
        %parallel_loop3A_513 = arith.index_cast %parallel_loop3A_411 : i32 to index
        %parallel_loop3A_514 = tpu.vector_load %arg26[%parallel_loop3A_512, %parallel_loop3A_513] {strides = array<i32>} : memref<8x1024xf32, #tpu.memory_space<vmem>>, vector<1x16xf32>,
        %parallel_loop3A_515 = vector.shape_cast %parallel_loop3A_514 : vector<1x16xf32> to vector<16xf32>
        %parallel_loop3A_516 = vector.shape_cast %parallel_loop3A_510 : vector<16xf32> to vector<1x16xf32>
        tpu.vector_store %arg26[%parallel_loop3A_512, %parallel_loop3A_513], %parallel_loop3A_516 {strides = array<i32>} : memref<8x1024xf32, #tpu.memory_space<vmem>>, vector<1x16xf32>,
        %parallel_loop3A_517 = arith.constant 5 : i32
        %parallel_loop3A_518 = arith.index_cast %parallel_loop3A_517 : i32 to index
        %parallel_loop3A_519 = arith.index_cast %parallel_loop3A_411 : i32 to index
        %parallel_loop3A_520 = tpu.vector_load %arg23[%parallel_loop3A_518, %parallel_loop3A_519] {strides = array<i32>} : memref<16x1024xf32, #tpu.memory_space<vmem>>, vector<1x16xf32>,
        %parallel_loop3A_521 = vector.shape_cast %parallel_loop3A_520 : vector<1x16xf32> to vector<16xf32>
        %parallel_loop3A_522 = arith.constant 13 : i32
        %parallel_loop3A_523 = arith.index_cast %parallel_loop3A_522 : i32 to index
        %parallel_loop3A_524 = arith.index_cast %parallel_loop3A_411 : i32 to index
        %parallel_loop3A_525 = tpu.vector_load %arg23[%parallel_loop3A_523, %parallel_loop3A_524] {strides = array<i32>} : memref<16x1024xf32, #tpu.memory_space<vmem>>, vector<1x16xf32>,
        %parallel_loop3A_526 = vector.shape_cast %parallel_loop3A_525 : vector<1x16xf32> to vector<16xf32>
        %parallel_loop3A_527 = vector.broadcast %scan3A_46 : f32 to vector<16xf32>
        %parallel_loop3A_528 = arith.mulf %parallel_loop3A_521, %parallel_loop3A_527 : vector<16xf32>
        %parallel_loop3A_529 = vector.broadcast %scan3A_47 : f32 to vector<16xf32>
        %parallel_loop3A_530 = arith.mulf %parallel_loop3A_526, %parallel_loop3A_529 : vector<16xf32>
        %parallel_loop3A_531 = arith.addf %parallel_loop3A_528, %parallel_loop3A_530 : vector<16xf32>
        %parallel_loop3A_532 = arith.constant 5 : i32
        %parallel_loop3A_533 = arith.index_cast %parallel_loop3A_532 : i32 to index
        %parallel_loop3A_534 = arith.index_cast %parallel_loop3A_411 : i32 to index
        %parallel_loop3A_535 = tpu.vector_load %arg26[%parallel_loop3A_533, %parallel_loop3A_534] {strides = array<i32>} : memref<8x1024xf32, #tpu.memory_space<vmem>>, vector<1x16xf32>,
        %parallel_loop3A_536 = vector.shape_cast %parallel_loop3A_535 : vector<1x16xf32> to vector<16xf32>
        %parallel_loop3A_537 = vector.shape_cast %parallel_loop3A_531 : vector<16xf32> to vector<1x16xf32>
        tpu.vector_store %arg26[%parallel_loop3A_533, %parallel_loop3A_534], %parallel_loop3A_537 {strides = array<i32>} : memref<8x1024xf32, #tpu.memory_space<vmem>>, vector<1x16xf32>,
        %parallel_loop3A_538 = arith.constant 6 : i32
        %parallel_loop3A_539 = arith.index_cast %parallel_loop3A_538 : i32 to index
        %parallel_loop3A_540 = arith.index_cast %parallel_loop3A_411 : i32 to index
        %parallel_loop3A_541 = tpu.vector_load %arg23[%parallel_loop3A_539, %parallel_loop3A_540] {strides = array<i32>} : memref<16x1024xf32, #tpu.memory_space<vmem>>, vector<1x16xf32>,
        %parallel_loop3A_542 = vector.shape_cast %parallel_loop3A_541 : vector<1x16xf32> to vector<16xf32>
        %parallel_loop3A_543 = arith.constant 14 : i32
        %parallel_loop3A_544 = arith.index_cast %parallel_loop3A_543 : i32 to index
        %parallel_loop3A_545 = arith.index_cast %parallel_loop3A_411 : i32 to index
        %parallel_loop3A_546 = tpu.vector_load %arg23[%parallel_loop3A_544, %parallel_loop3A_545] {strides = array<i32>} : memref<16x1024xf32, #tpu.memory_space<vmem>>, vector<1x16xf32>,
        %parallel_loop3A_547 = vector.shape_cast %parallel_loop3A_546 : vector<1x16xf32> to vector<16xf32>
        %parallel_loop3A_548 = vector.broadcast %scan3A_46 : f32 to vector<16xf32>
        %parallel_loop3A_549 = arith.mulf %parallel_loop3A_542, %parallel_loop3A_548 : vector<16xf32>
        %parallel_loop3A_550 = vector.broadcast %scan3A_47 : f32 to vector<16xf32>
        %parallel_loop3A_551 = arith.mulf %parallel_loop3A_547, %parallel_loop3A_550 : vector<16xf32>
        %parallel_loop3A_552 = arith.addf %parallel_loop3A_549, %parallel_loop3A_551 : vector<16xf32>
        %parallel_loop3A_553 = arith.constant 6 : i32
        %parallel_loop3A_554 = arith.index_cast %parallel_loop3A_553 : i32 to index
        %parallel_loop3A_555 = arith.index_cast %parallel_loop3A_411 : i32 to index
        %parallel_loop3A_556 = tpu.vector_load %arg26[%parallel_loop3A_554, %parallel_loop3A_555] {strides = array<i32>} : memref<8x1024xf32, #tpu.memory_space<vmem>>, vector<1x16xf32>,
        %parallel_loop3A_557 = vector.shape_cast %parallel_loop3A_556 : vector<1x16xf32> to vector<16xf32>
        %parallel_loop3A_558 = vector.shape_cast %parallel_loop3A_552 : vector<16xf32> to vector<1x16xf32>
        tpu.vector_store %arg26[%parallel_loop3A_554, %parallel_loop3A_555], %parallel_loop3A_558 {strides = array<i32>} : memref<8x1024xf32, #tpu.memory_space<vmem>>, vector<1x16xf32>,
        %parallel_loop3A_559 = arith.constant 7 : i32
        %parallel_loop3A_560 = arith.index_cast %parallel_loop3A_559 : i32 to index
        %parallel_loop3A_561 = arith.index_cast %parallel_loop3A_411 : i32 to index
        %parallel_loop3A_562 = tpu.vector_load %arg23[%parallel_loop3A_560, %parallel_loop3A_561] {strides = array<i32>} : memref<16x1024xf32, #tpu.memory_space<vmem>>, vector<1x16xf32>,
        %parallel_loop3A_563 = vector.shape_cast %parallel_loop3A_562 : vector<1x16xf32> to vector<16xf32>
        %parallel_loop3A_564 = arith.constant 15 : i32
        %parallel_loop3A_565 = arith.index_cast %parallel_loop3A_564 : i32 to index
        %parallel_loop3A_566 = arith.index_cast %parallel_loop3A_411 : i32 to index
        %parallel_loop3A_567 = tpu.vector_load %arg23[%parallel_loop3A_565, %parallel_loop3A_566] {strides = array<i32>} : memref<16x1024xf32, #tpu.memory_space<vmem>>, vector<1x16xf32>,
        %parallel_loop3A_568 = vector.shape_cast %parallel_loop3A_567 : vector<1x16xf32> to vector<16xf32>
        %parallel_loop3A_569 = vector.broadcast %scan3A_46 : f32 to vector<16xf32>
        %parallel_loop3A_570 = arith.mulf %parallel_loop3A_563, %parallel_loop3A_569 : vector<16xf32>
        %parallel_loop3A_571 = vector.broadcast %scan3A_47 : f32 to vector<16xf32>
        %parallel_loop3A_572 = arith.mulf %parallel_loop3A_568, %parallel_loop3A_571 : vector<16xf32>
        %parallel_loop3A_573 = arith.addf %parallel_loop3A_570, %parallel_loop3A_572 : vector<16xf32>
        %parallel_loop3A_574 = arith.constant 7 : i32
        %parallel_loop3A_575 = arith.index_cast %parallel_loop3A_574 : i32 to index
        %parallel_loop3A_576 = arith.index_cast %parallel_loop3A_411 : i32 to index
        %parallel_loop3A_577 = tpu.vector_load %arg26[%parallel_loop3A_575, %parallel_loop3A_576] {strides = array<i32>} : memref<8x1024xf32, #tpu.memory_space<vmem>>, vector<1x16xf32>,
        %parallel_loop3A_578 = vector.shape_cast %parallel_loop3A_577 : vector<1x16xf32> to vector<16xf32>
        %parallel_loop3A_579 = vector.shape_cast %parallel_loop3A_573 : vector<16xf32> to vector<1x16xf32>
        tpu.vector_store %arg26[%parallel_loop3A_575, %parallel_loop3A_576], %parallel_loop3A_579 {strides = array<i32>} : memref<8x1024xf32, #tpu.memory_space<vmem>>, vector<1x16xf32>,
      } {sc.loop_unroll_factor = 4 : i64, sc.parallel_access}
      %not3A_366 = arith.constant true
      %not3A_367 = arith.xori %eq3A_332, %not3A_366 : i1
      %convert_element_type3A_368 = arith.extui %not3A_367 : i1 to i32
      %cond3A_369 = arith.constant 0 : i32
      %cond3A_370 = arith.cmpi ne, %convert_element_type3A_368, %cond3A_369 : i32
      scf.if %cond3A_370 {
        %dma_start3A_408 = arith.constant 0 : i32
        %dma_start3A_409 = tpu.memref_slice %arg10[%multiple_of3A_330, %dma_start3A_408] : memref<5461x1024xf32, #tpu.memory_space<hbm>> -> memref<8x1024xf32, #tpu.memory_space<hbm>>
        %dma_start3A_410 = arith.constant 0 : i32
        %dma_start3A_411 = tpu.memref_slice %arg10[%multiple_of3A_330, %dma_start3A_410] : memref<5461x1024xf32, #tpu.memory_space<hbm>> -> memref<8x1024xf32, #tpu.memory_space<hbm>>
        tpu.enqueue_dma source(%arg26 : memref<8x1024xf32, #tpu.memory_space<vmem>>) target(%dma_start3A_411 : memref<8x1024xf32, #tpu.memory_space<hbm>>) target_semaphore(%arg41 : memref<!tpu.dma_semaphore, #tpu.memory_space<semaphore_mem>>)
      } else {
      }
      %convert_element_type3A_371 = arith.extui %eq3A_332 : i1 to i32
      %cond3A_372 = arith.constant 0 : i32
      %cond3A_373 = arith.cmpi ne, %convert_element_type3A_371, %cond3A_372 : i32
      scf.if %cond3A_373 {
        "tpu.region"() ({
          %run_scoped3A = tpu.sem_alloc : memref<!tpu.dma_semaphore, #tpu.memory_space<semaphore_mem>>
          %dma_start3A_408 = arith.constant 0 : i32
          %dma_start3A_409 = arith.constant 0 : i32
          %dma_start3A_410 = tpu.memref_slice %arg26[%dma_start3A_408, %dma_start3A_409] : memref<8x1024xf32, #tpu.memory_space<vmem>> -> memref<5x1024xf32, #tpu.memory_space<vmem>>
          %dma_start3A_411 = arith.constant 5456 : i32
          %dma_start3A_412 = arith.constant 0 : i32
          %dma_start3A_413 = tpu.memref_slice %arg10[%dma_start3A_411, %dma_start3A_412] : memref<5461x1024xf32, #tpu.memory_space<hbm>> -> memref<5x1024xf32, #tpu.memory_space<hbm>>
          %dma_start3A_414 = arith.constant 5456 : i32
          %dma_start3A_415 = arith.constant 0 : i32
          %dma_start3A_416 = tpu.memref_slice %arg10[%dma_start3A_414, %dma_start3A_415] : memref<5461x1024xf32, #tpu.memory_space<hbm>> -> memref<5x1024xf32, #tpu.memory_space<hbm>>
          %dma_start3A_417 = arith.constant 0 : i32
          %dma_start3A_418 = arith.constant 0 : i32
          %dma_start3A_419 = tpu.memref_slice %arg26[%dma_start3A_417, %dma_start3A_418] : memref<8x1024xf32, #tpu.memory_space<vmem>> -> memref<5x1024xf32, #tpu.memory_space<vmem>>
          tpu.enqueue_dma source(%dma_start3A_419 : memref<5x1024xf32, #tpu.memory_space<vmem>>) target(%dma_start3A_416 : memref<5x1024xf32, #tpu.memory_space<hbm>>) target_semaphore(%run_scoped3A : memref<!tpu.dma_semaphore, #tpu.memory_space<semaphore_mem>>)
          %dma_wait3A_420 = arith.constant 0 : i32
          %dma_wait3A_421 = arith.constant 0 : i32
          %dma_wait3A_422 = tpu.memref_slice %arg26[%dma_wait3A_420, %dma_wait3A_421] : memref<8x1024xf32, #tpu.memory_space<vmem>> -> memref<5x1024xf32, #tpu.memory_space<vmem>>
          %dma_wait3A_423 = arith.constant 5456 : i32
          %dma_wait3A_424 = arith.constant 0 : i32
          %dma_wait3A_425 = tpu.memref_slice %arg10[%dma_wait3A_423, %dma_wait3A_424] : memref<5461x1024xf32, #tpu.memory_space<hbm>> -> memref<5x1024xf32, #tpu.memory_space<hbm>>
          %dma_wait3A_426 = arith.constant 5456 : i32
          %dma_wait3A_427 = arith.constant 0 : i32
          %dma_wait3A_428 = tpu.memref_slice %arg10[%dma_wait3A_426, %dma_wait3A_427] : memref<5461x1024xf32, #tpu.memory_space<hbm>> -> memref<5x1024xf32, #tpu.memory_space<hbm>>
          %dma_wait3A_429 = arith.constant 0 : i32
          %dma_wait3A_430 = arith.constant 0 : i32
          %dma_wait3A_431 = tpu.memref_slice %arg26[%dma_wait3A_429, %dma_wait3A_430] : memref<8x1024xf32, #tpu.memory_space<vmem>> -> memref<5x1024xf32, #tpu.memory_space<vmem>>
          tpu.wait_dma2 semaphore(%run_scoped3A : memref<!tpu.dma_semaphore, #tpu.memory_space<semaphore_mem>>) src(%dma_wait3A_431 : memref<5x1024xf32, #tpu.memory_space<vmem>>) dst(%dma_wait3A_428 : memref<5x1024xf32, #tpu.memory_space<hbm>>)
          tpu.yield
        }) : () -> ()
        tpu.enqueue_dma source(%arg26 : memref<8x1024xf32, #tpu.memory_space<vmem>>) target(%arg13 : memref<8x1024xf32, #tpu.memory_space<hbm>>) target_semaphore(%arg41 : memref<!tpu.dma_semaphore, #tpu.memory_space<semaphore_mem>>)
      } else {
      }
      %dma_wait3A_374 = arith.constant 0 : i32
      %dma_wait3A_375 = arith.constant 0 : i32
      %dma_wait3A_376 = tpu.memref_slice %arg11[%dma_wait3A_374, %dma_wait3A_375] : memref<5461x1024xf32, #tpu.memory_space<hbm>> -> memref<8x1024xf32, #tpu.memory_space<hbm>>
      %dma_wait3A_377 = arith.constant 0 : i32
      %dma_wait3A_378 = arith.constant 0 : i32
      %dma_wait3A_379 = tpu.memref_slice %arg11[%dma_wait3A_377, %dma_wait3A_378] : memref<5461x1024xf32, #tpu.memory_space<hbm>> -> memref<8x1024xf32, #tpu.memory_space<hbm>>
      tpu.wait_dma2 semaphore(%arg42 : memref<!tpu.dma_semaphore, #tpu.memory_space<semaphore_mem>>) src(%arg27 : memref<8x1024xf32, #tpu.memory_space<vmem>>) dst(%dma_wait3A_379 : memref<8x1024xf32, #tpu.memory_space<hbm>>)
      %parallel_loop3A_380 = arith.constant 0 : i32
      %parallel_loop3A_381 = arith.constant 64 : i32
      %parallel_loop3A_382 = arith.constant 1 : i32
      scf.for %parallel_loop3A_408 = %parallel_loop3A_380 to %parallel_loop3A_381 step %parallel_loop3A_382  : i32 {
        %parallel_loop3A_409 = arith.constant 16 : i32
        %parallel_loop3A_410 = arith.muli %parallel_loop3A_408, %parallel_loop3A_409 : i32
        %parallel_loop3A_411 = tpu.assume_multiple %parallel_loop3A_410, 8 : i32
        %parallel_loop3A_412 = arith.constant 0 : i32
        %parallel_loop3A_413 = arith.index_cast %parallel_loop3A_412 : i32 to index
        %parallel_loop3A_414 = arith.index_cast %parallel_loop3A_411 : i32 to index
        %parallel_loop3A_415 = tpu.vector_load %arg24[%parallel_loop3A_413, %parallel_loop3A_414] {strides = array<i32>} : memref<16x1024xf32, #tpu.memory_space<vmem>>, vector<1x16xf32>,
        %parallel_loop3A_416 = vector.shape_cast %parallel_loop3A_415 : vector<1x16xf32> to vector<16xf32>
        %parallel_loop3A_417 = arith.constant 8 : i32
        %parallel_loop3A_418 = arith.index_cast %parallel_loop3A_417 : i32 to index
        %parallel_loop3A_419 = arith.index_cast %parallel_loop3A_411 : i32 to index
        %parallel_loop3A_420 = tpu.vector_load %arg24[%parallel_loop3A_418, %parallel_loop3A_419] {strides = array<i32>} : memref<16x1024xf32, #tpu.memory_space<vmem>>, vector<1x16xf32>,
        %parallel_loop3A_421 = vector.shape_cast %parallel_loop3A_420 : vector<1x16xf32> to vector<16xf32>
        %parallel_loop3A_422 = vector.broadcast %scan3A_46 : f32 to vector<16xf32>
        %parallel_loop3A_423 = arith.mulf %parallel_loop3A_416, %parallel_loop3A_422 : vector<16xf32>
        %parallel_loop3A_424 = vector.broadcast %scan3A_47 : f32 to vector<16xf32>
        %parallel_loop3A_425 = arith.mulf %parallel_loop3A_421, %parallel_loop3A_424 : vector<16xf32>
        %parallel_loop3A_426 = arith.addf %parallel_loop3A_423, %parallel_loop3A_425 : vector<16xf32>
        %parallel_loop3A_427 = arith.constant 0 : i32
        %parallel_loop3A_428 = arith.index_cast %parallel_loop3A_427 : i32 to index
        %parallel_loop3A_429 = arith.index_cast %parallel_loop3A_411 : i32 to index
        %parallel_loop3A_430 = tpu.vector_load %arg27[%parallel_loop3A_428, %parallel_loop3A_429] {strides = array<i32>} : memref<8x1024xf32, #tpu.memory_space<vmem>>, vector<1x16xf32>,
        %parallel_loop3A_431 = vector.shape_cast %parallel_loop3A_430 : vector<1x16xf32> to vector<16xf32>
        %parallel_loop3A_432 = vector.shape_cast %parallel_loop3A_426 : vector<16xf32> to vector<1x16xf32>
        tpu.vector_store %arg27[%parallel_loop3A_428, %parallel_loop3A_429], %parallel_loop3A_432 {strides = array<i32>} : memref<8x1024xf32, #tpu.memory_space<vmem>>, vector<1x16xf32>,
        %parallel_loop3A_433 = arith.constant 1 : i32
        %parallel_loop3A_434 = arith.index_cast %parallel_loop3A_433 : i32 to index
        %parallel_loop3A_435 = arith.index_cast %parallel_loop3A_411 : i32 to index
        %parallel_loop3A_436 = tpu.vector_load %arg24[%parallel_loop3A_434, %parallel_loop3A_435] {strides = array<i32>} : memref<16x1024xf32, #tpu.memory_space<vmem>>, vector<1x16xf32>,
        %parallel_loop3A_437 = vector.shape_cast %parallel_loop3A_436 : vector<1x16xf32> to vector<16xf32>
        %parallel_loop3A_438 = arith.constant 9 : i32
        %parallel_loop3A_439 = arith.index_cast %parallel_loop3A_438 : i32 to index
        %parallel_loop3A_440 = arith.index_cast %parallel_loop3A_411 : i32 to index
        %parallel_loop3A_441 = tpu.vector_load %arg24[%parallel_loop3A_439, %parallel_loop3A_440] {strides = array<i32>} : memref<16x1024xf32, #tpu.memory_space<vmem>>, vector<1x16xf32>,
        %parallel_loop3A_442 = vector.shape_cast %parallel_loop3A_441 : vector<1x16xf32> to vector<16xf32>
        %parallel_loop3A_443 = vector.broadcast %scan3A_46 : f32 to vector<16xf32>
        %parallel_loop3A_444 = arith.mulf %parallel_loop3A_437, %parallel_loop3A_443 : vector<16xf32>
        %parallel_loop3A_445 = vector.broadcast %scan3A_47 : f32 to vector<16xf32>
        %parallel_loop3A_446 = arith.mulf %parallel_loop3A_442, %parallel_loop3A_445 : vector<16xf32>
        %parallel_loop3A_447 = arith.addf %parallel_loop3A_444, %parallel_loop3A_446 : vector<16xf32>
        %parallel_loop3A_448 = arith.constant 1 : i32
        %parallel_loop3A_449 = arith.index_cast %parallel_loop3A_448 : i32 to index
        %parallel_loop3A_450 = arith.index_cast %parallel_loop3A_411 : i32 to index
        %parallel_loop3A_451 = tpu.vector_load %arg27[%parallel_loop3A_449, %parallel_loop3A_450] {strides = array<i32>} : memref<8x1024xf32, #tpu.memory_space<vmem>>, vector<1x16xf32>,
        %parallel_loop3A_452 = vector.shape_cast %parallel_loop3A_451 : vector<1x16xf32> to vector<16xf32>
        %parallel_loop3A_453 = vector.shape_cast %parallel_loop3A_447 : vector<16xf32> to vector<1x16xf32>
        tpu.vector_store %arg27[%parallel_loop3A_449, %parallel_loop3A_450], %parallel_loop3A_453 {strides = array<i32>} : memref<8x1024xf32, #tpu.memory_space<vmem>>, vector<1x16xf32>,
        %parallel_loop3A_454 = arith.constant 2 : i32
        %parallel_loop3A_455 = arith.index_cast %parallel_loop3A_454 : i32 to index
        %parallel_loop3A_456 = arith.index_cast %parallel_loop3A_411 : i32 to index
        %parallel_loop3A_457 = tpu.vector_load %arg24[%parallel_loop3A_455, %parallel_loop3A_456] {strides = array<i32>} : memref<16x1024xf32, #tpu.memory_space<vmem>>, vector<1x16xf32>,
        %parallel_loop3A_458 = vector.shape_cast %parallel_loop3A_457 : vector<1x16xf32> to vector<16xf32>
        %parallel_loop3A_459 = arith.constant 10 : i32
        %parallel_loop3A_460 = arith.index_cast %parallel_loop3A_459 : i32 to index
        %parallel_loop3A_461 = arith.index_cast %parallel_loop3A_411 : i32 to index
        %parallel_loop3A_462 = tpu.vector_load %arg24[%parallel_loop3A_460, %parallel_loop3A_461] {strides = array<i32>} : memref<16x1024xf32, #tpu.memory_space<vmem>>, vector<1x16xf32>,
        %parallel_loop3A_463 = vector.shape_cast %parallel_loop3A_462 : vector<1x16xf32> to vector<16xf32>
        %parallel_loop3A_464 = vector.broadcast %scan3A_46 : f32 to vector<16xf32>
        %parallel_loop3A_465 = arith.mulf %parallel_loop3A_458, %parallel_loop3A_464 : vector<16xf32>
        %parallel_loop3A_466 = vector.broadcast %scan3A_47 : f32 to vector<16xf32>
        %parallel_loop3A_467 = arith.mulf %parallel_loop3A_463, %parallel_loop3A_466 : vector<16xf32>
        %parallel_loop3A_468 = arith.addf %parallel_loop3A_465, %parallel_loop3A_467 : vector<16xf32>
        %parallel_loop3A_469 = arith.constant 2 : i32
        %parallel_loop3A_470 = arith.index_cast %parallel_loop3A_469 : i32 to index
        %parallel_loop3A_471 = arith.index_cast %parallel_loop3A_411 : i32 to index
        %parallel_loop3A_472 = tpu.vector_load %arg27[%parallel_loop3A_470, %parallel_loop3A_471] {strides = array<i32>} : memref<8x1024xf32, #tpu.memory_space<vmem>>, vector<1x16xf32>,
        %parallel_loop3A_473 = vector.shape_cast %parallel_loop3A_472 : vector<1x16xf32> to vector<16xf32>
        %parallel_loop3A_474 = vector.shape_cast %parallel_loop3A_468 : vector<16xf32> to vector<1x16xf32>
        tpu.vector_store %arg27[%parallel_loop3A_470, %parallel_loop3A_471], %parallel_loop3A_474 {strides = array<i32>} : memref<8x1024xf32, #tpu.memory_space<vmem>>, vector<1x16xf32>,
        %parallel_loop3A_475 = arith.constant 3 : i32
        %parallel_loop3A_476 = arith.index_cast %parallel_loop3A_475 : i32 to index
        %parallel_loop3A_477 = arith.index_cast %parallel_loop3A_411 : i32 to index
        %parallel_loop3A_478 = tpu.vector_load %arg24[%parallel_loop3A_476, %parallel_loop3A_477] {strides = array<i32>} : memref<16x1024xf32, #tpu.memory_space<vmem>>, vector<1x16xf32>,
        %parallel_loop3A_479 = vector.shape_cast %parallel_loop3A_478 : vector<1x16xf32> to vector<16xf32>
        %parallel_loop3A_480 = arith.constant 11 : i32
        %parallel_loop3A_481 = arith.index_cast %parallel_loop3A_480 : i32 to index
        %parallel_loop3A_482 = arith.index_cast %parallel_loop3A_411 : i32 to index
        %parallel_loop3A_483 = tpu.vector_load %arg24[%parallel_loop3A_481, %parallel_loop3A_482] {strides = array<i32>} : memref<16x1024xf32, #tpu.memory_space<vmem>>, vector<1x16xf32>,
        %parallel_loop3A_484 = vector.shape_cast %parallel_loop3A_483 : vector<1x16xf32> to vector<16xf32>
        %parallel_loop3A_485 = vector.broadcast %scan3A_46 : f32 to vector<16xf32>
        %parallel_loop3A_486 = arith.mulf %parallel_loop3A_479, %parallel_loop3A_485 : vector<16xf32>
        %parallel_loop3A_487 = vector.broadcast %scan3A_47 : f32 to vector<16xf32>
        %parallel_loop3A_488 = arith.mulf %parallel_loop3A_484, %parallel_loop3A_487 : vector<16xf32>
        %parallel_loop3A_489 = arith.addf %parallel_loop3A_486, %parallel_loop3A_488 : vector<16xf32>
        %parallel_loop3A_490 = arith.constant 3 : i32
        %parallel_loop3A_491 = arith.index_cast %parallel_loop3A_490 : i32 to index
        %parallel_loop3A_492 = arith.index_cast %parallel_loop3A_411 : i32 to index
        %parallel_loop3A_493 = tpu.vector_load %arg27[%parallel_loop3A_491, %parallel_loop3A_492] {strides = array<i32>} : memref<8x1024xf32, #tpu.memory_space<vmem>>, vector<1x16xf32>,
        %parallel_loop3A_494 = vector.shape_cast %parallel_loop3A_493 : vector<1x16xf32> to vector<16xf32>
        %parallel_loop3A_495 = vector.shape_cast %parallel_loop3A_489 : vector<16xf32> to vector<1x16xf32>
        tpu.vector_store %arg27[%parallel_loop3A_491, %parallel_loop3A_492], %parallel_loop3A_495 {strides = array<i32>} : memref<8x1024xf32, #tpu.memory_space<vmem>>, vector<1x16xf32>,
        %parallel_loop3A_496 = arith.constant 4 : i32
        %parallel_loop3A_497 = arith.index_cast %parallel_loop3A_496 : i32 to index
        %parallel_loop3A_498 = arith.index_cast %parallel_loop3A_411 : i32 to index
        %parallel_loop3A_499 = tpu.vector_load %arg24[%parallel_loop3A_497, %parallel_loop3A_498] {strides = array<i32>} : memref<16x1024xf32, #tpu.memory_space<vmem>>, vector<1x16xf32>,
        %parallel_loop3A_500 = vector.shape_cast %parallel_loop3A_499 : vector<1x16xf32> to vector<16xf32>
        %parallel_loop3A_501 = arith.constant 12 : i32
        %parallel_loop3A_502 = arith.index_cast %parallel_loop3A_501 : i32 to index
        %parallel_loop3A_503 = arith.index_cast %parallel_loop3A_411 : i32 to index
        %parallel_loop3A_504 = tpu.vector_load %arg24[%parallel_loop3A_502, %parallel_loop3A_503] {strides = array<i32>} : memref<16x1024xf32, #tpu.memory_space<vmem>>, vector<1x16xf32>,
        %parallel_loop3A_505 = vector.shape_cast %parallel_loop3A_504 : vector<1x16xf32> to vector<16xf32>
        %parallel_loop3A_506 = vector.broadcast %scan3A_46 : f32 to vector<16xf32>
        %parallel_loop3A_507 = arith.mulf %parallel_loop3A_500, %parallel_loop3A_506 : vector<16xf32>
        %parallel_loop3A_508 = vector.broadcast %scan3A_47 : f32 to vector<16xf32>
        %parallel_loop3A_509 = arith.mulf %parallel_loop3A_505, %parallel_loop3A_508 : vector<16xf32>
        %parallel_loop3A_510 = arith.addf %parallel_loop3A_507, %parallel_loop3A_509 : vector<16xf32>
        %parallel_loop3A_511 = arith.constant 4 : i32
        %parallel_loop3A_512 = arith.index_cast %parallel_loop3A_511 : i32 to index
        %parallel_loop3A_513 = arith.index_cast %parallel_loop3A_411 : i32 to index
        %parallel_loop3A_514 = tpu.vector_load %arg27[%parallel_loop3A_512, %parallel_loop3A_513] {strides = array<i32>} : memref<8x1024xf32, #tpu.memory_space<vmem>>, vector<1x16xf32>,
        %parallel_loop3A_515 = vector.shape_cast %parallel_loop3A_514 : vector<1x16xf32> to vector<16xf32>
        %parallel_loop3A_516 = vector.shape_cast %parallel_loop3A_510 : vector<16xf32> to vector<1x16xf32>
        tpu.vector_store %arg27[%parallel_loop3A_512, %parallel_loop3A_513], %parallel_loop3A_516 {strides = array<i32>} : memref<8x1024xf32, #tpu.memory_space<vmem>>, vector<1x16xf32>,
        %parallel_loop3A_517 = arith.constant 5 : i32
        %parallel_loop3A_518 = arith.index_cast %parallel_loop3A_517 : i32 to index
        %parallel_loop3A_519 = arith.index_cast %parallel_loop3A_411 : i32 to index
        %parallel_loop3A_520 = tpu.vector_load %arg24[%parallel_loop3A_518, %parallel_loop3A_519] {strides = array<i32>} : memref<16x1024xf32, #tpu.memory_space<vmem>>, vector<1x16xf32>,
        %parallel_loop3A_521 = vector.shape_cast %parallel_loop3A_520 : vector<1x16xf32> to vector<16xf32>
        %parallel_loop3A_522 = arith.constant 13 : i32
        %parallel_loop3A_523 = arith.index_cast %parallel_loop3A_522 : i32 to index
        %parallel_loop3A_524 = arith.index_cast %parallel_loop3A_411 : i32 to index
        %parallel_loop3A_525 = tpu.vector_load %arg24[%parallel_loop3A_523, %parallel_loop3A_524] {strides = array<i32>} : memref<16x1024xf32, #tpu.memory_space<vmem>>, vector<1x16xf32>,
        %parallel_loop3A_526 = vector.shape_cast %parallel_loop3A_525 : vector<1x16xf32> to vector<16xf32>
        %parallel_loop3A_527 = vector.broadcast %scan3A_46 : f32 to vector<16xf32>
        %parallel_loop3A_528 = arith.mulf %parallel_loop3A_521, %parallel_loop3A_527 : vector<16xf32>
        %parallel_loop3A_529 = vector.broadcast %scan3A_47 : f32 to vector<16xf32>
        %parallel_loop3A_530 = arith.mulf %parallel_loop3A_526, %parallel_loop3A_529 : vector<16xf32>
        %parallel_loop3A_531 = arith.addf %parallel_loop3A_528, %parallel_loop3A_530 : vector<16xf32>
        %parallel_loop3A_532 = arith.constant 5 : i32
        %parallel_loop3A_533 = arith.index_cast %parallel_loop3A_532 : i32 to index
        %parallel_loop3A_534 = arith.index_cast %parallel_loop3A_411 : i32 to index
        %parallel_loop3A_535 = tpu.vector_load %arg27[%parallel_loop3A_533, %parallel_loop3A_534] {strides = array<i32>} : memref<8x1024xf32, #tpu.memory_space<vmem>>, vector<1x16xf32>,
        %parallel_loop3A_536 = vector.shape_cast %parallel_loop3A_535 : vector<1x16xf32> to vector<16xf32>
        %parallel_loop3A_537 = vector.shape_cast %parallel_loop3A_531 : vector<16xf32> to vector<1x16xf32>
        tpu.vector_store %arg27[%parallel_loop3A_533, %parallel_loop3A_534], %parallel_loop3A_537 {strides = array<i32>} : memref<8x1024xf32, #tpu.memory_space<vmem>>, vector<1x16xf32>,
        %parallel_loop3A_538 = arith.constant 6 : i32
        %parallel_loop3A_539 = arith.index_cast %parallel_loop3A_538 : i32 to index
        %parallel_loop3A_540 = arith.index_cast %parallel_loop3A_411 : i32 to index
        %parallel_loop3A_541 = tpu.vector_load %arg24[%parallel_loop3A_539, %parallel_loop3A_540] {strides = array<i32>} : memref<16x1024xf32, #tpu.memory_space<vmem>>, vector<1x16xf32>,
        %parallel_loop3A_542 = vector.shape_cast %parallel_loop3A_541 : vector<1x16xf32> to vector<16xf32>
        %parallel_loop3A_543 = arith.constant 14 : i32
        %parallel_loop3A_544 = arith.index_cast %parallel_loop3A_543 : i32 to index
        %parallel_loop3A_545 = arith.index_cast %parallel_loop3A_411 : i32 to index
        %parallel_loop3A_546 = tpu.vector_load %arg24[%parallel_loop3A_544, %parallel_loop3A_545] {strides = array<i32>} : memref<16x1024xf32, #tpu.memory_space<vmem>>, vector<1x16xf32>,
        %parallel_loop3A_547 = vector.shape_cast %parallel_loop3A_546 : vector<1x16xf32> to vector<16xf32>
        %parallel_loop3A_548 = vector.broadcast %scan3A_46 : f32 to vector<16xf32>
        %parallel_loop3A_549 = arith.mulf %parallel_loop3A_542, %parallel_loop3A_548 : vector<16xf32>
        %parallel_loop3A_550 = vector.broadcast %scan3A_47 : f32 to vector<16xf32>
        %parallel_loop3A_551 = arith.mulf %parallel_loop3A_547, %parallel_loop3A_550 : vector<16xf32>
        %parallel_loop3A_552 = arith.addf %parallel_loop3A_549, %parallel_loop3A_551 : vector<16xf32>
        %parallel_loop3A_553 = arith.constant 6 : i32
        %parallel_loop3A_554 = arith.index_cast %parallel_loop3A_553 : i32 to index
        %parallel_loop3A_555 = arith.index_cast %parallel_loop3A_411 : i32 to index
        %parallel_loop3A_556 = tpu.vector_load %arg27[%parallel_loop3A_554, %parallel_loop3A_555] {strides = array<i32>} : memref<8x1024xf32, #tpu.memory_space<vmem>>, vector<1x16xf32>,
        %parallel_loop3A_557 = vector.shape_cast %parallel_loop3A_556 : vector<1x16xf32> to vector<16xf32>
        %parallel_loop3A_558 = vector.shape_cast %parallel_loop3A_552 : vector<16xf32> to vector<1x16xf32>
        tpu.vector_store %arg27[%parallel_loop3A_554, %parallel_loop3A_555], %parallel_loop3A_558 {strides = array<i32>} : memref<8x1024xf32, #tpu.memory_space<vmem>>, vector<1x16xf32>,
        %parallel_loop3A_559 = arith.constant 7 : i32
        %parallel_loop3A_560 = arith.index_cast %parallel_loop3A_559 : i32 to index
        %parallel_loop3A_561 = arith.index_cast %parallel_loop3A_411 : i32 to index
        %parallel_loop3A_562 = tpu.vector_load %arg24[%parallel_loop3A_560, %parallel_loop3A_561] {strides = array<i32>} : memref<16x1024xf32, #tpu.memory_space<vmem>>, vector<1x16xf32>,
        %parallel_loop3A_563 = vector.shape_cast %parallel_loop3A_562 : vector<1x16xf32> to vector<16xf32>
        %parallel_loop3A_564 = arith.constant 15 : i32
        %parallel_loop3A_565 = arith.index_cast %parallel_loop3A_564 : i32 to index
        %parallel_loop3A_566 = arith.index_cast %parallel_loop3A_411 : i32 to index
        %parallel_loop3A_567 = tpu.vector_load %arg24[%parallel_loop3A_565, %parallel_loop3A_566] {strides = array<i32>} : memref<16x1024xf32, #tpu.memory_space<vmem>>, vector<1x16xf32>,
        %parallel_loop3A_568 = vector.shape_cast %parallel_loop3A_567 : vector<1x16xf32> to vector<16xf32>
        %parallel_loop3A_569 = vector.broadcast %scan3A_46 : f32 to vector<16xf32>
        %parallel_loop3A_570 = arith.mulf %parallel_loop3A_563, %parallel_loop3A_569 : vector<16xf32>
        %parallel_loop3A_571 = vector.broadcast %scan3A_47 : f32 to vector<16xf32>
        %parallel_loop3A_572 = arith.mulf %parallel_loop3A_568, %parallel_loop3A_571 : vector<16xf32>
        %parallel_loop3A_573 = arith.addf %parallel_loop3A_570, %parallel_loop3A_572 : vector<16xf32>
        %parallel_loop3A_574 = arith.constant 7 : i32
        %parallel_loop3A_575 = arith.index_cast %parallel_loop3A_574 : i32 to index
        %parallel_loop3A_576 = arith.index_cast %parallel_loop3A_411 : i32 to index
        %parallel_loop3A_577 = tpu.vector_load %arg27[%parallel_loop3A_575, %parallel_loop3A_576] {strides = array<i32>} : memref<8x1024xf32, #tpu.memory_space<vmem>>, vector<1x16xf32>,
        %parallel_loop3A_578 = vector.shape_cast %parallel_loop3A_577 : vector<1x16xf32> to vector<16xf32>
        %parallel_loop3A_579 = vector.shape_cast %parallel_loop3A_573 : vector<16xf32> to vector<1x16xf32>
        tpu.vector_store %arg27[%parallel_loop3A_575, %parallel_loop3A_576], %parallel_loop3A_579 {strides = array<i32>} : memref<8x1024xf32, #tpu.memory_space<vmem>>, vector<1x16xf32>,
      } {sc.loop_unroll_factor = 4 : i64, sc.parallel_access}
      %not3A_383 = arith.constant true
      %not3A_384 = arith.xori %eq3A_332, %not3A_383 : i1
      %convert_element_type3A_385 = arith.extui %not3A_384 : i1 to i32
      %cond3A_386 = arith.constant 0 : i32
      %cond3A_387 = arith.cmpi ne, %convert_element_type3A_385, %cond3A_386 : i32
      scf.if %cond3A_387 {
        %dma_start3A_408 = arith.constant 0 : i32
        %dma_start3A_409 = tpu.memref_slice %arg11[%multiple_of3A_330, %dma_start3A_408] : memref<5461x1024xf32, #tpu.memory_space<hbm>> -> memref<8x1024xf32, #tpu.memory_space<hbm>>
        %dma_start3A_410 = arith.constant 0 : i32
        %dma_start3A_411 = tpu.memref_slice %arg11[%multiple_of3A_330, %dma_start3A_410] : memref<5461x1024xf32, #tpu.memory_space<hbm>> -> memref<8x1024xf32, #tpu.memory_space<hbm>>
        tpu.enqueue_dma source(%arg27 : memref<8x1024xf32, #tpu.memory_space<vmem>>) target(%dma_start3A_411 : memref<8x1024xf32, #tpu.memory_space<hbm>>) target_semaphore(%arg42 : memref<!tpu.dma_semaphore, #tpu.memory_space<semaphore_mem>>)
      } else {
      }
      %convert_element_type3A_388 = arith.extui %eq3A_332 : i1 to i32
      %cond3A_389 = arith.constant 0 : i32
      %cond3A_390 = arith.cmpi ne, %convert_element_type3A_388, %cond3A_389 : i32
      scf.if %cond3A_390 {
        "tpu.region"() ({
          %run_scoped3A = tpu.sem_alloc : memref<!tpu.dma_semaphore, #tpu.memory_space<semaphore_mem>>
          %dma_start3A_408 = arith.constant 0 : i32
          %dma_start3A_409 = arith.constant 0 : i32
          %dma_start3A_410 = tpu.memref_slice %arg27[%dma_start3A_408, %dma_start3A_409] : memref<8x1024xf32, #tpu.memory_space<vmem>> -> memref<5x1024xf32, #tpu.memory_space<vmem>>
          %dma_start3A_411 = arith.constant 5456 : i32
          %dma_start3A_412 = arith.constant 0 : i32
          %dma_start3A_413 = tpu.memref_slice %arg11[%dma_start3A_411, %dma_start3A_412] : memref<5461x1024xf32, #tpu.memory_space<hbm>> -> memref<5x1024xf32, #tpu.memory_space<hbm>>
          %dma_start3A_414 = arith.constant 5456 : i32
          %dma_start3A_415 = arith.constant 0 : i32
          %dma_start3A_416 = tpu.memref_slice %arg11[%dma_start3A_414, %dma_start3A_415] : memref<5461x1024xf32, #tpu.memory_space<hbm>> -> memref<5x1024xf32, #tpu.memory_space<hbm>>
          %dma_start3A_417 = arith.constant 0 : i32
          %dma_start3A_418 = arith.constant 0 : i32
          %dma_start3A_419 = tpu.memref_slice %arg27[%dma_start3A_417, %dma_start3A_418] : memref<8x1024xf32, #tpu.memory_space<vmem>> -> memref<5x1024xf32, #tpu.memory_space<vmem>>
          tpu.enqueue_dma source(%dma_start3A_419 : memref<5x1024xf32, #tpu.memory_space<vmem>>) target(%dma_start3A_416 : memref<5x1024xf32, #tpu.memory_space<hbm>>) target_semaphore(%run_scoped3A : memref<!tpu.dma_semaphore, #tpu.memory_space<semaphore_mem>>)
          %dma_wait3A_420 = arith.constant 0 : i32
          %dma_wait3A_421 = arith.constant 0 : i32
          %dma_wait3A_422 = tpu.memref_slice %arg27[%dma_wait3A_420, %dma_wait3A_421] : memref<8x1024xf32, #tpu.memory_space<vmem>> -> memref<5x1024xf32, #tpu.memory_space<vmem>>
          %dma_wait3A_423 = arith.constant 5456 : i32
          %dma_wait3A_424 = arith.constant 0 : i32
          %dma_wait3A_425 = tpu.memref_slice %arg11[%dma_wait3A_423, %dma_wait3A_424] : memref<5461x1024xf32, #tpu.memory_space<hbm>> -> memref<5x1024xf32, #tpu.memory_space<hbm>>
          %dma_wait3A_426 = arith.constant 5456 : i32
          %dma_wait3A_427 = arith.constant 0 : i32
          %dma_wait3A_428 = tpu.memref_slice %arg11[%dma_wait3A_426, %dma_wait3A_427] : memref<5461x1024xf32, #tpu.memory_space<hbm>> -> memref<5x1024xf32, #tpu.memory_space<hbm>>
          %dma_wait3A_429 = arith.constant 0 : i32
          %dma_wait3A_430 = arith.constant 0 : i32
          %dma_wait3A_431 = tpu.memref_slice %arg27[%dma_wait3A_429, %dma_wait3A_430] : memref<8x1024xf32, #tpu.memory_space<vmem>> -> memref<5x1024xf32, #tpu.memory_space<vmem>>
          tpu.wait_dma2 semaphore(%run_scoped3A : memref<!tpu.dma_semaphore, #tpu.memory_space<semaphore_mem>>) src(%dma_wait3A_431 : memref<5x1024xf32, #tpu.memory_space<vmem>>) dst(%dma_wait3A_428 : memref<5x1024xf32, #tpu.memory_space<hbm>>)
          tpu.yield
        }) : () -> ()
        tpu.enqueue_dma source(%arg27 : memref<8x1024xf32, #tpu.memory_space<vmem>>) target(%arg13 : memref<8x1024xf32, #tpu.memory_space<hbm>>) target_semaphore(%arg42 : memref<!tpu.dma_semaphore, #tpu.memory_space<semaphore_mem>>)
      } else {
      }
      %dma_wait3A_391 = arith.constant 0 : i32
      %dma_wait3A_392 = arith.constant 0 : i32
      %dma_wait3A_393 = tpu.memref_slice %arg12[%dma_wait3A_391, %dma_wait3A_392] : memref<5461x1024xf32, #tpu.memory_space<hbm>> -> memref<8x1024xf32, #tpu.memory_space<hbm>>
      %dma_wait3A_394 = arith.constant 0 : i32
      %dma_wait3A_395 = arith.constant 0 : i32
      %dma_wait3A_396 = tpu.memref_slice %arg12[%dma_wait3A_394, %dma_wait3A_395] : memref<5461x1024xf32, #tpu.memory_space<hbm>> -> memref<8x1024xf32, #tpu.memory_space<hbm>>
      tpu.wait_dma2 semaphore(%arg41 : memref<!tpu.dma_semaphore, #tpu.memory_space<semaphore_mem>>) src(%arg26 : memref<8x1024xf32, #tpu.memory_space<vmem>>) dst(%dma_wait3A_396 : memref<8x1024xf32, #tpu.memory_space<hbm>>)
      %parallel_loop3A_397 = arith.constant 0 : i32
      %parallel_loop3A_398 = arith.constant 64 : i32
      %parallel_loop3A_399 = arith.constant 1 : i32
      scf.for %parallel_loop3A_408 = %parallel_loop3A_397 to %parallel_loop3A_398 step %parallel_loop3A_399  : i32 {
        %parallel_loop3A_409 = arith.constant 16 : i32
        %parallel_loop3A_410 = arith.muli %parallel_loop3A_408, %parallel_loop3A_409 : i32
        %parallel_loop3A_411 = tpu.assume_multiple %parallel_loop3A_410, 8 : i32
        %parallel_loop3A_412 = arith.constant 0 : i32
        %parallel_loop3A_413 = arith.index_cast %parallel_loop3A_412 : i32 to index
        %parallel_loop3A_414 = arith.index_cast %parallel_loop3A_411 : i32 to index
        %parallel_loop3A_415 = tpu.vector_load %arg25[%parallel_loop3A_413, %parallel_loop3A_414] {strides = array<i32>} : memref<16x1024xf32, #tpu.memory_space<vmem>>, vector<1x16xf32>,
        %parallel_loop3A_416 = vector.shape_cast %parallel_loop3A_415 : vector<1x16xf32> to vector<16xf32>
        %parallel_loop3A_417 = arith.constant 8 : i32
        %parallel_loop3A_418 = arith.index_cast %parallel_loop3A_417 : i32 to index
        %parallel_loop3A_419 = arith.index_cast %parallel_loop3A_411 : i32 to index
        %parallel_loop3A_420 = tpu.vector_load %arg25[%parallel_loop3A_418, %parallel_loop3A_419] {strides = array<i32>} : memref<16x1024xf32, #tpu.memory_space<vmem>>, vector<1x16xf32>,
        %parallel_loop3A_421 = vector.shape_cast %parallel_loop3A_420 : vector<1x16xf32> to vector<16xf32>
        %parallel_loop3A_422 = vector.broadcast %scan3A_46 : f32 to vector<16xf32>
        %parallel_loop3A_423 = arith.mulf %parallel_loop3A_416, %parallel_loop3A_422 : vector<16xf32>
        %parallel_loop3A_424 = vector.broadcast %scan3A_47 : f32 to vector<16xf32>
        %parallel_loop3A_425 = arith.mulf %parallel_loop3A_421, %parallel_loop3A_424 : vector<16xf32>
        %parallel_loop3A_426 = arith.addf %parallel_loop3A_423, %parallel_loop3A_425 : vector<16xf32>
        %parallel_loop3A_427 = arith.constant 0 : i32
        %parallel_loop3A_428 = arith.index_cast %parallel_loop3A_427 : i32 to index
        %parallel_loop3A_429 = arith.index_cast %parallel_loop3A_411 : i32 to index
        %parallel_loop3A_430 = tpu.vector_load %arg26[%parallel_loop3A_428, %parallel_loop3A_429] {strides = array<i32>} : memref<8x1024xf32, #tpu.memory_space<vmem>>, vector<1x16xf32>,
        %parallel_loop3A_431 = vector.shape_cast %parallel_loop3A_430 : vector<1x16xf32> to vector<16xf32>
        %parallel_loop3A_432 = vector.shape_cast %parallel_loop3A_426 : vector<16xf32> to vector<1x16xf32>
        tpu.vector_store %arg26[%parallel_loop3A_428, %parallel_loop3A_429], %parallel_loop3A_432 {strides = array<i32>} : memref<8x1024xf32, #tpu.memory_space<vmem>>, vector<1x16xf32>,
        %parallel_loop3A_433 = arith.constant 1 : i32
        %parallel_loop3A_434 = arith.index_cast %parallel_loop3A_433 : i32 to index
        %parallel_loop3A_435 = arith.index_cast %parallel_loop3A_411 : i32 to index
        %parallel_loop3A_436 = tpu.vector_load %arg25[%parallel_loop3A_434, %parallel_loop3A_435] {strides = array<i32>} : memref<16x1024xf32, #tpu.memory_space<vmem>>, vector<1x16xf32>,
        %parallel_loop3A_437 = vector.shape_cast %parallel_loop3A_436 : vector<1x16xf32> to vector<16xf32>
        %parallel_loop3A_438 = arith.constant 9 : i32
        %parallel_loop3A_439 = arith.index_cast %parallel_loop3A_438 : i32 to index
        %parallel_loop3A_440 = arith.index_cast %parallel_loop3A_411 : i32 to index
        %parallel_loop3A_441 = tpu.vector_load %arg25[%parallel_loop3A_439, %parallel_loop3A_440] {strides = array<i32>} : memref<16x1024xf32, #tpu.memory_space<vmem>>, vector<1x16xf32>,
        %parallel_loop3A_442 = vector.shape_cast %parallel_loop3A_441 : vector<1x16xf32> to vector<16xf32>
        %parallel_loop3A_443 = vector.broadcast %scan3A_46 : f32 to vector<16xf32>
        %parallel_loop3A_444 = arith.mulf %parallel_loop3A_437, %parallel_loop3A_443 : vector<16xf32>
        %parallel_loop3A_445 = vector.broadcast %scan3A_47 : f32 to vector<16xf32>
        %parallel_loop3A_446 = arith.mulf %parallel_loop3A_442, %parallel_loop3A_445 : vector<16xf32>
        %parallel_loop3A_447 = arith.addf %parallel_loop3A_444, %parallel_loop3A_446 : vector<16xf32>
        %parallel_loop3A_448 = arith.constant 1 : i32
        %parallel_loop3A_449 = arith.index_cast %parallel_loop3A_448 : i32 to index
        %parallel_loop3A_450 = arith.index_cast %parallel_loop3A_411 : i32 to index
        %parallel_loop3A_451 = tpu.vector_load %arg26[%parallel_loop3A_449, %parallel_loop3A_450] {strides = array<i32>} : memref<8x1024xf32, #tpu.memory_space<vmem>>, vector<1x16xf32>,
        %parallel_loop3A_452 = vector.shape_cast %parallel_loop3A_451 : vector<1x16xf32> to vector<16xf32>
        %parallel_loop3A_453 = vector.shape_cast %parallel_loop3A_447 : vector<16xf32> to vector<1x16xf32>
        tpu.vector_store %arg26[%parallel_loop3A_449, %parallel_loop3A_450], %parallel_loop3A_453 {strides = array<i32>} : memref<8x1024xf32, #tpu.memory_space<vmem>>, vector<1x16xf32>,
        %parallel_loop3A_454 = arith.constant 2 : i32
        %parallel_loop3A_455 = arith.index_cast %parallel_loop3A_454 : i32 to index
        %parallel_loop3A_456 = arith.index_cast %parallel_loop3A_411 : i32 to index
        %parallel_loop3A_457 = tpu.vector_load %arg25[%parallel_loop3A_455, %parallel_loop3A_456] {strides = array<i32>} : memref<16x1024xf32, #tpu.memory_space<vmem>>, vector<1x16xf32>,
        %parallel_loop3A_458 = vector.shape_cast %parallel_loop3A_457 : vector<1x16xf32> to vector<16xf32>
        %parallel_loop3A_459 = arith.constant 10 : i32
        %parallel_loop3A_460 = arith.index_cast %parallel_loop3A_459 : i32 to index
        %parallel_loop3A_461 = arith.index_cast %parallel_loop3A_411 : i32 to index
        %parallel_loop3A_462 = tpu.vector_load %arg25[%parallel_loop3A_460, %parallel_loop3A_461] {strides = array<i32>} : memref<16x1024xf32, #tpu.memory_space<vmem>>, vector<1x16xf32>,
        %parallel_loop3A_463 = vector.shape_cast %parallel_loop3A_462 : vector<1x16xf32> to vector<16xf32>
        %parallel_loop3A_464 = vector.broadcast %scan3A_46 : f32 to vector<16xf32>
        %parallel_loop3A_465 = arith.mulf %parallel_loop3A_458, %parallel_loop3A_464 : vector<16xf32>
        %parallel_loop3A_466 = vector.broadcast %scan3A_47 : f32 to vector<16xf32>
        %parallel_loop3A_467 = arith.mulf %parallel_loop3A_463, %parallel_loop3A_466 : vector<16xf32>
        %parallel_loop3A_468 = arith.addf %parallel_loop3A_465, %parallel_loop3A_467 : vector<16xf32>
        %parallel_loop3A_469 = arith.constant 2 : i32
        %parallel_loop3A_470 = arith.index_cast %parallel_loop3A_469 : i32 to index
        %parallel_loop3A_471 = arith.index_cast %parallel_loop3A_411 : i32 to index
        %parallel_loop3A_472 = tpu.vector_load %arg26[%parallel_loop3A_470, %parallel_loop3A_471] {strides = array<i32>} : memref<8x1024xf32, #tpu.memory_space<vmem>>, vector<1x16xf32>,
        %parallel_loop3A_473 = vector.shape_cast %parallel_loop3A_472 : vector<1x16xf32> to vector<16xf32>
        %parallel_loop3A_474 = vector.shape_cast %parallel_loop3A_468 : vector<16xf32> to vector<1x16xf32>
        tpu.vector_store %arg26[%parallel_loop3A_470, %parallel_loop3A_471], %parallel_loop3A_474 {strides = array<i32>} : memref<8x1024xf32, #tpu.memory_space<vmem>>, vector<1x16xf32>,
        %parallel_loop3A_475 = arith.constant 3 : i32
        %parallel_loop3A_476 = arith.index_cast %parallel_loop3A_475 : i32 to index
        %parallel_loop3A_477 = arith.index_cast %parallel_loop3A_411 : i32 to index
        %parallel_loop3A_478 = tpu.vector_load %arg25[%parallel_loop3A_476, %parallel_loop3A_477] {strides = array<i32>} : memref<16x1024xf32, #tpu.memory_space<vmem>>, vector<1x16xf32>,
        %parallel_loop3A_479 = vector.shape_cast %parallel_loop3A_478 : vector<1x16xf32> to vector<16xf32>
        %parallel_loop3A_480 = arith.constant 11 : i32
        %parallel_loop3A_481 = arith.index_cast %parallel_loop3A_480 : i32 to index
        %parallel_loop3A_482 = arith.index_cast %parallel_loop3A_411 : i32 to index
        %parallel_loop3A_483 = tpu.vector_load %arg25[%parallel_loop3A_481, %parallel_loop3A_482] {strides = array<i32>} : memref<16x1024xf32, #tpu.memory_space<vmem>>, vector<1x16xf32>,
        %parallel_loop3A_484 = vector.shape_cast %parallel_loop3A_483 : vector<1x16xf32> to vector<16xf32>
        %parallel_loop3A_485 = vector.broadcast %scan3A_46 : f32 to vector<16xf32>
        %parallel_loop3A_486 = arith.mulf %parallel_loop3A_479, %parallel_loop3A_485 : vector<16xf32>
        %parallel_loop3A_487 = vector.broadcast %scan3A_47 : f32 to vector<16xf32>
        %parallel_loop3A_488 = arith.mulf %parallel_loop3A_484, %parallel_loop3A_487 : vector<16xf32>
        %parallel_loop3A_489 = arith.addf %parallel_loop3A_486, %parallel_loop3A_488 : vector<16xf32>
        %parallel_loop3A_490 = arith.constant 3 : i32
        %parallel_loop3A_491 = arith.index_cast %parallel_loop3A_490 : i32 to index
        %parallel_loop3A_492 = arith.index_cast %parallel_loop3A_411 : i32 to index
        %parallel_loop3A_493 = tpu.vector_load %arg26[%parallel_loop3A_491, %parallel_loop3A_492] {strides = array<i32>} : memref<8x1024xf32, #tpu.memory_space<vmem>>, vector<1x16xf32>,
        %parallel_loop3A_494 = vector.shape_cast %parallel_loop3A_493 : vector<1x16xf32> to vector<16xf32>
        %parallel_loop3A_495 = vector.shape_cast %parallel_loop3A_489 : vector<16xf32> to vector<1x16xf32>
        tpu.vector_store %arg26[%parallel_loop3A_491, %parallel_loop3A_492], %parallel_loop3A_495 {strides = array<i32>} : memref<8x1024xf32, #tpu.memory_space<vmem>>, vector<1x16xf32>,
        %parallel_loop3A_496 = arith.constant 4 : i32
        %parallel_loop3A_497 = arith.index_cast %parallel_loop3A_496 : i32 to index
        %parallel_loop3A_498 = arith.index_cast %parallel_loop3A_411 : i32 to index
        %parallel_loop3A_499 = tpu.vector_load %arg25[%parallel_loop3A_497, %parallel_loop3A_498] {strides = array<i32>} : memref<16x1024xf32, #tpu.memory_space<vmem>>, vector<1x16xf32>,
        %parallel_loop3A_500 = vector.shape_cast %parallel_loop3A_499 : vector<1x16xf32> to vector<16xf32>
        %parallel_loop3A_501 = arith.constant 12 : i32
        %parallel_loop3A_502 = arith.index_cast %parallel_loop3A_501 : i32 to index
        %parallel_loop3A_503 = arith.index_cast %parallel_loop3A_411 : i32 to index
        %parallel_loop3A_504 = tpu.vector_load %arg25[%parallel_loop3A_502, %parallel_loop3A_503] {strides = array<i32>} : memref<16x1024xf32, #tpu.memory_space<vmem>>, vector<1x16xf32>,
        %parallel_loop3A_505 = vector.shape_cast %parallel_loop3A_504 : vector<1x16xf32> to vector<16xf32>
        %parallel_loop3A_506 = vector.broadcast %scan3A_46 : f32 to vector<16xf32>
        %parallel_loop3A_507 = arith.mulf %parallel_loop3A_500, %parallel_loop3A_506 : vector<16xf32>
        %parallel_loop3A_508 = vector.broadcast %scan3A_47 : f32 to vector<16xf32>
        %parallel_loop3A_509 = arith.mulf %parallel_loop3A_505, %parallel_loop3A_508 : vector<16xf32>
        %parallel_loop3A_510 = arith.addf %parallel_loop3A_507, %parallel_loop3A_509 : vector<16xf32>
        %parallel_loop3A_511 = arith.constant 4 : i32
        %parallel_loop3A_512 = arith.index_cast %parallel_loop3A_511 : i32 to index
        %parallel_loop3A_513 = arith.index_cast %parallel_loop3A_411 : i32 to index
        %parallel_loop3A_514 = tpu.vector_load %arg26[%parallel_loop3A_512, %parallel_loop3A_513] {strides = array<i32>} : memref<8x1024xf32, #tpu.memory_space<vmem>>, vector<1x16xf32>,
        %parallel_loop3A_515 = vector.shape_cast %parallel_loop3A_514 : vector<1x16xf32> to vector<16xf32>
        %parallel_loop3A_516 = vector.shape_cast %parallel_loop3A_510 : vector<16xf32> to vector<1x16xf32>
        tpu.vector_store %arg26[%parallel_loop3A_512, %parallel_loop3A_513], %parallel_loop3A_516 {strides = array<i32>} : memref<8x1024xf32, #tpu.memory_space<vmem>>, vector<1x16xf32>,
        %parallel_loop3A_517 = arith.constant 5 : i32
        %parallel_loop3A_518 = arith.index_cast %parallel_loop3A_517 : i32 to index
        %parallel_loop3A_519 = arith.index_cast %parallel_loop3A_411 : i32 to index
        %parallel_loop3A_520 = tpu.vector_load %arg25[%parallel_loop3A_518, %parallel_loop3A_519] {strides = array<i32>} : memref<16x1024xf32, #tpu.memory_space<vmem>>, vector<1x16xf32>,
        %parallel_loop3A_521 = vector.shape_cast %parallel_loop3A_520 : vector<1x16xf32> to vector<16xf32>
        %parallel_loop3A_522 = arith.constant 13 : i32
        %parallel_loop3A_523 = arith.index_cast %parallel_loop3A_522 : i32 to index
        %parallel_loop3A_524 = arith.index_cast %parallel_loop3A_411 : i32 to index
        %parallel_loop3A_525 = tpu.vector_load %arg25[%parallel_loop3A_523, %parallel_loop3A_524] {strides = array<i32>} : memref<16x1024xf32, #tpu.memory_space<vmem>>, vector<1x16xf32>,
        %parallel_loop3A_526 = vector.shape_cast %parallel_loop3A_525 : vector<1x16xf32> to vector<16xf32>
        %parallel_loop3A_527 = vector.broadcast %scan3A_46 : f32 to vector<16xf32>
        %parallel_loop3A_528 = arith.mulf %parallel_loop3A_521, %parallel_loop3A_527 : vector<16xf32>
        %parallel_loop3A_529 = vector.broadcast %scan3A_47 : f32 to vector<16xf32>
        %parallel_loop3A_530 = arith.mulf %parallel_loop3A_526, %parallel_loop3A_529 : vector<16xf32>
        %parallel_loop3A_531 = arith.addf %parallel_loop3A_528, %parallel_loop3A_530 : vector<16xf32>
        %parallel_loop3A_532 = arith.constant 5 : i32
        %parallel_loop3A_533 = arith.index_cast %parallel_loop3A_532 : i32 to index
        %parallel_loop3A_534 = arith.index_cast %parallel_loop3A_411 : i32 to index
        %parallel_loop3A_535 = tpu.vector_load %arg26[%parallel_loop3A_533, %parallel_loop3A_534] {strides = array<i32>} : memref<8x1024xf32, #tpu.memory_space<vmem>>, vector<1x16xf32>,
        %parallel_loop3A_536 = vector.shape_cast %parallel_loop3A_535 : vector<1x16xf32> to vector<16xf32>
        %parallel_loop3A_537 = vector.shape_cast %parallel_loop3A_531 : vector<16xf32> to vector<1x16xf32>
        tpu.vector_store %arg26[%parallel_loop3A_533, %parallel_loop3A_534], %parallel_loop3A_537 {strides = array<i32>} : memref<8x1024xf32, #tpu.memory_space<vmem>>, vector<1x16xf32>,
        %parallel_loop3A_538 = arith.constant 6 : i32
        %parallel_loop3A_539 = arith.index_cast %parallel_loop3A_538 : i32 to index
        %parallel_loop3A_540 = arith.index_cast %parallel_loop3A_411 : i32 to index
        %parallel_loop3A_541 = tpu.vector_load %arg25[%parallel_loop3A_539, %parallel_loop3A_540] {strides = array<i32>} : memref<16x1024xf32, #tpu.memory_space<vmem>>, vector<1x16xf32>,
        %parallel_loop3A_542 = vector.shape_cast %parallel_loop3A_541 : vector<1x16xf32> to vector<16xf32>
        %parallel_loop3A_543 = arith.constant 14 : i32
        %parallel_loop3A_544 = arith.index_cast %parallel_loop3A_543 : i32 to index
        %parallel_loop3A_545 = arith.index_cast %parallel_loop3A_411 : i32 to index
        %parallel_loop3A_546 = tpu.vector_load %arg25[%parallel_loop3A_544, %parallel_loop3A_545] {strides = array<i32>} : memref<16x1024xf32, #tpu.memory_space<vmem>>, vector<1x16xf32>,
        %parallel_loop3A_547 = vector.shape_cast %parallel_loop3A_546 : vector<1x16xf32> to vector<16xf32>
        %parallel_loop3A_548 = vector.broadcast %scan3A_46 : f32 to vector<16xf32>
        %parallel_loop3A_549 = arith.mulf %parallel_loop3A_542, %parallel_loop3A_548 : vector<16xf32>
        %parallel_loop3A_550 = vector.broadcast %scan3A_47 : f32 to vector<16xf32>
        %parallel_loop3A_551 = arith.mulf %parallel_loop3A_547, %parallel_loop3A_550 : vector<16xf32>
        %parallel_loop3A_552 = arith.addf %parallel_loop3A_549, %parallel_loop3A_551 : vector<16xf32>
        %parallel_loop3A_553 = arith.constant 6 : i32
        %parallel_loop3A_554 = arith.index_cast %parallel_loop3A_553 : i32 to index
        %parallel_loop3A_555 = arith.index_cast %parallel_loop3A_411 : i32 to index
        %parallel_loop3A_556 = tpu.vector_load %arg26[%parallel_loop3A_554, %parallel_loop3A_555] {strides = array<i32>} : memref<8x1024xf32, #tpu.memory_space<vmem>>, vector<1x16xf32>,
        %parallel_loop3A_557 = vector.shape_cast %parallel_loop3A_556 : vector<1x16xf32> to vector<16xf32>
        %parallel_loop3A_558 = vector.shape_cast %parallel_loop3A_552 : vector<16xf32> to vector<1x16xf32>
        tpu.vector_store %arg26[%parallel_loop3A_554, %parallel_loop3A_555], %parallel_loop3A_558 {strides = array<i32>} : memref<8x1024xf32, #tpu.memory_space<vmem>>, vector<1x16xf32>,
        %parallel_loop3A_559 = arith.constant 7 : i32
        %parallel_loop3A_560 = arith.index_cast %parallel_loop3A_559 : i32 to index
        %parallel_loop3A_561 = arith.index_cast %parallel_loop3A_411 : i32 to index
        %parallel_loop3A_562 = tpu.vector_load %arg25[%parallel_loop3A_560, %parallel_loop3A_561] {strides = array<i32>} : memref<16x1024xf32, #tpu.memory_space<vmem>>, vector<1x16xf32>,
        %parallel_loop3A_563 = vector.shape_cast %parallel_loop3A_562 : vector<1x16xf32> to vector<16xf32>
        %parallel_loop3A_564 = arith.constant 15 : i32
        %parallel_loop3A_565 = arith.index_cast %parallel_loop3A_564 : i32 to index
        %parallel_loop3A_566 = arith.index_cast %parallel_loop3A_411 : i32 to index
        %parallel_loop3A_567 = tpu.vector_load %arg25[%parallel_loop3A_565, %parallel_loop3A_566] {strides = array<i32>} : memref<16x1024xf32, #tpu.memory_space<vmem>>, vector<1x16xf32>,
        %parallel_loop3A_568 = vector.shape_cast %parallel_loop3A_567 : vector<1x16xf32> to vector<16xf32>
        %parallel_loop3A_569 = vector.broadcast %scan3A_46 : f32 to vector<16xf32>
        %parallel_loop3A_570 = arith.mulf %parallel_loop3A_563, %parallel_loop3A_569 : vector<16xf32>
        %parallel_loop3A_571 = vector.broadcast %scan3A_47 : f32 to vector<16xf32>
        %parallel_loop3A_572 = arith.mulf %parallel_loop3A_568, %parallel_loop3A_571 : vector<16xf32>
        %parallel_loop3A_573 = arith.addf %parallel_loop3A_570, %parallel_loop3A_572 : vector<16xf32>
        %parallel_loop3A_574 = arith.constant 7 : i32
        %parallel_loop3A_575 = arith.index_cast %parallel_loop3A_574 : i32 to index
        %parallel_loop3A_576 = arith.index_cast %parallel_loop3A_411 : i32 to index
        %parallel_loop3A_577 = tpu.vector_load %arg26[%parallel_loop3A_575, %parallel_loop3A_576] {strides = array<i32>} : memref<8x1024xf32, #tpu.memory_space<vmem>>, vector<1x16xf32>,
        %parallel_loop3A_578 = vector.shape_cast %parallel_loop3A_577 : vector<1x16xf32> to vector<16xf32>
        %parallel_loop3A_579 = vector.shape_cast %parallel_loop3A_573 : vector<16xf32> to vector<1x16xf32>
        tpu.vector_store %arg26[%parallel_loop3A_575, %parallel_loop3A_576], %parallel_loop3A_579 {strides = array<i32>} : memref<8x1024xf32, #tpu.memory_space<vmem>>, vector<1x16xf32>,
      } {sc.loop_unroll_factor = 4 : i64, sc.parallel_access}
      %not3A_400 = arith.constant true
      %not3A_401 = arith.xori %eq3A_332, %not3A_400 : i1
      %convert_element_type3A_402 = arith.extui %not3A_401 : i1 to i32
      %cond3A_403 = arith.constant 0 : i32
      %cond3A_404 = arith.cmpi ne, %convert_element_type3A_402, %cond3A_403 : i32
      scf.if %cond3A_404 {
        %dma_start3A_408 = arith.constant 0 : i32
        %dma_start3A_409 = tpu.memref_slice %arg12[%multiple_of3A_330, %dma_start3A_408] : memref<5461x1024xf32, #tpu.memory_space<hbm>> -> memref<8x1024xf32, #tpu.memory_space<hbm>>
        %dma_start3A_410 = arith.constant 0 : i32
        %dma_start3A_411 = tpu.memref_slice %arg12[%multiple_of3A_330, %dma_start3A_410] : memref<5461x1024xf32, #tpu.memory_space<hbm>> -> memref<8x1024xf32, #tpu.memory_space<hbm>>
        tpu.enqueue_dma source(%arg26 : memref<8x1024xf32, #tpu.memory_space<vmem>>) target(%dma_start3A_411 : memref<8x1024xf32, #tpu.memory_space<hbm>>) target_semaphore(%arg41 : memref<!tpu.dma_semaphore, #tpu.memory_space<semaphore_mem>>)
      } else {
      }
      %convert_element_type3A_405 = arith.extui %eq3A_332 : i1 to i32
      %cond3A_406 = arith.constant 0 : i32
      %cond3A_407 = arith.cmpi ne, %convert_element_type3A_405, %cond3A_406 : i32
      scf.if %cond3A_407 {
        "tpu.region"() ({
          %run_scoped3A = tpu.sem_alloc : memref<!tpu.dma_semaphore, #tpu.memory_space<semaphore_mem>>
          %dma_start3A_408 = arith.constant 0 : i32
          %dma_start3A_409 = arith.constant 0 : i32
          %dma_start3A_410 = tpu.memref_slice %arg26[%dma_start3A_408, %dma_start3A_409] : memref<8x1024xf32, #tpu.memory_space<vmem>> -> memref<5x1024xf32, #tpu.memory_space<vmem>>
          %dma_start3A_411 = arith.constant 5456 : i32
          %dma_start3A_412 = arith.constant 0 : i32
          %dma_start3A_413 = tpu.memref_slice %arg12[%dma_start3A_411, %dma_start3A_412] : memref<5461x1024xf32, #tpu.memory_space<hbm>> -> memref<5x1024xf32, #tpu.memory_space<hbm>>
          %dma_start3A_414 = arith.constant 5456 : i32
          %dma_start3A_415 = arith.constant 0 : i32
          %dma_start3A_416 = tpu.memref_slice %arg12[%dma_start3A_414, %dma_start3A_415] : memref<5461x1024xf32, #tpu.memory_space<hbm>> -> memref<5x1024xf32, #tpu.memory_space<hbm>>
          %dma_start3A_417 = arith.constant 0 : i32
          %dma_start3A_418 = arith.constant 0 : i32
          %dma_start3A_419 = tpu.memref_slice %arg26[%dma_start3A_417, %dma_start3A_418] : memref<8x1024xf32, #tpu.memory_space<vmem>> -> memref<5x1024xf32, #tpu.memory_space<vmem>>
          tpu.enqueue_dma source(%dma_start3A_419 : memref<5x1024xf32, #tpu.memory_space<vmem>>) target(%dma_start3A_416 : memref<5x1024xf32, #tpu.memory_space<hbm>>) target_semaphore(%run_scoped3A : memref<!tpu.dma_semaphore, #tpu.memory_space<semaphore_mem>>)
          %dma_wait3A_420 = arith.constant 0 : i32
          %dma_wait3A_421 = arith.constant 0 : i32
          %dma_wait3A_422 = tpu.memref_slice %arg26[%dma_wait3A_420, %dma_wait3A_421] : memref<8x1024xf32, #tpu.memory_space<vmem>> -> memref<5x1024xf32, #tpu.memory_space<vmem>>
          %dma_wait3A_423 = arith.constant 5456 : i32
          %dma_wait3A_424 = arith.constant 0 : i32
          %dma_wait3A_425 = tpu.memref_slice %arg12[%dma_wait3A_423, %dma_wait3A_424] : memref<5461x1024xf32, #tpu.memory_space<hbm>> -> memref<5x1024xf32, #tpu.memory_space<hbm>>
          %dma_wait3A_426 = arith.constant 5456 : i32
          %dma_wait3A_427 = arith.constant 0 : i32
          %dma_wait3A_428 = tpu.memref_slice %arg12[%dma_wait3A_426, %dma_wait3A_427] : memref<5461x1024xf32, #tpu.memory_space<hbm>> -> memref<5x1024xf32, #tpu.memory_space<hbm>>
          %dma_wait3A_429 = arith.constant 0 : i32
          %dma_wait3A_430 = arith.constant 0 : i32
          %dma_wait3A_431 = tpu.memref_slice %arg26[%dma_wait3A_429, %dma_wait3A_430] : memref<8x1024xf32, #tpu.memory_space<vmem>> -> memref<5x1024xf32, #tpu.memory_space<vmem>>
          tpu.wait_dma2 semaphore(%run_scoped3A : memref<!tpu.dma_semaphore, #tpu.memory_space<semaphore_mem>>) src(%dma_wait3A_431 : memref<5x1024xf32, #tpu.memory_space<vmem>>) dst(%dma_wait3A_428 : memref<5x1024xf32, #tpu.memory_space<hbm>>)
          tpu.yield
        }) : () -> ()
        tpu.enqueue_dma source(%arg26 : memref<8x1024xf32, #tpu.memory_space<vmem>>) target(%arg13 : memref<8x1024xf32, #tpu.memory_space<hbm>>) target_semaphore(%arg41 : memref<!tpu.dma_semaphore, #tpu.memory_space<semaphore_mem>>)
      } else {
      }
    }
    %scan3A_52 = arith.constant 11 : i32
    %dma_wait3A_53 = arith.constant 0 : i32
    %dma_wait3A_54 = tpu.memref_slice %arg3[%dma_wait3A_53] : memref<16384xi32, #tpu.memory_space<hbm>> -> memref<16xi32, #tpu.memory_space<hbm>>
    %dma_wait3A_55 = arith.constant 0 : i32
    %dma_wait3A_56 = tpu.memref_slice %arg3[%dma_wait3A_55] : memref<16384xi32, #tpu.memory_space<hbm>> -> memref<16xi32, #tpu.memory_space<hbm>>
    tpu.wait_dma2 semaphore(%arg38 : memref<!tpu.dma_semaphore, #tpu.memory_space<semaphore_mem>>) src(%dma_wait3A_56 : memref<16xi32, #tpu.memory_space<hbm>>) dst(%arg19 : memref<16xi32, #tpu.memory_space<vmem>>)
    %dma_wait3A_57 = arith.constant 0 : i32
    %dma_wait3A_58 = arith.constant 0 : i32
    %dma_wait3A_59 = tpu.memref_slice %arg4[%dma_wait3A_57, %dma_wait3A_58] : memref<16384x1024xf32, #tpu.memory_space<hbm>> -> memref<16x1024xf32, #tpu.memory_space<hbm>>
    %dma_wait3A_60 = arith.constant 0 : i32
    %dma_wait3A_61 = arith.constant 0 : i32
    %dma_wait3A_62 = tpu.memref_slice %arg4[%dma_wait3A_60, %dma_wait3A_61] : memref<16384x1024xf32, #tpu.memory_space<hbm>> -> memref<16x1024xf32, #tpu.memory_space<hbm>>
    tpu.wait_dma2 semaphore(%arg39 : memref<!tpu.dma_semaphore, #tpu.memory_space<semaphore_mem>>) src(%dma_wait3A_62 : memref<16x1024xf32, #tpu.memory_space<hbm>>) dst(%arg20 : memref<16x1024xf32, #tpu.memory_space<vmem>>)
    %dma_wait3A_63 = arith.constant 0 : i32
    %dma_wait3A_64 = arith.constant 0 : i32
    %dma_wait3A_65 = tpu.memref_slice %arg4[%dma_wait3A_63, %dma_wait3A_64] : memref<16384x1024xf32, #tpu.memory_space<hbm>> -> memref<16x1024xf32, #tpu.memory_space<hbm>>
    %dma_wait3A_66 = arith.constant 0 : i32
    %dma_wait3A_67 = arith.constant 0 : i32
    %dma_wait3A_68 = tpu.memref_slice %arg4[%dma_wait3A_66, %dma_wait3A_67] : memref<16384x1024xf32, #tpu.memory_space<hbm>> -> memref<16x1024xf32, #tpu.memory_space<hbm>>
    tpu.wait_dma2 semaphore(%arg39 : memref<!tpu.dma_semaphore, #tpu.memory_space<semaphore_mem>>) src(%dma_wait3A_68 : memref<16x1024xf32, #tpu.memory_space<hbm>>) dst(%arg21 : memref<16x1024xf32, #tpu.memory_space<vmem>>)
    %dma_wait3A_69 = arith.constant 0 : i32
    %dma_wait3A_70 = arith.constant 0 : i32
    %dma_wait3A_71 = tpu.memref_slice %arg4[%dma_wait3A_69, %dma_wait3A_70] : memref<16384x1024xf32, #tpu.memory_space<hbm>> -> memref<16x1024xf32, #tpu.memory_space<hbm>>
    %dma_wait3A_72 = arith.constant 0 : i32
    %dma_wait3A_73 = arith.constant 0 : i32
    %dma_wait3A_74 = tpu.memref_slice %arg4[%dma_wait3A_72, %dma_wait3A_73] : memref<16384x1024xf32, #tpu.memory_space<hbm>> -> memref<16x1024xf32, #tpu.memory_space<hbm>>
    tpu.wait_dma2 semaphore(%arg39 : memref<!tpu.dma_semaphore, #tpu.memory_space<semaphore_mem>>) src(%dma_wait3A_74 : memref<16x1024xf32, #tpu.memory_space<hbm>>) dst(%arg22 : memref<16x1024xf32, #tpu.memory_space<vmem>>)
    %dma_wait3A_75 = arith.constant 0 : i32
    %dma_wait3A_76 = tpu.memref_slice %arg7[%dma_wait3A_75] : memref<16384xi32, #tpu.memory_space<hbm>> -> memref<16xi32, #tpu.memory_space<hbm>>
    %dma_wait3A_77 = arith.constant 0 : i32
    %dma_wait3A_78 = tpu.memref_slice %arg7[%dma_wait3A_77] : memref<16384xi32, #tpu.memory_space<hbm>> -> memref<16xi32, #tpu.memory_space<hbm>>
    tpu.wait_dma2 semaphore(%arg43 : memref<!tpu.dma_semaphore, #tpu.memory_space<semaphore_mem>>) src(%dma_wait3A_78 : memref<16xi32, #tpu.memory_space<hbm>>) dst(%arg28 : memref<16xi32, #tpu.memory_space<vmem>>)
    %dma_wait3A_79 = arith.constant 0 : i32
    %dma_wait3A_80 = tpu.memref_slice %arg7[%dma_wait3A_79] : memref<16384xi32, #tpu.memory_space<hbm>> -> memref<16xi32, #tpu.memory_space<hbm>>
    %dma_wait3A_81 = arith.constant 0 : i32
    %dma_wait3A_82 = tpu.memref_slice %arg7[%dma_wait3A_81] : memref<16384xi32, #tpu.memory_space<hbm>> -> memref<16xi32, #tpu.memory_space<hbm>>
    tpu.wait_dma2 semaphore(%arg43 : memref<!tpu.dma_semaphore, #tpu.memory_space<semaphore_mem>>) src(%dma_wait3A_82 : memref<16xi32, #tpu.memory_space<hbm>>) dst(%arg29 : memref<16xi32, #tpu.memory_space<vmem>>)
    %dma_wait3A_83 = arith.constant 0 : i32
    %dma_wait3A_84 = tpu.memref_slice %arg7[%dma_wait3A_83] : memref<16384xi32, #tpu.memory_space<hbm>> -> memref<16xi32, #tpu.memory_space<hbm>>
    %dma_wait3A_85 = arith.constant 0 : i32
    %dma_wait3A_86 = tpu.memref_slice %arg7[%dma_wait3A_85] : memref<16384xi32, #tpu.memory_space<hbm>> -> memref<16xi32, #tpu.memory_space<hbm>>
    tpu.wait_dma2 semaphore(%arg43 : memref<!tpu.dma_semaphore, #tpu.memory_space<semaphore_mem>>) src(%dma_wait3A_86 : memref<16xi32, #tpu.memory_space<hbm>>) dst(%arg30 : memref<16xi32, #tpu.memory_space<vmem>>)
    %mul3A_87 = arith.constant 352 : i32
    %mul3A_88 = arith.muli %add3A, %mul3A_87 : i32
    %multiple_of3A_89 = tpu.assume_multiple %mul3A_88, 8 : i32
    "tpu.region"() ({
      %run_scoped3A = tpu.sem_alloc : memref<!tpu.dma_semaphore, #tpu.memory_space<semaphore_mem>>
      %dma_start3A_102 = tpu.memref_slice %arg14[%multiple_of3A_89] : memref<11264xi32, #tpu.memory_space<hbm>> -> memref<352xi32, #tpu.memory_space<hbm>>
      %dma_start3A_103 = tpu.memref_slice %arg14[%multiple_of3A_89] : memref<11264xi32, #tpu.memory_space<hbm>> -> memref<352xi32, #tpu.memory_space<hbm>>
      tpu.enqueue_dma source(%arg34 : memref<352xi32, #tpu.memory_space<vmem>>) target(%dma_start3A_103 : memref<352xi32, #tpu.memory_space<hbm>>) target_semaphore(%run_scoped3A : memref<!tpu.dma_semaphore, #tpu.memory_space<semaphore_mem>>)
      %dma_wait3A_104 = tpu.memref_slice %arg14[%multiple_of3A_89] : memref<11264xi32, #tpu.memory_space<hbm>> -> memref<352xi32, #tpu.memory_space<hbm>>
      %dma_wait3A_105 = tpu.memref_slice %arg14[%multiple_of3A_89] : memref<11264xi32, #tpu.memory_space<hbm>> -> memref<352xi32, #tpu.memory_space<hbm>>
      tpu.wait_dma2 semaphore(%run_scoped3A : memref<!tpu.dma_semaphore, #tpu.memory_space<semaphore_mem>>) src(%arg34 : memref<352xi32, #tpu.memory_space<vmem>>) dst(%dma_wait3A_105 : memref<352xi32, #tpu.memory_space<hbm>>)
      tpu.yield
    }) : () -> ()
    "tpu.region"() ({
      %run_scoped3A = tpu.sem_alloc : memref<!tpu.dma_semaphore, #tpu.memory_space<semaphore_mem>>
      %dma_start3A_102 = tpu.memref_slice %arg15[%multiple_of3A_89] : memref<11264xi32, #tpu.memory_space<hbm>> -> memref<352xi32, #tpu.memory_space<hbm>>
      %dma_start3A_103 = tpu.memref_slice %arg15[%multiple_of3A_89] : memref<11264xi32, #tpu.memory_space<hbm>> -> memref<352xi32, #tpu.memory_space<hbm>>
      tpu.enqueue_dma source(%arg35 : memref<352xi32, #tpu.memory_space<vmem>>) target(%dma_start3A_103 : memref<352xi32, #tpu.memory_space<hbm>>) target_semaphore(%run_scoped3A : memref<!tpu.dma_semaphore, #tpu.memory_space<semaphore_mem>>)
      %dma_wait3A_104 = tpu.memref_slice %arg15[%multiple_of3A_89] : memref<11264xi32, #tpu.memory_space<hbm>> -> memref<352xi32, #tpu.memory_space<hbm>>
      %dma_wait3A_105 = tpu.memref_slice %arg15[%multiple_of3A_89] : memref<11264xi32, #tpu.memory_space<hbm>> -> memref<352xi32, #tpu.memory_space<hbm>>
      tpu.wait_dma2 semaphore(%run_scoped3A : memref<!tpu.dma_semaphore, #tpu.memory_space<semaphore_mem>>) src(%arg35 : memref<352xi32, #tpu.memory_space<vmem>>) dst(%dma_wait3A_105 : memref<352xi32, #tpu.memory_space<hbm>>)
      tpu.yield
    }) : () -> ()
    "tpu.region"() ({
      %run_scoped3A = tpu.sem_alloc : memref<!tpu.dma_semaphore, #tpu.memory_space<semaphore_mem>>
      %dma_start3A_102 = tpu.memref_slice %arg16[%multiple_of3A_89] : memref<11264xi32, #tpu.memory_space<hbm>> -> memref<352xi32, #tpu.memory_space<hbm>>
      %dma_start3A_103 = tpu.memref_slice %arg16[%multiple_of3A_89] : memref<11264xi32, #tpu.memory_space<hbm>> -> memref<352xi32, #tpu.memory_space<hbm>>
      tpu.enqueue_dma source(%arg36 : memref<352xi32, #tpu.memory_space<vmem>>) target(%dma_start3A_103 : memref<352xi32, #tpu.memory_space<hbm>>) target_semaphore(%run_scoped3A : memref<!tpu.dma_semaphore, #tpu.memory_space<semaphore_mem>>)
      %dma_wait3A_104 = tpu.memref_slice %arg16[%multiple_of3A_89] : memref<11264xi32, #tpu.memory_space<hbm>> -> memref<352xi32, #tpu.memory_space<hbm>>
      %dma_wait3A_105 = tpu.memref_slice %arg16[%multiple_of3A_89] : memref<11264xi32, #tpu.memory_space<hbm>> -> memref<352xi32, #tpu.memory_space<hbm>>
      tpu.wait_dma2 semaphore(%run_scoped3A : memref<!tpu.dma_semaphore, #tpu.memory_space<semaphore_mem>>) src(%arg36 : memref<352xi32, #tpu.memory_space<vmem>>) dst(%dma_wait3A_105 : memref<352xi32, #tpu.memory_space<hbm>>)
      tpu.yield
    }) : () -> ()
    %dma_wait3A_90 = arith.constant 0 : i32
    %dma_wait3A_91 = arith.constant 0 : i32
    %dma_wait3A_92 = tpu.memref_slice %arg10[%dma_wait3A_90, %dma_wait3A_91] : memref<5461x1024xf32, #tpu.memory_space<hbm>> -> memref<8x1024xf32, #tpu.memory_space<hbm>>
    %dma_wait3A_93 = arith.constant 0 : i32
    %dma_wait3A_94 = arith.constant 0 : i32
    %dma_wait3A_95 = tpu.memref_slice %arg10[%dma_wait3A_93, %dma_wait3A_94] : memref<5461x1024xf32, #tpu.memory_space<hbm>> -> memref<8x1024xf32, #tpu.memory_space<hbm>>
    tpu.wait_dma2 semaphore(%arg41 : memref<!tpu.dma_semaphore, #tpu.memory_space<semaphore_mem>>) src(%arg26 : memref<8x1024xf32, #tpu.memory_space<vmem>>) dst(%dma_wait3A_95 : memref<8x1024xf32, #tpu.memory_space<hbm>>)
    %dma_wait3A_96 = arith.constant 0 : i32
    %dma_wait3A_97 = arith.constant 0 : i32
    %dma_wait3A_98 = tpu.memref_slice %arg10[%dma_wait3A_96, %dma_wait3A_97] : memref<5461x1024xf32, #tpu.memory_space<hbm>> -> memref<8x1024xf32, #tpu.memory_space<hbm>>
    %dma_wait3A_99 = arith.constant 0 : i32
    %dma_wait3A_100 = arith.constant 0 : i32
    %dma_wait3A_101 = tpu.memref_slice %arg10[%dma_wait3A_99, %dma_wait3A_100] : memref<5461x1024xf32, #tpu.memory_space<hbm>> -> memref<8x1024xf32, #tpu.memory_space<hbm>>
    tpu.wait_dma2 semaphore(%arg42 : memref<!tpu.dma_semaphore, #tpu.memory_space<semaphore_mem>>) src(%arg27 : memref<8x1024xf32, #tpu.memory_space<vmem>>) dst(%dma_wait3A_101 : memref<8x1024xf32, #tpu.memory_space<hbm>>)
    return
  }
}

module attributes {stable_mosaic.version = 14 : i64} {
  func.func @_keys_body(%arg0: memref<16384x1xi32, #tpu.memory_space<vmem>>, %arg1: memref<64x1xf32, #tpu.memory_space<vmem>>, %arg2: memref<16384x1xf32, #tpu.memory_space<vmem>>) attributes {dimension_semantics = [], scalar_prefetch = 0 : i64, scratch_operands = 0 : i64, tpu.core_type = #tpu.core_type<tc>} {
    %iota3A = tpu.iota {dimensions = array<i32: 1>} : vector<16384x64xi32>
    %iota3A_0 = tpu.iota {dimensions = array<i32: 0>} : vector<16384x1xi32>
    %convert_element_type3A = arith.sitofp %iota3A_0 : vector<16384x1xi32> to vector<16384x1xf32>
    %get3A = arith.constant 0 : index
    %get3A_1 = arith.constant 0 : index
    %get3A_2 = vector.load %arg0[%get3A, %get3A_1] : memref<16384x1xi32, #tpu.memory_space<vmem>>, vector<16384x1xi32>
    %get3A_3 = arith.constant 0 : index
    %get3A_4 = arith.constant 0 : index
    %get3A_5 = vector.load %arg1[%get3A_3, %get3A_4] : memref<64x1xf32, #tpu.memory_space<vmem>>, vector<64x1xf32>
    %eq3A = vector.broadcast %get3A_2 : vector<16384x1xi32> to vector<16384x64xi32>
    %eq3A_6 = arith.cmpi eq, %iota3A, %eq3A : vector<16384x64xi32>
    %jit3A = arith.constant 1.000000e+00 : f32
    %jit3A_7 = arith.constant 0.000000e+00 : f32
    %broadcast_in_dim3A = vector.broadcast %jit3A : f32 to vector<16384x64xf32>
    %broadcast_in_dim3A_8 = vector.broadcast %jit3A_7 : f32 to vector<16384x64xf32>
    %select_n3A = arith.select %eq3A_6, %broadcast_in_dim3A, %broadcast_in_dim3A_8 : vector<16384x64xi1>, vector<16384x64xf32>
    %dot_general3A = arith.constant dense<0.000000e+00> : vector<16384x1xf32>
    %dot_general3A_9 = tpu.matmul %select_n3A, %get3A_5, %dot_general3A {dimension_numbers = #tpu.dot_dimension_numbers<[1], [0], [0], [1], [0, 0, 1, 1], [], []>, transpose_lhs_hint = false} : vector<16384x64xf32>, vector<64x1xf32>, vector<16384x1xf32> -> vector<16384x1xf32>
    %mul3A = arith.constant 2.621440e+05 : f32
    %mul3A_10 = vector.broadcast %mul3A : f32 to vector<16384x1xf32>
    %mul3A_11 = arith.mulf %dot_general3A_9, %mul3A_10 : vector<16384x1xf32>
    %add3A = arith.addf %mul3A_11, %convert_element_type3A : vector<16384x1xf32>
    %swap3A = arith.constant 0 : index
    %swap3A_12 = arith.constant 0 : index
    %swap3A_13 = vector.load %arg2[%swap3A, %swap3A_12] : memref<16384x1xf32, #tpu.memory_space<vmem>>, vector<16384x1xf32>
    tpu.vector_store %arg2[%swap3A, %swap3A_12], %add3A {strides = array<i32>} : memref<16384x1xf32, #tpu.memory_space<vmem>>, vector<16384x1xf32>,
    return
  }
}

module attributes {stable_mosaic.version = 14 : i64} {
  func.func @_lab_body(%arg0: memref<5461x8xi32, #tpu.memory_space<vmem>>, %arg1: memref<5461x151xf32, #tpu.memory_space<vmem>>, %arg2: memref<5461x151xf32, #tpu.memory_space<vmem>>, %arg3: memref<5461x51xf32, #tpu.memory_space<vmem>>) attributes {dimension_semantics = [], scalar_prefetch = 0 : i64, scratch_operands = 0 : i64, tpu.core_type = #tpu.core_type<tc>} {
    %get3A = arith.constant 0 : index
    %get3A_0 = arith.constant 0 : index
    %get3A_1 = vector.load %arg0[%get3A, %get3A_0] : memref<5461x8xi32, #tpu.memory_space<vmem>>, vector<5461x8xi32>
    %iota3A = tpu.iota {dimensions = array<i32: 1>} : vector<5461x151xi32>
    %slice3A = vector.extract_strided_slice %get3A_1 {offsets = [0, 0], sizes = [5461, 1], strides = [1, 1]} : vector<5461x8xi32> to vector<5461x1xi32>
    %slice3A_2 = vector.extract_strided_slice %get3A_1 {offsets = [0, 1], sizes = [5461, 1], strides = [1, 1]} : vector<5461x8xi32> to vector<5461x1xi32>
    %eq3A = vector.broadcast %slice3A : vector<5461x1xi32> to vector<5461x151xi32>
    %eq3A_3 = arith.cmpi eq, %iota3A, %eq3A : vector<5461x151xi32>
    %jit3A = arith.constant 6.500000e-01 : f32
    %jit3A_4 = arith.constant 0.000000e+00 : f32
    %broadcast_in_dim3A = vector.broadcast %jit3A : f32 to vector<5461x151xf32>
    %broadcast_in_dim3A_5 = vector.broadcast %jit3A_4 : f32 to vector<5461x151xf32>
    %select_n3A = arith.select %eq3A_3, %broadcast_in_dim3A, %broadcast_in_dim3A_5 : vector<5461x151xi1>, vector<5461x151xf32>
    %eq3A_6 = vector.broadcast %slice3A_2 : vector<5461x1xi32> to vector<5461x151xi32>
    %eq3A_7 = arith.cmpi eq, %iota3A, %eq3A_6 : vector<5461x151xi32>
    %jit3A_8 = arith.constant 3.500000e-01 : f32
    %jit3A_9 = arith.constant 0.000000e+00 : f32
    %broadcast_in_dim3A_10 = vector.broadcast %jit3A_8 : f32 to vector<5461x151xf32>
    %broadcast_in_dim3A_11 = vector.broadcast %jit3A_9 : f32 to vector<5461x151xf32>
    %select_n3A_12 = arith.select %eq3A_7, %broadcast_in_dim3A_10, %broadcast_in_dim3A_11 : vector<5461x151xi1>, vector<5461x151xf32>
    %add3A = arith.addf %select_n3A, %select_n3A_12 : vector<5461x151xf32>
    %swap3A = arith.constant 0 : index
    %swap3A_13 = arith.constant 0 : index
    %swap3A_14 = vector.load %arg1[%swap3A, %swap3A_13] : memref<5461x151xf32, #tpu.memory_space<vmem>>, vector<5461x151xf32>
    tpu.vector_store %arg1[%swap3A, %swap3A_13], %add3A {strides = array<i32>} : memref<5461x151xf32, #tpu.memory_space<vmem>>, vector<5461x151xf32>,
    %iota3A_15 = tpu.iota {dimensions = array<i32: 1>} : vector<5461x151xi32>
    %slice3A_16 = vector.extract_strided_slice %get3A_1 {offsets = [0, 2], sizes = [5461, 1], strides = [1, 1]} : vector<5461x8xi32> to vector<5461x1xi32>
    %slice3A_17 = vector.extract_strided_slice %get3A_1 {offsets = [0, 3], sizes = [5461, 1], strides = [1, 1]} : vector<5461x8xi32> to vector<5461x1xi32>
    %eq3A_18 = vector.broadcast %slice3A_16 : vector<5461x1xi32> to vector<5461x151xi32>
    %eq3A_19 = arith.cmpi eq, %iota3A_15, %eq3A_18 : vector<5461x151xi32>
    %jit3A_20 = arith.constant 6.500000e-01 : f32
    %jit3A_21 = arith.constant 0.000000e+00 : f32
    %broadcast_in_dim3A_22 = vector.broadcast %jit3A_20 : f32 to vector<5461x151xf32>
    %broadcast_in_dim3A_23 = vector.broadcast %jit3A_21 : f32 to vector<5461x151xf32>
    %select_n3A_24 = arith.select %eq3A_19, %broadcast_in_dim3A_22, %broadcast_in_dim3A_23 : vector<5461x151xi1>, vector<5461x151xf32>
    %eq3A_25 = vector.broadcast %slice3A_17 : vector<5461x1xi32> to vector<5461x151xi32>
    %eq3A_26 = arith.cmpi eq, %iota3A_15, %eq3A_25 : vector<5461x151xi32>
    %jit3A_27 = arith.constant 3.500000e-01 : f32
    %jit3A_28 = arith.constant 0.000000e+00 : f32
    %broadcast_in_dim3A_29 = vector.broadcast %jit3A_27 : f32 to vector<5461x151xf32>
    %broadcast_in_dim3A_30 = vector.broadcast %jit3A_28 : f32 to vector<5461x151xf32>
    %select_n3A_31 = arith.select %eq3A_26, %broadcast_in_dim3A_29, %broadcast_in_dim3A_30 : vector<5461x151xi1>, vector<5461x151xf32>
    %add3A_32 = arith.addf %select_n3A_24, %select_n3A_31 : vector<5461x151xf32>
    %swap3A_33 = arith.constant 0 : index
    %swap3A_34 = arith.constant 0 : index
    %swap3A_35 = vector.load %arg2[%swap3A_33, %swap3A_34] : memref<5461x151xf32, #tpu.memory_space<vmem>>, vector<5461x151xf32>
    tpu.vector_store %arg2[%swap3A_33, %swap3A_34], %add3A_32 {strides = array<i32>} : memref<5461x151xf32, #tpu.memory_space<vmem>>, vector<5461x151xf32>,
    %iota3A_36 = tpu.iota {dimensions = array<i32: 1>} : vector<5461x51xi32>
    %slice3A_37 = vector.extract_strided_slice %get3A_1 {offsets = [0, 4], sizes = [5461, 1], strides = [1, 1]} : vector<5461x8xi32> to vector<5461x1xi32>
    %slice3A_38 = vector.extract_strided_slice %get3A_1 {offsets = [0, 5], sizes = [5461, 1], strides = [1, 1]} : vector<5461x8xi32> to vector<5461x1xi32>
    %eq3A_39 = vector.broadcast %slice3A_37 : vector<5461x1xi32> to vector<5461x51xi32>
    %eq3A_40 = arith.cmpi eq, %iota3A_36, %eq3A_39 : vector<5461x51xi32>
    %jit3A_41 = arith.constant 6.500000e-01 : f32
    %jit3A_42 = arith.constant 0.000000e+00 : f32
    %broadcast_in_dim3A_43 = vector.broadcast %jit3A_41 : f32 to vector<5461x51xf32>
    %broadcast_in_dim3A_44 = vector.broadcast %jit3A_42 : f32 to vector<5461x51xf32>
    %select_n3A_45 = arith.select %eq3A_40, %broadcast_in_dim3A_43, %broadcast_in_dim3A_44 : vector<5461x51xi1>, vector<5461x51xf32>
    %eq3A_46 = vector.broadcast %slice3A_38 : vector<5461x1xi32> to vector<5461x51xi32>
    %eq3A_47 = arith.cmpi eq, %iota3A_36, %eq3A_46 : vector<5461x51xi32>
    %jit3A_48 = arith.constant 3.500000e-01 : f32
    %jit3A_49 = arith.constant 0.000000e+00 : f32
    %broadcast_in_dim3A_50 = vector.broadcast %jit3A_48 : f32 to vector<5461x51xf32>
    %broadcast_in_dim3A_51 = vector.broadcast %jit3A_49 : f32 to vector<5461x51xf32>
    %select_n3A_52 = arith.select %eq3A_47, %broadcast_in_dim3A_50, %broadcast_in_dim3A_51 : vector<5461x51xi1>, vector<5461x51xf32>
    %add3A_53 = arith.addf %select_n3A_45, %select_n3A_52 : vector<5461x51xf32>
    %swap3A_54 = arith.constant 0 : index
    %swap3A_55 = arith.constant 0 : index
    %swap3A_56 = vector.load %arg3[%swap3A_54, %swap3A_55] : memref<5461x51xf32, #tpu.memory_space<vmem>>, vector<5461x51xf32>
    tpu.vector_store %arg3[%swap3A_54, %swap3A_55], %add3A_53 {strides = array<i32>} : memref<5461x51xf32, #tpu.memory_space<vmem>>, vector<5461x51xf32>,
    return
  }
}

</mosaic_0001>

<sc_bundles>
// kernel: kernel.5.cloned.1.call-start
scs
__scs_entry_jumppad:
0x0: {  	(pc) =	sbr.rel $0x88, $3  }
0x1: {  	(tag) =	ssettag $0x0;
	lr =	simm.s32 $0x1  }
0x2: {  	[smem:$0x3F9A] =	sst lr;
	_ =	strace $0xD0000000  }
0x3: {  	_ = 	snop  }
0x4: {  	_ = 	snop  }
0x5: {  	_ = 	snop  }
0x6: {  	_ = 	snop  }
0x7: {  	_ = 	snop  }
__scs_overlays_trampoline_lowered:
0x8: {  	[smem:$0x3FA9] =	sst s0  }
0x9: {  	[smem:$0x3FAA] =	sst s1  }
0xa: {  	[smem:$0x3FAB] =	sst s2  }
0xb: {  	[smem:$0x3FAC] =	sst s3  }
0xc: {  	[smem:$0x3FAD] =	sst s4  }
0xd: {  	[smem:$0x3FAE] =	sst s5  }
0xe: {  	[smem:$0x3FAF] =	sst s6  }
0xf: {  	[smem:$0x3FB0] =	sst s7  }
0x10: {  	[smem:$0x3FB1] =	sst s8  }
0x11: {  	[smem:$0x3FB2] =	sst s9;
	s0 =	simm.s32 @!p0 $0x0  }
0x12: {  	s1 =	sld [smem:$0x3F98];
	s0 =	simm.s32 @p0 $0x1  }
0x13: {  	[smem:$0x3FB3] =	sst s0;
	s0 =	simm.s32 @!p1 $0x0  }
0x14: {  	s2 =	sld [smem:$0x3F97];
	s0 =	simm.s32 @p1 $0x1  }
0x15: {  	[smem:$0x3FB4] =	sst s0;
	s0 =	simm.s32 @!p2 $0x0  }
0x16: {  	s3 =	sld [smem:$0x3FDB];
	s0 =	simm.s32 @p2 $0x1  }
0x17: {  	s4 =	simm.s32 $0x1BF5;
	[smem:$0x3FB6] =	sst s0  }
0x18: {  	s0 =	sld [smem:$0x3F99];
	_ =	swait.ge [sflag:s4], $0x0  }
0x19: {  	s7 =	sld [smem:$0x3F9A]  }
0x1a: {  	s8 =	sadd.s32 $0xFFFFE003, lr  }
0x1b: {  	s9 =	sadd.s32 $0xFFFFFEF7, lr;
	s5 =	simm.s32 $0xFFFFFFFF;
	p2 =	slt.u32 s8, $0xFFFFF086  }
0x1c: {  	p1 =	slt.u32 s9, $0xF7A;
	s5 =	simm.s32 @!p2 $0x0  }
0x1d: {  	s5 =	simm.s32 @p1 $0x1;
	p0 =	seq.s32 s7, s2  }
0x1e: {  	s7 =	smul.u32 @!p0 $0xF7A, s2;
	p2 =	seq.s32 @!p0 s5, $0x0  }
0x1f: {  	s9 =	smul.u32 $0xF7A, s1;
	s8 =	simm.s32 @!p0 $0x1BF5;
	p2 =	por !p2, p0  }
0x20: {  	[sflag:s8] =	ssyncset.s32 @!p0 $0xFFFFF086;
	s6 =	sadd.s32 @!p0 s3, s7;
	s7 =	simm.s32 @!p0 $0x108  }
0x21: {  	s3 =	sadd.s32 s3, s9;
	s6 =	sadd.s32 @!p0 $0x88, s6;
	s7 =	simm.s32 @p2 $0x1082  }
0x22: {  	[simem:s7], [sflag:s8] =	dma.local @!p0 [hbm:s6], $0xF7A  }
0x23: {  	s9 =	sor.u32 $0xD0000000, s2;
	s6 =	simm.s32 $0x108;
	_ =	swait.ge @!p0 [sflag:s8], $0x0  }
0x24: {  	s3 =	sadd.s32 $0x88, s3;
	s6 =	simm.s32 @!p1 $0x1082;
	[sflag:s4] =	ssyncset.s32 $0xFFFFF086  }
0x25: {  	[simem:s6], [sflag:s4] =	dma.local [hbm:s3], $0xF7A  }
0x26: {  	[smem:$0x3F9A] =	sst s1;
	(tag) =	ssettag s2;
	_ =	strace s9  }
0x27: {  	s1 =	sld [smem:$0x3FAA]  }
0x28: {  	s2 =	sld [smem:$0x3FAB]  }
0x29: {  	s4 =	sld [smem:$0x3FAD]  }
0x2a: {  	p0 =	seq.s32 s5, $0x0;
	s5 =	sld [smem:$0x3FAE]  }
0x2b: {  	s6 =	sld [smem:$0x3FAF]  }
0x2c: {  	s7 =	sld [smem:$0x3FB0]  }
0x2d: {  	s3 =	simm.s32 $0x108;
	s8 =	sld [smem:$0x3FB1]  }
0x2e: {  	s3 =	simm.s32 @!p0 $0x1082;
	s9 =	sld [smem:$0x3FB2]  }
0x2f: {  	lr =	sadd.s32 s0, s3;
	s0 =	sld [smem:$0x3FA9]  }
0x30: {  	s3 =	sld [smem:$0x3FAC]  }
0x31: {  	[smem:$0x3FB5] =	sst s10  }
0x32: {  	s10 =	sld [smem:$0x3FB3];
	_ =	sdelay $0x3  }
0x33: {  	p0 =	seq.s32 s10, $0x1;
	s10 =	sld [smem:$0x3FB5];
	_ =	sdelay $0x3  }
0x34: {  	[smem:$0x3FB5] =	sst s10  }
0x35: {  	s10 =	sld [smem:$0x3FB4];
	_ =	sdelay $0x3  }
0x36: {  	p1 =	seq.s32 s10, $0x1;
	s10 =	sld [smem:$0x3FB5];
	_ =	sdelay $0x3  }
0x37: {  	[smem:$0x3FB5] =	sst s10  }
0x38: {  	s10 =	sld [smem:$0x3FB6]  }
0x39: {  	_ = 	snop;
	(pc) =	sbr.ind lr, $3  }
0x3a: {  	_ = 	snop  }
0x3b: {  	_ = 	snop  }
0x3c: {  	p2 =	seq.s32 s10, $0x1;
	s10 =	sld [smem:$0x3FB5]  }
0x3d: {  	_ =	shalt  }
0x3e: {  	_ =	shalt  }
0x3f: {  	_ =	shalt  }
0x40: {  	_ =	shalt  }
0x41: {  	_ =	shalt  }
0x42: {  	_ =	shalt  }
0x43: {  	_ =	shalt  }
0x44: {  	_ =	shalt  }
0x45: {  	_ =	shalt  }
0x46: {  	_ =	shalt  }
0x47: {  	_ =	shalt  }
0x48: {  	_ =	shalt  }
0x49: {  	_ =	shalt  }
0x4a: {  	_ =	shalt  }
0x4b: {  	_ =	shalt  }
0x4c: {  	_ =	shalt  }
0x4d: {  	_ =	shalt  }
0x4e: {  	_ =	shalt  }
0x4f: {  	_ =	shalt  }
0x50: {  	_ =	shalt  }
0x51: {  	_ =	shalt  }
0x52: {  	_ =	shalt  }
0x53: {  	_ =	shalt  }
0x54: {  	_ =	shalt  }
0x55: {  	_ =	shalt  }
0x56: {  	_ =	shalt  }
0x57: {  	_ =	shalt  }
0x58: {  	_ =	shalt  }
0x59: {  	_ =	shalt  }
0x5a: {  	_ =	shalt  }
0x5b: {  	_ =	shalt  }
0x5c: {  	_ =	shalt  }
0x5d: {  	_ =	shalt  }
0x5e: {  	_ =	shalt  }
0x5f: {  	_ =	shalt  }
0x60: {  	_ =	shalt  }
0x61: {  	_ =	shalt  }
0x62: {  	_ =	shalt  }
0x63: {  	_ =	shalt  }
0x64: {  	_ =	shalt  }
0x65: {  	_ =	shalt  }
0x66: {  	_ =	shalt  }
0x67: {  	_ =	shalt  }
0x68: {  	_ =	shalt  }
0x69: {  	_ =	shalt  }
0x6a: {  	_ =	shalt  }
0x6b: {  	_ =	shalt  }
0x6c: {  	_ =	shalt  }
0x6d: {  	_ =	shalt  }
0x6e: {  	_ =	shalt  }
0x6f: {  	_ =	shalt  }
0x70: {  	_ =	shalt  }
0x71: {  	_ =	shalt  }
0x72: {  	_ =	shalt  }
0x73: {  	_ =	shalt  }
0x74: {  	_ =	shalt  }
0x75: {  	_ =	shalt  }
0x76: {  	_ =	shalt  }
0x77: {  	_ =	shalt  }
0x78: {  	_ =	shalt  }
0x79: {  	_ =	shalt  }
0x7a: {  	_ =	shalt  }
0x7b: {  	_ =	shalt  }
0x7c: {  	_ =	shalt  }
0x7d: {  	_ =	shalt  }
0x7e: {  	_ =	shalt  }
0x7f: {  	_ =	shalt  }
0x80: {  	_ =	shalt  }
0x81: {  	_ =	shalt  }
0x82: {  	_ =	shalt  }
0x83: {  	_ =	shalt  }
0x84: {  	_ =	shalt  }
0x85: {  	_ =	shalt  }
0x86: {  	_ =	shalt  }
0x87: {  	_ =	shalt  }
.Lfunc_end0:
.L_simem_size_0:
called_computation_lowered:
.L_overlay_start_0:
0x88: {  	s2 =	sld [smem:$0x3FD9]  }
0x89: {  	s3 =	sld [smem:$0x3FFE];
	_ =	sdelay $0x1  }
0x8a: {  	s1 =	srdreg.scid  }
0x8b: {  	s0 =	sand.u32 $0x1, s1  }
0x8c: {  	s28 =	sshll.u32 s0, $0xA;
	s2 =	sadd.s32 s3, s2  }
0x8d: {  	s2 =	sadd.s32 s2, s28  }
0x8e: {  	[smem:$0x3FC1] =	sst s2  }
0x8f: {  	_ = 	snop  }
0x90: {  	s3 =	sld [smem:$0x3FC9]  }
0x91: {  	s2 =	sld [smem:$0x3FC8]  }
0x92: {  	s5 =	sld [smem:$0x3FC7]  }
0x93: {  	s7 =	sld [smem:$0x3FD0]  }
0x94: {  	s4 =	sld [smem:$0x3FC6]  }
0x95: {  	s8 =	sld [smem:$0x3FC5]  }
0x96: {  	s9 =	simm.s32 $0xA;
	s10 =	simm.s32 $0x10;
	s6 =	sld [smem:$0x3FC4]  }
0x97: {  	[smem:s10], [sflag:s9] =	dma.local [hbm:s7], $0x1  }
0x98: {  	_ =	swait.eq [sflag:s9], $0x1  }
0x99: {  	s29 =	sld [smem:$0x10]  }
0x9a: {  	s30 =	sld [smem:$0x11]  }
0x9b: {  	s11 =	sld [smem:$0x12]  }
0x9c: {  	s12 =	sld [smem:$0x13];
	[sflag:s9] =	ssyncset.done $0x0  }
0x9d: {  	s13 =	sld [smem:$0x14];
	[sflag:s9] =	ssyncadd.s32 $0xFFFFFFFF  }
0x9e: {  	s31 =	sld [smem:$0x15];
	(tm) =	ssettm $0x1  }
0x9f: {  	s14 =	sld [smem:$0x3FFB];
	_ =	sdelay $0x3  }
0xa0: {  	_ =	strace s14  }
0xa1: {  	s14 =	sld [smem:$0x3FFC];
	_ =	sdelay $0x3  }
0xa2: {  	_ =	strace s14  }
0xa3: {  	s14 =	sld [smem:$0x3FFD];
	_ =	sdelay $0x3  }
0xa4: {  	_ =	strace s14  }
0xa5: {  	_ =	strace $0x8FFFFFFF  }
0xa6: {  	s19 =	sld [smem:$0x3FDB];
	_ =	sdelay $0x1  }
0xa7: {  	s15 =	simm.s32 $_scs_section_size  }
0xa8: {  	s16 =	simm.s32 $_size__tile_overlayer_lowered;
	s17 =	simm.s32 $_tile_overlayer_lowered  }
0xa9: {  	s22 =	simm.s32 $0x1BFF;
	s21 =	sshll.u32 s17, $0x1;
	s14 =	sadd.s32 s15, s19  }
0xaa: {  	s18 =	simm.s32 $0x0;
	s20 =	sshll.u32 s16, $0x1;
	s16 =	sadd.s32 s21, s14  }
0xab: {  	[timem:s18], [sflag:s22] =	dma.local [hbm:s16], s20  }
0xac: {  	_ =	swait.ge [sflag:s22], s20  }
0xad: {  	s15 =	ssub.s32 $0x0, s20;
	[sflag:s22] =	ssyncset.done $0x0  }
0xae: {  	[sflag:s22] =	ssyncadd.s32 s15;
	_ =	sdelay $0x1  }
0xaf: {  	s23 =	simm.s32 $0x1B8B  }
0xb0: {  	_ =	swait.ge [sflag:s23], $0x1  }
0xb1: {  	[sflag:s23] =	ssyncset.done $0x0  }
0xb2: {  	s25 =	simm.s32 $0x1B8E;
	s24 =	sld [smem:$0x3FFE];
	[sflag:s23] =	ssyncadd.s32 $0xFFFFFFFF  }
0xb3: {  	s26 =	simm.s32 $execute0_lowered;
	[smem:$0x3FD2] =	sst s25  }
0xb4: {  	s16 =	sshll.u32 s26, $0x1;
	_ =	strace $0x80000046;
	[dreg:$0x1] =	wrdreg $0xFFFFFFFF  }
0xb5: {  	s28 =	simm.s32 $_size_execute0_lowered;
	s14 =	sadd.s32 s14, s16;
	[dreg:$0x0] =	wrdreg $0x0  }
0xb6: {  	s16 =	sshll.u32 s28, $0x1;
	[dreg:$0x2] =	wrdreg s14  }
0xb7: {  	[dreg:$0x3] =	wrdreg s16  }
0xb8: {  	[dreg:$0x4] =	wrdreg $0xC0  }
0xb9: {  	_ =	task [dreg:s18], $0x5FFFF  }
0xba: {  	[dreg:$0x1] =	wrdreg $0xFFFFFFFF  }
0xbb: {  	[dreg:$0x0] =	wrdreg $0x60  }
0xbc: {  	[dreg:$0x2] =	wrdreg s12  }
0xbd: {  	[dreg:$0x3] =	wrdreg s31  }
0xbe: {  	[dreg:$0x4] =	wrdreg s3  }
0xbf: {  	[dreg:$0x5] =	wrdreg s5  }
0xc0: {  	[dreg:$0x6] =	wrdreg s8  }
0xc1: {  	[dreg:$0x7] =	wrdreg s2  }
0xc2: {  	[dreg:$0x8] =	wrdreg s4  }
0xc3: {  	[dreg:$0x9] =	wrdreg s6  }
0xc4: {  	[dreg:$0xa] =	wrdreg s29  }
0xc5: {  	[dreg:$0xb] =	wrdreg s11  }
0xc6: {  	[dreg:$0xc] =	wrdreg s13  }
0xc7: {  	[dreg:$0xd] =	wrdreg s24  }
0xc8: {  	[dreg:$0xe] =	wrdreg s30  }
0xc9: {  	[dreg:$0xf] =	wrdreg $0x9  }
0xca: {  	_ =	task.clear_ibuf [dreg:s18], $0x10FFFF;
	_ =	strace $0x90000046  }
0xcb: {  	s29 =	simm.s32 $0x9;
	_ =	strace $0x80000048  }
0xcc: {  	_ =	swait.ge [sflag:s29], $0x1  }
0xcd: {  	[sflag:s29] =	ssyncadd.s32 $0xFFFFFFFF  }
0xce: {  	_ =	strace $0x90000048  }
0xcf: {  	_ =	sfence  }
0xd0: {  	s30 =	sld [smem:$0x0];
	_ =	sdelay $0x2  }
0xd1: {  	s31 =	sshll.u32 s1, $0xD;
	s1 =	sshrl.u32 s1, $0x2  }
0xd2: {  	s3 =	sand.u32 $0x4000, s31;
	s1 =	sadd.s32 s1, s30  }
0xd3: {  	s0 =	sor.u32 s3, s0;
	s1 =	sshll.u32 s1, $0x11  }
0xd4: {  	s0 =	sor.u32 s1, s0  }
0xd5: {  	s0 =	sadd.s32 $0x8F2B, s0  }
0xd6: {  	[sflag:s0] =	ssyncadd.remote.s32 $0x1  }
0xd7: {  	_ =	sfence.sel $0xFFFF  }
0xd8: {  	[dreg:$0x0] =	wrdreg $0xFFFFFFFF;
	(pc) =	sbr.abs _section_cstart, $3  }
0xd9: {  	[dreg:$0x1] =	wrdreg $0xFFFFFFFF  }
0xda: {  	_ =	task.clear_ibuf [dreg:s18], $0x2FFFF;
	_ =	strace $0x9FFFFFFF  }
0xdb: {  	(tm) =	ssettm $0x7FFFFFFF  }
tec
execute0_lowered:
.L_overlay_start_1:
0x0: {  	(tag) =	ssettag $0x1  }
0x1: {  	s7 =	rddreg [dreg:$0x2]  }
0x2: {  	s8 =	rddreg [dreg:$0x3]  }
0x3: {  	s9 =	rddreg [dreg:$0x4]  }
0x4: {  	s10 =	rddreg [dreg:$0x8]  }
0x5: {  	s11 =	rddreg [dreg:$0x9]  }
0x6: {  	s12 =	rddreg [dreg:$0xa]  }
0x7: {  	s6 =	rddreg [dreg:$0xb]  }
0x8: {  	s2 =	rddreg [dreg:$0xc];
	s13 =	simm.s32 $0x0  }
0x9: {  	[smem:$0x7FF] =	sst s13;
	s30 =	sadd.s32 $0x100, s7  }
0xa: {  	s31 =	sadd.s32 $0x200, s7;
	_ =	strace $0x80000047;
	[smem:$0x7E9] =	sst s30  }
0xb: {  	s15 =	sadd.s32 $0x300, s7;
	[smem:$0x7EA] =	sst s31  }
0xc: {  	s0 =	srdreg.scid;
	s16 =	sadd.s32 $0x100, s8;
	[smem:$0x7EB] =	sst s15  }
0xd: {  	s1 =	stileid.u32;
	s21 =	sadd.s32 $0x200, s8;
	[smem:$0x7EC] =	sst s16  }
0xe: {  	s0 =	sand.u32 $0x1, s0;
	s22 =	sadd.s32 $0x300, s8;
	[smem:$0x7F3] =	sst s21  }
0xf: {  	s1 =	sshll.u32 s1, $0x1;
	s23 =	sadd.s32 $0x100, s9;
	[smem:$0x7F4] =	sst s22  }
0x10: {  	s24 =	sadd.s32 $0x200, s9;
	s25 =	sadd.s32 $0x300, s9;
	[smem:$0x7F5] =	sst s23  }
0x11: {  	s28 =	sadd.s32 $0xAA800, s10;
	s1 =	sor.u32 s0, s1;
	[smem:$0x7F6] =	sst s24  }
0x12: {  	s0 =	ssub.s32 $0x2, s0;
	[smem:$0x7F7] =	sst s25;
	s14 =	smul.u32 $0x16, s1  }
0x13: {  	[smem:$0x7F9] =	sst s28;
	s30 =	sadd.s32 $0xAA800, s12;
	s3 =	smul.u32 $0x2C, s1  }
0x14: {  	s4 =	sshrl.u32 s0, $0x1;
	s1 =	smul.u32 $0x580, s1;
	[smem:$0x7FB] =	sst s30  }
0x15: {  	s0 =	ssub.s32 s0, s4;
	s2 =	sadd.s32 s2, s3;
	[smem:$0x7FC] =	sst s14  }
0x16: {  	s0 =	smax.u32 s0, $0x1;
	[smem:$0x7ED] =	sst s2  }
0x17: {  	s19 =	sshrl.u32 s1, $0x2;
	[smem:$0x7F0] =	sst s0  }
0x18: {  	s26 =	sadd.s32 $0x2, s14;
	[smem:$0x7F1] =	sst s19  }
0x19: {  	s6 =	sadd.s32 s3, s6;
	s31 =	sadd.s32 $0x3, s14;
	[smem:$0x7F8] =	sst s26  }
0x1a: {  	s5 =	sor.u32 $0x1, s14;
	s17 =	sadd.s32 $0x400, s6;
	[smem:$0x7FD] =	sst s31  }
0x1b: {  	s29 =	smin.u32 s5, $0x2AA;
	s18 =	sadd.s32 $0xA00, s6;
	[smem:$0x7EE] =	sst s17  }
0x1c: {  	v2 =	vlaneseq.u32;
	s4 =	sshll.u32 s29, $0x6;
	[smem:$0x7EF] =	sst s18;
	s29 =	sadd.s32 $0xAA800, s11  }
0x1d: {  	vm0 =	vmmov $0xffff;
	v1 =	vshrl.u32 v2, $0x3;
	s20 =	sshrl.u32 s4, $0x2;
	[smem:$0x7FA] =	sst s29  }
0x1e: {  	v0 =	vand.u32 $0x7, v2;
	v2 =	vor.u32 $0x8, v2;
	v1 =	vmul.u32 $0x8, v1;
	s1 =	simm.s32 $0x9;
	s3 =	simm.s32 $0x0;
	[smem:$0x7F2] =	sst s20  }
.LBB2_1:
0x1f: {  	[smem:$0x7E8] =	sst s3  }
0x20: {  	s0 =	rddreg [dreg:$0x0]  }
0x21: {  	[tilespmem:s13], [sflag:$0x9] =	stream.linear.gather [hbm4b:s0+s13], $0x2B00, $0x38;
	[tilespmem:$0x1F380] =	vst v63  }
0x22: {  	_ =	swait.ge [sflag:s1], $0x2B00  }
0x23: {  	s10 =	sld [smem:$0x7F1]  }
0x24: {  	[sflag:s1] =	ssyncset.done $0x0  }
0x25: {  	[sflag:s1] =	ssyncadd.s32 $0xFFFFD500  }
0x26: {  	v3 =	vld [tilespmem:s10+$0x0];
	_ =	sdelay $0x5  }
0x27: {  	s14 =	sld [smem:$0x7F2]  }
0x28: {  	s12 =	simm.s32 $0x2B00;
	s11 =	rddreg [dreg:$0x1]  }
0x29: {  	[tilespmem:s12], [sflag:$0x1] =	stream.indirect_vreg.gather [hbm4b:s11+s13], $0x1, v3, vm0, $0xb8;
	[tilespmem:$0x1F380] =	vst v63  }
0x2a: {  	v3 =	vld [tilespmem:s14+$0x0];
	_ =	sdelay $0x6  }
0x2b: {  	s15 =	simm.s32 $0x2B80;
	s16 =	simm.s32 $0x1  }
0x2c: {  	[tilespmem:s15], [sflag:$0x2] =	stream.indirect_vreg.gather [hbm4b:s11+s13], $0x1, v3, vm0, $0xb8;
	[tilespmem:$0x1F380] =	vst v63  }
0x2d: {  	_ =	swait.ge [sflag:s16], $0x10  }
0x2e: {  	[sflag:s16] =	ssyncset.done $0x0  }
0x2f: {  	[sflag:s16] =	ssyncadd.s32 $0xFFFFFFF0  }
0x30: {  	v3 =	vld [tilespmem:$0x2B00];
	_ =	sdelay $0x4  }
0x31: {  	v4 =	vshll.u32 v3, $0x3  }
0x32: {  	v5 =	vand.u32 $0x7, v3;
	v4 =	vand.u32 $0xFFFFFFC0, v4  }
0x33: {  	v4 =	vor.u32 v5, v4  }
0x34: {  	v5 =	vperm.xlane v4, v0;
	_ =	sdelay $0x1  }
0x35: {  	v5 =	vadd.s32 v1, v5;
	_ =	sdelay $0x2  }
0x36: {  	s18 =	sld [smem:$0x7E9]  }
0x37: {  	s17 =	simm.s32 $0x2C00;
	s0 =	rddreg [dreg:$0x2]  }
0x38: {  	[tilespmem:s17], [sflag:$0x3] =	stream.indirect_vreg.gather [hbm4b:s0+s13], $0x80, v5, vm0, $0xb8;
	[tilespmem:$0x1F380] =	vst v63  }
0x39: {  	s2 =	simm.s32 $0x3400;
	s19 =	sld [smem:$0x7EA];
	v4 =	vperm.xlane v4, v2  }
0x3a: {  	[tilespmem:s2], [sflag:$0x3] =	stream.indirect_vreg.gather [hbm4b:s18+s13], $0x80, v5, vm0, $0xb8;
	[tilespmem:$0x1F380] =	vst v63  }
0x3b: {  	s20 =	simm.s32 $0x3C00;
	s21 =	sld [smem:$0x7EB];
	v4 =	vadd.s32 v1, v4  }
0x3c: {  	[tilespmem:s20], [sflag:$0x3] =	stream.indirect_vreg.gather [hbm4b:s19+s13], $0x80, v5, vm0, $0xb8;
	[tilespmem:$0x1F380] =	vst v63  }
0x3d: {  	s4 =	simm.s32 $0x4400  }
0x3e: {  	[tilespmem:s4], [sflag:$0x3] =	stream.indirect_vreg.gather [hbm4b:s21+s13], $0x80, v5, vm0, $0xb8;
	[tilespmem:$0x1F380] =	vst v63  }
0x3f: {  	s22 =	simm.s32 $0x4C00  }
0x40: {  	[tilespmem:s22], [sflag:$0x3] =	stream.indirect_vreg.gather [hbm4b:s0+s13], $0x80, v4, vm0, $0xb8;
	[tilespmem:$0x1F380] =	vst v63  }
0x41: {  	s23 =	simm.s32 $0x5400  }
0x42: {  	[tilespmem:s23], [sflag:$0x3] =	stream.indirect_vreg.gather [hbm4b:s18+s13], $0x80, v4, vm0, $0xb8;
	[tilespmem:$0x1F380] =	vst v63  }
0x43: {  	s24 =	simm.s32 $0x5C00  }
0x44: {  	[tilespmem:s24], [sflag:$0x3] =	stream.indirect_vreg.gather [hbm4b:s19+s13], $0x80, v4, vm0, $0xb8;
	[tilespmem:$0x1F380] =	vst v63  }
0x45: {  	s25 =	simm.s32 $0x6400;
	s29 =	sld [smem:$0x7EC]  }
0x46: {  	[tilespmem:s25], [sflag:$0x3] =	stream.indirect_vreg.gather [hbm4b:s21+s13], $0x80, v4, vm0, $0xb8;
	[tilespmem:$0x1F380] =	vst v63  }
0x47: {  	s28 =	simm.s32 $0x6C00;
	s26 =	rddreg [dreg:$0x3]  }
0x48: {  	[tilespmem:s28], [sflag:$0x3] =	stream.indirect_vreg.gather [hbm4b:s26+s13], $0x80, v5, vm0, $0xb8;
	[tilespmem:$0x1F380] =	vst v63  }
0x49: {  	s30 =	simm.s32 $0x7400;
	s31 =	sld [smem:$0x7F3]  }
0x4a: {  	[tilespmem:s30], [sflag:$0x3] =	stream.indirect_vreg.gather [hbm4b:s29+s13], $0x80, v5, vm0, $0xb8;
	[tilespmem:$0x1F380] =	vst v63  }
0x4b: {  	s5 =	simm.s32 $0x7C00;
	s6 =	sld [smem:$0x7F4]  }
0x4c: {  	[tilespmem:s5], [sflag:$0x3] =	stream.indirect_vreg.gather [hbm4b:s31+s13], $0x80, v5, vm0, $0xb8;
	[tilespmem:$0x1F380] =	vst v63  }
0x4d: {  	s7 =	simm.s32 $0x8400  }
0x4e: {  	[tilespmem:s7], [sflag:$0x3] =	stream.indirect_vreg.gather [hbm4b:s6+s13], $0x80, v5, vm0, $0xb8;
	[tilespmem:$0x1F380] =	vst v63  }
0x4f: {  	s8 =	simm.s32 $0x8C00  }
0x50: {  	[tilespmem:s8], [sflag:$0x3] =	stream.indirect_vreg.gather [hbm4b:s26+s13], $0x80, v4, vm0, $0xb8;
	[tilespmem:$0x1F380] =	vst v63  }
0x51: {  	s9 =	simm.s32 $0x9400  }
0x52: {  	[tilespmem:s9], [sflag:$0x3] =	stream.indirect_vreg.gather [hbm4b:s29+s13], $0x80, v4, vm0, $0xb8;
	[tilespmem:$0x1F380] =	vst v63  }
0x53: {  	s10 =	simm.s32 $0x9C00  }
0x54: {  	[tilespmem:s10], [sflag:$0x3] =	stream.indirect_vreg.gather [hbm4b:s31+s13], $0x80, v4, vm0, $0xb8;
	[tilespmem:$0x1F380] =	vst v63  }
0x55: {  	s11 =	simm.s32 $0xA400;
	s15 =	sld [smem:$0x7F5]  }
0x56: {  	[tilespmem:s11], [sflag:$0x3] =	stream.indirect_vreg.gather [hbm4b:s6+s13], $0x80, v4, vm0, $0xb8;
	[tilespmem:$0x1F380] =	vst v63  }
0x57: {  	s14 =	simm.s32 $0xAC00;
	s12 =	rddreg [dreg:$0x4]  }
0x58: {  	[tilespmem:s14], [sflag:$0x3] =	stream.indirect_vreg.gather [hbm4b:s12+s13], $0x80, v5, vm0, $0xb8;
	[tilespmem:$0x1F380] =	vst v63  }
0x59: {  	s16 =	simm.s32 $0xB400;
	s17 =	sld [smem:$0x7F6]  }
0x5a: {  	[tilespmem:s16], [sflag:$0x3] =	stream.indirect_vreg.gather [hbm4b:s15+s13], $0x80, v5, vm0, $0xb8;
	[tilespmem:$0x1F380] =	vst v63  }
0x5b: {  	s18 =	simm.s32 $0xBC00;
	s19 =	sld [smem:$0x7F7]  }
0x5c: {  	[tilespmem:s18], [sflag:$0x3] =	stream.indirect_vreg.gather [hbm4b:s17+s13], $0x80, v5, vm0, $0xb8;
	[tilespmem:$0x1F380] =	vst v63  }
0x5d: {  	s20 =	simm.s32 $0xC400  }
0x5e: {  	[tilespmem:s20], [sflag:$0x3] =	stream.indirect_vreg.gather [hbm4b:s19+s13], $0x80, v5, vm0, $0xb8;
	[tilespmem:$0x1F380] =	vst v63  }
0x5f: {  	s21 =	simm.s32 $0xCC00  }
0x60: {  	[tilespmem:s21], [sflag:$0x3] =	stream.indirect_vreg.gather [hbm4b:s12+s13], $0x80, v4, vm0, $0xb8;
	[tilespmem:$0x1F380] =	vst v63  }
0x61: {  	s22 =	simm.s32 $0xD400  }
0x62: {  	[tilespmem:s22], [sflag:$0x3] =	stream.indirect_vreg.gather [hbm4b:s15+s13], $0x80, v4, vm0, $0xb8;
	[tilespmem:$0x1F380] =	vst v63  }
0x63: {  	s23 =	simm.s32 $0xDC00  }
0x64: {  	[tilespmem:s23], [sflag:$0x3] =	stream.indirect_vreg.gather [hbm4b:s17+s13], $0x80, v4, vm0, $0xb8;
	[tilespmem:$0x1F380] =	vst v63  }
0x65: {  	s24 =	simm.s32 $0xE400  }
0x66: {  	[tilespmem:s24], [sflag:$0x3] =	stream.indirect_vreg.gather [hbm4b:s19+s13], $0x80, v4, vm0, $0xb8;
	[tilespmem:$0x1F380] =	vst v63  }
0x67: {  	s25 =	rddreg [dreg:$0x5];
	s26 =	simm.s32 $0x1EC00  }
0x68: {  	[tilespmem:s26], [sflag:$0x7] =	stream.indirect_vreg.gather [hbm4b:s25+s13], $0x1, v3, vm0, $0xb8;
	[tilespmem:$0x1F380] =	vst v63  }
0x69: {  	s28 =	rddreg [dreg:$0x6];
	s29 =	simm.s32 $0x1EC80  }
0x6a: {  	[tilespmem:s29], [sflag:$0x7] =	stream.indirect_vreg.gather [hbm4b:s28+s13], $0x1, v3, vm0, $0xb8;
	[tilespmem:$0x1F380] =	vst v63  }
0x6b: {  	s30 =	rddreg [dreg:$0x7];
	s5 =	simm.s32 $0x0;
	s31 =	simm.s32 $0x1ED00  }
0x6c: {  	[tilespmem:s31], [sflag:$0x7] =	stream.indirect_vreg.gather [hbm4b:s30+s13], $0x1, v3, vm0, $0xb8;
	[tilespmem:$0x1F380] =	vst v63  }
.LBB2_2:
0x6d: {  	s0 =	simm.s32 $0x2  }
0x6e: {  	_ =	swait.ge [sflag:s0], $0x10  }
0x6f: {  	[sflag:s0] =	ssyncset.done $0x0  }
0x70: {  	[sflag:s0] =	ssyncadd.s32 $0xFFFFFFF0  }
0x71: {  	v3 =	vld [tilespmem:$0x2B80];
	_ =	sdelay $0x4  }
0x72: {  	v4 =	vshll.u32 v3, $0x3  }
0x73: {  	v5 =	vand.u32 $0x7, v3;
	v4 =	vand.u32 $0xFFFFFFC0, v4  }
0x74: {  	v4 =	vor.u32 v5, v4  }
0x75: {  	v5 =	vperm.xlane v4, v0;
	_ =	sdelay $0x1  }
0x76: {  	v5 =	vadd.s32 v1, v5;
	_ =	sdelay $0x2  }
0x77: {  	s24 =	sld [smem:$0x7E9]  }
0x78: {  	s1 =	simm.s32 $0xEC00;
	s0 =	rddreg [dreg:$0x2]  }
0x79: {  	[tilespmem:s1], [sflag:$0x4] =	stream.indirect_vreg.gather [hbm4b:s0+s13], $0x80, v5, vm0, $0xb8;
	[tilespmem:$0x1F380] =	vst v63  }
0x7a: {  	s2 =	simm.s32 $0xF400;
	s25 =	sld [smem:$0x7EA];
	v4 =	vperm.xlane v4, v2  }
0x7b: {  	[tilespmem:s2], [sflag:$0x4] =	stream.indirect_vreg.gather [hbm4b:s24+s13], $0x80, v5, vm0, $0xb8;
	[tilespmem:$0x1F380] =	vst v63  }
0x7c: {  	s3 =	simm.s32 $0xFC00;
	s26 =	sld [smem:$0x7EB];
	v4 =	vadd.s32 v1, v4  }
0x7d: {  	[tilespmem:s3], [sflag:$0x4] =	stream.indirect_vreg.gather [hbm4b:s25+s13], $0x80, v5, vm0, $0xb8;
	[tilespmem:$0x1F380] =	vst v63  }
0x7e: {  	s4 =	simm.s32 $0x10400  }
0x7f: {  	[tilespmem:s4], [sflag:$0x4] =	stream.indirect_vreg.gather [hbm4b:s26+s13], $0x80, v5, vm0, $0xb8;
	[tilespmem:$0x1F380] =	vst v63  }
0x80: {  	s30 =	simm.s32 $0x10C00  }
0x81: {  	[tilespmem:s30], [sflag:$0x4] =	stream.indirect_vreg.gather [hbm4b:s0+s13], $0x80, v4, vm0, $0xb8;
	[tilespmem:$0x1F380] =	vst v63  }
0x82: {  	s31 =	simm.s32 $0x11400  }
0x83: {  	[tilespmem:s31], [sflag:$0x4] =	stream.indirect_vreg.gather [hbm4b:s24+s13], $0x80, v4, vm0, $0xb8;
	[tilespmem:$0x1F380] =	vst v63  }
0x84: {  	s1 =	simm.s32 $0x11C00  }
0x85: {  	[tilespmem:s1], [sflag:$0x4] =	stream.indirect_vreg.gather [hbm4b:s25+s13], $0x80, v4, vm0, $0xb8;
	[tilespmem:$0x1F380] =	vst v63  }
0x86: {  	s8 =	sld [smem:$0x7EC];
	s4 =	simm.s32 $0x12400  }
0x87: {  	[tilespmem:s4], [sflag:$0x4] =	stream.indirect_vreg.gather [hbm4b:s26+s13], $0x80, v4, vm0, $0xb8;
	[tilespmem:$0x1F380] =	vst v63  }
0x88: {  	s7 =	simm.s32 $0x12C00;
	s6 =	rddreg [dreg:$0x3]  }
0x89: {  	[tilespmem:s7], [sflag:$0x4] =	stream.indirect_vreg.gather [hbm4b:s6+s13], $0x80, v5, vm0, $0xb8;
	[tilespmem:$0x1F380] =	vst v63  }
0x8a: {  	s9 =	simm.s32 $0x13400;
	s10 =	sld [smem:$0x7F3]  }
0x8b: {  	[tilespmem:s9], [sflag:$0x4] =	stream.indirect_vreg.gather [hbm4b:s8+s13], $0x80, v5, vm0, $0xb8;
	[tilespmem:$0x1F380] =	vst v63  }
0x8c: {  	s11 =	simm.s32 $0x13C00;
	s12 =	sld [smem:$0x7F4]  }
0x8d: {  	[tilespmem:s11], [sflag:$0x4] =	stream.indirect_vreg.gather [hbm4b:s10+s13], $0x80, v5, vm0, $0xb8;
	[tilespmem:$0x1F380] =	vst v63  }
0x8e: {  	s14 =	simm.s32 $0x14400  }
0x8f: {  	[tilespmem:s14], [sflag:$0x4] =	stream.indirect_vreg.gather [hbm4b:s12+s13], $0x80, v5, vm0, $0xb8;
	[tilespmem:$0x1F380] =	vst v63  }
0x90: {  	s15 =	simm.s32 $0x14C00  }
0x91: {  	[tilespmem:s15], [sflag:$0x4] =	stream.indirect_vreg.gather [hbm4b:s6+s13], $0x80, v4, vm0, $0xb8;
	[tilespmem:$0x1F380] =	vst v63  }
0x92: {  	s16 =	simm.s32 $0x15400  }
0x93: {  	[tilespmem:s16], [sflag:$0x4] =	stream.indirect_vreg.gather [hbm4b:s8+s13], $0x80, v4, vm0, $0xb8;
	[tilespmem:$0x1F380] =	vst v63  }
0x94: {  	s17 =	simm.s32 $0x15C00  }
0x95: {  	[tilespmem:s17], [sflag:$0x4] =	stream.indirect_vreg.gather [hbm4b:s10+s13], $0x80, v4, vm0, $0xb8;
	[tilespmem:$0x1F380] =	vst v63  }
0x96: {  	s18 =	simm.s32 $0x16400;
	s21 =	sld [smem:$0x7F5]  }
0x97: {  	[tilespmem:s18], [sflag:$0x4] =	stream.indirect_vreg.gather [hbm4b:s12+s13], $0x80, v4, vm0, $0xb8;
	[tilespmem:$0x1F380] =	vst v63  }
0x98: {  	s20 =	simm.s32 $0x16C00;
	s19 =	rddreg [dreg:$0x4]  }
0x99: {  	[tilespmem:s20], [sflag:$0x4] =	stream.indirect_vreg.gather [hbm4b:s19+s13], $0x80, v5, vm0, $0xb8;
	[tilespmem:$0x1F380] =	vst v63  }
0x9a: {  	s22 =	simm.s32 $0x17400;
	s23 =	sld [smem:$0x7F6]  }
0x9b: {  	[tilespmem:s22], [sflag:$0x4] =	stream.indirect_vreg.gather [hbm4b:s21+s13], $0x80, v5, vm0, $0xb8;
	[tilespmem:$0x1F380] =	vst v63  }
0x9c: {  	s24 =	simm.s32 $0x17C00;
	s25 =	sld [smem:$0x7F7]  }
0x9d: {  	[tilespmem:s24], [sflag:$0x4] =	stream.indirect_vreg.gather [hbm4b:s23+s13], $0x80, v5, vm0, $0xb8;
	[tilespmem:$0x1F380] =	vst v63  }
0x9e: {  	s26 =	simm.s32 $0x18400  }
0x9f: {  	[tilespmem:s26], [sflag:$0x4] =	stream.indirect_vreg.gather [hbm4b:s25+s13], $0x80, v5, vm0, $0xb8;
	[tilespmem:$0x1F380] =	vst v63  }
0xa0: {  	s30 =	simm.s32 $0x18C00  }
0xa1: {  	[tilespmem:s30], [sflag:$0x4] =	stream.indirect_vreg.gather [hbm4b:s19+s13], $0x80, v4, vm0, $0xb8;
	[tilespmem:$0x1F380] =	vst v63  }
0xa2: {  	s31 =	simm.s32 $0x19400  }
0xa3: {  	[tilespmem:s31], [sflag:$0x4] =	stream.indirect_vreg.gather [hbm4b:s21+s13], $0x80, v4, vm0, $0xb8;
	[tilespmem:$0x1F380] =	vst v63  }
0xa4: {  	s4 =	simm.s32 $0x19C00;
	s14 =	sld [smem:$0x7F8]  }
0xa5: {  	[tilespmem:s4], [sflag:$0x4] =	stream.indirect_vreg.gather [hbm4b:s23+s13], $0x80, v4, vm0, $0xb8;
	[tilespmem:$0x1F380] =	vst v63  }
0xa6: {  	s29 =	sshll.u32 s5, $0x1;
	s6 =	simm.s32 $0x1A400  }
0xa7: {  	[tilespmem:s6], [sflag:$0x4] =	stream.indirect_vreg.gather [hbm4b:s25+s13], $0x80, v4, vm0, $0xb8;
	[tilespmem:$0x1F380] =	vst v63  }
0xa8: {  	s7 =	rddreg [dreg:$0x5];
	s0 =	sadd.s32 s29, s14;
	s8 =	simm.s32 $0x1ED80  }
0xa9: {  	[tilespmem:s8], [sflag:$0x8] =	stream.indirect_vreg.gather [hbm4b:s7+s13], $0x1, v3, vm0, $0xb8;
	[tilespmem:$0x1F380] =	vst v63  }
0xaa: {  	s9 =	rddreg [dreg:$0x6];
	s0 =	smin.u32 s0, $0x2AA;
	s10 =	simm.s32 $0x1EE00  }
0xab: {  	[tilespmem:s10], [sflag:$0x8] =	stream.indirect_vreg.gather [hbm4b:s9+s13], $0x1, v3, vm0, $0xb8;
	[tilespmem:$0x1F380] =	vst v63  }
0xac: {  	s11 =	rddreg [dreg:$0x7];
	s0 =	sshll.u32 s0, $0x4;
	s12 =	simm.s32 $0x1EE80  }
0xad: {  	[tilespmem:s12], [sflag:$0x8] =	stream.indirect_vreg.gather [hbm4b:s11+s13], $0x1, v3, vm0, $0xb8;
	[tilespmem:$0x1F380] =	vst v63  }
0xae: {  	v3 =	vld [tilespmem:s0+$0x0];
	_ =	sdelay $0x6  }
0xaf: {  	s15 =	rddreg [dreg:$0x1];
	s16 =	simm.s32 $0x2B00;
	s17 =	simm.s32 $0x3  }
0xb0: {  	[tilespmem:s16], [sflag:$0x1] =	stream.indirect_vreg.gather [hbm4b:s15+s13], $0x1, v3, vm0, $0xb8;
	[tilespmem:$0x1F380] =	vst v63  }
0xb1: {  	_ =	swait.ge [sflag:s17], $0x4000  }
0xb2: {  	[sflag:s17] =	ssyncset.done $0x0  }
0xb3: {  	[sflag:s17] =	ssyncadd.s32 $0xFFFFC000  }
0xb4: {  	_ =	swait.ge [sflag:s17], $0x4000  }
0xb5: {  	[sflag:s17] =	ssyncset.done $0x0  }
0xb6: {  	[sflag:s17] =	ssyncadd.s32 $0xFFFFC000  }
0xb7: {  	_ =	swait.ge [sflag:s17], $0x4000  }
0xb8: {  	[sflag:s17] =	ssyncset.done $0x0  }
0xb9: {  	s18 =	simm.s32 $0x7;
	[sflag:s17] =	ssyncadd.s32 $0xFFFFC000  }
0xba: {  	_ =	swait.ge [sflag:s18], $0x10  }
0xbb: {  	[sflag:s18] =	ssyncset.done $0x0  }
0xbc: {  	[sflag:s18] =	ssyncadd.s32 $0xFFFFFFF0  }
0xbd: {  	_ =	swait.ge [sflag:s18], $0x10  }
0xbe: {  	[sflag:s18] =	ssyncset.done $0x0  }
0xbf: {  	[sflag:s18] =	ssyncadd.s32 $0xFFFFFFF0  }
0xc0: {  	_ =	swait.ge [sflag:s18], $0x10  }
0xc1: {  	[sflag:s18] =	ssyncset.done $0x0  }
0xc2: {  	[sflag:s18] =	ssyncadd.s32 $0xFFFFFFF0  }
0xc3: {  	v3 =	vld [tilespmem:$0x1EC00];
	_ =	sdelay $0x3  }
0xc4: {  	s19 =	sshll.u32 s5, $0x5  }
0xc5: {  	[tilespmem:s19+$0x1EF00] =	vst v3  }
0xc6: {  	v3 =	vld [tilespmem:$0x1EC80];
	_ =	sdelay $0x4  }
0xc7: {  	[tilespmem:s19+$0x1F080] =	vst v3  }
0xc8: {  	v3 =	vld [tilespmem:$0x1ED00];
	_ =	sdelay $0x3  }
0xc9: {  	p1 =	seq.s32 s5, $0x0  }
0xca: {  	s4 =	simm.s32 $0x0;
	s0 =	simm.s32 @!p1 $0x5;
	[smem:$0x7E3] =	sst s5;
	[tilespmem:s19+$0x1F200] =	vst v3  }
0xcb: {  	s3 =	sand.u32 $0x40, s4;
	_ =	swait.ge @!p1 [sflag:s0], $0x2000  }
0xcc: {  	s9 =	sor.u32 $0x30, s3;
	s13 =	sand.u32 $0x1C00, s4;
	[sflag:s0] =	ssyncset.done @!p1 $0x0  }
0xcd: {  	s6 =	sadd.s32 $0x4C00, s13;
	s20 =	sor.u32 s13, s9;
	[sflag:s0] =	ssyncadd.s32 @!p1 $0xFFFFE000  }
0xce: {  	s21 =	sor.u32 s9, s6;
	v3 =	vld [tilespmem:s20+$0x2C00]  }
0xcf: {  	v4 =	vld [tilespmem:s21+$0x0];
	_ =	sdelay $0x4  }
0xd0: {  	v3 =	vmul.f32 $6.499999760e-01, v3;
	v4 =	vmul.f32 $3.499999940e-01, v4;
	_ =	sdelay $0x1  }
0xd1: {  	v3 =	vadd.f32 v4, v3  }
0xd2: {  	s8 =	sadd.s32 $0x4C80, s13  }
0xd3: {  	s22 =	sor.u32 s9, s8;
	[tilespmem:s20+$0x1AC00] =	vst v3;
	v3 =	vld [tilespmem:s20+$0x2C80]  }
0xd4: {  	v4 =	vld [tilespmem:s22+$0x0]  }
0xd5: {  	s2 =	sor.u32 $0x10, s3  }
0xd6: {  	s5 =	sor.u32 s13, s2  }
0xd7: {  	s23 =	sor.u32 s2, s6;
	v5 =	vld [tilespmem:s5+$0x2C00]  }
0xd8: {  	s10 =	sor.u32 s3, s6;
	v6 =	vld [tilespmem:s23+$0x0]  }
0xd9: {  	s16 =	sor.u32 $0x20, s3;
	s7 =	sor.u32 s3, s13;
	v7 =	vld [tilespmem:s10+$0x0];
	v3 =	vmul.f32 $6.499999760e-01, v3;
	v4 =	vmul.f32 $3.499999940e-01, v4  }
0xda: {  	s0 =	sor.u32 s13, s16;
	v8 =	vld [tilespmem:s7+$0x2C00]  }
0xdb: {  	s6 =	sor.u32 s16, s6;
	v9 =	vld [tilespmem:s0+$0x2C00];
	v3 =	vadd.f32 v4, v3  }
0xdc: {  	s24 =	sadd.s32 $0x4D00, s13;
	v4 =	vld [tilespmem:s6+$0x0]  }
0xdd: {  	s25 =	sor.u32 s9, s24;
	v5 =	vmul.f32 $6.499999760e-01, v5;
	v6 =	vmul.f32 $3.499999940e-01, v6;
	[tilespmem:s20+$0x1AC80] =	vst v3;
	v3 =	vld [tilespmem:s20+$0x2D00]  }
0xde: {  	v10 =	vld [tilespmem:s25+$0x0]  }
0xdf: {  	v7 =	vmul.f32 $3.499999940e-01, v7;
	v5 =	vadd.f32 v6, v5;
	v6 =	vmul.f32 $6.499999760e-01, v8;
	_ =	sdelay $0x1  }
0xe0: {  	v9 =	vmul.f32 $6.499999760e-01, v9;
	v8 =	vld [tilespmem:s5+$0x2C80];
	[tilespmem:s5+$0x1AC00] =	vst v5;
	v5 =	vadd.f32 v7, v6;
	v4 =	vmul.f32 $3.499999940e-01, v4  }
0xe1: {  	s26 =	sor.u32 s2, s8;
	v7 =	vld [tilespmem:s7+$0x2C80]  }
0xe2: {  	s30 =	sor.u32 s3, s8;
	v6 =	vld [tilespmem:s26+$0x0];
	[tilespmem:s7+$0x1AC00] =	vst v5;
	v4 =	vadd.f32 v4, v9;
	v3 =	vmul.f32 $6.499999760e-01, v3;
	v5 =	vmul.f32 $3.499999940e-01, v10  }
0xe3: {  	v9 =	vld [tilespmem:s30+$0x0]  }
0xe4: {  	s8 =	sor.u32 s16, s8;
	v10 =	vld [tilespmem:s0+$0x2C80];
	[tilespmem:s0+$0x1AC00] =	vst v4;
	v3 =	vadd.f32 v5, v3  }
0xe5: {  	s31 =	sadd.s32 $0x4D80, s13;
	v4 =	vld [tilespmem:s8+$0x0]  }
0xe6: {  	s14 =	sor.u32 s9, s31;
	[tilespmem:s20+$0x1AD00] =	vst v3;
	v3 =	vld [tilespmem:s20+$0x2D80]  }
0xe7: {  	v6 =	vmul.f32 $3.499999940e-01, v6;
	v5 =	vmul.f32 $6.499999760e-01, v8;
	v8 =	vld [tilespmem:s14+$0x0]  }
0xe8: {  	v7 =	vmul.f32 $6.499999760e-01, v7;
	v9 =	vmul.f32 $3.499999940e-01, v9  }
0xe9: {  	v5 =	vadd.f32 v6, v5  }
0xea: {  	v6 =	vld [tilespmem:s5+$0x2D00];
	v7 =	vadd.f32 v9, v7  }
0xeb: {  	p0 =	por $0x0, $0x0;
	s11 =	simm.s32 $0x1;
	s15 =	sor.u32 s2, s24;
	v9 =	vmul.f32 $6.499999760e-01, v10;
	v10 =	vld [tilespmem:s7+$0x2D00];
	[tilespmem:s5+$0x1AC80] =	vst v5;
	v4 =	vmul.f32 $3.499999940e-01, v4  }
0xec: {  	s11 =	simm.s32 @!p0 $0x0;
	s12 =	sor.u32 s3, s24;
	v5 =	vld [tilespmem:s15+$0x0];
	[tilespmem:s7+$0x1AC80] =	vst v7;
	v3 =	vmul.f32 $6.499999760e-01, v3;
	v7 =	vmul.f32 $3.499999940e-01, v8  }
0xed: {  	s17 =	sshll.u32 s11, $0x6;
	v4 =	vadd.f32 v4, v9;
	v8 =	vld [tilespmem:s12+$0x0]  }
0xee: {  	s21 =	sadd.s32 $0x0, s17;
	v3 =	vadd.f32 v7, v3  }
0xef: {  	s18 =	sor.u32 s16, s24;
	s6 =	sadd.s32 $0x30, s21;
	[tilespmem:s0+$0x1AC80] =	vst v4;
	v7 =	vld [tilespmem:s0+$0x2D00]  }
0xf0: {  	s19 =	sor.u32 $0x200, s6;
	s8 =	sadd.s32 $0x4E00, s13;
	v4 =	vld [tilespmem:s18+$0x0];
	[tilespmem:s20+$0x1AD80] =	vst v3  }
0xf1: {  	v5 =	vmul.f32 $3.499999940e-01, v5;
	v3 =	vmul.f32 $6.499999760e-01, v6;
	s20 =	sor.u32 s9, s8;
	v6 =	vld [tilespmem:s19+$0x2C00]  }
0xf2: {  	v9 =	vmul.f32 $6.499999760e-01, v10;
	v8 =	vmul.f32 $3.499999940e-01, v8;
	v10 =	vld [tilespmem:s20+$0x0]  }
0xf3: {  	v3 =	vadd.f32 v5, v3  }
0xf4: {  	v8 =	vadd.f32 v8, v9  }
0xf5: {  	s22 =	sor.u32 s2, s31;
	v5 =	vld [tilespmem:s5+$0x2D80];
	[tilespmem:s5+$0x1AD00] =	vst v3  }
0xf6: {  	s23 =	sor.u32 s3, s31;
	v4 =	vmul.f32 $3.499999940e-01, v4;
	v3 =	vmul.f32 $6.499999760e-01, v7;
	v7 =	vld [tilespmem:s22+$0x0];
	[tilespmem:s7+$0x1AD00] =	vst v8  }
0xf7: {  	v8 =	vld [tilespmem:s23+$0x0];
	v6 =	vmul.f32 $6.499999760e-01, v6;
	v10 =	vmul.f32 $3.499999940e-01, v10  }
0xf8: {  	v3 =	vadd.f32 v4, v3  }
0xf9: {  	s10 =	sor.u32 s16, s31;
	s17 =	simm.s32 $0x40;
	v9 =	vld [tilespmem:s7+$0x2D80];
	v4 =	vadd.f32 v10, v6  }
0xfa: {  	s24 =	sor.u32 $0x280, s6;
	s14 =	sadd.s32 $0x4E80, s13;
	s15 =	simm.s32 $0x200;
	v6 =	vld [tilespmem:s0+$0x2D80];
	[tilespmem:s0+$0x1AD00] =	vst v3  }
0xfb: {  	v5 =	vmul.f32 $6.499999760e-01, v5;
	v3 =	vld [tilespmem:s10+$0x0];
	s10 =	sand.u32 $0x40, s17;
	v7 =	vmul.f32 $3.499999940e-01, v7;
	[tilespmem:s19+$0x1AC00] =	vst v4  }
0xfc: {  	s26 =	sor.u32 s9, s14;
	s22 =	sand.u32 $0x1C00, s15;
	s1 =	sor.u32 $0x30, s10;
	v4 =	vmul.f32 $3.499999940e-01, v8;
	v8 =	vld [tilespmem:s24+$0x2C00]  }
0xfd: {  	s12 =	sor.u32 s22, s1;
	v5 =	vadd.f32 v7, v5;
	v7 =	vld [tilespmem:s26+$0x0]  }
0xfe: {  	v45 =	vld [tilespmem:s12+$0x2C80]  }
0xff: {  	v9 =	vmul.f32 $6.499999760e-01, v9;
	v49 =	vld [tilespmem:s12+$0x2D00]  }
0x100: {  	s18 =	sadd.s32 $0x4C00, s22;
	v53 =	vld [tilespmem:s12+$0x2D80]  }
0x101: {  	s19 =	sor.u32 s1, s18;
	v4 =	vadd.f32 v4, v9;
	v9 =	vld [tilespmem:s12+$0x2C00]  }
0x102: {  	s30 =	sor.u32 s2, s8;
	[tilespmem:s5+$0x1AD80] =	vst v5;
	v5 =	vld [tilespmem:s19+$0x0]  }
0x103: {  	s31 =	sor.u32 s3, s8;
	s25 =	sor.u32 $0x10, s10;
	v3 =	vmul.f32 $3.499999940e-01, v3;
	v10 =	vld [tilespmem:s30+$0x0];
	[tilespmem:s7+$0x1AD80] =	vst v4;
	v4 =	vmul.f32 $6.499999760e-01, v6  }
0x104: {  	s19 =	sor.u32 s25, s18;
	v6 =	vld [tilespmem:s31+$0x0];
	v8 =	vmul.f32 $6.499999760e-01, v8;
	v7 =	vmul.f32 $3.499999940e-01, v7  }
0x105: {  	s20 =	sor.u32 s10, s18;
	v3 =	vadd.f32 v3, v4;
	v4 =	vld [tilespmem:s19+$0x0]  }
0x106: {  	s19 =	sor.u32 s10, s22;
	v7 =	vadd.f32 v7, v8;
	v8 =	vld [tilespmem:s20+$0x0]  }
0x107: {  	s7 =	sor.u32 s22, s25;
	[tilespmem:s0+$0x1AD80] =	vst v3;
	v3 =	vld [tilespmem:s19+$0x2C00]  }
0x108: {  	s5 =	sor.u32 $0x20, s10;
	v11 =	vld [tilespmem:s7+$0x2C00]  }
0x109: {  	s23 =	sor.u32 s16, s8;
	s26 =	sor.u32 s5, s18;
	s18 =	sadd.s32 $0x10, s21;
	v17 =	vld [tilespmem:s7+$0x2D00]  }
0x10a: {  	v9 =	vmul.f32 $6.499999760e-01, v9;
	v5 =	vmul.f32 $3.499999940e-01, v5;
	v12 =	vld [tilespmem:s23+$0x0];
	s23 =	sor.u32 $0x200, s18  }
0x10b: {  	s11 =	sadd.s32 $0x20, s21;
	v13 =	vld [tilespmem:s23+$0x2C00]  }
0x10c: {  	s8 =	sadd.s32 $0x4F00, s13;
	v5 =	vadd.f32 v5, v9;
	v9 =	vld [tilespmem:s26+$0x0];
	s26 =	sor.u32 $0x200, s11;
	v8 =	vmul.f32 $3.499999940e-01, v8;
	v3 =	vmul.f32 $6.499999760e-01, v3  }
0x10d: {  	[tilespmem:s24+$0x1AC00] =	vst v7;
	s24 =	sor.u32 s9, s8;
	v14 =	vld [tilespmem:s26+$0x2C00]  }
0x10e: {  	s28 =	sor.u32 $0x300, s6;
	v11 =	vmul.f32 $6.499999760e-01, v11;
	v7 =	vld [tilespmem:s24+$0x0];
	v4 =	vmul.f32 $3.499999940e-01, v4;
	v3 =	vadd.f32 v8, v3  }
0x10f: {  	s24 =	sor.u32 $0x200, s21;
	v8 =	vld [tilespmem:s28+$0x2C00]  }
0x110: {  	s0 =	sor.u32 s22, s5;
	v10 =	vmul.f32 $3.499999940e-01, v10;
	v4 =	vadd.f32 v4, v11;
	v11 =	vld [tilespmem:s24+$0x2C00];
	[tilespmem:s19+$0x1AC00] =	vst v3;
	v3 =	vmul.f32 $6.499999760e-01, v13  }
0x111: {  	s20 =	sadd.s32 $0x4C80, s22;
	v44 =	vld [tilespmem:s0+$0x2C00]  }
0x112: {  	v50 =	vld [tilespmem:s19+$0x2D00];
	s30 =	sor.u32 s1, s20;
	[tilespmem:s12+$0x1AC00] =	vst v5;
	v14 =	vmul.f32 $6.499999760e-01, v14;
	v3 =	vadd.f32 v10, v3;
	v10 =	vmul.f32 $3.499999940e-01, v12  }
0x113: {  	s31 =	sor.u32 s25, s20;
	v5 =	vld [tilespmem:s30+$0x0];
	[tilespmem:s7+$0x1AC00] =	vst v4  }
0x114: {  	s30 =	sor.u32 s10, s20;
	v4 =	vld [tilespmem:s31+$0x0];
	v7 =	vmul.f32 $3.499999940e-01, v7;
	v8 =	vmul.f32 $6.499999760e-01, v8;
	[tilespmem:s23+$0x1AC00] =	vst v3;
	v3 =	vadd.f32 v10, v14  }
0x115: {  	v6 =	vmul.f32 $3.499999940e-01, v6;
	v15 =	vld [tilespmem:s30+$0x0];
	v11 =	vmul.f32 $6.499999760e-01, v11  }
0x116: {  	v10 =	vld [tilespmem:s19+$0x2C80];
	[tilespmem:s26+$0x1AC00] =	vst v3;
	v3 =	vadd.f32 v7, v8;
	v7 =	vmul.f32 $6.499999760e-01, v44;
	v8 =	vmul.f32 $3.499999940e-01, v9  }
0x117: {  	v6 =	vadd.f32 v6, v11;
	v11 =	vld [tilespmem:s7+$0x2C80]  }
0x118: {  	v55 =	vld [tilespmem:s19+$0x2D80];
	v7 =	vadd.f32 v8, v7  }
0x119: {  	v48 =	vld [tilespmem:s0+$0x2C80];
	v5 =	vmul.f32 $3.499999940e-01, v5;
	v12 =	vmul.f32 $6.499999760e-01, v45  }
0x11a: {  	v18 =	vld [tilespmem:s0+$0x2D00];
	s26 =	sor.u32 s5, s20;
	[tilespmem:s0+$0x1AC00] =	vst v7  }
0x11b: {  	v5 =	vadd.f32 v5, v12;
	[tilespmem:s24+$0x1AC00] =	vst v6;
	s24 =	sor.u32 s3, s14;
	v8 =	vmul.f32 $6.499999760e-01, v10;
	v10 =	vmul.f32 $3.499999940e-01, v15;
	v7 =	vld [tilespmem:s26+$0x0]  }
0x11c: {  	v4 =	vmul.f32 $3.499999940e-01, v4;
	v6 =	vld [tilespmem:s24+$0x0];
	s20 =	sadd.s32 $0x4D00, s22;
	v11 =	vmul.f32 $6.499999760e-01, v11;
	s26 =	sor.u32 $0x280, s21  }
0x11d: {  	[tilespmem:s12+$0x1AC80] =	vst v5;
	s30 =	sor.u32 s1, s20;
	v5 =	vadd.f32 v10, v8;
	v10 =	vld [tilespmem:s26+$0x2C00]  }
0x11e: {  	s31 =	sor.u32 s2, s14;
	v4 =	vadd.f32 v4, v11;
	v8 =	vld [tilespmem:s30+$0x0]  }
0x11f: {  	v46 =	vld [tilespmem:s31+$0x0];
	s14 =	sor.u32 s16, s14  }
0x120: {  	v12 =	vmul.f32 $6.499999760e-01, v48;
	v9 =	vld [tilespmem:s14+$0x0];
	s31 =	sor.u32 s25, s20;
	[tilespmem:s7+$0x1AC80] =	vst v4;
	v7 =	vmul.f32 $3.499999940e-01, v7  }
0x121: {  	s23 =	sadd.s32 $0x4F80, s13;
	s14 =	sor.u32 $0x280, s18;
	v4 =	vld [tilespmem:s31+$0x0]  }
0x122: {  	s13 =	sor.u32 $0x280, s11;
	v47 =	vld [tilespmem:s14+$0x2C00];
	v6 =	vmul.f32 $3.499999940e-01, v6;
	v10 =	vmul.f32 $6.499999760e-01, v10;
	v7 =	vadd.f32 v7, v12  }
0x123: {  	s24 =	sor.u32 s10, s20;
	v15 =	vmul.f32 $6.499999760e-01, v49;
	v11 =	vld [tilespmem:s13+$0x2C00];
	[tilespmem:s19+$0x1AC80] =	vst v5;
	v8 =	vmul.f32 $3.499999940e-01, v8  }
0x124: {  	s30 =	sor.u32 s5, s20;
	v5 =	vld [tilespmem:s24+$0x0];
	v6 =	vadd.f32 v6, v10;
	[tilespmem:s0+$0x1AC80] =	vst v7  }
0x125: {  	s20 =	sor.u32 $0x300, s21;
	v8 =	vadd.f32 v8, v15;
	v51 =	vld [tilespmem:s30+$0x0]  }
0x126: {  	s21 =	sadd.s32 $0x4D80, s22;
	v4 =	vmul.f32 $3.499999940e-01, v4;
	[tilespmem:s26+$0x1AC00] =	vst v6;
	v6 =	vmul.f32 $6.499999760e-01, v17  }
0x127: {  	s24 =	sor.u32 s1, s21;
	v10 =	vld [tilespmem:s7+$0x2D80];
	[tilespmem:s12+$0x1AD00] =	vst v8  }
0x128: {  	v9 =	vmul.f32 $3.499999940e-01, v9;
	v11 =	vmul.f32 $6.499999760e-01, v11;
	v8 =	vld [tilespmem:s24+$0x0];
	v4 =	vadd.f32 v4, v6  }
0x129: {  	[tilespmem:s28+$0x1AC00] =	vst v3;
	s31 =	sor.u32 s3, s8;
	v12 =	vmul.f32 $6.499999760e-01, v50;
	v5 =	vmul.f32 $3.499999940e-01, v5;
	v52 =	vld [tilespmem:s20+$0x2C00]  }
0x12a: {  	s9 =	sor.u32 s9, s23;
	v9 =	vadd.f32 v9, v11;
	v6 =	vld [tilespmem:s31+$0x0];
	[tilespmem:s7+$0x1AD00] =	vst v4;
	v4 =	vmul.f32 $6.499999760e-01, v18;
	v17 =	vmul.f32 $3.499999940e-01, v51  }
0x12b: {  	v3 =	vld [tilespmem:s9+$0x0];
	v14 =	vmul.f32 $3.499999940e-01, v46;
	v13 =	vmul.f32 $6.499999760e-01, v47;
	v5 =	vadd.f32 v5, v12  }
0x12c: {  	[tilespmem:s13+$0x1AC00] =	vst v9;
	v7 =	vld [tilespmem:s0+$0x2D80];
	s26 =	sor.u32 s25, s21;
	v4 =	vadd.f32 v17, v4  }
0x12d: {  	v13 =	vadd.f32 v14, v13;
	v14 =	vmul.f32 $6.499999760e-01, v53;
	s31 =	sor.u32 s10, s21;
	[tilespmem:s19+$0x1AD00] =	vst v5;
	v54 =	vld [tilespmem:s26+$0x0]  }
0x12e: {  	s21 =	sor.u32 s5, s21;
	v9 =	vmul.f32 $6.499999760e-01, v10;
	v8 =	vmul.f32 $3.499999940e-01, v8;
	[tilespmem:s0+$0x1AD00] =	vst v4;
	v4 =	vld [tilespmem:s31+$0x0]  }
0x12f: {  	[tilespmem:s14+$0x1AC00] =	vst v13;
	s14 =	sor.u32 $0x300, s11;
	v11 =	vmul.f32 $6.499999760e-01, v52;
	v6 =	vmul.f32 $3.499999940e-01, v6;
	v10 =	vld [tilespmem:s21+$0x0]  }
0x130: {  	v56 =	vld [tilespmem:s14+$0x2C00];
	s30 =	sor.u32 s2, s8;
	v8 =	vadd.f32 v8, v14  }
0x131: {  	s9 =	sor.u32 $0x300, s18;
	v13 =	vld [tilespmem:s30+$0x0];
	v6 =	vadd.f32 v6, v11  }
0x132: {  	s8 =	sor.u32 s16, s8;
	v5 =	vld [tilespmem:s9+$0x2C00];
	[tilespmem:s12+$0x1AD80] =	vst v8;
	v11 =	vmul.f32 $3.499999940e-01, v54  }
0x133: {  	p0 =	por !p0, !p0;
	s13 =	simm.s32 $0x1;
	v8 =	vmul.f32 $6.499999760e-01, v55;
	[tilespmem:s20+$0x1AC00] =	vst v6;
	v6 =	vld [tilespmem:s8+$0x0];
	v4 =	vmul.f32 $3.499999940e-01, v4  }
0x134: {  	s4 =	sor.u32 s4, s4;
	s6 =	sor.u32 $0x380, s6;
	s13 =	simm.s32 @!p0 $0x0;
	v7 =	vmul.f32 $6.499999760e-01, v7;
	v9 =	vadd.f32 v11, v9;
	v10 =	vmul.f32 $3.499999940e-01, v10  }
0x135: {  	s4 =	sor.u32 $0x380, s4;
	v16 =	vld [tilespmem:s6+$0x2C00];
	s13 =	sshll.u32 s13, $0x6;
	v4 =	vadd.f32 v4, v8  }
0x136: {  	s3 =	sor.u32 s3, s23;
	s30 =	sadd.s32 $0x200, s13;
	s20 =	sadd.s32 $0x4E00, s22;
	v11 =	vld [tilespmem:s4+$0x2C00];
	[tilespmem:s7+$0x1AD80] =	vst v9;
	v7 =	vadd.f32 v10, v7  }
0x137: {  	s28 =	sadd.s32 $0x30, s30;
	v5 =	vmul.f32 $6.499999760e-01, v5;
	s24 =	sor.u32 s1, s20;
	v58 =	vld [tilespmem:s3+$0x0];
	[tilespmem:s19+$0x1AD80] =	vst v4;
	v4 =	vmul.f32 $3.499999940e-01, v13  }
0x138: {  	s12 =	sadd.s32 $0x10, s30;
	v9 =	vld [tilespmem:s24+$0x0];
	s24 =	sor.u32 $0x200, s28;
	v6 =	vmul.f32 $3.499999940e-01, v6;
	[tilespmem:s0+$0x1AD80] =	vst v7;
	v7 =	vmul.f32 $6.499999760e-01, v56  }
0x139: {  	s7 =	sor.u32 $0x200, s12;
	v8 =	vld [tilespmem:s24+$0x2C00];
	v4 =	vadd.f32 v4, v5  }
0x13a: {  	s26 =	sor.u32 s25, s20;
	v10 =	vld [tilespmem:s7+$0x2C00];
	v6 =	vadd.f32 v6, v7  }
0x13b: {  	s21 =	sadd.s32 $0x20, s30;
	s31 =	sor.u32 s10, s20;
	v57 =	vld [tilespmem:s26+$0x0];
	[tilespmem:s9+$0x1AC00] =	vst v4  }
0x13c: {  	s3 =	sor.u32 $0x200, s21;
	v59 =	vld [tilespmem:s31+$0x0];
	[tilespmem:s14+$0x1AC00] =	vst v6  }
0x13d: {  	s8 =	sor.u32 s5, s20;
	s26 =	sor.u32 $0x200, s30;
	v5 =	vld [tilespmem:s3+$0x2C00];
	s20 =	sld [smem:$0x7FC]  }
0x13e: {  	v9 =	vmul.f32 $3.499999940e-01, v9;
	v7 =	vld [tilespmem:s26+$0x2C00]  }
0x13f: {  	s13 =	sor.u32 $0x380, s18;
	v8 =	vmul.f32 $6.499999760e-01, v8;
	v4 =	vmul.f32 $6.499999760e-01, v10;
	v10 =	vld [tilespmem:s8+$0x0];
	[smem:$0x7E4] =	sst s29  }
0x140: {  	v12 =	vmul.f32 $3.499999940e-01, v57;
	s8 =	sor.u32 s2, s23;
	v60 =	vld [tilespmem:s13+$0x2C00];
	s31 =	sadd.s32 s20, s29  }
0x141: {  	v3 =	vmul.f32 $3.499999940e-01, v3;
	v8 =	vadd.f32 v9, v8;
	s14 =	sor.u32 s15, s17;
	v61 =	vld [tilespmem:s8+$0x0];
	[smem:$0x7E5] =	sst s31;
	s17 =	smin.u32 s31, $0x2AA  }
0x142: {  	v6 =	vmul.f32 $6.499999760e-01, v16;
	v9 =	vmul.f32 $6.499999760e-01, v11;
	v4 =	vadd.f32 v12, v4;
	[smem:$0x7E6] =	sst s17  }
0x143: {  	s11 =	sor.u32 $0x380, s11;
	v11 =	vmul.f32 $3.499999940e-01, v58;
	s8 =	sadd.s32 $0x4E80, s22;
	[tilespmem:s24+$0x1AC00] =	vst v8  }
0x144: {  	s19 =	smov.u32 s22;
	v3 =	vadd.f32 v3, v6;
	s18 =	sor.u32 s1, s8;
	v62 =	vld [tilespmem:s11+$0x2C00];
	[tilespmem:s7+$0x1AC00] =	vst v4;
	s24 =	simm.s32 $0x4  }
0x145: {  	s22 =	sor.u32 s25, s8;
	s29 =	sor.u32 $0x300, s12;
	v8 =	vadd.f32 v11, v9;
	v9 =	vmul.f32 $6.499999760e-01, v7;
	v11 =	vmul.f32 $3.499999940e-01, v59;
	v7 =	vld [tilespmem:s18+$0x0];
	[smem:$0x7E7] =	sst s24  }
0x146: {  	s0 =	sor.u32 $0x280, s12;
	s31 =	sor.u32 s16, s23;
	s7 =	sor.u32 $0x280, s28;
	v4 =	vmul.f32 $3.499999940e-01, v10;
	[tilespmem:s6+$0x1AC00] =	vst v3;
	v3 =	vmul.f32 $6.499999760e-01, v5;
	v6 =	vld [tilespmem:s22+$0x0]  }
0x147: {  	s16 =	sor.u32 $0x300, s21;
	s23 =	sor.u32 $0x380, s12;
	s17 =	sor.u32 $0x380, s14;
	[tilespmem:s4+$0x1AC00] =	vst v8;
	v8 =	vld [tilespmem:s7+$0x2C00];
	v5 =	vadd.f32 v11, v9  }
0x148: {  	s20 =	smov.u32 s11;
	s14 =	sor.u32 $0x280, s30;
	v12 =	vmul.f32 $3.499999940e-01, v61;
	v9 =	vld [tilespmem:s0+$0x2C00];
	v11 =	vmul.f32 $6.499999760e-01, v60;
	v63 =	vadd.f32 v4, v3  }
0x149: {  	s11 =	sor.u32 s10, s8;
	s8 =	sor.u32 s5, s8;
	s24 =	sor.u32 $0x380, s21;
	[tilespmem:s26+$0x1AC00] =	vst v5;
	v4 =	vld [tilespmem:s31+$0x0]  }
0x14a: {  	s6 =	sor.u32 $0x280, s21;
	s22 =	sor.u32 $0x300, s30;
	s26 =	simm.s32 $0x80;
	v5 =	vadd.f32 v12, v11;
	v3 =	vmul.f32 $6.499999760e-01, v62;
	v10 =	vld [tilespmem:s14+$0x2C00];
	[tilespmem:s3+$0x1AC00] =	vst v63  }
.LBB2_3:
0x14b: {  	[smem:$0x7DD] =	sst s29;
	s15 =	sadd.s32 $0x200, s15  }
0x14c: {  	[smem:$0x7DE] =	sst s16;
	s2 =	sand.u32 $0x40, s26;
	v11 =	vld [tilespmem:s11+$0x0];
	s29 =	sand.u32 $0x1C00, s15  }
0x14d: {  	v12 =	vld [tilespmem:s6+$0x2C00];
	s4 =	sor.u32 $0x30, s2;
	s18 =	sadd.s32 $0x4C00, s29;
	v8 =	vmul.f32 $6.499999760e-01, v8;
	v7 =	vmul.f32 $3.499999940e-01, v7  }
0x14e: {  	[smem:$0x7DF] =	sst s17;
	[tilespmem:s13+$0x1AC00] =	vst v5;
	s31 =	sor.u32 s4, s18;
	v5 =	vmul.f32 $3.499999940e-01, v6;
	v6 =	vld [tilespmem:s8+$0x0]  }
0x14f: {  	s17 =	sadd.s32 $0x4F00, s19;
	s3 =	sor.u32 $0x10, s2;
	s21 =	sor.u32 s29, s4;
	v9 =	vmul.f32 $6.499999760e-01, v9;
	v13 =	vld [tilespmem:s31+$0x0];
	v7 =	vadd.f32 v7, v8  }
0x150: {  	s11 =	sor.u32 $0x20, s2;
	s13 =	sor.u32 s1, s17;
	s9 =	sor.u32 s2, s18;
	v4 =	vmul.f32 $3.499999940e-01, v4;
	v8 =	vld [tilespmem:s21+$0x2C00]  }
0x151: {  	s16 =	sor.u32 s3, s18;
	s8 =	sor.u32 $0x300, s28;
	v5 =	vadd.f32 v5, v9;
	[tilespmem:s7+$0x1AC00] =	vst v7;
	s7 =	sor.u32 s11, s18;
	v7 =	vmul.f32 $3.499999940e-01, v11;
	v11 =	vld [tilespmem:s9+$0x0]  }
0x152: {  	v3 =	vadd.f32 v4, v3;
	s18 =	smov.u32 s1;
	s1 =	smov.u32 s10;
	s10 =	sor.u32 s10, s17;
	v9 =	vld [tilespmem:s8+$0x2C00]  }
0x153: {  	s12 =	sor.u32 s29, s3;
	v10 =	vmul.f32 $6.499999760e-01, v10;
	v4 =	vmul.f32 $6.499999760e-01, v12;
	[tilespmem:s0+$0x1AC00] =	vst v5;
	[smem:$0x7DC] =	sst s10;
	v5 =	vld [tilespmem:s13+$0x0];
	s10 =	sor.u32 s15, s26  }
0x154: {  	[tilespmem:s20+$0x1AC00] =	vst v3;
	v6 =	vmul.f32 $3.499999940e-01, v6;
	v3 =	vld [tilespmem:s12+$0x2C00];
	s9 =	sor.u32 $0x380, s10  }
0x155: {  	v7 =	vadd.f32 v7, v10;
	v10 =	vld [tilespmem:s16+$0x0];
	[dreg:$0x1a] =	wrdreg s9  }
0x156: {  	s30 =	sor.u32 s29, s11;
	v50 =	vld [tilespmem:s7+$0x0];
	s9 =	sld [smem:$0x7E7];
	v4 =	vadd.f32 v6, v4  }
0x157: {  	s31 =	sor.u32 s2, s29;
	v6 =	vld [tilespmem:s30+$0x2C00];
	[tilespmem:s14+$0x1AC00] =	vst v7;
	v7 =	vmul.f32 $6.499999760e-01, v8;
	v8 =	vmul.f32 $3.499999940e-01, v13  }
0x158: {  	s20 =	smov.u32 s23;
	[tilespmem:s6+$0x1AC00] =	vst v4;
	v4 =	vmul.f32 $6.499999760e-01, v9;
	v5 =	vmul.f32 $3.499999940e-01, v5;
	v9 =	vld [tilespmem:s31+$0x2C00]  }
0x159: {  	s19 =	sadd.s32 $0x4F80, s19;
	[smem:$0x7E0] =	sst s20;
	s20 =	sor.u32 $0x380, s28;
	v7 =	vadd.f32 v8, v7  }
0x15a: {  	s14 =	sadd.s32 $0x4C80, s29;
	s10 =	sadd.s32 $0x4, s9;
	v3 =	vmul.f32 $6.499999760e-01, v3;
	v8 =	vld [tilespmem:s12+$0x2C80];
	v4 =	vadd.f32 v5, v4;
	v5 =	vmul.f32 $3.499999940e-01, v10  }
0x15b: {  	[smem:$0x7E7] =	sst s10;
	p2 =	slt.u32 s10, $0x3C;
	s10 =	sor.u32 s4, s14;
	[tilespmem:s21+$0x1AC00] =	vst v7;
	v7 =	vld [tilespmem:s21+$0x2C80]  }
0x15c: {  	v11 =	vmul.f32 $3.499999940e-01, v11;
	v6 =	vmul.f32 $6.499999760e-01, v6;
	v10 =	vld [tilespmem:s10+$0x0];
	[tilespmem:s8+$0x1AC00] =	vst v4;
	v3 =	vadd.f32 v5, v3  }
0x15d: {  	s13 =	smov.u32 s24;
	s24 =	sor.u32 s18, s19;
	v4 =	vmul.f32 $3.499999940e-01, v50;
	v5 =	vld [tilespmem:s20+$0x2C00];
	v9 =	vmul.f32 $6.499999760e-01, v9  }
0x15e: {  	s16 =	sor.u32 s3, s14;
	v51 =	vld [tilespmem:s24+$0x0];
	[tilespmem:s12+$0x1AC00] =	vst v3  }
0x15f: {  	v3 =	vmul.f32 $6.499999760e-01, v8;
	v4 =	vadd.f32 v4, v6;
	v8 =	vadd.f32 v11, v9;
	v9 =	vld [tilespmem:s16+$0x0]  }
0x160: {  	v6 =	vld [tilespmem:s30+$0x2C80]  }
0x161: {  	[dreg:$0x12] =	wrdreg s13;
	s13 =	sor.u32 s11, s14;
	v11 =	vld [tilespmem:s31+$0x2C80];
	[tilespmem:s30+$0x1AC00] =	vst v4  }
0x162: {  	s7 =	sor.u32 s2, s14;
	v7 =	vmul.f32 $6.499999760e-01, v7;
	[tilespmem:s31+$0x1AC00] =	vst v8;
	v4 =	vld [tilespmem:s13+$0x0];
	v8 =	vmul.f32 $3.499999940e-01, v10  }
0x163: {  	v10 =	vld [tilespmem:s7+$0x0];
	v5 =	vmul.f32 $6.499999760e-01, v5;
	v12 =	vmul.f32 $3.499999940e-01, v51  }
0x164: {  	s0 =	sor.u32 s25, s17;
	s23 =	sor.u32 s25, s19;
	v52 =	vld [tilespmem:s12+$0x2D00];
	v7 =	vadd.f32 v8, v7;
	v8 =	vmul.f32 $3.499999940e-01, v9  }
0x165: {  	s25 =	sor.u32 s5, s19;
	s6 =	sor.u32 s1, s19;
	s19 =	smov.u32 s29;
	v53 =	vld [tilespmem:s31+$0x2D00];
	v5 =	vadd.f32 v12, v5  }
0x166: {  	[smem:$0x7E2] =	sst s25;
	s1 =	smov.u32 s4;
	v55 =	vld [tilespmem:s31+$0x2D80];
	s9 =	sadd.s32 $0x4D00, s19;
	[tilespmem:s21+$0x1AC80] =	vst v7;
	v3 =	vadd.f32 v8, v3  }
0x167: {  	s25 =	smov.u32 s3;
	s14 =	sor.u32 s1, s9;
	v6 =	vmul.f32 $6.499999760e-01, v6;
	v7 =	vld [tilespmem:s21+$0x2D00];
	v4 =	vmul.f32 $3.499999940e-01, v4;
	[tilespmem:s20+$0x1AC00] =	vst v5  }
0x168: {  	s13 =	sor.u32 s25, s9;
	v11 =	vmul.f32 $6.499999760e-01, v11;
	v5 =	vmul.f32 $3.499999940e-01, v10;
	v8 =	vld [tilespmem:s14+$0x0];
	[tilespmem:s12+$0x1AC80] =	vst v3  }
0x169: {  	v4 =	vadd.f32 v4, v6;
	v6 =	vld [tilespmem:s13+$0x0]  }
0x16a: {  	s17 =	sor.u32 s5, s17;
	s5 =	smov.u32 s11;
	v9 =	vld [tilespmem:s30+$0x2D00];
	v5 =	vadd.f32 v5, v11  }
0x16b: {  	s10 =	smov.u32 s2;
	s2 =	sor.u32 s5, s9;
	v10 =	vld [tilespmem:s12+$0x2D80];
	[tilespmem:s30+$0x1AC80] =	vst v4  }
0x16c: {  	s18 =	sld [smem:$0x7DC];
	s11 =	sor.u32 s10, s9;
	[tilespmem:s31+$0x1AC80] =	vst v5;
	v5 =	vld [tilespmem:s2+$0x0]  }
0x16d: {  	v7 =	vmul.f32 $6.499999760e-01, v7;
	v54 =	vld [tilespmem:s11+$0x0];
	v8 =	vmul.f32 $3.499999940e-01, v8  }
0x16e: {  	v3 =	vmul.f32 $6.499999760e-01, v52;
	v4 =	vld [tilespmem:s30+$0x2D80];
	v6 =	vmul.f32 $3.499999940e-01, v6  }
0x16f: {  	v14 =	vld [tilespmem:s18+$0x0];
	v7 =	vadd.f32 v8, v7  }
0x170: {  	s8 =	sld [smem:$0x7DD];
	s16 =	sadd.s32 $0x4D80, s19;
	v8 =	vld [tilespmem:s22+$0x2C00];
	v3 =	vadd.f32 v6, v3  }
0x171: {  	s24 =	sor.u32 s1, s16;
	v9 =	vmul.f32 $6.499999760e-01, v9;
	v5 =	vmul.f32 $3.499999940e-01, v5;
	[tilespmem:s21+$0x1AD00] =	vst v7;
	v6 =	vld [tilespmem:s21+$0x2D80]  }
0x172: {  	v11 =	vmul.f32 $6.499999760e-01, v53;
	v7 =	vmul.f32 $3.499999940e-01, v54;
	v56 =	vld [tilespmem:s24+$0x0];
	[tilespmem:s12+$0x1AD00] =	vst v3  }
0x173: {  	[smem:$0x7E1] =	sst s23;
	s23 =	sor.u32 s25, s16;
	v3 =	vadd.f32 v5, v9;
	v5 =	vld [tilespmem:s8+$0x2C00]  }
0x174: {  	v7 =	vadd.f32 v7, v11;
	v9 =	vld [tilespmem:s23+$0x0]  }
0x175: {  	s13 =	sld [smem:$0x7DE];
	s2 =	sor.u32 s5, s16;
	v8 =	vmul.f32 $6.499999760e-01, v8;
	v11 =	vld [tilespmem:s0+$0x0];
	[tilespmem:s30+$0x1AD00] =	vst v3;
	v3 =	vmul.f32 $3.499999940e-01, v14  }
0x176: {  	p0 =	por !p0, !p0;
	s20 =	sor.u32 s10, s16;
	s0 =	simm.s32 $0x1;
	[tilespmem:s31+$0x1AD00] =	vst v7;
	v7 =	vld [tilespmem:s2+$0x0]  }
0x177: {  	s0 =	simm.s32 @!p0 $0x0;
	v6 =	vmul.f32 $6.499999760e-01, v6;
	v57 =	vld [tilespmem:s20+$0x0];
	v12 =	vmul.f32 $3.499999940e-01, v56;
	v3 =	vadd.f32 v3, v8;
	s20 =	sld [smem:$0x7DF]  }
0x178: {  	v10 =	vmul.f32 $6.499999760e-01, v10;
	s0 =	sshll.u32 s0, $0x6;
	v8 =	vld [tilespmem:s13+$0x2C00]  }
0x179: {  	v4 =	vmul.f32 $6.499999760e-01, v4;
	s9 =	sadd.s32 s0, s15;
	v9 =	vmul.f32 $3.499999940e-01, v9;
	v6 =	vadd.f32 v12, v6;
	[tilespmem:s22+$0x1AC00] =	vst v3;
	v3 =	vld [tilespmem:s17+$0x0]  }
0x17a: {  	s28 =	sadd.s32 $0x30, s9;
	v5 =	vmul.f32 $6.499999760e-01, v5;
	v11 =	vmul.f32 $3.499999940e-01, v11;
	v58 =	vld [tilespmem:s20+$0x2C00]  }
0x17b: {  	s14 =	sadd.s32 $0x4E00, s19;
	s7 =	sor.u32 $0x200, s28;
	v9 =	vadd.f32 v9, v10;
	v7 =	vmul.f32 $3.499999940e-01, v7;
	[tilespmem:s21+$0x1AD80] =	vst v6;
	v6 =	vld [tilespmem:s6+$0x0]  }
0x17c: {  	v13 =	vmul.f32 $6.499999760e-01, v55;
	s16 =	sor.u32 s1, s14;
	s11 =	sadd.s32 $0x10, s9;
	v5 =	vadd.f32 v11, v5;
	v10 =	vmul.f32 $3.499999940e-01, v57;
	v59 =	vld [tilespmem:s7+$0x2C00]  }
0x17d: {  	s4 =	sor.u32 $0x200, s11;
	[tilespmem:s12+$0x1AD80] =	vst v9;
	v4 =	vadd.f32 v7, v4;
	v7 =	vld [tilespmem:s16+$0x0]  }
0x17e: {  	s18 =	sor.u32 s25, s14;
	s24 =	sadd.s32 $0x20, s9;
	v8 =	vmul.f32 $6.499999760e-01, v8;
	v9 =	vadd.f32 v10, v13;
	v10 =	vld [tilespmem:s4+$0x2C00];
	[tilespmem:s8+$0x1AC00] =	vst v5;
	v3 =	vmul.f32 $3.499999940e-01, v3  }
0x17f: {  	s3 =	sor.u32 $0x200, s9;
	s2 =	sor.u32 $0x200, s24;
	s0 =	sor.u32 $0x280, s11;
	v5 =	vld [tilespmem:s18+$0x0];
	[tilespmem:s30+$0x1AD80] =	vst v4  }
0x180: {  	s29 =	sor.u32 $0x300, s11;
	s23 =	sor.u32 $0x380, s11;
	v4 =	vmul.f32 $6.499999760e-01, v58;
	[tilespmem:s31+$0x1AD80] =	vst v9;
	v9 =	vld [tilespmem:s2+$0x2C00];
	v3 =	vadd.f32 v3, v8  }
0x181: {  	s17 =	sor.u32 s10, s14;
	s11 =	sld [smem:$0x7E1];
	v6 =	vmul.f32 $3.499999940e-01, v6;
	v8 =	vld [tilespmem:s3+$0x2C00];
	v60 =	vmul.f32 $6.499999760e-01, v59  }
0x182: {  	s21 =	sor.u32 s5, s14;
	v11 =	vld [tilespmem:s17+$0x0];
	v7 =	vmul.f32 $3.499999940e-01, v7;
	[tilespmem:s13+$0x1AC00] =	vst v3;
	s13 =	sld [smem:$0x7E0]  }
0x183: {  	v4 =	vadd.f32 v6, v4;
	v6 =	vld [tilespmem:s21+$0x0]  }
0x184: {  	v61 =	vld [tilespmem:s11+$0x0];
	v3 =	vmul.f32 $6.499999760e-01, v10;
	v5 =	vmul.f32 $3.499999940e-01, v5;
	v7 =	vadd.f32 v7, v60  }
0x185: {  	s12 =	sadd.s32 $0x4E80, s19;
	s18 =	rddreg [dreg:$0x12];
	[tilespmem:s20+$0x1AC00] =	vst v4;
	v4 =	vld [tilespmem:s13+$0x2C00]  }
0x186: {  	s30 =	sor.u32 $0x300, s24;
	v10 =	vmul.f32 $6.499999760e-01, v9;
	v3 =	vadd.f32 v5, v3;
	[tilespmem:s7+$0x1AC00] =	vst v7;
	s7 =	sor.u32 $0x280, s28;
	v5 =	vld [tilespmem:s18+$0x2C00]  }
0x187: {  	s16 =	smov.u32 s30;
	s30 =	sor.u32 s1, s12;
	v9 =	vmul.f32 $6.499999760e-01, v8;
	v11 =	vmul.f32 $3.499999940e-01, v11;
	v8 =	vld [tilespmem:s7+$0x2C00]  }
.Ltmp0:
0x188: {  	s31 =	sld [smem:$0x7E2];
	v7 =	vld [tilespmem:s30+$0x0];
	[tilespmem:s4+$0x1AC00] =	vst v3;
	v3 =	vmul.f32 $3.499999940e-01, v6;
	(pc) =	sbr.rel @p2 .LBB2_3-.Ltmp0, $4  }
0x189: {  	s26 =	sadd.s32 $0x40, s26;
	s21 =	sor.u32 s25, s12;
	v11 =	vadd.f32 v11, v9;
	v9 =	vld [tilespmem:s0+$0x2C00]  }
0x18a: {  	s22 =	sor.u32 $0x300, s9;
	s14 =	sor.u32 $0x280, s9;
	s6 =	sor.u32 $0x280, s24;
	v12 =	vmul.f32 $3.499999940e-01, v61;
	v6 =	vld [tilespmem:s21+$0x0];
	v62 =	vmul.f32 $6.499999760e-01, v4;
	v63 =	vadd.f32 v3, v10  }
0x18b: {  	s9 =	rddreg [dreg:$0x1a];
	s8 =	sor.u32 s5, s12;
	s24 =	sor.u32 $0x380, s24;
	[tilespmem:s3+$0x1AC00] =	vst v11;
	v4 =	vld [tilespmem:s31+$0x0]  }
0x18c: {  	s11 =	sor.u32 s10, s12;
	s17 =	smov.u32 s9;
	s20 =	smov.u32 s18;
	v3 =	vmul.f32 $6.499999760e-01, v5;
	v10 =	vld [tilespmem:s14+$0x2C00];
	[tilespmem:s2+$0x1AC00] =	vst v63;
	v5 =	vadd.f32 v12, v62  }
0x18d: {  	v11 =	vld [tilespmem:s11+$0x0];
	_ =	sdelay $0x2  }
0x18e: {  	v8 =	vmul.f32 $6.499999760e-01, v8;
	v7 =	vmul.f32 $3.499999940e-01, v7;
	v12 =	vld [tilespmem:s6+$0x2C00]  }
0x18f: {  	v13 =	vld [tilespmem:s8+$0x0]  }
0x190: {  	v7 =	vadd.f32 v7, v8;
	v8 =	vmul.f32 $6.499999760e-01, v10;
	v10 =	vmul.f32 $3.499999940e-01, v11  }
0x191: {  	s2 =	sadd.s32 $0x4F00, s19;
	s3 =	sor.u32 $0x300, s28  }
0x192: {  	v9 =	vmul.f32 $6.499999760e-01, v9;
	v6 =	vmul.f32 $3.499999940e-01, v6;
	[tilespmem:s7+$0x1AC00] =	vst v7;
	v7 =	vadd.f32 v10, v8  }
0x193: {  	s4 =	sor.u32 s1, s2;
	v8 =	vld [tilespmem:s3+$0x2C00]  }
0x194: {  	v6 =	vadd.f32 v6, v9;
	v9 =	vmul.f32 $6.499999760e-01, v12;
	v11 =	vmul.f32 $3.499999940e-01, v13;
	v10 =	vld [tilespmem:s4+$0x0];
	[tilespmem:s14+$0x1AC00] =	vst v7  }
0x195: {  	s26 =	sor.u32 s10, s2;
	v7 =	vld [tilespmem:s22+$0x2C00]  }
0x196: {  	[tilespmem:s0+$0x1AC00] =	vst v6;
	v6 =	vadd.f32 v11, v9;
	v9 =	vld [tilespmem:s26+$0x0]  }
0x197: {  	s30 =	sor.u32 s25, s2;
	v11 =	vld [tilespmem:s29+$0x2C00]  }
0x198: {  	[tilespmem:s6+$0x1AC00] =	vst v6;
	v6 =	vld [tilespmem:s30+$0x0]  }
0x199: {  	s4 =	sor.u32 s5, s2;
	v36 =	vld [tilespmem:s16+$0x2C00];
	v8 =	vmul.f32 $6.499999760e-01, v8;
	v10 =	vmul.f32 $3.499999940e-01, v10  }
0x19a: {  	v37 =	vld [tilespmem:s4+$0x0]  }
0x19b: {  	v8 =	vadd.f32 v10, v8;
	v7 =	vmul.f32 $6.499999760e-01, v7;
	v9 =	vmul.f32 $3.499999940e-01, v9  }
0x19c: {  	s7 =	sor.u32 $0x380, s28  }
0x19d: {  	s6 =	sadd.s32 $0x4F80, s19;
	v6 =	vmul.f32 $3.499999940e-01, v6;
	[tilespmem:s3+$0x1AC00] =	vst v8;
	v8 =	vmul.f32 $6.499999760e-01, v11;
	v7 =	vadd.f32 v9, v7  }
0x19e: {  	s8 =	sor.u32 s1, s6;
	v9 =	vld [tilespmem:s7+$0x2C00]  }
0x19f: {  	v10 =	vld [tilespmem:s8+$0x0];
	v6 =	vadd.f32 v6, v8;
	v8 =	vmul.f32 $3.499999940e-01, v37;
	[tilespmem:s22+$0x1AC00] =	vst v7;
	v7 =	vmul.f32 $6.499999760e-01, v36  }
0x1a0: {  	s9 =	sor.u32 s10, s6;
	v11 =	vld [tilespmem:s17+$0x2C00]  }
0x1a1: {  	v38 =	vld [tilespmem:s9+$0x0];
	[tilespmem:s29+$0x1AC00] =	vst v6;
	v6 =	vadd.f32 v8, v7  }
0x1a2: {  	s10 =	sor.u32 s25, s6;
	v7 =	vld [tilespmem:s23+$0x2C00]  }
0x1a3: {  	[tilespmem:s16+$0x1AC00] =	vst v6;
	v6 =	vld [tilespmem:s10+$0x0]  }
0x1a4: {  	s0 =	sor.u32 s5, s6;
	v8 =	vld [tilespmem:s24+$0x2C00]  }
0x1a5: {  	v4 =	vmul.f32 $3.499999940e-01, v4;
	v39 =	vld [tilespmem:s0+$0x0]  }
0x1a6: {  	v9 =	vmul.f32 $6.499999760e-01, v9;
	v10 =	vmul.f32 $3.499999940e-01, v10  }
0x1a7: {  	v3 =	vadd.f32 v4, v3;
	v4 =	vmul.f32 $6.499999760e-01, v11;
	v11 =	vmul.f32 $3.499999940e-01, v38  }
0x1a8: {  	[tilespmem:s13+$0x1AC00] =	vst v5;
	v5 =	vadd.f32 v10, v9;
	v7 =	vmul.f32 $6.499999760e-01, v7;
	v6 =	vmul.f32 $3.499999940e-01, v6  }
0x1a9: {  	[tilespmem:s20+$0x1AC00] =	vst v3;
	v3 =	vadd.f32 v11, v4  }
0x1aa: {  	[tilespmem:s7+$0x1AC00] =	vst v5;
	v4 =	vmul.f32 $6.499999760e-01, v8;
	v8 =	vmul.f32 $3.499999940e-01, v39;
	v5 =	vadd.f32 v6, v7  }
0x1ab: {  	[tilespmem:s17+$0x1AC00] =	vst v3  }
0x1ac: {  	v3 =	vadd.f32 v8, v4;
	[tilespmem:s23+$0x1AC00] =	vst v5  }
0x1ad: {  	s11 =	sld [smem:$0x7E5]  }
0x1ae: {  	[tilespmem:s24+$0x1AC00] =	vst v3  }
0x1af: {  	s3 =	sld [smem:$0x7F9]  }
0x1b0: {  	p0 =	sgt.u32 s11, $0x2A9  }
0x1b1: {  	s0 =	simm.s32 @p0 $0x0;
	s1 =	simm.s32 @p0 $0x1AC00  }
0x1b2: {  	[hbm4b:s3+s0] =	stream.linear.scatter @p0 [tilespmem:s1], [sflag:$0x9], $0x280, $0x38;
	[tilespmem:$0x1F380] =	vst v63  }
0x1b3: {  	s2 =	simm.s32 @p0 $0x1B000;
	s1 =	sadd.s32 @p0 $0x80, s3  }
0x1b4: {  	[hbm4b:s1+s0] =	stream.linear.scatter @p0 [tilespmem:s2], [sflag:$0x9], $0x280, $0x38;
	[tilespmem:$0x1F380] =	vst v63  }
0x1b5: {  	s1 =	sadd.s32 @p0 $0x100, s3;
	s2 =	simm.s32 @p0 $0x1B400  }
0x1b6: {  	[hbm4b:s1+s0] =	stream.linear.scatter @p0 [tilespmem:s2], [sflag:$0x9], $0x280, $0x38;
	[tilespmem:$0x1F380] =	vst v63  }
0x1b7: {  	s1 =	sadd.s32 @p0 $0x180, s3;
	s2 =	simm.s32 @p0 $0x1B800  }
0x1b8: {  	[hbm4b:s1+s0] =	stream.linear.scatter @p0 [tilespmem:s2], [sflag:$0x9], $0x280, $0x38;
	[tilespmem:$0x1F380] =	vst v63  }
0x1b9: {  	s1 =	sadd.s32 @p0 $0x200, s3;
	s2 =	simm.s32 @p0 $0x1BC00  }
0x1ba: {  	[hbm4b:s1+s0] =	stream.linear.scatter @p0 [tilespmem:s2], [sflag:$0x9], $0x280, $0x38;
	[tilespmem:$0x1F380] =	vst v63  }
0x1bb: {  	s1 =	sadd.s32 @p0 $0x280, s3;
	s2 =	simm.s32 @p0 $0x1C000  }
0x1bc: {  	[hbm4b:s1+s0] =	stream.linear.scatter @p0 [tilespmem:s2], [sflag:$0x9], $0x280, $0x38;
	[tilespmem:$0x1F380] =	vst v63  }
0x1bd: {  	s1 =	sadd.s32 @p0 $0x300, s3;
	s2 =	simm.s32 @p0 $0x1C400  }
0x1be: {  	[hbm4b:s1+s0] =	stream.linear.scatter @p0 [tilespmem:s2], [sflag:$0x9], $0x280, $0x38;
	[tilespmem:$0x1F380] =	vst v63  }
0x1bf: {  	s1 =	sadd.s32 @p0 $0x380, s3;
	s2 =	simm.s32 @p0 $0x1C800  }
0x1c0: {  	[hbm4b:s1+s0] =	stream.linear.scatter @p0 [tilespmem:s2], [sflag:$0x9], $0x280, $0x38;
	[tilespmem:$0x1F380] =	vst v63  }
0x1c1: {  	s0 =	simm.s32 @p0 $0x9  }
0x1c2: {  	_ =	swait.ge @p0 [sflag:s0], $0x1400  }
0x1c3: {  	s1 =	sld [smem:$0x7E6];
	_ =	sdelay $0x1  }
0x1c4: {  	s12 =	simm.s32 $0x0;
	s13 =	simm.s32 $0x1AC00;
	[sflag:s0] =	ssyncset.done @p0 $0x0  }
0x1c5: {  	s2 =	sshll.u32 @!p0 s1, $0xA;
	s1 =	rddreg [dreg:$0x8];
	[sflag:s0] =	ssyncadd.s32 @p0 $0xFFFFEC00  }
0x1c6: {  	s4 =	simm.s32 $0x0;
	s1 =	sadd.s32 @!p0 s1, s2;
	s0 =	rddreg [dreg:$0xb]  }
0x1c7: {  	[smem:$0x7DA] =	sst s2;
	s1 =	smov.u32 @p0 s0;
	s0 =	simm.s32 @!p1 $0x6  }
0x1c8: {  	[hbm4b:s1+s12] =	stream.linear.scatter [tilespmem:s13], [sflag:$0x5], $0x2000, $0x38;
	[tilespmem:$0x1F380] =	vst v63  }
0x1c9: {  	s9 =	sand.u32 $0x40, s4;
	_ =	swait.ge @!p1 [sflag:s0], $0x2000  }
0x1ca: {  	s18 =	sand.u32 $0x1C00, s4;
	s17 =	sor.u32 $0x30, s9;
	[sflag:s0] =	ssyncset.done @!p1 $0x0  }
0x1cb: {  	s14 =	sadd.s32 $0x8C00, s18;
	s5 =	sor.u32 s18, s17;
	[sflag:s0] =	ssyncadd.s32 @!p1 $0xFFFFE000  }
0x1cc: {  	s15 =	sor.u32 s17, s14;
	v3 =	vld [tilespmem:s5+$0x6C00]  }
0x1cd: {  	v4 =	vld [tilespmem:s15+$0x0];
	_ =	sdelay $0x2  }
0x1ce: {  	s3 =	sor.u32 $0x10, s9  }
0x1cf: {  	s1 =	sor.u32 s18, s3  }
0x1d0: {  	s16 =	sor.u32 s3, s14;
	v5 =	vld [tilespmem:s1+$0x6C00];
	v3 =	vmul.f32 $6.499999760e-01, v3;
	v4 =	vmul.f32 $3.499999940e-01, v4  }
0x1d1: {  	s19 =	sor.u32 s9, s14;
	v6 =	vld [tilespmem:s16+$0x0]  }
0x1d2: {  	s2 =	sor.u32 s9, s18;
	v7 =	vld [tilespmem:s19+$0x0];
	v3 =	vadd.f32 v4, v3  }
0x1d3: {  	s20 =	sadd.s32 $0x8C80, s18;
	v4 =	vld [tilespmem:s2+$0x6C00]  }
0x1d4: {  	s21 =	sor.u32 s17, s20;
	[tilespmem:s5+$0x1CC00] =	vst v3;
	v3 =	vld [tilespmem:s5+$0x6C80]  }
0x1d5: {  	v8 =	vld [tilespmem:s21+$0x0]  }
0x1d6: {  	s13 =	sor.u32 $0x20, s9;
	v5 =	vmul.f32 $6.499999760e-01, v5;
	v6 =	vmul.f32 $3.499999940e-01, v6  }
0x1d7: {  	s0 =	sor.u32 s18, s13  }
0x1d8: {  	s6 =	sor.u32 s13, s14;
	v9 =	vld [tilespmem:s0+$0x6C00];
	v7 =	vmul.f32 $3.499999940e-01, v7;
	v5 =	vadd.f32 v6, v5;
	v4 =	vmul.f32 $6.499999760e-01, v4  }
0x1d9: {  	v6 =	vld [tilespmem:s6+$0x0]  }
0x1da: {  	s22 =	sor.u32 s3, s20;
	v10 =	vld [tilespmem:s1+$0x6C80];
	[tilespmem:s1+$0x1CC00] =	vst v5;
	v4 =	vadd.f32 v7, v4;
	v3 =	vmul.f32 $6.499999760e-01, v3;
	v5 =	vmul.f32 $3.499999940e-01, v8  }
0x1db: {  	v7 =	vld [tilespmem:s22+$0x0]  }
0x1dc: {  	s23 =	sor.u32 s9, s20;
	v8 =	vld [tilespmem:s2+$0x6C80];
	[tilespmem:s2+$0x1CC00] =	vst v4;
	v3 =	vadd.f32 v5, v3  }
0x1dd: {  	s24 =	sadd.s32 $0x8D00, s18;
	v4 =	vld [tilespmem:s23+$0x0]  }
0x1de: {  	s25 =	sor.u32 s17, s24;
	v6 =	vmul.f32 $3.499999940e-01, v6;
	v5 =	vmul.f32 $6.499999760e-01, v9;
	[tilespmem:s5+$0x1CC80] =	vst v3;
	v3 =	vld [tilespmem:s5+$0x6D00]  }
0x1df: {  	v9 =	vld [tilespmem:s25+$0x0]  }
0x1e0: {  	v5 =	vadd.f32 v6, v5;
	v6 =	vmul.f32 $6.499999760e-01, v10;
	v7 =	vmul.f32 $3.499999940e-01, v7;
	_ =	sdelay $0x1  }
0x1e1: {  	v10 =	vld [tilespmem:s0+$0x6C80];
	[tilespmem:s0+$0x1CC00] =	vst v5;
	v5 =	vmul.f32 $6.499999760e-01, v8;
	v6 =	vadd.f32 v7, v6;
	v4 =	vmul.f32 $3.499999940e-01, v4  }
0x1e2: {  	s7 =	sor.u32 s13, s20;
	v7 =	vld [tilespmem:s1+$0x6D00]  }
0x1e3: {  	s26 =	sor.u32 s3, s24;
	v8 =	vld [tilespmem:s7+$0x0];
	[tilespmem:s1+$0x1CC80] =	vst v6;
	v4 =	vadd.f32 v4, v5;
	v3 =	vmul.f32 $6.499999760e-01, v3;
	v5 =	vmul.f32 $3.499999940e-01, v9  }
0x1e4: {  	v6 =	vld [tilespmem:s26+$0x0]  }
0x1e5: {  	s28 =	sor.u32 s9, s24;
	v9 =	vld [tilespmem:s2+$0x6D00];
	[tilespmem:s2+$0x1CC80] =	vst v4;
	v3 =	vadd.f32 v5, v3  }
0x1e6: {  	s30 =	sadd.s32 $0x8D80, s18;
	v4 =	vld [tilespmem:s28+$0x0]  }
0x1e7: {  	s10 =	sor.u32 s17, s30;
	[tilespmem:s5+$0x1CD00] =	vst v3;
	v3 =	vld [tilespmem:s5+$0x6D80]  }
0x1e8: {  	v10 =	vmul.f32 $6.499999760e-01, v10;
	v8 =	vmul.f32 $3.499999940e-01, v8;
	v5 =	vld [tilespmem:s10+$0x0];
	_ =	sdelay $0x1  }
0x1e9: {  	v8 =	vadd.f32 v8, v10  }
0x1ea: {  	v7 =	vmul.f32 $6.499999760e-01, v7;
	v6 =	vmul.f32 $3.499999940e-01, v6  }
0x1eb: {  	s8 =	simm.s32 $0x1;
	p1 =	por $0x0, $0x0;
	s6 =	sor.u32 s13, s24;
	v10 =	vld [tilespmem:s0+$0x6D00];
	v9 =	vmul.f32 $6.499999760e-01, v9;
	[tilespmem:s0+$0x1CC80] =	vst v8;
	v4 =	vmul.f32 $3.499999940e-01, v4  }
0x1ec: {  	s8 =	simm.s32 @!p1 $0x0;
	v6 =	vadd.f32 v6, v7;
	v7 =	vld [tilespmem:s6+$0x0];
	v3 =	vmul.f32 $6.499999760e-01, v3;
	v5 =	vmul.f32 $3.499999940e-01, v5  }
0x1ed: {  	v11 =	vld [tilespmem:s1+$0x6D80];
	s11 =	sshll.u32 s8, $0x6;
	v4 =	vadd.f32 v4, v9  }
0x1ee: {  	s12 =	sor.u32 s3, s30;
	s21 =	sadd.s32 $0x0, s11;
	v8 =	vld [tilespmem:s2+$0x6D80];
	[tilespmem:s1+$0x1CD00] =	vst v6;
	v3 =	vadd.f32 v5, v3  }
0x1ef: {  	s14 =	sor.u32 s9, s30;
	s23 =	sadd.s32 $0x30, s21;
	[tilespmem:s2+$0x1CD00] =	vst v4;
	v5 =	vld [tilespmem:s12+$0x0]  }
0x1f0: {  	s15 =	sor.u32 $0x200, s23;
	s10 =	sadd.s32 $0x8E00, s18;
	v4 =	vld [tilespmem:s14+$0x0];
	[tilespmem:s5+$0x1CD80] =	vst v3  }
0x1f1: {  	s16 =	sor.u32 s17, s10;
	v9 =	vmul.f32 $6.499999760e-01, v10;
	v7 =	vmul.f32 $3.499999940e-01, v7;
	v3 =	vld [tilespmem:s15+$0x6C00]  }
0x1f2: {  	v6 =	vld [tilespmem:s16+$0x0]  }
0x1f3: {  	v7 =	vadd.f32 v7, v9;
	_ =	sdelay $0x1  }
0x1f4: {  	s19 =	sor.u32 s13, s30;
	v8 =	vmul.f32 $6.499999760e-01, v8;
	v9 =	vld [tilespmem:s0+$0x6D80];
	[tilespmem:s0+$0x1CD00] =	vst v7;
	v4 =	vmul.f32 $3.499999940e-01, v4  }
0x1f5: {  	v10 =	vmul.f32 $6.499999760e-01, v11;
	v5 =	vmul.f32 $3.499999940e-01, v5;
	v7 =	vld [tilespmem:s19+$0x0]  }
0x1f6: {  	v4 =	vadd.f32 v4, v8;
	v3 =	vmul.f32 $6.499999760e-01, v3;
	v6 =	vmul.f32 $3.499999940e-01, v6  }
0x1f7: {  	v5 =	vadd.f32 v5, v10  }
0x1f8: {  	s6 =	sor.u32 $0x200, s21;
	[tilespmem:s2+$0x1CD80] =	vst v4;
	v3 =	vadd.f32 v6, v3  }
0x1f9: {  	s8 =	sadd.s32 $0x8E80, s18;
	s22 =	sor.u32 s9, s10;
	s16 =	simm.s32 $0x40;
	v9 =	vmul.f32 $6.499999760e-01, v9;
	[tilespmem:s1+$0x1CD80] =	vst v5;
	v4 =	vld [tilespmem:s6+$0x6C00]  }
0x1fa: {  	s14 =	sor.u32 $0x280, s23;
	s1 =	sand.u32 $0x40, s16;
	s2 =	simm.s32 $0x200;
	v6 =	vld [tilespmem:s22+$0x0];
	v7 =	vmul.f32 $3.499999940e-01, v7;
	[tilespmem:s15+$0x1CC00] =	vst v3  }
0x1fb: {  	s28 =	sor.u32 s17, s8;
	s5 =	sor.u32 $0x30, s1;
	s15 =	sand.u32 $0x1C00, s2;
	v3 =	vld [tilespmem:s14+$0x6C00]  }
0x1fc: {  	s25 =	sor.u32 $0x10, s1;
	v7 =	vadd.f32 v7, v9;
	s12 =	sor.u32 s15, s5;
	v9 =	vld [tilespmem:s28+$0x0]  }
0x1fd: {  	s22 =	sor.u32 $0x20, s1;
	s7 =	sor.u32 s15, s25;
	v8 =	vld [tilespmem:s12+$0x6C00]  }
0x1fe: {  	s11 =	sor.u32 s15, s22;
	v11 =	vld [tilespmem:s7+$0x6C00]  }
0x1ff: {  	v41 =	vld [tilespmem:s11+$0x6C00]  }
0x200: {  	v47 =	vld [tilespmem:s12+$0x6D00]  }
0x201: {  	s19 =	sadd.s32 $0x8C00, s15;
	v52 =	vld [tilespmem:s7+$0x6D80]  }
0x202: {  	s24 =	sor.u32 s5, s19;
	v54 =	vld [tilespmem:s12+$0x6D80]  }
0x203: {  	s26 =	sor.u32 s25, s19;
	v10 =	vld [tilespmem:s24+$0x0]  }
0x204: {  	v40 =	vld [tilespmem:s26+$0x0]  }
0x205: {  	s30 =	sor.u32 s22, s19;
	v55 =	vld [tilespmem:s11+$0x6D80]  }
0x206: {  	s20 =	sor.u32 s3, s10;
	s10 =	sor.u32 s13, s10;
	[tilespmem:s0+$0x1CD80] =	vst v7;
	v7 =	vld [tilespmem:s30+$0x0]  }
0x207: {  	v4 =	vmul.f32 $6.499999760e-01, v4;
	v14 =	vld [tilespmem:s10+$0x0];
	s24 =	sor.u32 s1, s19;
	v6 =	vmul.f32 $3.499999940e-01, v6  }
0x208: {  	s19 =	sor.u32 s1, s15;
	v15 =	vld [tilespmem:s24+$0x0];
	v8 =	vmul.f32 $6.499999760e-01, v8;
	v10 =	vmul.f32 $3.499999940e-01, v10  }
0x209: {  	v16 =	vld [tilespmem:s19+$0x6C00];
	v11 =	vmul.f32 $6.499999760e-01, v11;
	v12 =	vmul.f32 $3.499999940e-01, v40  }
0x20a: {  	v46 =	vld [tilespmem:s19+$0x6C80];
	v4 =	vadd.f32 v6, v4;
	v8 =	vadd.f32 v10, v8  }
0x20b: {  	s10 =	sadd.s32 $0x8C80, s15;
	v6 =	vld [tilespmem:s12+$0x6C80];
	v3 =	vmul.f32 $6.499999760e-01, v3;
	v9 =	vmul.f32 $3.499999940e-01, v9;
	v11 =	vadd.f32 v12, v11  }
0x20c: {  	s26 =	sor.u32 s5, s10;
	v7 =	vmul.f32 $3.499999940e-01, v7;
	v10 =	vld [tilespmem:s7+$0x6C80];
	[tilespmem:s12+$0x1CC00] =	vst v8;
	v8 =	vmul.f32 $6.499999760e-01, v41  }
0x20d: {  	s28 =	sor.u32 s25, s10;
	v3 =	vadd.f32 v9, v3;
	[tilespmem:s7+$0x1CC00] =	vst v11;
	v9 =	vld [tilespmem:s26+$0x0]  }
0x20e: {  	s0 =	sadd.s32 $0x8F00, s18;
	[tilespmem:s6+$0x1CC00] =	vst v4;
	s6 =	sadd.s32 $0x20, s21;
	v4 =	vadd.f32 v7, v8;
	v7 =	vld [tilespmem:s28+$0x0]  }
0x20f: {  	v5 =	vld [tilespmem:s20+$0x0];
	s24 =	sor.u32 $0x200, s6;
	[tilespmem:s14+$0x1CC00] =	vst v3;
	v3 =	vmul.f32 $3.499999940e-01, v15;
	v11 =	vmul.f32 $6.499999760e-01, v16  }
0x210: {  	v43 =	vld [tilespmem:s24+$0x6C00];
	s14 =	sadd.s32 $0x10, s21;
	s26 =	sor.u32 s17, s0  }
0x211: {  	s20 =	sor.u32 $0x200, s14;
	v42 =	vld [tilespmem:s26+$0x0];
	v3 =	vadd.f32 v3, v11  }
0x212: {  	v6 =	vmul.f32 $6.499999760e-01, v6;
	s28 =	sor.u32 s22, s10;
	v11 =	vld [tilespmem:s20+$0x6C00];
	[tilespmem:s11+$0x1CC00] =	vst v4;
	v9 =	vmul.f32 $3.499999940e-01, v9  }
0x213: {  	s26 =	sor.u32 $0x300, s23;
	v10 =	vmul.f32 $6.499999760e-01, v10;
	[tilespmem:s19+$0x1CC00] =	vst v3;
	v4 =	vld [tilespmem:s28+$0x0];
	v3 =	vmul.f32 $3.499999940e-01, v7  }
0x214: {  	v6 =	vadd.f32 v9, v6;
	v9 =	vld [tilespmem:s26+$0x6C00]  }
0x215: {  	s30 =	sor.u32 s9, s8;
	v3 =	vadd.f32 v3, v10;
	v10 =	vld [tilespmem:s11+$0x6C80]  }
0x216: {  	v8 =	vld [tilespmem:s30+$0x0];
	s10 =	sor.u32 s1, s10;
	s28 =	sadd.s32 $0x8D00, s15;
	[tilespmem:s12+$0x1CC80] =	vst v6  }
0x217: {  	s30 =	sor.u32 s5, s28;
	v7 =	vld [tilespmem:s10+$0x0];
	v11 =	vmul.f32 $6.499999760e-01, v11;
	[tilespmem:s7+$0x1CC80] =	vst v3;
	v3 =	vmul.f32 $3.499999940e-01, v5  }
0x218: {  	s29 =	sor.u32 $0x280, s21;
	v45 =	vmul.f32 $3.499999940e-01, v14;
	v12 =	vmul.f32 $3.499999940e-01, v42;
	v6 =	vld [tilespmem:s30+$0x0]  }
0x219: {  	s30 =	sor.u32 s25, s28;
	v5 =	vmul.f32 $6.499999760e-01, v43;
	v3 =	vadd.f32 v3, v11;
	v11 =	vld [tilespmem:s29+$0x6C00];
	v9 =	vmul.f32 $6.499999760e-01, v9  }
0x21a: {  	v4 =	vmul.f32 $3.499999940e-01, v4;
	v44 =	vld [tilespmem:s30+$0x0];
	v10 =	vmul.f32 $6.499999760e-01, v10  }
0x21b: {  	v5 =	vadd.f32 v45, v5;
	[tilespmem:s20+$0x1CC00] =	vst v3;
	v3 =	vadd.f32 v12, v9;
	v9 =	vld [tilespmem:s7+$0x6D00]  }
0x21c: {  	v50 =	vld [tilespmem:s19+$0x6D00];
	s30 =	sor.u32 s3, s8;
	v7 =	vmul.f32 $3.499999940e-01, v7;
	v4 =	vadd.f32 v4, v10;
	v10 =	vmul.f32 $6.499999760e-01, v46  }
0x21d: {  	s8 =	sor.u32 s13, s8;
	[tilespmem:s24+$0x1CC00] =	vst v5;
	v48 =	vld [tilespmem:s30+$0x0]  }
0x21e: {  	v8 =	vmul.f32 $3.499999940e-01, v8;
	s24 =	sor.u32 $0x280, s14;
	v5 =	vld [tilespmem:s8+$0x0];
	v11 =	vmul.f32 $6.499999760e-01, v11;
	v7 =	vadd.f32 v7, v10  }
0x21f: {  	s20 =	sor.u32 s22, s28;
	v49 =	vld [tilespmem:s24+$0x6C00];
	[tilespmem:s11+$0x1CC80] =	vst v4  }
0x220: {  	s28 =	sor.u32 s1, s28;
	v4 =	vld [tilespmem:s20+$0x0];
	v8 =	vadd.f32 v8, v11;
	v9 =	vmul.f32 $6.499999760e-01, v9;
	v11 =	vmul.f32 $3.499999940e-01, v44;
	[tilespmem:s19+$0x1CC80] =	vst v7  }
0x221: {  	v7 =	vld [tilespmem:s28+$0x0]  }
0x222: {  	v6 =	vmul.f32 $3.499999940e-01, v6;
	s30 =	sor.u32 s9, s0;
	v10 =	vmul.f32 $6.499999760e-01, v47;
	[tilespmem:s29+$0x1CC00] =	vst v8;
	v8 =	vadd.f32 v11, v9;
	v11 =	vld [tilespmem:s11+$0x6D00]  }
0x223: {  	s10 =	sadd.s32 $0x8F80, s18;
	v9 =	vld [tilespmem:s30+$0x0];
	s30 =	sor.u32 $0x280, s6  }
0x224: {  	s18 =	sor.u32 s17, s10;
	[tilespmem:s26+$0x1CC00] =	vst v3;
	v6 =	vadd.f32 v6, v10;
	v10 =	vld [tilespmem:s30+$0x6C00]  }
0x225: {  	s21 =	sor.u32 $0x300, s21;
	v3 =	vld [tilespmem:s18+$0x0];
	s20 =	sadd.s32 $0x8D80, s15;
	v13 =	vmul.f32 $6.499999760e-01, v49;
	v12 =	vmul.f32 $3.499999940e-01, v48  }
0x226: {  	v14 =	vmul.f32 $6.499999760e-01, v50;
	s26 =	sor.u32 s5, s20;
	[tilespmem:s12+$0x1CD00] =	vst v6;
	v53 =	vld [tilespmem:s21+$0x6C00];
	v7 =	vmul.f32 $3.499999940e-01, v7  }
0x227: {  	s28 =	sor.u32 s25, s20;
	v6 =	vld [tilespmem:s26+$0x0];
	v12 =	vadd.f32 v12, v13;
	[tilespmem:s7+$0x1CD00] =	vst v8  }
0x228: {  	s18 =	sor.u32 $0x380, s23;
	v4 =	vmul.f32 $3.499999940e-01, v4;
	v8 =	vld [tilespmem:s28+$0x0];
	v11 =	vmul.f32 $6.499999760e-01, v11;
	v7 =	vadd.f32 v7, v14  }
0x229: {  	v51 =	vld [tilespmem:s18+$0x6C00];
	v5 =	vmul.f32 $3.499999940e-01, v5;
	[tilespmem:s24+$0x1CC00] =	vst v12;
	s24 =	sor.u32 s3, s0;
	v10 =	vmul.f32 $6.499999760e-01, v10  }
0x22a: {  	s26 =	sor.u32 s1, s20;
	v4 =	vadd.f32 v4, v11;
	[tilespmem:s19+$0x1CD00] =	vst v7;
	v7 =	vld [tilespmem:s24+$0x0]  }
0x22b: {  	v13 =	vmul.f32 $6.499999760e-01, v53;
	v9 =	vmul.f32 $3.499999940e-01, v9;
	v11 =	vld [tilespmem:s26+$0x0];
	v5 =	vadd.f32 v5, v10  }
0x22c: {  	s17 =	sor.u32 s22, s20;
	v14 =	vmul.f32 $6.499999760e-01, v54;
	v6 =	vmul.f32 $3.499999940e-01, v6;
	v10 =	vld [tilespmem:s19+$0x6D80];
	[tilespmem:s11+$0x1CD00] =	vst v4  }
0x22d: {  	p1 =	por !p1, !p1;
	s23 =	sor.u32 $0x300, s14;
	v9 =	vadd.f32 v9, v13;
	v8 =	vmul.f32 $3.499999940e-01, v8;
	v56 =	vld [tilespmem:s17+$0x0];
	s17 =	simm.s32 $0x1;
	[tilespmem:s30+$0x1CC00] =	vst v5;
	v5 =	vmul.f32 $6.499999760e-01, v52  }
0x22e: {  	s8 =	sor.u32 $0x300, s6;
	v6 =	vadd.f32 v6, v14;
	v4 =	vld [tilespmem:s23+$0x6C00];
	s17 =	simm.s32 @!p1 $0x0  }
0x22f: {  	s0 =	sor.u32 s13, s0;
	s28 =	sadd.s32 $0x8E00, s15;
	[tilespmem:s21+$0x1CC00] =	vst v9;
	v57 =	vld [tilespmem:s8+$0x6C00];
	s17 =	sshll.u32 s17, $0x6;
	v5 =	vadd.f32 v8, v5  }
0x230: {  	[tilespmem:s12+$0x1CD80] =	vst v6;
	s12 =	sor.u32 s5, s28;
	v9 =	vld [tilespmem:s0+$0x0];
	s24 =	sadd.s32 $0x200, s17  }
0x231: {  	s17 =	sor.u32 s25, s28;
	v10 =	vmul.f32 $6.499999760e-01, v10;
	s26 =	sadd.s32 $0x30, s24;
	v11 =	vmul.f32 $3.499999940e-01, v11;
	[tilespmem:s7+$0x1CD80] =	vst v5;
	v5 =	vld [tilespmem:s12+$0x0]  }
0x232: {  	v8 =	vmul.f32 $6.499999760e-01, v55;
	s12 =	sadd.s32 $0x10, s24;
	s20 =	sor.u32 $0x200, s26;
	v59 =	vld [tilespmem:s17+$0x0]  }
0x233: {  	v58 =	vmul.f32 $3.499999940e-01, v56;
	s7 =	sor.u32 $0x200, s12;
	v10 =	vadd.f32 v11, v10;
	v11 =	vld [tilespmem:s20+$0x6C00]  }
0x234: {  	s4 =	sor.u32 s4, s4;
	s9 =	sor.u32 s9, s10;
	v7 =	vmul.f32 $3.499999940e-01, v7;
	v4 =	vmul.f32 $6.499999760e-01, v4;
	v60 =	vld [tilespmem:s7+$0x6C00]  }
0x235: {  	s21 =	sor.u32 $0x380, s4;
	v6 =	vld [tilespmem:s9+$0x0];
	v8 =	vadd.f32 v58, v8  }
0x236: {  	s30 =	sor.u32 s1, s28;
	v4 =	vadd.f32 v7, v4;
	v7 =	vld [tilespmem:s21+$0x6C00];
	[tilespmem:s19+$0x1CD80] =	vst v10  }
0x237: {  	s0 =	sor.u32 s22, s28;
	v9 =	vmul.f32 $3.499999940e-01, v9;
	[tilespmem:s11+$0x1CD80] =	vst v8;
	v8 =	vmul.f32 $6.499999760e-01, v57;
	v10 =	vld [tilespmem:s30+$0x0]  }
0x238: {  	[tilespmem:s23+$0x1CC00] =	vst v4;
	s19 =	sor.u32 $0x200, s24;
	s11 =	sadd.s32 $0x20, s24;
	v4 =	vld [tilespmem:s0+$0x0];
	v5 =	vmul.f32 $3.499999940e-01, v5;
	v11 =	vmul.f32 $6.499999760e-01, v11  }
0x239: {  	s28 =	sor.u32 $0x200, s11;
	v8 =	vadd.f32 v9, v8;
	v9 =	vld [tilespmem:s19+$0x6C00];
	v13 =	vmul.f32 $3.499999940e-01, v59;
	v12 =	vmul.f32 $6.499999760e-01, v60  }
0x23a: {  	v3 =	vmul.f32 $3.499999940e-01, v3;
	s4 =	sor.u32 s3, s10;
	v61 =	vld [tilespmem:s28+$0x6C00];
	v5 =	vadd.f32 v5, v11  }
0x23b: {  	s9 =	sor.u32 $0x380, s14;
	v6 =	vmul.f32 $3.499999940e-01, v6;
	v62 =	vld [tilespmem:s4+$0x0];
	[tilespmem:s8+$0x1CC00] =	vst v8;
	v8 =	vmul.f32 $6.499999760e-01, v51;
	v12 =	vadd.f32 v13, v12  }
0x23c: {  	s6 =	sor.u32 $0x380, s6;
	s14 =	sor.u32 s2, s16;
	v7 =	vmul.f32 $6.499999760e-01, v7;
	v11 =	vld [tilespmem:s9+$0x6C00];
	s8 =	sadd.s32 $0x8E80, s15;
	[tilespmem:s20+$0x1CC00] =	vst v5  }
0x23d: {  	s29 =	sor.u32 $0x380, s14;
	s23 =	simm.s32 $0x4;
	s16 =	sor.u32 s5, s8;
	v3 =	vadd.f32 v3, v8;
	v5 =	vld [tilespmem:s6+$0x6C00];
	[tilespmem:s7+$0x1CC00] =	vst v12  }
0x23e: {  	s31 =	sor.u32 $0x300, s12;
	v10 =	vmul.f32 $3.499999940e-01, v10;
	s17 =	sor.u32 s25, s8;
	v8 =	vadd.f32 v6, v7;
	v9 =	vmul.f32 $6.499999760e-01, v9;
	v7 =	vld [tilespmem:s16+$0x0];
	[smem:$0x7DB] =	sst s23  }
0x23f: {  	s14 =	sor.u32 $0x280, s24;
	v4 =	vmul.f32 $3.499999940e-01, v4;
	s7 =	sor.u32 $0x280, s26;
	[tilespmem:s18+$0x1CC00] =	vst v3;
	v3 =	vmul.f32 $6.499999760e-01, v61;
	v6 =	vld [tilespmem:s17+$0x0]  }
0x240: {  	s30 =	sor.u32 s13, s10;
	s0 =	sor.u32 $0x280, s12;
	v13 =	vmul.f32 $3.499999940e-01, v62;
	s20 =	smov.u32 s6;
	[tilespmem:s21+$0x1CC00] =	vst v8;
	v8 =	vld [tilespmem:s7+$0x6C00];
	v10 =	vadd.f32 v10, v9  }
0x241: {  	s6 =	sor.u32 $0x280, s11;
	s23 =	sor.u32 $0x380, s11;
	s18 =	smov.u32 s22;
	v9 =	vld [tilespmem:s0+$0x6C00];
	v11 =	vmul.f32 $6.499999760e-01, v11;
	v63 =	vadd.f32 v4, v3  }
0x242: {  	s22 =	sor.u32 $0x300, s24;
	s21 =	sor.u32 $0x300, s11;
	s24 =	sor.u32 $0x380, s12;
	[tilespmem:s19+$0x1CC00] =	vst v10;
	v4 =	vld [tilespmem:s30+$0x0]  }
0x243: {  	s12 =	sor.u32 s1, s8;
	s8 =	sor.u32 s18, s8;
	v3 =	vmul.f32 $6.499999760e-01, v5;
	s19 =	simm.s32 $0x80;
	v5 =	vadd.f32 v13, v11;
	v10 =	vld [tilespmem:s14+$0x6C00];
	[tilespmem:s28+$0x1CC00] =	vst v63  }
.LBB2_5:
0x244: {  	s2 =	sadd.s32 $0x200, s2  }
0x245: {  	[smem:$0x7D5] =	sst s31;
	s31 =	sand.u32 $0x40, s19;
	v11 =	vld [tilespmem:s12+$0x0];
	s28 =	sand.u32 $0x1C00, s2  }
0x246: {  	v12 =	vld [tilespmem:s6+$0x6C00];
	s3 =	sor.u32 $0x30, s31;
	s17 =	sadd.s32 $0x8C00, s28;
	v8 =	vmul.f32 $6.499999760e-01, v8;
	v7 =	vmul.f32 $3.499999940e-01, v7  }
0x247: {  	[tilespmem:s9+$0x1CC00] =	vst v5;
	s30 =	sor.u32 s3, s17;
	v5 =	vmul.f32 $3.499999940e-01, v6;
	v6 =	vld [tilespmem:s8+$0x0]  }
0x248: {  	[smem:$0x7D6] =	sst s21;
	s21 =	sor.u32 s28, s3;
	v9 =	vmul.f32 $6.499999760e-01, v9;
	v13 =	vld [tilespmem:s30+$0x0];
	v7 =	vadd.f32 v7, v8  }
0x249: {  	s4 =	sor.u32 s31, s17;
	v4 =	vmul.f32 $3.499999940e-01, v4;
	v8 =	vld [tilespmem:s21+$0x6C00]  }
0x24a: {  	[smem:$0x7D7] =	sst s29;
	s16 =	sadd.s32 $0x8F00, s15;
	s8 =	sor.u32 $0x300, s26;
	v5 =	vadd.f32 v5, v9;
	[tilespmem:s7+$0x1CC00] =	vst v7;
	v7 =	vmul.f32 $3.499999940e-01, v11;
	v11 =	vld [tilespmem:s4+$0x0]  }
0x24b: {  	s10 =	sor.u32 $0x10, s31;
	s11 =	sor.u32 $0x20, s31;
	s9 =	sor.u32 s5, s16;
	v3 =	vadd.f32 v4, v3;
	v9 =	vld [tilespmem:s8+$0x6C00]  }
0x24c: {  	s12 =	sor.u32 s28, s10;
	s13 =	sor.u32 s10, s17;
	v10 =	vmul.f32 $6.499999760e-01, v10;
	s7 =	sor.u32 s11, s17;
	[tilespmem:s0+$0x1CC00] =	vst v5;
	v5 =	vld [tilespmem:s9+$0x0]  }
0x24d: {  	v4 =	vmul.f32 $6.499999760e-01, v12;
	s17 =	smov.u32 s5;
	s5 =	smov.u32 s18;
	s18 =	smov.u32 s25;
	[tilespmem:s20+$0x1CC00] =	vst v3;
	v6 =	vmul.f32 $3.499999940e-01, v6;
	v3 =	vld [tilespmem:s12+$0x6C00]  }
0x24e: {  	s25 =	smov.u32 s1;
	s1 =	sor.u32 s1, s16;
	s4 =	sor.u32 s2, s19;
	v7 =	vadd.f32 v7, v10;
	v10 =	vld [tilespmem:s13+$0x0]  }
0x24f: {  	s29 =	sor.u32 s28, s11;
	[smem:$0x7D4] =	sst s1;
	s4 =	sor.u32 $0x380, s4;
	v50 =	vld [tilespmem:s7+$0x0];
	v4 =	vadd.f32 v6, v4  }
0x250: {  	s30 =	sor.u32 s31, s28;
	v6 =	vld [tilespmem:s29+$0x6C00];
	[tilespmem:s14+$0x1CC00] =	vst v7;
	v7 =	vmul.f32 $6.499999760e-01, v8;
	v8 =	vmul.f32 $3.499999940e-01, v13  }
0x251: {  	[tilespmem:s6+$0x1CC00] =	vst v4;
	v4 =	vmul.f32 $6.499999760e-01, v9;
	v5 =	vmul.f32 $3.499999940e-01, v5;
	v9 =	vld [tilespmem:s30+$0x6C00]  }
0x252: {  	s20 =	sadd.s32 $0x8C80, s28;
	s1 =	smov.u32 s24;
	[dreg:$0x1b] =	wrdreg s4;
	v7 =	vadd.f32 v8, v7  }
0x253: {  	s9 =	smov.u32 s23;
	s23 =	sor.u32 s3, s20;
	s4 =	sld [smem:$0x7DB];
	v3 =	vmul.f32 $6.499999760e-01, v3;
	v8 =	vld [tilespmem:s12+$0x6C80];
	v4 =	vadd.f32 v5, v4;
	v5 =	vmul.f32 $3.499999940e-01, v10  }
0x254: {  	s24 =	sadd.s32 $0x8F80, s15;
	[dreg:$0x13] =	wrdreg s9;
	s9 =	sor.u32 $0x380, s26;
	[tilespmem:s21+$0x1CC00] =	vst v7;
	v7 =	vld [tilespmem:s21+$0x6C80]  }
0x255: {  	s7 =	sor.u32 s31, s20;
	[dreg:$0x18] =	wrdreg s1;
	s13 =	sor.u32 s10, s20;
	v11 =	vmul.f32 $3.499999940e-01, v11;
	v6 =	vmul.f32 $6.499999760e-01, v6;
	v10 =	vld [tilespmem:s23+$0x0];
	[tilespmem:s8+$0x1CC00] =	vst v4;
	v3 =	vadd.f32 v5, v3  }
0x256: {  	s1 =	sadd.s32 $0x4, s4;
	s4 =	sor.u32 s11, s20;
	s20 =	sor.u32 s17, s24;
	v4 =	vmul.f32 $3.499999940e-01, v50;
	v5 =	vld [tilespmem:s9+$0x6C00];
	v9 =	vmul.f32 $6.499999760e-01, v9  }
0x257: {  	v51 =	vld [tilespmem:s20+$0x0];
	[tilespmem:s12+$0x1CC00] =	vst v3  }
0x258: {  	v3 =	vmul.f32 $6.499999760e-01, v8;
	v4 =	vadd.f32 v4, v6;
	v8 =	vadd.f32 v11, v9;
	v9 =	vld [tilespmem:s13+$0x0]  }
0x259: {  	v6 =	vld [tilespmem:s29+$0x6C80]  }
0x25a: {  	v11 =	vld [tilespmem:s30+$0x6C80];
	[tilespmem:s29+$0x1CC00] =	vst v4  }
0x25b: {  	v7 =	vmul.f32 $6.499999760e-01, v7;
	[tilespmem:s30+$0x1CC00] =	vst v8;
	v4 =	vld [tilespmem:s4+$0x0];
	v8 =	vmul.f32 $3.499999940e-01, v10  }
0x25c: {  	s0 =	sor.u32 s18, s16;
	s16 =	sor.u32 s5, s16;
	v10 =	vld [tilespmem:s7+$0x0];
	v5 =	vmul.f32 $6.499999760e-01, v5;
	v12 =	vmul.f32 $3.499999940e-01, v51  }
0x25d: {  	s15 =	smov.u32 s28;
	v52 =	vld [tilespmem:s12+$0x6D00];
	s18 =	sor.u32 s18, s24;
	s5 =	sor.u32 s5, s24;
	v7 =	vadd.f32 v8, v7;
	v8 =	vmul.f32 $3.499999940e-01, v9  }
0x25e: {  	[smem:$0x7D9] =	sst s5;
	s5 =	smov.u32 s3;
	s6 =	sor.u32 s25, s24;
	v53 =	vld [tilespmem:s30+$0x6D00];
	v5 =	vadd.f32 v12, v5  }
0x25f: {  	s24 =	sadd.s32 $0x8D00, s15;
	v55 =	vld [tilespmem:s30+$0x6D80];
	[smem:$0x7DB] =	sst s1;
	p2 =	slt.u32 s1, $0x3C;
	[tilespmem:s21+$0x1CC80] =	vst v7;
	v3 =	vadd.f32 v8, v3  }
0x260: {  	s25 =	smov.u32 s10;
	s1 =	sor.u32 s5, s24;
	v6 =	vmul.f32 $6.499999760e-01, v6;
	v7 =	vld [tilespmem:s21+$0x6D00];
	v4 =	vmul.f32 $3.499999940e-01, v4;
	[tilespmem:s9+$0x1CC00] =	vst v5  }
0x261: {  	s28 =	sor.u32 s25, s24;
	v11 =	vmul.f32 $6.499999760e-01, v11;
	v5 =	vmul.f32 $3.499999940e-01, v10;
	v8 =	vld [tilespmem:s1+$0x0];
	[tilespmem:s12+$0x1CC80] =	vst v3  }
0x262: {  	v4 =	vadd.f32 v4, v6;
	v6 =	vld [tilespmem:s28+$0x0]  }
0x263: {  	[smem:$0x7D8] =	sst s18;
	s18 =	smov.u32 s11;
	v9 =	vld [tilespmem:s29+$0x6D00];
	v5 =	vadd.f32 v5, v11  }
0x264: {  	s3 =	sor.u32 s18, s24;
	s23 =	smov.u32 s31;
	v10 =	vld [tilespmem:s12+$0x6D80];
	[tilespmem:s29+$0x1CC80] =	vst v4  }
0x265: {  	s10 =	sld [smem:$0x7D4];
	s26 =	sor.u32 s23, s24;
	[tilespmem:s30+$0x1CC80] =	vst v5;
	v5 =	vld [tilespmem:s3+$0x0]  }
0x266: {  	v7 =	vmul.f32 $6.499999760e-01, v7;
	v54 =	vld [tilespmem:s26+$0x0];
	v8 =	vmul.f32 $3.499999940e-01, v8  }
0x267: {  	v3 =	vmul.f32 $6.499999760e-01, v52;
	v4 =	vld [tilespmem:s29+$0x6D80];
	v6 =	vmul.f32 $3.499999940e-01, v6  }
0x268: {  	s8 =	sadd.s32 $0x8D80, s15;
	v14 =	vld [tilespmem:s10+$0x0];
	v7 =	vadd.f32 v8, v7  }
0x269: {  	s11 =	sor.u32 s23, s8;
	s1 =	smov.u32 s23;
	s23 =	sld [smem:$0x7D5];
	v8 =	vld [tilespmem:s22+$0x6C00];
	v3 =	vadd.f32 v6, v3  }
0x26a: {  	s14 =	sor.u32 s5, s8;
	v9 =	vmul.f32 $6.499999760e-01, v9;
	v5 =	vmul.f32 $3.499999940e-01, v5;
	[tilespmem:s21+$0x1CD00] =	vst v7;
	v6 =	vld [tilespmem:s21+$0x6D80]  }
0x26b: {  	v11 =	vmul.f32 $6.499999760e-01, v53;
	v7 =	vmul.f32 $3.499999940e-01, v54;
	v56 =	vld [tilespmem:s14+$0x0];
	[tilespmem:s12+$0x1CD00] =	vst v3  }
0x26c: {  	s13 =	sor.u32 s25, s8;
	v3 =	vadd.f32 v5, v9;
	v5 =	vld [tilespmem:s23+$0x6C00]  }
0x26d: {  	v7 =	vadd.f32 v7, v11;
	v9 =	vld [tilespmem:s13+$0x0]  }
0x26e: {  	s28 =	sld [smem:$0x7D6];
	s3 =	sor.u32 s18, s8;
	v8 =	vmul.f32 $6.499999760e-01, v8;
	v11 =	vld [tilespmem:s0+$0x0];
	[tilespmem:s29+$0x1CD00] =	vst v3;
	v3 =	vmul.f32 $3.499999940e-01, v14  }
0x26f: {  	p1 =	por !p1, !p1;
	s0 =	simm.s32 $0x1;
	[tilespmem:s30+$0x1CD00] =	vst v7;
	v7 =	vld [tilespmem:s3+$0x0]  }
0x270: {  	s9 =	sld [smem:$0x7D7];
	s0 =	simm.s32 @!p1 $0x0;
	v6 =	vmul.f32 $6.499999760e-01, v6;
	v57 =	vld [tilespmem:s11+$0x0];
	v12 =	vmul.f32 $3.499999940e-01, v56;
	v3 =	vadd.f32 v3, v8  }
0x271: {  	v10 =	vmul.f32 $6.499999760e-01, v10;
	s0 =	sshll.u32 s0, $0x6;
	v8 =	vld [tilespmem:s28+$0x6C00]  }
0x272: {  	v4 =	vmul.f32 $6.499999760e-01, v4;
	s4 =	sadd.s32 s0, s2;
	v9 =	vmul.f32 $3.499999940e-01, v9;
	v6 =	vadd.f32 v12, v6;
	[tilespmem:s22+$0x1CC00] =	vst v3;
	v3 =	vld [tilespmem:s16+$0x0]  }
0x273: {  	s26 =	sadd.s32 $0x30, s4;
	v5 =	vmul.f32 $6.499999760e-01, v5;
	v11 =	vmul.f32 $3.499999940e-01, v11;
	v58 =	vld [tilespmem:s9+$0x6C00]  }
0x274: {  	s16 =	sadd.s32 $0x8E00, s15;
	s7 =	sor.u32 $0x200, s26;
	v9 =	vadd.f32 v9, v10;
	v7 =	vmul.f32 $3.499999940e-01, v7;
	[tilespmem:s21+$0x1CD80] =	vst v6;
	v6 =	vld [tilespmem:s6+$0x0]  }
0x275: {  	v13 =	vmul.f32 $6.499999760e-01, v55;
	s8 =	sadd.s32 $0x10, s4;
	s17 =	sor.u32 s5, s16;
	v5 =	vadd.f32 v11, v5;
	v10 =	vmul.f32 $3.499999940e-01, v57;
	v59 =	vld [tilespmem:s7+$0x6C00]  }
0x276: {  	s11 =	sor.u32 $0x200, s8;
	[tilespmem:s12+$0x1CD80] =	vst v9;
	v4 =	vadd.f32 v7, v4;
	v7 =	vld [tilespmem:s17+$0x0]  }
0x277: {  	s13 =	sadd.s32 $0x20, s4;
	s24 =	sor.u32 s25, s16;
	v8 =	vmul.f32 $6.499999760e-01, v8;
	v9 =	vadd.f32 v10, v13;
	v10 =	vld [tilespmem:s11+$0x6C00];
	[tilespmem:s23+$0x1CC00] =	vst v5;
	v3 =	vmul.f32 $3.499999940e-01, v3  }
0x278: {  	s10 =	sor.u32 $0x200, s4;
	s3 =	sor.u32 $0x200, s13;
	v5 =	vld [tilespmem:s24+$0x0];
	[tilespmem:s29+$0x1CD80] =	vst v4  }
0x279: {  	v4 =	vmul.f32 $6.499999760e-01, v58;
	[tilespmem:s30+$0x1CD80] =	vst v9;
	v9 =	vld [tilespmem:s3+$0x6C00];
	v6 =	vmul.f32 $3.499999940e-01, v6;
	v3 =	vadd.f32 v3, v8  }
0x27a: {  	s21 =	sor.u32 s1, s16;
	s12 =	sld [smem:$0x7D8];
	v8 =	vld [tilespmem:s10+$0x6C00]  }
0x27b: {  	s20 =	sor.u32 s18, s16;
	v11 =	vld [tilespmem:s21+$0x0];
	v60 =	vmul.f32 $6.499999760e-01, v59;
	v7 =	vmul.f32 $3.499999940e-01, v7;
	v4 =	vadd.f32 v6, v4;
	[tilespmem:s28+$0x1CC00] =	vst v3  }
0x27c: {  	v6 =	vld [tilespmem:s20+$0x0]  }
0x27d: {  	v61 =	vld [tilespmem:s12+$0x0];
	v3 =	vmul.f32 $6.499999760e-01, v10;
	v5 =	vmul.f32 $3.499999940e-01, v5;
	v7 =	vadd.f32 v7, v60;
	[tilespmem:s9+$0x1CC00] =	vst v4;
	s9 =	rddreg [dreg:$0x18]  }
0x27e: {  	s16 =	rddreg [dreg:$0x13];
	s17 =	sor.u32 $0x300, s13;
	s23 =	sor.u32 $0x380, s13;
	v4 =	vld [tilespmem:s9+$0x6C00]  }
0x27f: {  	s6 =	sor.u32 $0x280, s13;
	s13 =	sadd.s32 $0x8E80, s15;
	v10 =	vmul.f32 $6.499999760e-01, v9;
	v3 =	vadd.f32 v5, v3;
	[tilespmem:s7+$0x1CC00] =	vst v7;
	s7 =	sor.u32 $0x280, s26;
	v5 =	vld [tilespmem:s16+$0x6C00]  }
0x280: {  	s28 =	sor.u32 s5, s13;
	v9 =	vmul.f32 $6.499999760e-01, v8;
	v11 =	vmul.f32 $3.499999940e-01, v11;
	v8 =	vld [tilespmem:s7+$0x6C00]  }
.Ltmp1:
0x281: {  	s0 =	sor.u32 $0x280, s8;
	s30 =	sld [smem:$0x7D9];
	v7 =	vld [tilespmem:s28+$0x0];
	[tilespmem:s11+$0x1CC00] =	vst v3;
	v3 =	vmul.f32 $3.499999940e-01, v6;
	(pc) =	sbr.rel @p2 .LBB2_5-.Ltmp1, $4  }
0x282: {  	s19 =	sadd.s32 $0x40, s19;
	s21 =	smov.u32 s17;
	s17 =	sor.u32 s25, s13;
	v11 =	vadd.f32 v11, v9;
	v9 =	vld [tilespmem:s0+$0x6C00]  }
0x283: {  	s31 =	sor.u32 $0x300, s8;
	s24 =	sor.u32 $0x380, s8;
	s8 =	rddreg [dreg:$0x1b];
	v12 =	vmul.f32 $3.499999940e-01, v61;
	v6 =	vld [tilespmem:s17+$0x0];
	v62 =	vmul.f32 $6.499999760e-01, v4;
	v63 =	vadd.f32 v3, v10  }
0x284: {  	s14 =	sor.u32 $0x280, s4;
	s22 =	sor.u32 $0x300, s4;
	s29 =	smov.u32 s8;
	[tilespmem:s10+$0x1CC00] =	vst v11;
	v4 =	vld [tilespmem:s30+$0x0]  }
0x285: {  	s12 =	sor.u32 s1, s13;
	s8 =	sor.u32 s18, s13;
	s20 =	smov.u32 s16;
	v3 =	vmul.f32 $6.499999760e-01, v5;
	v10 =	vld [tilespmem:s14+$0x6C00];
	[tilespmem:s3+$0x1CC00] =	vst v63;
	v5 =	vadd.f32 v12, v62  }
0x286: {  	v11 =	vld [tilespmem:s12+$0x0];
	_ =	sdelay $0x2  }
0x287: {  	v8 =	vmul.f32 $6.499999760e-01, v8;
	v7 =	vmul.f32 $3.499999940e-01, v7;
	v12 =	vld [tilespmem:s6+$0x6C00]  }
0x288: {  	v13 =	vld [tilespmem:s8+$0x0]  }
0x289: {  	v7 =	vadd.f32 v7, v8;
	v8 =	vmul.f32 $6.499999760e-01, v10;
	v10 =	vmul.f32 $3.499999940e-01, v11  }
0x28a: {  	s2 =	sadd.s32 $0x8F00, s15;
	s3 =	sor.u32 $0x300, s26  }
0x28b: {  	v9 =	vmul.f32 $6.499999760e-01, v9;
	v6 =	vmul.f32 $3.499999940e-01, v6;
	[tilespmem:s7+$0x1CC00] =	vst v7;
	v7 =	vadd.f32 v10, v8  }
0x28c: {  	s4 =	sor.u32 s5, s2;
	v8 =	vld [tilespmem:s3+$0x6C00]  }
0x28d: {  	v6 =	vadd.f32 v6, v9;
	v9 =	vmul.f32 $6.499999760e-01, v12;
	v11 =	vmul.f32 $3.499999940e-01, v13;
	v10 =	vld [tilespmem:s4+$0x0];
	[tilespmem:s14+$0x1CC00] =	vst v7  }
0x28e: {  	s30 =	sor.u32 s1, s2;
	v7 =	vld [tilespmem:s22+$0x6C00]  }
0x28f: {  	[tilespmem:s0+$0x1CC00] =	vst v6;
	v6 =	vadd.f32 v11, v9;
	v9 =	vld [tilespmem:s30+$0x0]  }
0x290: {  	s4 =	sor.u32 s25, s2;
	v11 =	vld [tilespmem:s31+$0x6C00]  }
0x291: {  	[tilespmem:s6+$0x1CC00] =	vst v6;
	v6 =	vld [tilespmem:s4+$0x0]  }
0x292: {  	s7 =	sor.u32 s18, s2;
	v36 =	vld [tilespmem:s21+$0x6C00];
	v8 =	vmul.f32 $6.499999760e-01, v8;
	v10 =	vmul.f32 $3.499999940e-01, v10  }
0x293: {  	v37 =	vld [tilespmem:s7+$0x0]  }
0x294: {  	v8 =	vadd.f32 v10, v8;
	v7 =	vmul.f32 $6.499999760e-01, v7;
	v9 =	vmul.f32 $3.499999940e-01, v9  }
0x295: {  	s8 =	sadd.s32 $0x8F80, s15  }
0x296: {  	s10 =	sor.u32 $0x380, s26;
	v6 =	vmul.f32 $3.499999940e-01, v6;
	[tilespmem:s3+$0x1CC00] =	vst v8;
	v8 =	vmul.f32 $6.499999760e-01, v11;
	v7 =	vadd.f32 v9, v7  }
0x297: {  	s11 =	sor.u32 s5, s8;
	v9 =	vld [tilespmem:s10+$0x6C00]  }
0x298: {  	v10 =	vld [tilespmem:s11+$0x0];
	v6 =	vadd.f32 v6, v8;
	v8 =	vmul.f32 $3.499999940e-01, v37;
	[tilespmem:s22+$0x1CC00] =	vst v7;
	v7 =	vmul.f32 $6.499999760e-01, v36  }
0x299: {  	s12 =	sor.u32 s1, s8;
	v11 =	vld [tilespmem:s29+$0x6C00]  }
0x29a: {  	v38 =	vld [tilespmem:s12+$0x0];
	[tilespmem:s31+$0x1CC00] =	vst v6;
	v6 =	vadd.f32 v8, v7  }
0x29b: {  	s13 =	sor.u32 s25, s8;
	v7 =	vld [tilespmem:s24+$0x6C00]  }
0x29c: {  	[tilespmem:s21+$0x1CC00] =	vst v6;
	v6 =	vld [tilespmem:s13+$0x0]  }
0x29d: {  	s0 =	sor.u32 s18, s8;
	v8 =	vld [tilespmem:s23+$0x6C00]  }
0x29e: {  	v39 =	vld [tilespmem:s0+$0x0]  }
0x29f: {  	v4 =	vmul.f32 $3.499999940e-01, v4  }
0x2a0: {  	v9 =	vmul.f32 $6.499999760e-01, v9;
	v10 =	vmul.f32 $3.499999940e-01, v10  }
0x2a1: {  	v3 =	vadd.f32 v4, v3;
	v4 =	vmul.f32 $6.499999760e-01, v11;
	v11 =	vmul.f32 $3.499999940e-01, v38  }
0x2a2: {  	[tilespmem:s9+$0x1CC00] =	vst v5;
	v5 =	vadd.f32 v10, v9;
	v7 =	vmul.f32 $6.499999760e-01, v7;
	v6 =	vmul.f32 $3.499999940e-01, v6  }
0x2a3: {  	[tilespmem:s20+$0x1CC00] =	vst v3;
	v3 =	vadd.f32 v11, v4;
	v4 =	vmul.f32 $6.499999760e-01, v8;
	v8 =	vmul.f32 $3.499999940e-01, v39  }
0x2a4: {  	[tilespmem:s10+$0x1CC00] =	vst v5;
	v5 =	vadd.f32 v6, v7  }
0x2a5: {  	[tilespmem:s29+$0x1CC00] =	vst v3;
	v3 =	vadd.f32 v8, v4  }
0x2a6: {  	[tilespmem:s24+$0x1CC00] =	vst v5  }
0x2a7: {  	[tilespmem:s23+$0x1CC00] =	vst v3  }
0x2a8: {  	s3 =	sld [smem:$0x7FA];
	_ =	sdelay $0x1  }
0x2a9: {  	s1 =	simm.s32 @p0 $0x1CC00;
	s0 =	simm.s32 @p0 $0x0  }
0x2aa: {  	[hbm4b:s3+s0] =	stream.linear.scatter @p0 [tilespmem:s1], [sflag:$0x9], $0x280, $0x38;
	[tilespmem:$0x1F380] =	vst v63  }
0x2ab: {  	s2 =	simm.s32 @p0 $0x1D000;
	s1 =	sadd.s32 @p0 $0x80, s3  }
0x2ac: {  	[hbm4b:s1+s0] =	stream.linear.scatter @p0 [tilespmem:s2], [sflag:$0x9], $0x280, $0x38;
	[tilespmem:$0x1F380] =	vst v63  }
0x2ad: {  	s1 =	sadd.s32 @p0 $0x100, s3;
	s2 =	simm.s32 @p0 $0x1D400  }
0x2ae: {  	[hbm4b:s1+s0] =	stream.linear.scatter @p0 [tilespmem:s2], [sflag:$0x9], $0x280, $0x38;
	[tilespmem:$0x1F380] =	vst v63  }
0x2af: {  	s1 =	sadd.s32 @p0 $0x180, s3;
	s2 =	simm.s32 @p0 $0x1D800  }
0x2b0: {  	[hbm4b:s1+s0] =	stream.linear.scatter @p0 [tilespmem:s2], [sflag:$0x9], $0x280, $0x38;
	[tilespmem:$0x1F380] =	vst v63  }
0x2b1: {  	s1 =	sadd.s32 @p0 $0x200, s3;
	s2 =	simm.s32 @p0 $0x1DC00  }
0x2b2: {  	[hbm4b:s1+s0] =	stream.linear.scatter @p0 [tilespmem:s2], [sflag:$0x9], $0x280, $0x38;
	[tilespmem:$0x1F380] =	vst v63  }
0x2b3: {  	s1 =	sadd.s32 @p0 $0x280, s3;
	s2 =	simm.s32 @p0 $0x1E000  }
0x2b4: {  	[hbm4b:s1+s0] =	stream.linear.scatter @p0 [tilespmem:s2], [sflag:$0x9], $0x280, $0x38;
	[tilespmem:$0x1F380] =	vst v63  }
0x2b5: {  	s1 =	sadd.s32 @p0 $0x300, s3;
	s2 =	simm.s32 @p0 $0x1E400  }
0x2b6: {  	[hbm4b:s1+s0] =	stream.linear.scatter @p0 [tilespmem:s2], [sflag:$0x9], $0x280, $0x38;
	[tilespmem:$0x1F380] =	vst v63  }
0x2b7: {  	s1 =	sadd.s32 @p0 $0x380, s3;
	s2 =	simm.s32 @p0 $0x1E800  }
0x2b8: {  	[hbm4b:s1+s0] =	stream.linear.scatter @p0 [tilespmem:s2], [sflag:$0x9], $0x280, $0x38;
	[tilespmem:$0x1F380] =	vst v63  }
0x2b9: {  	s0 =	simm.s32 @p0 $0x9  }
0x2ba: {  	_ =	swait.ge @p0 [sflag:s0], $0x1400  }
0x2bb: {  	s2 =	sld [smem:$0x7DA]  }
0x2bc: {  	[sflag:s0] =	ssyncset.done @p0 $0x0  }
0x2bd: {  	s1 =	rddreg [dreg:$0x9];
	[sflag:s0] =	ssyncadd.s32 @p0 $0xFFFFEC00  }
0x2be: {  	s15 =	simm.s32 $0x5;
	s0 =	rddreg [dreg:$0xb];
	s1 =	sadd.s32 @!p0 s1, s2  }
0x2bf: {  	s4 =	simm.s32 $0x0;
	s14 =	simm.s32 $0x1CC00;
	s1 =	smov.u32 @p0 s0  }
0x2c0: {  	[hbm4b:s1+s4] =	stream.linear.scatter [tilespmem:s14], [sflag:$0x6], $0x2000, $0x38;
	[tilespmem:$0x1F380] =	vst v63  }
0x2c1: {  	s9 =	sand.u32 $0x40, s4;
	_ =	swait.ge [sflag:s15], $0x2000  }
0x2c2: {  	s18 =	sand.u32 $0x1C00, s4;
	s17 =	sor.u32 $0x30, s9;
	[sflag:s15] =	ssyncset.done $0x0  }
0x2c3: {  	s16 =	sadd.s32 $0xCC00, s18;
	s19 =	sor.u32 s18, s17;
	[sflag:s15] =	ssyncadd.s32 $0xFFFFE000  }
0x2c4: {  	s20 =	sor.u32 s17, s16;
	v3 =	vld [tilespmem:s19+$0xAC00]  }
0x2c5: {  	v4 =	vld [tilespmem:s20+$0x0];
	_ =	sdelay $0x2  }
0x2c6: {  	s3 =	sor.u32 $0x10, s9  }
0x2c7: {  	s1 =	sor.u32 s18, s3  }
0x2c8: {  	s21 =	sor.u32 s3, s16;
	v5 =	vld [tilespmem:s1+$0xAC00];
	v3 =	vmul.f32 $6.499999760e-01, v3;
	v4 =	vmul.f32 $3.499999940e-01, v4  }
0x2c9: {  	s22 =	sor.u32 s9, s16;
	v6 =	vld [tilespmem:s21+$0x0]  }
0x2ca: {  	s2 =	sor.u32 s9, s18;
	v7 =	vld [tilespmem:s22+$0x0];
	v3 =	vadd.f32 v4, v3  }
0x2cb: {  	s23 =	sadd.s32 $0xCC80, s18;
	v4 =	vld [tilespmem:s2+$0xAC00]  }
0x2cc: {  	s24 =	sor.u32 s17, s23;
	[tilespmem:s19+$0x1AC00] =	vst v3;
	v3 =	vld [tilespmem:s19+$0xAC80]  }
0x2cd: {  	v8 =	vld [tilespmem:s24+$0x0]  }
0x2ce: {  	s13 =	sor.u32 $0x20, s9;
	v5 =	vmul.f32 $6.499999760e-01, v5;
	v6 =	vmul.f32 $3.499999940e-01, v6  }
0x2cf: {  	s0 =	sor.u32 s18, s13  }
0x2d0: {  	s6 =	sor.u32 s13, s16;
	v9 =	vld [tilespmem:s0+$0xAC00];
	v7 =	vmul.f32 $3.499999940e-01, v7;
	v5 =	vadd.f32 v6, v5;
	v4 =	vmul.f32 $6.499999760e-01, v4  }
0x2d1: {  	v6 =	vld [tilespmem:s6+$0x0]  }
0x2d2: {  	s25 =	sor.u32 s3, s23;
	v10 =	vld [tilespmem:s1+$0xAC80];
	[tilespmem:s1+$0x1AC00] =	vst v5;
	v4 =	vadd.f32 v7, v4;
	v3 =	vmul.f32 $6.499999760e-01, v3;
	v5 =	vmul.f32 $3.499999940e-01, v8  }
0x2d3: {  	v7 =	vld [tilespmem:s25+$0x0]  }
0x2d4: {  	s26 =	sor.u32 s9, s23;
	v8 =	vld [tilespmem:s2+$0xAC80];
	[tilespmem:s2+$0x1AC00] =	vst v4;
	v3 =	vadd.f32 v5, v3  }
0x2d5: {  	s28 =	sadd.s32 $0xCD00, s18;
	v4 =	vld [tilespmem:s26+$0x0]  }
0x2d6: {  	s30 =	sor.u32 s17, s28;
	v6 =	vmul.f32 $3.499999940e-01, v6;
	v5 =	vmul.f32 $6.499999760e-01, v9;
	[tilespmem:s19+$0x1AC80] =	vst v3;
	v3 =	vld [tilespmem:s19+$0xAD00]  }
0x2d7: {  	v9 =	vld [tilespmem:s30+$0x0]  }
0x2d8: {  	v5 =	vadd.f32 v6, v5;
	v6 =	vmul.f32 $6.499999760e-01, v10;
	v7 =	vmul.f32 $3.499999940e-01, v7;
	_ =	sdelay $0x1  }
0x2d9: {  	v10 =	vld [tilespmem:s0+$0xAC80];
	[tilespmem:s0+$0x1AC00] =	vst v5;
	v5 =	vmul.f32 $6.499999760e-01, v8;
	v6 =	vadd.f32 v7, v6;
	v4 =	vmul.f32 $3.499999940e-01, v4  }
0x2da: {  	s7 =	sor.u32 s13, s23;
	v7 =	vld [tilespmem:s1+$0xAD00]  }
0x2db: {  	s8 =	sor.u32 s3, s28;
	v8 =	vld [tilespmem:s7+$0x0];
	[tilespmem:s1+$0x1AC80] =	vst v6;
	v4 =	vadd.f32 v4, v5;
	v3 =	vmul.f32 $6.499999760e-01, v3;
	v5 =	vmul.f32 $3.499999940e-01, v9  }
0x2dc: {  	v6 =	vld [tilespmem:s8+$0x0]  }
0x2dd: {  	s10 =	sor.u32 s9, s28;
	v9 =	vld [tilespmem:s2+$0xAD00];
	[tilespmem:s2+$0x1AC80] =	vst v4;
	v3 =	vadd.f32 v5, v3  }
0x2de: {  	s11 =	sadd.s32 $0xCD80, s18;
	v4 =	vld [tilespmem:s10+$0x0]  }
0x2df: {  	s12 =	sor.u32 s17, s11;
	[tilespmem:s19+$0x1AD00] =	vst v3;
	v3 =	vld [tilespmem:s19+$0xAD80]  }
0x2e0: {  	v5 =	vld [tilespmem:s12+$0x0]  }
0x2e1: {  	v10 =	vmul.f32 $6.499999760e-01, v10;
	v8 =	vmul.f32 $3.499999940e-01, v8  }
0x2e2: {  	v7 =	vmul.f32 $6.499999760e-01, v7;
	v6 =	vmul.f32 $3.499999940e-01, v6  }
0x2e3: {  	v11 =	vld [tilespmem:s1+$0xAD80];
	v8 =	vadd.f32 v8, v10;
	v9 =	vmul.f32 $6.499999760e-01, v9;
	v4 =	vmul.f32 $3.499999940e-01, v4  }
0x2e4: {  	v10 =	vld [tilespmem:s0+$0xAD00];
	v6 =	vadd.f32 v6, v7  }
0x2e5: {  	p1 =	por $0x0, $0x0;
	s6 =	sor.u32 s13, s28;
	s8 =	simm.s32 $0x1;
	[tilespmem:s0+$0x1AC80] =	vst v8;
	v8 =	vld [tilespmem:s2+$0xAD80];
	v3 =	vmul.f32 $6.499999760e-01, v3;
	v4 =	vadd.f32 v4, v9;
	v5 =	vmul.f32 $3.499999940e-01, v5  }
0x2e6: {  	s15 =	sor.u32 s3, s11;
	s8 =	simm.s32 @!p1 $0x0;
	v7 =	vld [tilespmem:s6+$0x0];
	[tilespmem:s1+$0x1AD00] =	vst v6  }
0x2e7: {  	s16 =	sor.u32 s9, s11;
	s14 =	sshll.u32 s8, $0x6;
	[tilespmem:s2+$0x1AD00] =	vst v4;
	v3 =	vadd.f32 v5, v3;
	v5 =	vld [tilespmem:s15+$0x0]  }
0x2e8: {  	s21 =	sadd.s32 $0x0, s14;
	v4 =	vld [tilespmem:s16+$0x0]  }
0x2e9: {  	s23 =	sadd.s32 $0x30, s21  }
0x2ea: {  	s10 =	sadd.s32 $0xCE00, s18;
	[tilespmem:s19+$0x1AD80] =	vst v3;
	s19 =	sor.u32 $0x200, s23  }
0x2eb: {  	s20 =	sor.u32 s17, s10;
	v9 =	vmul.f32 $6.499999760e-01, v10;
	v7 =	vmul.f32 $3.499999940e-01, v7;
	v3 =	vld [tilespmem:s19+$0xAC00]  }
0x2ec: {  	v10 =	vmul.f32 $6.499999760e-01, v11;
	v6 =	vld [tilespmem:s20+$0x0];
	v5 =	vmul.f32 $3.499999940e-01, v5  }
0x2ed: {  	v8 =	vmul.f32 $6.499999760e-01, v8;
	v7 =	vadd.f32 v7, v9;
	v4 =	vmul.f32 $3.499999940e-01, v4  }
0x2ee: {  	v5 =	vadd.f32 v5, v10  }
0x2ef: {  	s22 =	sor.u32 s13, s11;
	v9 =	vld [tilespmem:s0+$0xAD80];
	[tilespmem:s0+$0x1AD00] =	vst v7;
	v4 =	vadd.f32 v4, v8  }
0x2f0: {  	s24 =	sor.u32 s3, s10;
	s16 =	simm.s32 $0x40;
	v7 =	vld [tilespmem:s22+$0x0];
	v3 =	vmul.f32 $6.499999760e-01, v3;
	[tilespmem:s1+$0x1AD80] =	vst v5  }
0x2f1: {  	s6 =	sor.u32 $0x200, s21;
	v6 =	vmul.f32 $3.499999940e-01, v6;
	[tilespmem:s2+$0x1AD80] =	vst v4;
	s1 =	sand.u32 $0x40, s16;
	s2 =	simm.s32 $0x200;
	v5 =	vld [tilespmem:s24+$0x0]  }
0x2f2: {  	s25 =	sor.u32 s9, s10;
	v4 =	vld [tilespmem:s6+$0xAC00];
	s15 =	sand.u32 $0x1C00, s2;
	s5 =	sor.u32 $0x30, s1  }
0x2f3: {  	v3 =	vadd.f32 v6, v3;
	v6 =	vld [tilespmem:s25+$0x0];
	s25 =	sor.u32 $0x10, s1;
	s12 =	sor.u32 s15, s5  }
0x2f4: {  	s7 =	sor.u32 s15, s25;
	v8 =	vld [tilespmem:s12+$0xAC00]  }
0x2f5: {  	v11 =	vld [tilespmem:s7+$0xAC00]  }
0x2f6: {  	v47 =	vld [tilespmem:s12+$0xAD00]  }
0x2f7: {  	s8 =	sadd.s32 $0xCE80, s18;
	s14 =	sor.u32 $0x280, s23;
	v52 =	vld [tilespmem:s7+$0xAD80]  }
0x2f8: {  	v9 =	vmul.f32 $6.499999760e-01, v9;
	v7 =	vmul.f32 $3.499999940e-01, v7;
	[tilespmem:s19+$0x1AC00] =	vst v3;
	v54 =	vld [tilespmem:s12+$0xAD80]  }
0x2f9: {  	s28 =	sor.u32 s17, s8;
	s19 =	sadd.s32 $0xCC00, s15;
	v3 =	vld [tilespmem:s14+$0xAC00]  }
0x2fa: {  	v7 =	vadd.f32 v7, v9;
	s26 =	sor.u32 s5, s19;
	v9 =	vld [tilespmem:s28+$0x0]  }
0x2fb: {  	s22 =	sor.u32 $0x20, s1;
	s11 =	sor.u32 s25, s19;
	v10 =	vld [tilespmem:s26+$0x0]  }
0x2fc: {  	s30 =	sor.u32 s22, s19;
	v40 =	vld [tilespmem:s11+$0x0]  }
0x2fd: {  	s24 =	sor.u32 s1, s19;
	[tilespmem:s0+$0x1AD80] =	vst v7;
	v7 =	vld [tilespmem:s30+$0x0]  }
0x2fe: {  	s19 =	sor.u32 s1, s15;
	v15 =	vld [tilespmem:s24+$0x0]  }
0x2ff: {  	s11 =	sor.u32 s15, s22;
	v16 =	vld [tilespmem:s19+$0xAC00]  }
0x300: {  	v41 =	vld [tilespmem:s11+$0xAC00];
	v4 =	vmul.f32 $6.499999760e-01, v4;
	v6 =	vmul.f32 $3.499999940e-01, v6  }
0x301: {  	v46 =	vld [tilespmem:s19+$0xAC80];
	v8 =	vmul.f32 $6.499999760e-01, v8;
	v10 =	vmul.f32 $3.499999940e-01, v10  }
0x302: {  	s10 =	sor.u32 s13, s10;
	v50 =	vld [tilespmem:s19+$0xAD00];
	v11 =	vmul.f32 $6.499999760e-01, v11;
	v12 =	vmul.f32 $3.499999940e-01, v40  }
0x303: {  	v14 =	vld [tilespmem:s10+$0x0];
	v4 =	vadd.f32 v6, v4;
	v8 =	vadd.f32 v10, v8  }
0x304: {  	s10 =	sadd.s32 $0xCC80, s15;
	v6 =	vld [tilespmem:s12+$0xAC80];
	v3 =	vmul.f32 $6.499999760e-01, v3;
	v9 =	vmul.f32 $3.499999940e-01, v9;
	v11 =	vadd.f32 v12, v11  }
0x305: {  	s26 =	sor.u32 s5, s10;
	v7 =	vmul.f32 $3.499999940e-01, v7;
	v10 =	vld [tilespmem:s7+$0xAC80];
	[tilespmem:s12+$0x1AC00] =	vst v8;
	v8 =	vmul.f32 $6.499999760e-01, v41  }
0x306: {  	s28 =	sor.u32 s25, s10;
	v3 =	vadd.f32 v9, v3;
	[tilespmem:s7+$0x1AC00] =	vst v11;
	v9 =	vld [tilespmem:s26+$0x0]  }
0x307: {  	s0 =	sadd.s32 $0xCF00, s18;
	[tilespmem:s6+$0x1AC00] =	vst v4;
	s6 =	sadd.s32 $0x20, s21;
	v4 =	vadd.f32 v7, v8;
	v7 =	vld [tilespmem:s28+$0x0]  }
0x308: {  	s20 =	sor.u32 $0x200, s6;
	[tilespmem:s14+$0x1AC00] =	vst v3;
	v3 =	vmul.f32 $3.499999940e-01, v15;
	v11 =	vmul.f32 $6.499999760e-01, v16  }
0x309: {  	v43 =	vld [tilespmem:s20+$0xAC00];
	s14 =	sadd.s32 $0x10, s21;
	s26 =	sor.u32 s17, s0  }
0x30a: {  	s24 =	sor.u32 $0x200, s14;
	v42 =	vld [tilespmem:s26+$0x0];
	v3 =	vadd.f32 v3, v11  }
0x30b: {  	v6 =	vmul.f32 $6.499999760e-01, v6;
	s28 =	sor.u32 s22, s10;
	v11 =	vld [tilespmem:s24+$0xAC00];
	[tilespmem:s11+$0x1AC00] =	vst v4;
	v9 =	vmul.f32 $3.499999940e-01, v9  }
0x30c: {  	s26 =	sor.u32 $0x300, s23;
	v10 =	vmul.f32 $6.499999760e-01, v10;
	[tilespmem:s19+$0x1AC00] =	vst v3;
	v4 =	vld [tilespmem:s28+$0x0];
	v3 =	vmul.f32 $3.499999940e-01, v7  }
0x30d: {  	v6 =	vadd.f32 v9, v6;
	v9 =	vld [tilespmem:s26+$0xAC00]  }
0x30e: {  	s30 =	sor.u32 s9, s8;
	v3 =	vadd.f32 v3, v10;
	v10 =	vld [tilespmem:s11+$0xAC80]  }
0x30f: {  	v8 =	vld [tilespmem:s30+$0x0];
	s10 =	sor.u32 s1, s10;
	s28 =	sadd.s32 $0xCD00, s15;
	[tilespmem:s12+$0x1AC80] =	vst v6  }
0x310: {  	s30 =	sor.u32 s5, s28;
	v7 =	vld [tilespmem:s10+$0x0];
	v11 =	vmul.f32 $6.499999760e-01, v11;
	[tilespmem:s7+$0x1AC80] =	vst v3;
	v3 =	vmul.f32 $3.499999940e-01, v5  }
0x311: {  	s29 =	sor.u32 $0x280, s21;
	v45 =	vmul.f32 $3.499999940e-01, v14;
	v12 =	vmul.f32 $3.499999940e-01, v42;
	v6 =	vld [tilespmem:s30+$0x0]  }
0x312: {  	s30 =	sor.u32 s25, s28;
	v5 =	vmul.f32 $6.499999760e-01, v43;
	v3 =	vadd.f32 v3, v11;
	v11 =	vld [tilespmem:s29+$0xAC00];
	v9 =	vmul.f32 $6.499999760e-01, v9  }
0x313: {  	v4 =	vmul.f32 $3.499999940e-01, v4;
	v44 =	vld [tilespmem:s30+$0x0];
	v10 =	vmul.f32 $6.499999760e-01, v10  }
0x314: {  	v5 =	vadd.f32 v45, v5;
	[tilespmem:s24+$0x1AC00] =	vst v3;
	v3 =	vadd.f32 v12, v9;
	v9 =	vld [tilespmem:s7+$0xAD00]  }
0x315: {  	v55 =	vld [tilespmem:s11+$0xAD80];
	s30 =	sor.u32 s3, s8;
	v7 =	vmul.f32 $3.499999940e-01, v7;
	v4 =	vadd.f32 v4, v10;
	v10 =	vmul.f32 $6.499999760e-01, v46  }
0x316: {  	s8 =	sor.u32 s13, s8;
	[tilespmem:s20+$0x1AC00] =	vst v5;
	v48 =	vld [tilespmem:s30+$0x0]  }
0x317: {  	v8 =	vmul.f32 $3.499999940e-01, v8;
	s24 =	sor.u32 $0x280, s14;
	v5 =	vld [tilespmem:s8+$0x0];
	v11 =	vmul.f32 $6.499999760e-01, v11;
	v7 =	vadd.f32 v7, v10  }
0x318: {  	s20 =	sor.u32 s22, s28;
	v49 =	vld [tilespmem:s24+$0xAC00];
	[tilespmem:s11+$0x1AC80] =	vst v4  }
0x319: {  	s28 =	sor.u32 s1, s28;
	v4 =	vld [tilespmem:s20+$0x0];
	v8 =	vadd.f32 v8, v11;
	v9 =	vmul.f32 $6.499999760e-01, v9;
	v11 =	vmul.f32 $3.499999940e-01, v44;
	[tilespmem:s19+$0x1AC80] =	vst v7  }
0x31a: {  	v7 =	vld [tilespmem:s28+$0x0]  }
0x31b: {  	v6 =	vmul.f32 $3.499999940e-01, v6;
	s30 =	sor.u32 s9, s0;
	v10 =	vmul.f32 $6.499999760e-01, v47;
	[tilespmem:s29+$0x1AC00] =	vst v8;
	v8 =	vadd.f32 v11, v9;
	v11 =	vld [tilespmem:s11+$0xAD00]  }
0x31c: {  	s10 =	sadd.s32 $0xCF80, s18;
	v9 =	vld [tilespmem:s30+$0x0];
	s30 =	sor.u32 $0x280, s6  }
0x31d: {  	s18 =	sor.u32 s17, s10;
	[tilespmem:s26+$0x1AC00] =	vst v3;
	v6 =	vadd.f32 v6, v10;
	v10 =	vld [tilespmem:s30+$0xAC00]  }
0x31e: {  	s21 =	sor.u32 $0x300, s21;
	v3 =	vld [tilespmem:s18+$0x0];
	s20 =	sadd.s32 $0xCD80, s15;
	v13 =	vmul.f32 $6.499999760e-01, v49;
	v12 =	vmul.f32 $3.499999940e-01, v48  }
0x31f: {  	v14 =	vmul.f32 $6.499999760e-01, v50;
	s26 =	sor.u32 s5, s20;
	[tilespmem:s12+$0x1AD00] =	vst v6;
	v53 =	vld [tilespmem:s21+$0xAC00];
	v7 =	vmul.f32 $3.499999940e-01, v7  }
0x320: {  	s28 =	sor.u32 s25, s20;
	v6 =	vld [tilespmem:s26+$0x0];
	v12 =	vadd.f32 v12, v13;
	[tilespmem:s7+$0x1AD00] =	vst v8  }
0x321: {  	s18 =	sor.u32 $0x380, s23;
	v4 =	vmul.f32 $3.499999940e-01, v4;
	v8 =	vld [tilespmem:s28+$0x0];
	v11 =	vmul.f32 $6.499999760e-01, v11;
	v7 =	vadd.f32 v7, v14  }
0x322: {  	v51 =	vld [tilespmem:s18+$0xAC00];
	v5 =	vmul.f32 $3.499999940e-01, v5;
	[tilespmem:s24+$0x1AC00] =	vst v12;
	s24 =	sor.u32 s3, s0;
	v10 =	vmul.f32 $6.499999760e-01, v10  }
0x323: {  	s26 =	sor.u32 s1, s20;
	v4 =	vadd.f32 v4, v11;
	[tilespmem:s19+$0x1AD00] =	vst v7;
	v7 =	vld [tilespmem:s24+$0x0]  }
0x324: {  	v13 =	vmul.f32 $6.499999760e-01, v53;
	v9 =	vmul.f32 $3.499999940e-01, v9;
	v11 =	vld [tilespmem:s26+$0x0];
	v5 =	vadd.f32 v5, v10  }
0x325: {  	s17 =	sor.u32 s22, s20;
	v14 =	vmul.f32 $6.499999760e-01, v54;
	v6 =	vmul.f32 $3.499999940e-01, v6;
	v10 =	vld [tilespmem:s19+$0xAD80];
	[tilespmem:s11+$0x1AD00] =	vst v4  }
0x326: {  	p1 =	por !p1, !p1;
	s23 =	sor.u32 $0x300, s14;
	v9 =	vadd.f32 v9, v13;
	v8 =	vmul.f32 $3.499999940e-01, v8;
	v56 =	vld [tilespmem:s17+$0x0];
	s17 =	simm.s32 $0x1;
	[tilespmem:s30+$0x1AC00] =	vst v5;
	v5 =	vmul.f32 $6.499999760e-01, v52  }
0x327: {  	s8 =	sor.u32 $0x300, s6;
	v6 =	vadd.f32 v6, v14;
	v4 =	vld [tilespmem:s23+$0xAC00];
	s17 =	simm.s32 @!p1 $0x0  }
0x328: {  	s0 =	sor.u32 s13, s0;
	s28 =	sadd.s32 $0xCE00, s15;
	[tilespmem:s21+$0x1AC00] =	vst v9;
	v57 =	vld [tilespmem:s8+$0xAC00];
	s17 =	sshll.u32 s17, $0x6;
	v5 =	vadd.f32 v8, v5  }
0x329: {  	[tilespmem:s12+$0x1AD80] =	vst v6;
	s12 =	sor.u32 s5, s28;
	v9 =	vld [tilespmem:s0+$0x0];
	s24 =	sadd.s32 $0x200, s17  }
0x32a: {  	s17 =	sor.u32 s25, s28;
	v10 =	vmul.f32 $6.499999760e-01, v10;
	s26 =	sadd.s32 $0x30, s24;
	v11 =	vmul.f32 $3.499999940e-01, v11;
	[tilespmem:s7+$0x1AD80] =	vst v5;
	v5 =	vld [tilespmem:s12+$0x0]  }
0x32b: {  	v8 =	vmul.f32 $6.499999760e-01, v55;
	s12 =	sadd.s32 $0x10, s24;
	s20 =	sor.u32 $0x200, s26;
	v59 =	vld [tilespmem:s17+$0x0]  }
0x32c: {  	v58 =	vmul.f32 $3.499999940e-01, v56;
	s7 =	sor.u32 $0x200, s12;
	v10 =	vadd.f32 v11, v10;
	v11 =	vld [tilespmem:s20+$0xAC00]  }
0x32d: {  	s4 =	sor.u32 s4, s4;
	s9 =	sor.u32 s9, s10;
	v7 =	vmul.f32 $3.499999940e-01, v7;
	v4 =	vmul.f32 $6.499999760e-01, v4;
	v60 =	vld [tilespmem:s7+$0xAC00]  }
0x32e: {  	s21 =	sor.u32 $0x380, s4;
	v6 =	vld [tilespmem:s9+$0x0];
	v8 =	vadd.f32 v58, v8  }
0x32f: {  	s30 =	sor.u32 s1, s28;
	v4 =	vadd.f32 v7, v4;
	v7 =	vld [tilespmem:s21+$0xAC00];
	[tilespmem:s19+$0x1AD80] =	vst v10  }
0x330: {  	s0 =	sor.u32 s22, s28;
	v9 =	vmul.f32 $3.499999940e-01, v9;
	[tilespmem:s11+$0x1AD80] =	vst v8;
	v8 =	vmul.f32 $6.499999760e-01, v57;
	v10 =	vld [tilespmem:s30+$0x0]  }
0x331: {  	[tilespmem:s23+$0x1AC00] =	vst v4;
	s19 =	sor.u32 $0x200, s24;
	s11 =	sadd.s32 $0x20, s24;
	v4 =	vld [tilespmem:s0+$0x0];
	v5 =	vmul.f32 $3.499999940e-01, v5;
	v11 =	vmul.f32 $6.499999760e-01, v11  }
0x332: {  	s28 =	sor.u32 $0x200, s11;
	v8 =	vadd.f32 v9, v8;
	v9 =	vld [tilespmem:s19+$0xAC00];
	v13 =	vmul.f32 $3.499999940e-01, v59;
	v12 =	vmul.f32 $6.499999760e-01, v60  }
0x333: {  	v3 =	vmul.f32 $3.499999940e-01, v3;
	s4 =	sor.u32 s3, s10;
	v61 =	vld [tilespmem:s28+$0xAC00];
	v5 =	vadd.f32 v5, v11  }
0x334: {  	s9 =	sor.u32 $0x380, s14;
	v6 =	vmul.f32 $3.499999940e-01, v6;
	v62 =	vld [tilespmem:s4+$0x0];
	[tilespmem:s8+$0x1AC00] =	vst v8;
	v8 =	vmul.f32 $6.499999760e-01, v51;
	v12 =	vadd.f32 v13, v12  }
0x335: {  	s6 =	sor.u32 $0x380, s6;
	s14 =	sor.u32 s2, s16;
	v7 =	vmul.f32 $6.499999760e-01, v7;
	v11 =	vld [tilespmem:s9+$0xAC00];
	s8 =	sadd.s32 $0xCE80, s15;
	[tilespmem:s20+$0x1AC00] =	vst v5  }
0x336: {  	s29 =	sor.u32 $0x380, s14;
	s23 =	simm.s32 $0x4;
	s16 =	sor.u32 s5, s8;
	v3 =	vadd.f32 v3, v8;
	v5 =	vld [tilespmem:s6+$0xAC00];
	[tilespmem:s7+$0x1AC00] =	vst v12  }
0x337: {  	s31 =	sor.u32 $0x300, s12;
	v10 =	vmul.f32 $3.499999940e-01, v10;
	s17 =	sor.u32 s25, s8;
	v8 =	vadd.f32 v6, v7;
	v9 =	vmul.f32 $6.499999760e-01, v9;
	v7 =	vld [tilespmem:s16+$0x0];
	[smem:$0x7D3] =	sst s23  }
0x338: {  	s14 =	sor.u32 $0x280, s24;
	v4 =	vmul.f32 $3.499999940e-01, v4;
	s7 =	sor.u32 $0x280, s26;
	[tilespmem:s18+$0x1AC00] =	vst v3;
	v3 =	vmul.f32 $6.499999760e-01, v61;
	v6 =	vld [tilespmem:s17+$0x0]  }
0x339: {  	s30 =	sor.u32 s13, s10;
	s0 =	sor.u32 $0x280, s12;
	v13 =	vmul.f32 $3.499999940e-01, v62;
	s20 =	smov.u32 s6;
	[tilespmem:s21+$0x1AC00] =	vst v8;
	v8 =	vld [tilespmem:s7+$0xAC00];
	v10 =	vadd.f32 v10, v9  }
0x33a: {  	s6 =	sor.u32 $0x280, s11;
	s23 =	sor.u32 $0x380, s11;
	s18 =	smov.u32 s22;
	v9 =	vld [tilespmem:s0+$0xAC00];
	v11 =	vmul.f32 $6.499999760e-01, v11;
	v63 =	vadd.f32 v4, v3  }
0x33b: {  	s22 =	sor.u32 $0x300, s24;
	s21 =	sor.u32 $0x300, s11;
	s24 =	sor.u32 $0x380, s12;
	[tilespmem:s19+$0x1AC00] =	vst v10;
	v4 =	vld [tilespmem:s30+$0x0]  }
0x33c: {  	s12 =	sor.u32 s1, s8;
	s8 =	sor.u32 s18, s8;
	v3 =	vmul.f32 $6.499999760e-01, v5;
	s19 =	simm.s32 $0x80;
	v5 =	vadd.f32 v13, v11;
	v10 =	vld [tilespmem:s14+$0xAC00];
	[tilespmem:s28+$0x1AC00] =	vst v63  }
.LBB2_7:
0x33d: {  	s2 =	sadd.s32 $0x200, s2  }
0x33e: {  	s10 =	sand.u32 $0x40, s19;
	v11 =	vld [tilespmem:s12+$0x0];
	s28 =	sand.u32 $0x1C00, s2  }
0x33f: {  	v12 =	vld [tilespmem:s6+$0xAC00];
	s3 =	sor.u32 $0x30, s10;
	s17 =	sadd.s32 $0xCC00, s28;
	v8 =	vmul.f32 $6.499999760e-01, v8;
	v7 =	vmul.f32 $3.499999940e-01, v7  }
0x340: {  	[tilespmem:s9+$0x1AC00] =	vst v5;
	s30 =	sor.u32 s3, s17;
	v5 =	vmul.f32 $3.499999940e-01, v6;
	v6 =	vld [tilespmem:s8+$0x0]  }
0x341: {  	[smem:$0x7CF] =	sst s21;
	s21 =	sor.u32 s28, s3;
	v9 =	vmul.f32 $6.499999760e-01, v9;
	v13 =	vld [tilespmem:s30+$0x0];
	v7 =	vadd.f32 v7, v8  }
0x342: {  	[smem:$0x7CE] =	sst s31;
	s4 =	sor.u32 s10, s17;
	v4 =	vmul.f32 $3.499999940e-01, v4;
	v8 =	vld [tilespmem:s21+$0xAC00]  }
0x343: {  	[smem:$0x7D0] =	sst s29;
	s16 =	sadd.s32 $0xCF00, s15;
	s8 =	sor.u32 $0x300, s26;
	v5 =	vadd.f32 v5, v9;
	[tilespmem:s7+$0x1AC00] =	vst v7;
	v7 =	vmul.f32 $3.499999940e-01, v11;
	v11 =	vld [tilespmem:s4+$0x0]  }
0x344: {  	s31 =	sor.u32 $0x10, s10;
	s11 =	sor.u32 $0x20, s10;
	s9 =	sor.u32 s5, s16;
	v3 =	vadd.f32 v4, v3;
	v9 =	vld [tilespmem:s8+$0xAC00]  }
0x345: {  	s12 =	sor.u32 s28, s31;
	s13 =	sor.u32 s31, s17;
	v10 =	vmul.f32 $6.499999760e-01, v10;
	s7 =	sor.u32 s11, s17;
	[tilespmem:s0+$0x1AC00] =	vst v5;
	v5 =	vld [tilespmem:s9+$0x0]  }
0x346: {  	v4 =	vmul.f32 $6.499999760e-01, v12;
	s17 =	smov.u32 s5;
	s5 =	smov.u32 s18;
	s18 =	smov.u32 s25;
	[tilespmem:s20+$0x1AC00] =	vst v3;
	v6 =	vmul.f32 $3.499999940e-01, v6;
	v3 =	vld [tilespmem:s12+$0xAC00]  }
0x347: {  	s25 =	smov.u32 s1;
	s1 =	sor.u32 s1, s16;
	s4 =	sor.u32 s2, s19;
	v7 =	vadd.f32 v7, v10;
	v10 =	vld [tilespmem:s13+$0x0]  }
0x348: {  	s29 =	sor.u32 s28, s11;
	[smem:$0x7CD] =	sst s1;
	s4 =	sor.u32 $0x380, s4;
	v50 =	vld [tilespmem:s7+$0x0];
	v4 =	vadd.f32 v6, v4  }
0x349: {  	s30 =	sor.u32 s10, s28;
	v6 =	vld [tilespmem:s29+$0xAC00];
	[tilespmem:s14+$0x1AC00] =	vst v7;
	v7 =	vmul.f32 $6.499999760e-01, v8;
	v8 =	vmul.f32 $3.499999940e-01, v13  }
0x34a: {  	[tilespmem:s6+$0x1AC00] =	vst v4;
	v4 =	vmul.f32 $6.499999760e-01, v9;
	v5 =	vmul.f32 $3.499999940e-01, v5;
	v9 =	vld [tilespmem:s30+$0xAC00]  }
0x34b: {  	s20 =	sadd.s32 $0xCC80, s28;
	s1 =	smov.u32 s24;
	[dreg:$0x1c] =	wrdreg s4;
	v7 =	vadd.f32 v8, v7  }
0x34c: {  	s9 =	smov.u32 s23;
	s23 =	sor.u32 s3, s20;
	s4 =	sld [smem:$0x7D3];
	v3 =	vmul.f32 $6.499999760e-01, v3;
	v8 =	vld [tilespmem:s12+$0xAC80];
	v4 =	vadd.f32 v5, v4;
	v5 =	vmul.f32 $3.499999940e-01, v10  }
0x34d: {  	s24 =	sadd.s32 $0xCF80, s15;
	[dreg:$0x14] =	wrdreg s9;
	s9 =	sor.u32 $0x380, s26;
	[tilespmem:s21+$0x1AC00] =	vst v7;
	v7 =	vld [tilespmem:s21+$0xAC80]  }
0x34e: {  	s7 =	sor.u32 s10, s20;
	[dreg:$0x19] =	wrdreg s1;
	s13 =	sor.u32 s31, s20;
	v11 =	vmul.f32 $3.499999940e-01, v11;
	v6 =	vmul.f32 $6.499999760e-01, v6;
	v10 =	vld [tilespmem:s23+$0x0];
	[tilespmem:s8+$0x1AC00] =	vst v4;
	v3 =	vadd.f32 v5, v3  }
0x34f: {  	s1 =	sadd.s32 $0x4, s4;
	s4 =	sor.u32 s11, s20;
	s20 =	sor.u32 s17, s24;
	v4 =	vmul.f32 $3.499999940e-01, v50;
	v5 =	vld [tilespmem:s9+$0xAC00];
	v9 =	vmul.f32 $6.499999760e-01, v9  }
0x350: {  	v51 =	vld [tilespmem:s20+$0x0];
	[tilespmem:s12+$0x1AC00] =	vst v3  }
0x351: {  	v3 =	vmul.f32 $6.499999760e-01, v8;
	v4 =	vadd.f32 v4, v6;
	v8 =	vadd.f32 v11, v9;
	v9 =	vld [tilespmem:s13+$0x0]  }
0x352: {  	v6 =	vld [tilespmem:s29+$0xAC80]  }
0x353: {  	v11 =	vld [tilespmem:s30+$0xAC80];
	[tilespmem:s29+$0x1AC00] =	vst v4  }
0x354: {  	v7 =	vmul.f32 $6.499999760e-01, v7;
	[tilespmem:s30+$0x1AC00] =	vst v8;
	v4 =	vld [tilespmem:s4+$0x0];
	v8 =	vmul.f32 $3.499999940e-01, v10  }
0x355: {  	s0 =	sor.u32 s18, s16;
	s16 =	sor.u32 s5, s16;
	v10 =	vld [tilespmem:s7+$0x0];
	v5 =	vmul.f32 $6.499999760e-01, v5;
	v12 =	vmul.f32 $3.499999940e-01, v51  }
0x356: {  	s15 =	smov.u32 s28;
	v52 =	vld [tilespmem:s12+$0xAD00];
	s18 =	sor.u32 s18, s24;
	s5 =	sor.u32 s5, s24;
	v7 =	vadd.f32 v8, v7;
	v8 =	vmul.f32 $3.499999940e-01, v9  }
0x357: {  	[smem:$0x7D2] =	sst s5;
	s5 =	smov.u32 s3;
	s6 =	sor.u32 s25, s24;
	v53 =	vld [tilespmem:s30+$0xAD00];
	v5 =	vadd.f32 v12, v5  }
0x358: {  	s24 =	sadd.s32 $0xCD00, s15;
	v55 =	vld [tilespmem:s30+$0xAD80];
	[smem:$0x7D3] =	sst s1;
	p2 =	slt.u32 s1, $0x3C;
	[tilespmem:s21+$0x1AC80] =	vst v7;
	v3 =	vadd.f32 v8, v3  }
0x359: {  	s25 =	smov.u32 s31;
	s1 =	sor.u32 s5, s24;
	v6 =	vmul.f32 $6.499999760e-01, v6;
	v7 =	vld [tilespmem:s21+$0xAD00];
	v4 =	vmul.f32 $3.499999940e-01, v4;
	[tilespmem:s9+$0x1AC00] =	vst v5  }
0x35a: {  	s28 =	sor.u32 s25, s24;
	v11 =	vmul.f32 $6.499999760e-01, v11;
	v5 =	vmul.f32 $3.499999940e-01, v10;
	v8 =	vld [tilespmem:s1+$0x0];
	[tilespmem:s12+$0x1AC80] =	vst v3  }
0x35b: {  	v4 =	vadd.f32 v4, v6;
	v6 =	vld [tilespmem:s28+$0x0]  }
0x35c: {  	[smem:$0x7D1] =	sst s18;
	s18 =	smov.u32 s11;
	v9 =	vld [tilespmem:s29+$0xAD00];
	v5 =	vadd.f32 v5, v11  }
0x35d: {  	s3 =	sor.u32 s18, s24;
	s23 =	smov.u32 s10;
	v10 =	vld [tilespmem:s12+$0xAD80];
	[tilespmem:s29+$0x1AC80] =	vst v4  }
0x35e: {  	s10 =	sld [smem:$0x7CD];
	s26 =	sor.u32 s23, s24;
	[tilespmem:s30+$0x1AC80] =	vst v5;
	v5 =	vld [tilespmem:s3+$0x0]  }
0x35f: {  	v7 =	vmul.f32 $6.499999760e-01, v7;
	v54 =	vld [tilespmem:s26+$0x0];
	v8 =	vmul.f32 $3.499999940e-01, v8  }
0x360: {  	v3 =	vmul.f32 $6.499999760e-01, v52;
	v4 =	vld [tilespmem:s29+$0xAD80];
	v6 =	vmul.f32 $3.499999940e-01, v6  }
0x361: {  	s8 =	sadd.s32 $0xCD80, s15;
	v14 =	vld [tilespmem:s10+$0x0];
	v7 =	vadd.f32 v8, v7  }
0x362: {  	s11 =	sor.u32 s23, s8;
	s1 =	smov.u32 s23;
	s23 =	sld [smem:$0x7CE];
	v8 =	vld [tilespmem:s22+$0xAC00];
	v3 =	vadd.f32 v6, v3  }
0x363: {  	s14 =	sor.u32 s5, s8;
	v9 =	vmul.f32 $6.499999760e-01, v9;
	v5 =	vmul.f32 $3.499999940e-01, v5;
	[tilespmem:s21+$0x1AD00] =	vst v7;
	v6 =	vld [tilespmem:s21+$0xAD80]  }
0x364: {  	v11 =	vmul.f32 $6.499999760e-01, v53;
	v7 =	vmul.f32 $3.499999940e-01, v54;
	v56 =	vld [tilespmem:s14+$0x0];
	[tilespmem:s12+$0x1AD00] =	vst v3  }
0x365: {  	s13 =	sor.u32 s25, s8;
	v3 =	vadd.f32 v5, v9;
	v5 =	vld [tilespmem:s23+$0xAC00]  }
0x366: {  	v7 =	vadd.f32 v7, v11;
	v9 =	vld [tilespmem:s13+$0x0]  }
0x367: {  	s28 =	sld [smem:$0x7CF];
	s3 =	sor.u32 s18, s8;
	v8 =	vmul.f32 $6.499999760e-01, v8;
	v11 =	vld [tilespmem:s0+$0x0];
	[tilespmem:s29+$0x1AD00] =	vst v3;
	v3 =	vmul.f32 $3.499999940e-01, v14  }
0x368: {  	p1 =	por !p1, !p1;
	s0 =	simm.s32 $0x1;
	[tilespmem:s30+$0x1AD00] =	vst v7;
	v7 =	vld [tilespmem:s3+$0x0]  }
0x369: {  	s9 =	sld [smem:$0x7D0];
	s0 =	simm.s32 @!p1 $0x0;
	v6 =	vmul.f32 $6.499999760e-01, v6;
	v57 =	vld [tilespmem:s11+$0x0];
	v12 =	vmul.f32 $3.499999940e-01, v56;
	v3 =	vadd.f32 v3, v8  }
0x36a: {  	v10 =	vmul.f32 $6.499999760e-01, v10;
	s0 =	sshll.u32 s0, $0x6;
	v8 =	vld [tilespmem:s28+$0xAC00]  }
0x36b: {  	v4 =	vmul.f32 $6.499999760e-01, v4;
	s4 =	sadd.s32 s0, s2;
	v9 =	vmul.f32 $3.499999940e-01, v9;
	v6 =	vadd.f32 v12, v6;
	[tilespmem:s22+$0x1AC00] =	vst v3;
	v3 =	vld [tilespmem:s16+$0x0]  }
0x36c: {  	s26 =	sadd.s32 $0x30, s4;
	v5 =	vmul.f32 $6.499999760e-01, v5;
	v11 =	vmul.f32 $3.499999940e-01, v11;
	v58 =	vld [tilespmem:s9+$0xAC00]  }
0x36d: {  	s16 =	sadd.s32 $0xCE00, s15;
	s7 =	sor.u32 $0x200, s26;
	v9 =	vadd.f32 v9, v10;
	v7 =	vmul.f32 $3.499999940e-01, v7;
	[tilespmem:s21+$0x1AD80] =	vst v6;
	v6 =	vld [tilespmem:s6+$0x0]  }
0x36e: {  	v13 =	vmul.f32 $6.499999760e-01, v55;
	s8 =	sadd.s32 $0x10, s4;
	s17 =	sor.u32 s5, s16;
	v5 =	vadd.f32 v11, v5;
	v10 =	vmul.f32 $3.499999940e-01, v57;
	v59 =	vld [tilespmem:s7+$0xAC00]  }
0x36f: {  	s11 =	sor.u32 $0x200, s8;
	[tilespmem:s12+$0x1AD80] =	vst v9;
	v4 =	vadd.f32 v7, v4;
	v7 =	vld [tilespmem:s17+$0x0]  }
0x370: {  	s13 =	sadd.s32 $0x20, s4;
	s24 =	sor.u32 s25, s16;
	v8 =	vmul.f32 $6.499999760e-01, v8;
	v9 =	vadd.f32 v10, v13;
	v10 =	vld [tilespmem:s11+$0xAC00];
	[tilespmem:s23+$0x1AC00] =	vst v5;
	v3 =	vmul.f32 $3.499999940e-01, v3  }
0x371: {  	s10 =	sor.u32 $0x200, s4;
	s3 =	sor.u32 $0x200, s13;
	v5 =	vld [tilespmem:s24+$0x0];
	[tilespmem:s29+$0x1AD80] =	vst v4  }
0x372: {  	v4 =	vmul.f32 $6.499999760e-01, v58;
	[tilespmem:s30+$0x1AD80] =	vst v9;
	v9 =	vld [tilespmem:s3+$0xAC00];
	v6 =	vmul.f32 $3.499999940e-01, v6;
	v3 =	vadd.f32 v3, v8  }
0x373: {  	s21 =	sor.u32 s1, s16;
	s12 =	sld [smem:$0x7D1];
	v8 =	vld [tilespmem:s10+$0xAC00]  }
0x374: {  	s20 =	sor.u32 s18, s16;
	v11 =	vld [tilespmem:s21+$0x0];
	v60 =	vmul.f32 $6.499999760e-01, v59;
	v7 =	vmul.f32 $3.499999940e-01, v7;
	v4 =	vadd.f32 v6, v4;
	[tilespmem:s28+$0x1AC00] =	vst v3  }
0x375: {  	v6 =	vld [tilespmem:s20+$0x0]  }
0x376: {  	v61 =	vld [tilespmem:s12+$0x0];
	v3 =	vmul.f32 $6.499999760e-01, v10;
	v5 =	vmul.f32 $3.499999940e-01, v5;
	v7 =	vadd.f32 v7, v60;
	[tilespmem:s9+$0x1AC00] =	vst v4;
	s9 =	rddreg [dreg:$0x19]  }
0x377: {  	s16 =	rddreg [dreg:$0x14];
	s17 =	sor.u32 $0x300, s13;
	s23 =	sor.u32 $0x380, s13;
	v4 =	vld [tilespmem:s9+$0xAC00]  }
0x378: {  	s6 =	sor.u32 $0x280, s13;
	s13 =	sadd.s32 $0xCE80, s15;
	v10 =	vmul.f32 $6.499999760e-01, v9;
	v3 =	vadd.f32 v5, v3;
	[tilespmem:s7+$0x1AC00] =	vst v7;
	s7 =	sor.u32 $0x280, s26;
	v5 =	vld [tilespmem:s16+$0xAC00]  }
0x379: {  	s28 =	sor.u32 s5, s13;
	v9 =	vmul.f32 $6.499999760e-01, v8;
	v11 =	vmul.f32 $3.499999940e-01, v11;
	v8 =	vld [tilespmem:s7+$0xAC00]  }
.Ltmp2:
0x37a: {  	s0 =	sor.u32 $0x280, s8;
	s30 =	sld [smem:$0x7D2];
	v7 =	vld [tilespmem:s28+$0x0];
	[tilespmem:s11+$0x1AC00] =	vst v3;
	v3 =	vmul.f32 $3.499999940e-01, v6;
	(pc) =	sbr.rel @p2 .LBB2_7-.Ltmp2, $4  }
0x37b: {  	s19 =	sadd.s32 $0x40, s19;
	s21 =	smov.u32 s17;
	s17 =	sor.u32 s25, s13;
	v11 =	vadd.f32 v11, v9;
	v9 =	vld [tilespmem:s0+$0xAC00]  }
0x37c: {  	s31 =	sor.u32 $0x300, s8;
	s24 =	sor.u32 $0x380, s8;
	s8 =	rddreg [dreg:$0x1c];
	v12 =	vmul.f32 $3.499999940e-01, v61;
	v6 =	vld [tilespmem:s17+$0x0];
	v62 =	vmul.f32 $6.499999760e-01, v4;
	v63 =	vadd.f32 v3, v10  }
0x37d: {  	s14 =	sor.u32 $0x280, s4;
	s22 =	sor.u32 $0x300, s4;
	s29 =	smov.u32 s8;
	[tilespmem:s10+$0x1AC00] =	vst v11;
	v4 =	vld [tilespmem:s30+$0x0]  }
0x37e: {  	s12 =	sor.u32 s1, s13;
	s8 =	sor.u32 s18, s13;
	s20 =	smov.u32 s16;
	v3 =	vmul.f32 $6.499999760e-01, v5;
	v10 =	vld [tilespmem:s14+$0xAC00];
	[tilespmem:s3+$0x1AC00] =	vst v63;
	v5 =	vadd.f32 v12, v62  }
0x37f: {  	v11 =	vld [tilespmem:s12+$0x0];
	_ =	sdelay $0x2  }
0x380: {  	v8 =	vmul.f32 $6.499999760e-01, v8;
	v7 =	vmul.f32 $3.499999940e-01, v7;
	v12 =	vld [tilespmem:s6+$0xAC00]  }
0x381: {  	v13 =	vld [tilespmem:s8+$0x0]  }
0x382: {  	v7 =	vadd.f32 v7, v8;
	v8 =	vmul.f32 $6.499999760e-01, v10;
	v10 =	vmul.f32 $3.499999940e-01, v11  }
0x383: {  	s2 =	sadd.s32 $0xCF00, s15;
	s3 =	sor.u32 $0x300, s26  }
0x384: {  	v9 =	vmul.f32 $6.499999760e-01, v9;
	v6 =	vmul.f32 $3.499999940e-01, v6;
	[tilespmem:s7+$0x1AC00] =	vst v7;
	v7 =	vadd.f32 v10, v8  }
0x385: {  	s4 =	sor.u32 s5, s2;
	v8 =	vld [tilespmem:s3+$0xAC00]  }
0x386: {  	v6 =	vadd.f32 v6, v9;
	v9 =	vmul.f32 $6.499999760e-01, v12;
	v11 =	vmul.f32 $3.499999940e-01, v13;
	v10 =	vld [tilespmem:s4+$0x0];
	[tilespmem:s14+$0x1AC00] =	vst v7  }
0x387: {  	s12 =	sor.u32 s1, s2;
	v7 =	vld [tilespmem:s22+$0xAC00]  }
0x388: {  	[tilespmem:s0+$0x1AC00] =	vst v6;
	v6 =	vadd.f32 v11, v9;
	v9 =	vld [tilespmem:s12+$0x0]  }
0x389: {  	s13 =	sor.u32 s25, s2;
	v11 =	vld [tilespmem:s31+$0xAC00]  }
0x38a: {  	[tilespmem:s6+$0x1AC00] =	vst v6;
	v6 =	vld [tilespmem:s13+$0x0]  }
0x38b: {  	s14 =	sor.u32 s18, s2;
	v36 =	vld [tilespmem:s21+$0xAC00];
	v8 =	vmul.f32 $6.499999760e-01, v8;
	v10 =	vmul.f32 $3.499999940e-01, v10  }
0x38c: {  	v37 =	vld [tilespmem:s14+$0x0]  }
0x38d: {  	v8 =	vadd.f32 v10, v8;
	v7 =	vmul.f32 $6.499999760e-01, v7;
	v9 =	vmul.f32 $3.499999940e-01, v9  }
0x38e: {  	s15 =	sadd.s32 $0xCF80, s15  }
0x38f: {  	s16 =	sor.u32 $0x380, s26;
	v6 =	vmul.f32 $3.499999940e-01, v6;
	[tilespmem:s3+$0x1AC00] =	vst v8;
	v8 =	vmul.f32 $6.499999760e-01, v11;
	v7 =	vadd.f32 v9, v7  }
0x390: {  	s17 =	sor.u32 s5, s15;
	v9 =	vld [tilespmem:s16+$0xAC00]  }
0x391: {  	v10 =	vld [tilespmem:s17+$0x0];
	v6 =	vadd.f32 v6, v8;
	v8 =	vmul.f32 $3.499999940e-01, v37;
	[tilespmem:s22+$0x1AC00] =	vst v7;
	v7 =	vmul.f32 $6.499999760e-01, v36  }
0x392: {  	s19 =	sor.u32 s1, s15;
	v11 =	vld [tilespmem:s29+$0xAC00]  }
0x393: {  	v38 =	vld [tilespmem:s19+$0x0];
	[tilespmem:s31+$0x1AC00] =	vst v6;
	v6 =	vadd.f32 v8, v7  }
0x394: {  	s22 =	sor.u32 s25, s15;
	v7 =	vld [tilespmem:s24+$0xAC00]  }
0x395: {  	[tilespmem:s21+$0x1AC00] =	vst v6;
	v6 =	vld [tilespmem:s22+$0x0]  }
0x396: {  	s0 =	sor.u32 s18, s15;
	v8 =	vld [tilespmem:s23+$0xAC00]  }
0x397: {  	v39 =	vld [tilespmem:s0+$0x0]  }
0x398: {  	v4 =	vmul.f32 $3.499999940e-01, v4  }
0x399: {  	v9 =	vmul.f32 $6.499999760e-01, v9;
	v10 =	vmul.f32 $3.499999940e-01, v10  }
0x39a: {  	v3 =	vadd.f32 v4, v3;
	v4 =	vmul.f32 $6.499999760e-01, v11;
	v11 =	vmul.f32 $3.499999940e-01, v38  }
0x39b: {  	[tilespmem:s9+$0x1AC00] =	vst v5;
	v5 =	vadd.f32 v10, v9;
	v7 =	vmul.f32 $6.499999760e-01, v7;
	v6 =	vmul.f32 $3.499999940e-01, v6  }
0x39c: {  	[tilespmem:s20+$0x1AC00] =	vst v3;
	v3 =	vadd.f32 v11, v4;
	v4 =	vmul.f32 $6.499999760e-01, v8;
	v8 =	vmul.f32 $3.499999940e-01, v39  }
0x39d: {  	[tilespmem:s16+$0x1AC00] =	vst v5;
	v5 =	vadd.f32 v6, v7  }
0x39e: {  	[tilespmem:s29+$0x1AC00] =	vst v3;
	v3 =	vadd.f32 v8, v4  }
0x39f: {  	[tilespmem:s24+$0x1AC00] =	vst v5  }
0x3a0: {  	[tilespmem:s23+$0x1AC00] =	vst v3  }
0x3a1: {  	s3 =	sld [smem:$0x7FB];
	_ =	sdelay $0x1  }
0x3a2: {  	s1 =	simm.s32 @p0 $0x1AC00;
	s0 =	simm.s32 @p0 $0x0  }
0x3a3: {  	[hbm4b:s3+s0] =	stream.linear.scatter @p0 [tilespmem:s1], [sflag:$0x9], $0x280, $0x38;
	[tilespmem:$0x1F380] =	vst v63  }
0x3a4: {  	s2 =	simm.s32 @p0 $0x1B000;
	s1 =	sadd.s32 @p0 $0x80, s3  }
0x3a5: {  	[hbm4b:s1+s0] =	stream.linear.scatter @p0 [tilespmem:s2], [sflag:$0x9], $0x280, $0x38;
	[tilespmem:$0x1F380] =	vst v63  }
0x3a6: {  	s1 =	sadd.s32 @p0 $0x100, s3;
	s2 =	simm.s32 @p0 $0x1B400  }
0x3a7: {  	[hbm4b:s1+s0] =	stream.linear.scatter @p0 [tilespmem:s2], [sflag:$0x9], $0x280, $0x38;
	[tilespmem:$0x1F380] =	vst v63  }
0x3a8: {  	s1 =	sadd.s32 @p0 $0x180, s3;
	s2 =	simm.s32 @p0 $0x1B800  }
0x3a9: {  	[hbm4b:s1+s0] =	stream.linear.scatter @p0 [tilespmem:s2], [sflag:$0x9], $0x280, $0x38;
	[tilespmem:$0x1F380] =	vst v63  }
0x3aa: {  	s1 =	sadd.s32 @p0 $0x200, s3;
	s2 =	simm.s32 @p0 $0x1BC00  }
0x3ab: {  	[hbm4b:s1+s0] =	stream.linear.scatter @p0 [tilespmem:s2], [sflag:$0x9], $0x280, $0x38;
	[tilespmem:$0x1F380] =	vst v63  }
0x3ac: {  	s1 =	sadd.s32 @p0 $0x280, s3;
	s2 =	simm.s32 @p0 $0x1C000  }
0x3ad: {  	[hbm4b:s1+s0] =	stream.linear.scatter @p0 [tilespmem:s2], [sflag:$0x9], $0x280, $0x38;
	[tilespmem:$0x1F380] =	vst v63  }
0x3ae: {  	s1 =	sadd.s32 @p0 $0x300, s3;
	s2 =	simm.s32 @p0 $0x1C400  }
0x3af: {  	[hbm4b:s1+s0] =	stream.linear.scatter @p0 [tilespmem:s2], [sflag:$0x9], $0x280, $0x38;
	[tilespmem:$0x1F380] =	vst v63  }
0x3b0: {  	s1 =	sadd.s32 @p0 $0x380, s3;
	s2 =	simm.s32 @p0 $0x1C800  }
0x3b1: {  	[hbm4b:s1+s0] =	stream.linear.scatter @p0 [tilespmem:s2], [sflag:$0x9], $0x280, $0x38;
	[tilespmem:$0x1F380] =	vst v63  }
0x3b2: {  	s0 =	simm.s32 @p0 $0x9  }
0x3b3: {  	_ =	swait.ge @p0 [sflag:s0], $0x1400  }
0x3b4: {  	s2 =	sld [smem:$0x7DA]  }
0x3b5: {  	[sflag:s0] =	ssyncset.done @p0 $0x0  }
0x3b6: {  	s1 =	rddreg [dreg:$0xa];
	[sflag:s0] =	ssyncadd.s32 @p0 $0xFFFFEC00  }
0x3b7: {  	s26 =	simm.s32 $0x1;
	s0 =	rddreg [dreg:$0xb];
	s1 =	sadd.s32 @!p0 s1, s2  }
0x3b8: {  	s25 =	simm.s32 $0x1AC00;
	s3 =	simm.s32 $0x0;
	s1 =	smov.u32 @p0 s0  }
0x3b9: {  	[hbm4b:s1+s3] =	stream.linear.scatter [tilespmem:s25], [sflag:$0x5], $0x2000, $0x38;
	[tilespmem:$0x1F380] =	vst v63  }
0x3ba: {  	_ =	swait.ge [sflag:s26], $0x10  }
0x3bb: {  	[sflag:s26] =	ssyncset.done $0x0  }
0x3bc: {  	[sflag:s26] =	ssyncadd.s32 $0xFFFFFFF0  }
0x3bd: {  	v3 =	vld [tilespmem:$0x2B00];
	_ =	sdelay $0x4  }
0x3be: {  	v4 =	vshll.u32 v3, $0x3  }
0x3bf: {  	v5 =	vand.u32 $0x7, v3;
	v4 =	vand.u32 $0xFFFFFFC0, v4  }
0x3c0: {  	v4 =	vor.u32 v5, v4  }
0x3c1: {  	v5 =	vperm.xlane v4, v0;
	_ =	sdelay $0x1  }
0x3c2: {  	v5 =	vadd.s32 v1, v5;
	_ =	sdelay $0x2  }
0x3c3: {  	s31 =	sld [smem:$0x7E9]  }
0x3c4: {  	s29 =	simm.s32 $0x2C00;
	s0 =	rddreg [dreg:$0x2]  }
0x3c5: {  	[tilespmem:s29], [sflag:$0x3] =	stream.indirect_vreg.gather [hbm4b:s0+s3], $0x80, v5, vm0, $0xb8;
	[tilespmem:$0x1F380] =	vst v63  }
0x3c6: {  	s5 =	simm.s32 $0x3400;
	s6 =	sld [smem:$0x7EA];
	v4 =	vperm.xlane v4, v2  }
0x3c7: {  	[tilespmem:s5], [sflag:$0x3] =	stream.indirect_vreg.gather [hbm4b:s31+s3], $0x80, v5, vm0, $0xb8;
	[tilespmem:$0x1F380] =	vst v63  }
0x3c8: {  	s7 =	simm.s32 $0x3C00;
	s8 =	sld [smem:$0x7EB];
	v4 =	vadd.s32 v1, v4  }
0x3c9: {  	[tilespmem:s7], [sflag:$0x3] =	stream.indirect_vreg.gather [hbm4b:s6+s3], $0x80, v5, vm0, $0xb8;
	[tilespmem:$0x1F380] =	vst v63  }
0x3ca: {  	s9 =	simm.s32 $0x4400  }
0x3cb: {  	[tilespmem:s9], [sflag:$0x3] =	stream.indirect_vreg.gather [hbm4b:s8+s3], $0x80, v5, vm0, $0xb8;
	[tilespmem:$0x1F380] =	vst v63  }
0x3cc: {  	s10 =	simm.s32 $0x4C00  }
0x3cd: {  	[tilespmem:s10], [sflag:$0x3] =	stream.indirect_vreg.gather [hbm4b:s0+s3], $0x80, v4, vm0, $0xb8;
	[tilespmem:$0x1F380] =	vst v63  }
0x3ce: {  	s11 =	simm.s32 $0x5400  }
0x3cf: {  	[tilespmem:s11], [sflag:$0x3] =	stream.indirect_vreg.gather [hbm4b:s31+s3], $0x80, v4, vm0, $0xb8;
	[tilespmem:$0x1F380] =	vst v63  }
0x3d0: {  	s12 =	simm.s32 $0x5C00  }
0x3d1: {  	[tilespmem:s12], [sflag:$0x3] =	stream.indirect_vreg.gather [hbm4b:s6+s3], $0x80, v4, vm0, $0xb8;
	[tilespmem:$0x1F380] =	vst v63  }
0x3d2: {  	s13 =	simm.s32 $0x6400;
	s16 =	sld [smem:$0x7EC]  }
0x3d3: {  	[tilespmem:s13], [sflag:$0x3] =	stream.indirect_vreg.gather [hbm4b:s8+s3], $0x80, v4, vm0, $0xb8;
	[tilespmem:$0x1F380] =	vst v63  }
0x3d4: {  	s15 =	simm.s32 $0x6C00;
	s14 =	rddreg [dreg:$0x3]  }
0x3d5: {  	[tilespmem:s15], [sflag:$0x3] =	stream.indirect_vreg.gather [hbm4b:s14+s3], $0x80, v5, vm0, $0xb8;
	[tilespmem:$0x1F380] =	vst v63  }
0x3d6: {  	s17 =	simm.s32 $0x7400;
	s18 =	sld [smem:$0x7F3]  }
0x3d7: {  	[tilespmem:s17], [sflag:$0x3] =	stream.indirect_vreg.gather [hbm4b:s16+s3], $0x80, v5, vm0, $0xb8;
	[tilespmem:$0x1F380] =	vst v63  }
0x3d8: {  	s19 =	simm.s32 $0x7C00;
	s20 =	sld [smem:$0x7F4]  }
0x3d9: {  	[tilespmem:s19], [sflag:$0x3] =	stream.indirect_vreg.gather [hbm4b:s18+s3], $0x80, v5, vm0, $0xb8;
	[tilespmem:$0x1F380] =	vst v63  }
0x3da: {  	s21 =	simm.s32 $0x8400  }
0x3db: {  	[tilespmem:s21], [sflag:$0x3] =	stream.indirect_vreg.gather [hbm4b:s20+s3], $0x80, v5, vm0, $0xb8;
	[tilespmem:$0x1F380] =	vst v63  }
0x3dc: {  	s22 =	simm.s32 $0x8C00  }
0x3dd: {  	[tilespmem:s22], [sflag:$0x3] =	stream.indirect_vreg.gather [hbm4b:s14+s3], $0x80, v4, vm0, $0xb8;
	[tilespmem:$0x1F380] =	vst v63  }
0x3de: {  	s23 =	simm.s32 $0x9400  }
0x3df: {  	[tilespmem:s23], [sflag:$0x3] =	stream.indirect_vreg.gather [hbm4b:s16+s3], $0x80, v4, vm0, $0xb8;
	[tilespmem:$0x1F380] =	vst v63  }
0x3e0: {  	s24 =	simm.s32 $0x9C00  }
0x3e1: {  	[tilespmem:s24], [sflag:$0x3] =	stream.indirect_vreg.gather [hbm4b:s18+s3], $0x80, v4, vm0, $0xb8;
	[tilespmem:$0x1F380] =	vst v63  }
0x3e2: {  	s25 =	simm.s32 $0xA400;
	s26 =	rddreg [dreg:$0x4]  }
0x3e3: {  	[tilespmem:s25], [sflag:$0x3] =	stream.indirect_vreg.gather [hbm4b:s20+s3], $0x80, v4, vm0, $0xb8;
	[tilespmem:$0x1F380] =	vst v63  }
0x3e4: {  	s29 =	simm.s32 $0xAC00;
	s31 =	sld [smem:$0x7F5]  }
0x3e5: {  	[tilespmem:s29], [sflag:$0x3] =	stream.indirect_vreg.gather [hbm4b:s26+s3], $0x80, v5, vm0, $0xb8;
	[tilespmem:$0x1F380] =	vst v63  }
0x3e6: {  	s5 =	simm.s32 $0xB400;
	s6 =	sld [smem:$0x7F6]  }
0x3e7: {  	[tilespmem:s5], [sflag:$0x3] =	stream.indirect_vreg.gather [hbm4b:s31+s3], $0x80, v5, vm0, $0xb8;
	[tilespmem:$0x1F380] =	vst v63  }
0x3e8: {  	s7 =	simm.s32 $0xBC00;
	s8 =	sld [smem:$0x7F7]  }
0x3e9: {  	[tilespmem:s7], [sflag:$0x3] =	stream.indirect_vreg.gather [hbm4b:s6+s3], $0x80, v5, vm0, $0xb8;
	[tilespmem:$0x1F380] =	vst v63  }
0x3ea: {  	s9 =	simm.s32 $0xC400  }
0x3eb: {  	[tilespmem:s9], [sflag:$0x3] =	stream.indirect_vreg.gather [hbm4b:s8+s3], $0x80, v5, vm0, $0xb8;
	[tilespmem:$0x1F380] =	vst v63  }
0x3ec: {  	s10 =	simm.s32 $0xCC00  }
0x3ed: {  	[tilespmem:s10], [sflag:$0x3] =	stream.indirect_vreg.gather [hbm4b:s26+s3], $0x80, v4, vm0, $0xb8;
	[tilespmem:$0x1F380] =	vst v63  }
0x3ee: {  	s11 =	simm.s32 $0xD400;
	s21 =	sld [smem:$0x7E4]  }
0x3ef: {  	[tilespmem:s11], [sflag:$0x3] =	stream.indirect_vreg.gather [hbm4b:s31+s3], $0x80, v4, vm0, $0xb8;
	[tilespmem:$0x1F380] =	vst v63  }
0x3f0: {  	s12 =	simm.s32 $0xDC00;
	s20 =	sld [smem:$0x7FD]  }
0x3f1: {  	[tilespmem:s12], [sflag:$0x3] =	stream.indirect_vreg.gather [hbm4b:s6+s3], $0x80, v4, vm0, $0xb8;
	[tilespmem:$0x1F380] =	vst v63  }
0x3f2: {  	s13 =	simm.s32 $0xE400  }
0x3f3: {  	[tilespmem:s13], [sflag:$0x3] =	stream.indirect_vreg.gather [hbm4b:s8+s3], $0x80, v4, vm0, $0xb8;
	[tilespmem:$0x1F380] =	vst v63  }
0x3f4: {  	s15 =	simm.s32 $0x1EC00;
	s14 =	rddreg [dreg:$0x5];
	s0 =	sadd.s32 s21, s20  }
0x3f5: {  	[tilespmem:s15], [sflag:$0x7] =	stream.indirect_vreg.gather [hbm4b:s14+s3], $0x1, v3, vm0, $0xb8;
	[tilespmem:$0x1F380] =	vst v63  }
0x3f6: {  	s17 =	simm.s32 $0x1EC80;
	s16 =	rddreg [dreg:$0x6];
	s0 =	smin.u32 s0, $0x2AA  }
0x3f7: {  	[tilespmem:s17], [sflag:$0x7] =	stream.indirect_vreg.gather [hbm4b:s16+s3], $0x1, v3, vm0, $0xb8;
	[tilespmem:$0x1F380] =	vst v63  }
0x3f8: {  	s19 =	simm.s32 $0x1ED00;
	s18 =	rddreg [dreg:$0x7];
	s0 =	sshll.u32 s0, $0x4  }
0x3f9: {  	[tilespmem:s19], [sflag:$0x7] =	stream.indirect_vreg.gather [hbm4b:s18+s3], $0x1, v3, vm0, $0xb8;
	[tilespmem:$0x1F380] =	vst v63  }
0x3fa: {  	v3 =	vld [tilespmem:s0+$0x0];
	_ =	sdelay $0x6  }
0x3fb: {  	s22 =	rddreg [dreg:$0x1];
	s23 =	simm.s32 $0x2B80;
	s24 =	simm.s32 $0x4  }
0x3fc: {  	[tilespmem:s23], [sflag:$0x2] =	stream.indirect_vreg.gather [hbm4b:s22+s3], $0x1, v3, vm0, $0xb8;
	[tilespmem:$0x1F380] =	vst v63  }
0x3fd: {  	_ =	swait.ge [sflag:s24], $0x4000  }
0x3fe: {  	[sflag:s24] =	ssyncset.done $0x0  }
0x3ff: {  	[sflag:s24] =	ssyncadd.s32 $0xFFFFC000  }
0x400: {  	_ =	swait.ge [sflag:s24], $0x4000  }
0x401: {  	[sflag:s24] =	ssyncset.done $0x0  }
0x402: {  	[sflag:s24] =	ssyncadd.s32 $0xFFFFC000  }
0x403: {  	_ =	swait.ge [sflag:s24], $0x4000  }
0x404: {  	[sflag:s24] =	ssyncset.done $0x0  }
0x405: {  	s25 =	simm.s32 $0x8;
	[sflag:s24] =	ssyncadd.s32 $0xFFFFC000  }
0x406: {  	_ =	swait.ge [sflag:s25], $0x10  }
0x407: {  	[sflag:s25] =	ssyncset.done $0x0  }
0x408: {  	[sflag:s25] =	ssyncadd.s32 $0xFFFFFFF0  }
0x409: {  	_ =	swait.ge [sflag:s25], $0x10  }
0x40a: {  	[sflag:s25] =	ssyncset.done $0x0  }
0x40b: {  	[sflag:s25] =	ssyncadd.s32 $0xFFFFFFF0  }
0x40c: {  	_ =	swait.ge [sflag:s25], $0x10  }
0x40d: {  	[sflag:s25] =	ssyncset.done $0x0  }
0x40e: {  	[sflag:s25] =	ssyncadd.s32 $0xFFFFFFF0  }
0x40f: {  	v3 =	vld [tilespmem:$0x1ED80];
	_ =	sdelay $0x2  }
0x410: {  	s26 =	sor.u32 $0x1, s21  }
0x411: {  	s0 =	sshll.u32 s26, $0x4  }
0x412: {  	[tilespmem:s0+$0x1EF00] =	vst v3  }
0x413: {  	v3 =	vld [tilespmem:$0x1EE00];
	_ =	sdelay $0x4  }
0x414: {  	[tilespmem:s0+$0x1F080] =	vst v3  }
0x415: {  	v3 =	vld [tilespmem:$0x1EE80];
	_ =	sdelay $0x4  }
0x416: {  	s29 =	simm.s32 $0x5;
	[smem:$0x7CC] =	sst s26;
	[tilespmem:s0+$0x1F200] =	vst v3  }
0x417: {  	s9 =	sand.u32 $0x40, s3;
	_ =	swait.ge [sflag:s29], $0x2000  }
0x418: {  	s17 =	sor.u32 $0x30, s9;
	s18 =	sand.u32 $0x1C00, s3;
	[sflag:s29] =	ssyncset.done $0x0  }
0x419: {  	s31 =	sadd.s32 $0x10C00, s18;
	s5 =	sor.u32 s18, s17;
	[sflag:s29] =	ssyncadd.s32 $0xFFFFE000  }
0x41a: {  	s1 =	sor.u32 s17, s31;
	v3 =	vld [tilespmem:s5+$0xEC00]  }
0x41b: {  	v4 =	vld [tilespmem:s1+$0x0];
	_ =	sdelay $0x2  }
0x41c: {  	s4 =	sor.u32 $0x10, s9  }
0x41d: {  	s2 =	sor.u32 s18, s4  }
0x41e: {  	s14 =	sor.u32 s4, s31;
	v5 =	vld [tilespmem:s2+$0xEC00];
	v3 =	vmul.f32 $6.499999760e-01, v3;
	v4 =	vmul.f32 $3.499999940e-01, v4  }
0x41f: {  	s15 =	sor.u32 s9, s31;
	v6 =	vld [tilespmem:s14+$0x0]  }
0x420: {  	s16 =	sor.u32 s9, s18;
	v7 =	vld [tilespmem:s15+$0x0];
	v3 =	vadd.f32 v4, v3  }
0x421: {  	s19 =	sadd.s32 $0x10C80, s18;
	v4 =	vld [tilespmem:s16+$0xEC00]  }
0x422: {  	s20 =	sor.u32 s17, s19;
	[tilespmem:s5+$0x1AC00] =	vst v3;
	v3 =	vld [tilespmem:s5+$0xEC80]  }
0x423: {  	v8 =	vld [tilespmem:s20+$0x0]  }
0x424: {  	s30 =	sor.u32 $0x20, s9;
	v5 =	vmul.f32 $6.499999760e-01, v5;
	v6 =	vmul.f32 $3.499999940e-01, v6  }
0x425: {  	s0 =	sor.u32 s18, s30  }
0x426: {  	s6 =	sor.u32 s30, s31;
	v9 =	vld [tilespmem:s0+$0xEC00];
	v7 =	vmul.f32 $3.499999940e-01, v7;
	v5 =	vadd.f32 v6, v5;
	v4 =	vmul.f32 $6.499999760e-01, v4  }
0x427: {  	v6 =	vld [tilespmem:s6+$0x0]  }
0x428: {  	s21 =	sor.u32 s4, s19;
	v10 =	vld [tilespmem:s2+$0xEC80];
	[tilespmem:s2+$0x1AC00] =	vst v5;
	v4 =	vadd.f32 v7, v4;
	v3 =	vmul.f32 $6.499999760e-01, v3;
	v5 =	vmul.f32 $3.499999940e-01, v8  }
0x429: {  	v7 =	vld [tilespmem:s21+$0x0]  }
0x42a: {  	s22 =	sor.u32 s9, s19;
	v8 =	vld [tilespmem:s16+$0xEC80];
	[tilespmem:s16+$0x1AC00] =	vst v4;
	v3 =	vadd.f32 v5, v3  }
0x42b: {  	s23 =	sadd.s32 $0x10D00, s18;
	v4 =	vld [tilespmem:s22+$0x0]  }
0x42c: {  	s24 =	sor.u32 s17, s23;
	v6 =	vmul.f32 $3.499999940e-01, v6;
	v5 =	vmul.f32 $6.499999760e-01, v9;
	[tilespmem:s5+$0x1AC80] =	vst v3;
	v3 =	vld [tilespmem:s5+$0xED00]  }
0x42d: {  	v9 =	vld [tilespmem:s24+$0x0]  }
0x42e: {  	v5 =	vadd.f32 v6, v5;
	v6 =	vmul.f32 $6.499999760e-01, v10;
	v7 =	vmul.f32 $3.499999940e-01, v7;
	_ =	sdelay $0x1  }
0x42f: {  	v10 =	vld [tilespmem:s0+$0xEC80];
	[tilespmem:s0+$0x1AC00] =	vst v5;
	v5 =	vmul.f32 $6.499999760e-01, v8;
	v6 =	vadd.f32 v7, v6;
	v4 =	vmul.f32 $3.499999940e-01, v4  }
0x430: {  	s7 =	sor.u32 s30, s19;
	v7 =	vld [tilespmem:s2+$0xED00]  }
0x431: {  	s25 =	sor.u32 s4, s23;
	v8 =	vld [tilespmem:s7+$0x0];
	[tilespmem:s2+$0x1AC80] =	vst v6;
	v4 =	vadd.f32 v4, v5;
	v3 =	vmul.f32 $6.499999760e-01, v3;
	v5 =	vmul.f32 $3.499999940e-01, v9  }
0x432: {  	v6 =	vld [tilespmem:s25+$0x0]  }
0x433: {  	s26 =	sor.u32 s9, s23;
	v9 =	vld [tilespmem:s16+$0xED00];
	[tilespmem:s16+$0x1AC80] =	vst v4;
	v3 =	vadd.f32 v5, v3  }
0x434: {  	s29 =	sadd.s32 $0x10D80, s18;
	v4 =	vld [tilespmem:s26+$0x0]  }
0x435: {  	s31 =	sor.u32 s17, s29;
	[tilespmem:s5+$0x1AD00] =	vst v3;
	v3 =	vld [tilespmem:s5+$0xED80]  }
0x436: {  	v10 =	vmul.f32 $6.499999760e-01, v10;
	v8 =	vmul.f32 $3.499999940e-01, v8;
	v5 =	vld [tilespmem:s31+$0x0];
	_ =	sdelay $0x1  }
0x437: {  	v8 =	vadd.f32 v8, v10  }
0x438: {  	v7 =	vmul.f32 $6.499999760e-01, v7;
	v6 =	vmul.f32 $3.499999940e-01, v6  }
0x439: {  	p0 =	por $0x0, $0x0;
	s8 =	simm.s32 $0x1;
	s6 =	sor.u32 s30, s23;
	v10 =	vld [tilespmem:s0+$0xED00];
	v9 =	vmul.f32 $6.499999760e-01, v9;
	[tilespmem:s0+$0x1AC80] =	vst v8;
	v4 =	vmul.f32 $3.499999940e-01, v4  }
0x43a: {  	s8 =	simm.s32 @!p0 $0x0;
	v6 =	vadd.f32 v6, v7;
	v7 =	vld [tilespmem:s6+$0x0];
	v3 =	vmul.f32 $6.499999760e-01, v3;
	v5 =	vmul.f32 $3.499999940e-01, v5  }
0x43b: {  	s10 =	sshll.u32 s8, $0x6;
	v11 =	vld [tilespmem:s2+$0xED80];
	v4 =	vadd.f32 v4, v9  }
0x43c: {  	s11 =	sor.u32 s4, s29;
	s23 =	sadd.s32 $0x0, s10;
	v8 =	vld [tilespmem:s16+$0xED80];
	[tilespmem:s2+$0x1AD00] =	vst v6;
	v3 =	vadd.f32 v5, v3  }
0x43d: {  	s12 =	sor.u32 s9, s29;
	s24 =	sadd.s32 $0x30, s23;
	[tilespmem:s16+$0x1AD00] =	vst v4;
	v5 =	vld [tilespmem:s11+$0x0]  }
0x43e: {  	s13 =	sadd.s32 $0x10E00, s18;
	s15 =	sor.u32 $0x200, s24;
	v4 =	vld [tilespmem:s12+$0x0];
	[tilespmem:s5+$0x1AD80] =	vst v3  }
0x43f: {  	s19 =	sor.u32 s17, s13;
	v9 =	vmul.f32 $6.499999760e-01, v10;
	v7 =	vmul.f32 $3.499999940e-01, v7;
	v3 =	vld [tilespmem:s15+$0xEC00]  }
0x440: {  	v6 =	vld [tilespmem:s19+$0x0]  }
0x441: {  	v7 =	vadd.f32 v7, v9  }
0x442: {  	v10 =	vmul.f32 $6.499999760e-01, v11;
	v5 =	vmul.f32 $3.499999940e-01, v5  }
0x443: {  	s20 =	sor.u32 s30, s29;
	v8 =	vmul.f32 $6.499999760e-01, v8;
	v9 =	vld [tilespmem:s0+$0xED80];
	[tilespmem:s0+$0x1AD00] =	vst v7;
	v4 =	vmul.f32 $3.499999940e-01, v4  }
0x444: {  	v7 =	vld [tilespmem:s20+$0x0];
	v5 =	vadd.f32 v5, v10  }
0x445: {  	v4 =	vadd.f32 v4, v8;
	v3 =	vmul.f32 $6.499999760e-01, v3;
	v6 =	vmul.f32 $3.499999940e-01, v6  }
0x446: {  	s21 =	sor.u32 s4, s13;
	[tilespmem:s2+$0x1AD80] =	vst v5  }
0x447: {  	s6 =	sor.u32 $0x200, s23;
	[tilespmem:s16+$0x1AD80] =	vst v4;
	v5 =	vld [tilespmem:s21+$0x0];
	v3 =	vadd.f32 v6, v3  }
0x448: {  	s22 =	sor.u32 s9, s13;
	s14 =	sor.u32 $0x280, s24;
	v9 =	vmul.f32 $6.499999760e-01, v9;
	s16 =	simm.s32 $0x40;
	v4 =	vld [tilespmem:s6+$0xEC00]  }
0x449: {  	s7 =	sadd.s32 $0x10E80, s18;
	s2 =	simm.s32 $0x200;
	s31 =	sand.u32 $0x40, s16;
	v6 =	vld [tilespmem:s22+$0x0];
	v7 =	vmul.f32 $3.499999940e-01, v7;
	[tilespmem:s15+$0x1AC00] =	vst v3  }
0x44a: {  	s29 =	sor.u32 s17, s7;
	s5 =	sor.u32 $0x30, s31;
	s15 =	sand.u32 $0x1C00, s2;
	v3 =	vld [tilespmem:s14+$0xEC00]  }
0x44b: {  	s10 =	sor.u32 $0x10, s31;
	v7 =	vadd.f32 v7, v9;
	s19 =	sor.u32 s15, s5;
	v9 =	vld [tilespmem:s29+$0x0]  }
0x44c: {  	s12 =	sor.u32 s15, s10;
	v8 =	vld [tilespmem:s19+$0xEC00]  }
0x44d: {  	s21 =	sor.u32 s31, s15;
	v11 =	vld [tilespmem:s12+$0xEC00]  }
0x44e: {  	v16 =	vld [tilespmem:s21+$0xEC00]  }
0x44f: {  	s25 =	sadd.s32 $0x10C00, s15;
	v46 =	vld [tilespmem:s21+$0xEC80]  }
0x450: {  	s26 =	sor.u32 s5, s25;
	v47 =	vld [tilespmem:s19+$0xED00]  }
0x451: {  	s11 =	sor.u32 s10, s25;
	v10 =	vld [tilespmem:s26+$0x0]  }
0x452: {  	s22 =	sor.u32 $0x20, s31;
	v40 =	vld [tilespmem:s11+$0x0]  }
0x453: {  	s1 =	sor.u32 s22, s25;
	v50 =	vld [tilespmem:s21+$0xED00]  }
0x454: {  	[tilespmem:s0+$0x1AD80] =	vst v7;
	s11 =	sor.u32 s15, s22;
	v7 =	vld [tilespmem:s1+$0x0]  }
0x455: {  	v4 =	vmul.f32 $6.499999760e-01, v4;
	v6 =	vmul.f32 $3.499999940e-01, v6;
	v41 =	vld [tilespmem:s11+$0xEC00]  }
0x456: {  	s8 =	sor.u32 s30, s13;
	v52 =	vld [tilespmem:s12+$0xED80];
	v8 =	vmul.f32 $6.499999760e-01, v8;
	v10 =	vmul.f32 $3.499999940e-01, v10  }
0x457: {  	v14 =	vld [tilespmem:s8+$0x0];
	s8 =	sor.u32 s31, s25;
	v11 =	vmul.f32 $6.499999760e-01, v11;
	v12 =	vmul.f32 $3.499999940e-01, v40  }
0x458: {  	v15 =	vld [tilespmem:s8+$0x0];
	v4 =	vadd.f32 v6, v4;
	v8 =	vadd.f32 v10, v8  }
0x459: {  	s13 =	sadd.s32 $0x10C80, s15;
	v6 =	vld [tilespmem:s19+$0xEC80];
	v3 =	vmul.f32 $6.499999760e-01, v3;
	v9 =	vmul.f32 $3.499999940e-01, v9;
	v11 =	vadd.f32 v12, v11  }
0x45a: {  	s20 =	sor.u32 s5, s13;
	v7 =	vmul.f32 $3.499999940e-01, v7;
	v10 =	vld [tilespmem:s12+$0xEC80];
	[tilespmem:s19+$0x1AC00] =	vst v8;
	v8 =	vmul.f32 $6.499999760e-01, v41  }
0x45b: {  	s25 =	sor.u32 s10, s13;
	v3 =	vadd.f32 v9, v3;
	[tilespmem:s12+$0x1AC00] =	vst v11;
	v9 =	vld [tilespmem:s20+$0x0]  }
0x45c: {  	s0 =	sadd.s32 $0x10F00, s18;
	[tilespmem:s6+$0x1AC00] =	vst v4;
	v4 =	vadd.f32 v7, v8;
	v7 =	vld [tilespmem:s25+$0x0]  }
0x45d: {  	v54 =	vld [tilespmem:s19+$0xED80];
	s29 =	sor.u32 s17, s0;
	[tilespmem:s14+$0x1AC00] =	vst v3;
	v3 =	vmul.f32 $3.499999940e-01, v15;
	v11 =	vmul.f32 $6.499999760e-01, v16  }
0x45e: {  	s26 =	sor.u32 s9, s7;
	s14 =	sadd.s32 $0x10, s23;
	v42 =	vld [tilespmem:s29+$0x0]  }
0x45f: {  	s6 =	sadd.s32 $0x20, s23;
	s20 =	sor.u32 $0x200, s14;
	v8 =	vld [tilespmem:s26+$0x0];
	v3 =	vadd.f32 v3, v11  }
0x460: {  	v6 =	vmul.f32 $6.499999760e-01, v6;
	v11 =	vld [tilespmem:s20+$0xEC00];
	s25 =	sor.u32 $0x200, s6;
	v10 =	vmul.f32 $6.499999760e-01, v10;
	[tilespmem:s11+$0x1AC00] =	vst v4  }
0x461: {  	s1 =	sor.u32 s22, s13;
	v43 =	vld [tilespmem:s25+$0xEC00];
	[tilespmem:s21+$0x1AC00] =	vst v3;
	v9 =	vmul.f32 $3.499999940e-01, v9;
	v3 =	vmul.f32 $3.499999940e-01, v7  }
0x462: {  	s26 =	sor.u32 $0x300, s24;
	v4 =	vld [tilespmem:s1+$0x0]  }
0x463: {  	v6 =	vadd.f32 v9, v6;
	v9 =	vld [tilespmem:s26+$0xEC00];
	v3 =	vadd.f32 v3, v10  }
0x464: {  	v10 =	vld [tilespmem:s11+$0xEC80]  }
0x465: {  	s8 =	sor.u32 s31, s13;
	v55 =	vld [tilespmem:s11+$0xED80];
	v11 =	vmul.f32 $6.499999760e-01, v11;
	[tilespmem:s12+$0x1AC80] =	vst v3;
	v3 =	vmul.f32 $3.499999940e-01, v5  }
0x466: {  	s28 =	sadd.s32 $0x10D00, s15;
	s1 =	sor.u32 $0x280, s23;
	v7 =	vld [tilespmem:s8+$0x0]  }
0x467: {  	s13 =	sor.u32 s5, s28;
	v45 =	vmul.f32 $3.499999940e-01, v14;
	[tilespmem:s19+$0x1AC80] =	vst v6;
	v5 =	vmul.f32 $6.499999760e-01, v43;
	v3 =	vadd.f32 v3, v11;
	v11 =	vld [tilespmem:s1+$0xEC00]  }
0x468: {  	s29 =	sor.u32 s10, s28;
	v12 =	vmul.f32 $3.499999940e-01, v42;
	v6 =	vld [tilespmem:s13+$0x0];
	v9 =	vmul.f32 $6.499999760e-01, v9  }
0x469: {  	v4 =	vmul.f32 $3.499999940e-01, v4;
	v44 =	vld [tilespmem:s29+$0x0];
	v5 =	vadd.f32 v45, v5;
	v10 =	vmul.f32 $6.499999760e-01, v10  }
0x46a: {  	s13 =	sor.u32 s4, s7;
	[tilespmem:s20+$0x1AC00] =	vst v3;
	v3 =	vadd.f32 v12, v9;
	v9 =	vld [tilespmem:s12+$0xED00]  }
0x46b: {  	s7 =	sor.u32 s30, s7;
	v7 =	vmul.f32 $3.499999940e-01, v7;
	[tilespmem:s25+$0x1AC00] =	vst v5;
	v48 =	vld [tilespmem:s13+$0x0];
	v4 =	vadd.f32 v4, v10;
	v10 =	vmul.f32 $6.499999760e-01, v46  }
0x46c: {  	s8 =	sadd.s32 $0x10F80, s18;
	v8 =	vmul.f32 $3.499999940e-01, v8;
	v5 =	vld [tilespmem:s7+$0x0];
	s7 =	sor.u32 $0x280, s14;
	v11 =	vmul.f32 $6.499999760e-01, v11  }
0x46d: {  	s18 =	sor.u32 s22, s28;
	v6 =	vmul.f32 $3.499999940e-01, v6;
	v49 =	vld [tilespmem:s7+$0xEC00];
	[tilespmem:s11+$0x1AC80] =	vst v4;
	v7 =	vadd.f32 v7, v10;
	v10 =	vmul.f32 $6.499999760e-01, v47  }
0x46e: {  	s13 =	sor.u32 $0x280, s6;
	v4 =	vld [tilespmem:s18+$0x0];
	v8 =	vadd.f32 v8, v11  }
0x46f: {  	s20 =	sor.u32 s31, s28;
	v9 =	vmul.f32 $6.499999760e-01, v9;
	v11 =	vmul.f32 $3.499999940e-01, v44;
	[tilespmem:s21+$0x1AC80] =	vst v7;
	v6 =	vadd.f32 v6, v10;
	v10 =	vld [tilespmem:s13+$0xEC00]  }
0x470: {  	[tilespmem:s26+$0x1AC00] =	vst v3;
	v7 =	vld [tilespmem:s20+$0x0]  }
0x471: {  	s17 =	sor.u32 s17, s8;
	[tilespmem:s1+$0x1AC00] =	vst v8;
	v8 =	vadd.f32 v11, v9;
	v11 =	vld [tilespmem:s11+$0xED00]  }
0x472: {  	s25 =	sor.u32 s9, s0;
	v3 =	vld [tilespmem:s17+$0x0]  }
0x473: {  	v14 =	vmul.f32 $6.499999760e-01, v50;
	s23 =	sor.u32 $0x300, s23;
	s26 =	sadd.s32 $0x10D80, s15;
	v12 =	vmul.f32 $3.499999940e-01, v48;
	v9 =	vld [tilespmem:s25+$0x0]  }
0x474: {  	s29 =	sor.u32 s5, s26;
	v5 =	vmul.f32 $3.499999940e-01, v5;
	[tilespmem:s19+$0x1AD00] =	vst v6;
	v13 =	vmul.f32 $6.499999760e-01, v49;
	v53 =	vld [tilespmem:s23+$0xEC00]  }
0x475: {  	s1 =	sor.u32 s10, s26;
	v6 =	vld [tilespmem:s29+$0x0];
	[tilespmem:s12+$0x1AD00] =	vst v8;
	v4 =	vmul.f32 $3.499999940e-01, v4;
	v7 =	vmul.f32 $3.499999940e-01, v7  }
0x476: {  	s28 =	sor.u32 $0x380, s24;
	v12 =	vadd.f32 v12, v13;
	v8 =	vld [tilespmem:s1+$0x0];
	v10 =	vmul.f32 $6.499999760e-01, v10;
	v11 =	vmul.f32 $6.499999760e-01, v11  }
0x477: {  	v51 =	vld [tilespmem:s28+$0xEC00];
	v7 =	vadd.f32 v7, v14  }
0x478: {  	s18 =	sor.u32 s4, s0;
	[tilespmem:s7+$0x1AC00] =	vst v12;
	v5 =	vadd.f32 v5, v10;
	v10 =	vld [tilespmem:s21+$0xED80];
	v4 =	vadd.f32 v4, v11  }
0x479: {  	s24 =	sor.u32 s31, s26;
	v13 =	vmul.f32 $6.499999760e-01, v53;
	v9 =	vmul.f32 $3.499999940e-01, v9;
	[tilespmem:s21+$0x1AD00] =	vst v7;
	v7 =	vld [tilespmem:s18+$0x0]  }
0x47a: {  	s25 =	sor.u32 s22, s26;
	v14 =	vmul.f32 $6.499999760e-01, v54;
	v6 =	vmul.f32 $3.499999940e-01, v6;
	v11 =	vld [tilespmem:s24+$0x0];
	[tilespmem:s11+$0x1AD00] =	vst v4  }
0x47b: {  	p0 =	por !p0, !p0;
	s26 =	sor.u32 $0x300, s6;
	s7 =	simm.s32 $0x1;
	[tilespmem:s13+$0x1AC00] =	vst v5;
	v5 =	vmul.f32 $6.499999760e-01, v52;
	v9 =	vadd.f32 v9, v13;
	v8 =	vmul.f32 $3.499999940e-01, v8;
	v56 =	vld [tilespmem:s25+$0x0]  }
0x47c: {  	s7 =	simm.s32 @!p0 $0x0;
	v6 =	vadd.f32 v6, v14;
	v57 =	vld [tilespmem:s26+$0xEC00];
	s24 =	sor.u32 $0x300, s14  }
0x47d: {  	s0 =	sor.u32 s30, s0;
	s29 =	sadd.s32 $0x10E00, s15;
	s7 =	sshll.u32 s7, $0x6;
	v4 =	vld [tilespmem:s24+$0xEC00];
	[tilespmem:s23+$0x1AC00] =	vst v9;
	v5 =	vadd.f32 v8, v5  }
0x47e: {  	s1 =	sor.u32 s5, s29;
	s7 =	sadd.s32 $0x200, s7;
	v9 =	vld [tilespmem:s0+$0x0];
	[tilespmem:s19+$0x1AD80] =	vst v6  }
0x47f: {  	s13 =	sor.u32 s10, s29;
	v10 =	vmul.f32 $6.499999760e-01, v10;
	[tilespmem:s12+$0x1AD80] =	vst v5;
	v5 =	vld [tilespmem:s1+$0x0];
	s12 =	sadd.s32 $0x10, s7;
	v11 =	vmul.f32 $3.499999940e-01, v11  }
0x480: {  	v8 =	vmul.f32 $6.499999760e-01, v55;
	s25 =	sadd.s32 $0x30, s7;
	v59 =	vld [tilespmem:s13+$0x0];
	s19 =	sor.u32 $0x200, s12;
	v58 =	vmul.f32 $3.499999940e-01, v56  }
0x481: {  	s18 =	sor.u32 $0x200, s25;
	v60 =	vld [tilespmem:s19+$0xEC00];
	v10 =	vadd.f32 v11, v10  }
0x482: {  	s3 =	sor.u32 s3, s3;
	s9 =	sor.u32 s9, s8;
	v7 =	vmul.f32 $3.499999940e-01, v7;
	v4 =	vmul.f32 $6.499999760e-01, v4;
	v11 =	vld [tilespmem:s18+$0xEC00];
	v8 =	vadd.f32 v58, v8  }
0x483: {  	s3 =	sor.u32 $0x380, s3;
	v6 =	vld [tilespmem:s9+$0x0];
	[tilespmem:s21+$0x1AD80] =	vst v10  }
0x484: {  	s23 =	sor.u32 s31, s29;
	v9 =	vmul.f32 $3.499999940e-01, v9;
	v4 =	vadd.f32 v7, v4;
	v7 =	vld [tilespmem:s3+$0xEC00];
	[tilespmem:s11+$0x1AD80] =	vst v8;
	v8 =	vmul.f32 $6.499999760e-01, v57  }
0x485: {  	v3 =	vmul.f32 $3.499999940e-01, v3;
	s0 =	sor.u32 s22, s29;
	v10 =	vld [tilespmem:s23+$0x0]  }
0x486: {  	s21 =	sor.u32 $0x200, s7;
	v13 =	vmul.f32 $3.499999940e-01, v59;
	s11 =	sadd.s32 $0x20, s7;
	[tilespmem:s24+$0x1AC00] =	vst v4;
	v12 =	vmul.f32 $6.499999760e-01, v60;
	v4 =	vld [tilespmem:s0+$0x0];
	v8 =	vadd.f32 v9, v8  }
0x487: {  	v5 =	vmul.f32 $3.499999940e-01, v5;
	s24 =	sor.u32 $0x200, s11;
	v9 =	vld [tilespmem:s21+$0xEC00];
	v11 =	vmul.f32 $6.499999760e-01, v11  }
0x488: {  	s13 =	sor.u32 $0x380, s14;
	v61 =	vld [tilespmem:s24+$0xEC00];
	v12 =	vadd.f32 v13, v12;
	[tilespmem:s26+$0x1AC00] =	vst v8;
	v8 =	vmul.f32 $6.499999760e-01, v51  }
0x489: {  	v6 =	vmul.f32 $3.499999940e-01, v6;
	v7 =	vmul.f32 $6.499999760e-01, v7;
	s26 =	sor.u32 s4, s8;
	v5 =	vadd.f32 v5, v11;
	v11 =	vld [tilespmem:s13+$0xEC00]  }
0x48a: {  	s29 =	sor.u32 $0x380, s6;
	[tilespmem:s19+$0x1AC00] =	vst v12;
	v62 =	vld [tilespmem:s26+$0x0];
	s26 =	sadd.s32 $0x10E80, s15;
	v3 =	vadd.f32 v3, v8  }
0x48b: {  	s20 =	sor.u32 $0x280, s25;
	s1 =	sor.u32 s2, s16;
	[tilespmem:s18+$0x1AC00] =	vst v5;
	v5 =	vld [tilespmem:s29+$0xEC00];
	s9 =	sor.u32 s5, s26;
	v8 =	vadd.f32 v6, v7  }
0x48c: {  	s16 =	sor.u32 $0x380, s1;
	s23 =	sor.u32 $0x300, s7;
	v10 =	vmul.f32 $3.499999940e-01, v10;
	s14 =	sor.u32 s10, s26;
	v7 =	vld [tilespmem:s9+$0x0];
	[tilespmem:s28+$0x1AC00] =	vst v3  }
0x48d: {  	s17 =	simm.s32 $0x4;
	s1 =	smov.u32 s29;
	v4 =	vmul.f32 $3.499999940e-01, v4;
	v9 =	vmul.f32 $6.499999760e-01, v9;
	v6 =	vld [tilespmem:s14+$0x0];
	[tilespmem:s3+$0x1AC00] =	vst v8  }
0x48e: {  	s0 =	sor.u32 $0x280, s12;
	s29 =	sor.u32 $0x300, s12;
	v3 =	vmul.f32 $6.499999760e-01, v61;
	v8 =	vld [tilespmem:s20+$0xEC00];
	[dreg:$0x10] =	wrdreg s23  }
0x48f: {  	s6 =	sor.u32 $0x280, s11;
	s19 =	sor.u32 s30, s8;
	v10 =	vadd.f32 v10, v9;
	[dreg:$0xe] =	wrdreg s29  }
0x490: {  	s30 =	sor.u32 $0x380, s11;
	s18 =	smov.u32 s10;
	s10 =	smov.u32 s31;
	v11 =	vmul.f32 $6.499999760e-01, v11;
	v9 =	vld [tilespmem:s0+$0xEC00];
	v63 =	vadd.f32 v4, v3;
	v13 =	vmul.f32 $3.499999940e-01, v62  }
0x491: {  	s8 =	sor.u32 s22, s26;
	s14 =	sor.u32 $0x280, s7;
	s28 =	sor.u32 $0x300, s11;
	v4 =	vld [tilespmem:s19+$0x0];
	[tilespmem:s21+$0x1AC00] =	vst v10  }
0x492: {  	s11 =	sor.u32 s31, s26;
	s23 =	sor.u32 $0x380, s12;
	s19 =	simm.s32 $0x80;
	v3 =	vmul.f32 $6.499999760e-01, v5;
	v10 =	vld [tilespmem:s14+$0xEC00];
	[tilespmem:s24+$0x1AC00] =	vst v63;
	v5 =	vadd.f32 v13, v11  }
.LBB2_9:
0x493: {  	s2 =	sadd.s32 $0x200, s2  }
0x494: {  	s31 =	sand.u32 $0x40, s19;
	v11 =	vld [tilespmem:s11+$0x0];
	s26 =	sand.u32 $0x1C00, s2  }
0x495: {  	v12 =	vld [tilespmem:s6+$0xEC00];
	s3 =	sor.u32 $0x30, s31;
	s9 =	sadd.s32 $0x10C00, s26;
	v8 =	vmul.f32 $6.499999760e-01, v8;
	v7 =	vmul.f32 $3.499999940e-01, v7  }
0x496: {  	[tilespmem:s13+$0x1AC00] =	vst v5;
	s24 =	sor.u32 s3, s9;
	v5 =	vmul.f32 $3.499999940e-01, v6;
	v6 =	vld [tilespmem:s8+$0x0]  }
0x497: {  	s21 =	sor.u32 s26, s3;
	v9 =	vmul.f32 $6.499999760e-01, v9;
	v13 =	vld [tilespmem:s24+$0x0];
	v7 =	vadd.f32 v7, v8  }
0x498: {  	s8 =	sor.u32 s31, s9;
	v4 =	vmul.f32 $3.499999940e-01, v4;
	v8 =	vld [tilespmem:s21+$0xEC00]  }
0x499: {  	s13 =	sadd.s32 $0x10F00, s15;
	s24 =	sor.u32 $0x300, s25;
	v5 =	vadd.f32 v5, v9;
	[tilespmem:s20+$0x1AC00] =	vst v7;
	v7 =	vmul.f32 $3.499999940e-01, v11;
	v11 =	vld [tilespmem:s8+$0x0]  }
0x49a: {  	[smem:$0x7C9] =	sst s16;
	s7 =	sor.u32 $0x10, s31;
	s16 =	sor.u32 s5, s13;
	v3 =	vadd.f32 v4, v3;
	v9 =	vld [tilespmem:s24+$0xEC00]  }
0x49b: {  	s12 =	sor.u32 s26, s7;
	v10 =	vmul.f32 $6.499999760e-01, v10;
	[tilespmem:s0+$0x1AC00] =	vst v5;
	v5 =	vld [tilespmem:s16+$0x0]  }
0x49c: {  	s11 =	sor.u32 $0x20, s31;
	s4 =	sor.u32 s7, s9;
	v4 =	vmul.f32 $6.499999760e-01, v12;
	[tilespmem:s1+$0x1AC00] =	vst v3;
	v6 =	vmul.f32 $3.499999940e-01, v6;
	v3 =	vld [tilespmem:s12+$0xEC00]  }
0x49d: {  	s9 =	sor.u32 s11, s9;
	v7 =	vadd.f32 v7, v10;
	v10 =	vld [tilespmem:s4+$0x0]  }
0x49e: {  	[smem:$0x7C8] =	sst s28;
	s28 =	sor.u32 s26, s11;
	v50 =	vld [tilespmem:s9+$0x0];
	v4 =	vadd.f32 v6, v4  }
0x49f: {  	s29 =	sor.u32 s31, s26;
	v6 =	vld [tilespmem:s28+$0xEC00];
	[tilespmem:s14+$0x1AC00] =	vst v7;
	v7 =	vmul.f32 $6.499999760e-01, v8;
	v8 =	vmul.f32 $3.499999940e-01, v13  }
0x4a0: {  	s16 =	sor.u32 s2, s19;
	[tilespmem:s6+$0x1AC00] =	vst v4;
	v4 =	vmul.f32 $6.499999760e-01, v9;
	v5 =	vmul.f32 $3.499999940e-01, v5;
	v9 =	vld [tilespmem:s29+$0xEC00]  }
0x4a1: {  	s16 =	sor.u32 $0x380, s16;
	v7 =	vadd.f32 v8, v7  }
0x4a2: {  	s6 =	sadd.s32 $0x10C80, s26;
	v3 =	vmul.f32 $6.499999760e-01, v3;
	v8 =	vld [tilespmem:s12+$0xEC80];
	v4 =	vadd.f32 v5, v4;
	v5 =	vmul.f32 $3.499999940e-01, v10  }
0x4a3: {  	[dreg:$0x1d] =	wrdreg s16;
	v11 =	vmul.f32 $3.499999940e-01, v11;
	s16 =	sor.u32 s3, s6;
	[tilespmem:s21+$0x1AC00] =	vst v7;
	v7 =	vld [tilespmem:s21+$0xEC80]  }
0x4a4: {  	s15 =	sadd.s32 $0x10F80, s15;
	v6 =	vmul.f32 $6.499999760e-01, v6;
	v10 =	vld [tilespmem:s16+$0x0];
	s16 =	sor.u32 $0x380, s25;
	[tilespmem:s24+$0x1AC00] =	vst v4;
	v3 =	vadd.f32 v5, v3  }
0x4a5: {  	v4 =	vmul.f32 $3.499999940e-01, v50;
	s24 =	sor.u32 s5, s15;
	v5 =	vld [tilespmem:s16+$0xEC00];
	v9 =	vmul.f32 $6.499999760e-01, v9  }
0x4a6: {  	s14 =	sor.u32 s7, s6;
	v51 =	vld [tilespmem:s24+$0x0];
	[tilespmem:s12+$0x1AC00] =	vst v3  }
0x4a7: {  	v3 =	vmul.f32 $6.499999760e-01, v8;
	v4 =	vadd.f32 v4, v6;
	v8 =	vadd.f32 v11, v9;
	v9 =	vld [tilespmem:s14+$0x0]  }
0x4a8: {  	v6 =	vld [tilespmem:s28+$0xEC80]  }
0x4a9: {  	s4 =	sor.u32 s11, s6;
	v11 =	vld [tilespmem:s29+$0xEC80];
	[tilespmem:s28+$0x1AC00] =	vst v4  }
0x4aa: {  	s20 =	sor.u32 s10, s13;
	s0 =	sor.u32 s18, s13;
	s9 =	sor.u32 s31, s6;
	v7 =	vmul.f32 $6.499999760e-01, v7;
	[tilespmem:s29+$0x1AC00] =	vst v8;
	v4 =	vld [tilespmem:s4+$0x0];
	v8 =	vmul.f32 $3.499999940e-01, v10  }
0x4ab: {  	s8 =	sor.u32 s22, s13;
	s13 =	smov.u32 s23;
	s23 =	smov.u32 s30;
	v10 =	vld [tilespmem:s9+$0x0];
	v5 =	vmul.f32 $6.499999760e-01, v5;
	v12 =	vmul.f32 $3.499999940e-01, v51  }
0x4ac: {  	[dreg:$0x15] =	wrdreg s23;
	s23 =	sor.u32 s18, s15;
	v52 =	vld [tilespmem:s12+$0xED00];
	v7 =	vadd.f32 v8, v7;
	v8 =	vmul.f32 $3.499999940e-01, v9  }
0x4ad: {  	v53 =	vld [tilespmem:s29+$0xED00];
	s6 =	sor.u32 s10, s15;
	s25 =	sor.u32 s22, s15;
	s15 =	smov.u32 s26;
	v5 =	vadd.f32 v12, v5  }
0x4ae: {  	v55 =	vld [tilespmem:s29+$0xED80];
	s5 =	smov.u32 s3;
	s10 =	sadd.s32 $0x10D00, s15;
	[tilespmem:s21+$0x1AC80] =	vst v7;
	v3 =	vadd.f32 v8, v3  }
0x4af: {  	s26 =	smov.u32 s7;
	s14 =	sor.u32 s5, s10;
	v6 =	vmul.f32 $6.499999760e-01, v6;
	v7 =	vld [tilespmem:s21+$0xED00];
	v4 =	vmul.f32 $3.499999940e-01, v4;
	[tilespmem:s16+$0x1AC00] =	vst v5  }
0x4b0: {  	s7 =	sor.u32 s26, s10;
	v11 =	vmul.f32 $6.499999760e-01, v11;
	v5 =	vmul.f32 $3.499999940e-01, v10;
	v8 =	vld [tilespmem:s14+$0x0];
	[tilespmem:s12+$0x1AC80] =	vst v3  }
0x4b1: {  	v4 =	vadd.f32 v4, v6;
	v6 =	vld [tilespmem:s7+$0x0]  }
0x4b2: {  	s22 =	smov.u32 s11;
	v9 =	vld [tilespmem:s28+$0xED00];
	v5 =	vadd.f32 v5, v11  }
0x4b3: {  	s24 =	smov.u32 s31;
	s3 =	sor.u32 s22, s10;
	v10 =	vld [tilespmem:s12+$0xED80];
	[tilespmem:s28+$0x1AC80] =	vst v4  }
0x4b4: {  	s11 =	sor.u32 s24, s10;
	[tilespmem:s29+$0x1AC80] =	vst v5;
	v5 =	vld [tilespmem:s3+$0x0]  }
0x4b5: {  	v7 =	vmul.f32 $6.499999760e-01, v7;
	v54 =	vld [tilespmem:s11+$0x0];
	v8 =	vmul.f32 $3.499999940e-01, v8  }
0x4b6: {  	v3 =	vmul.f32 $6.499999760e-01, v52;
	v4 =	vld [tilespmem:s28+$0xED80];
	v6 =	vmul.f32 $3.499999940e-01, v6  }
0x4b7: {  	s16 =	rddreg [dreg:$0x10];
	v14 =	vld [tilespmem:s20+$0x0];
	v7 =	vadd.f32 v8, v7  }
0x4b8: {  	[smem:$0x7CA] =	sst s23;
	s23 =	sadd.s32 $0x10D80, s15;
	v8 =	vld [tilespmem:s16+$0xEC00];
	v3 =	vadd.f32 v6, v3  }
0x4b9: {  	v9 =	vmul.f32 $6.499999760e-01, v9;
	s11 =	sor.u32 s5, s23;
	v5 =	vmul.f32 $3.499999940e-01, v5;
	[tilespmem:s21+$0x1AD00] =	vst v7;
	v6 =	vld [tilespmem:s21+$0xED80]  }
0x4ba: {  	s1 =	rddreg [dreg:$0xe];
	v11 =	vmul.f32 $6.499999760e-01, v53;
	v7 =	vmul.f32 $3.499999940e-01, v54;
	v56 =	vld [tilespmem:s11+$0x0];
	[tilespmem:s12+$0x1AD00] =	vst v3  }
0x4bb: {  	s31 =	sor.u32 s26, s23;
	v3 =	vadd.f32 v5, v9;
	v5 =	vld [tilespmem:s1+$0xEC00]  }
0x4bc: {  	v7 =	vadd.f32 v7, v11;
	v9 =	vld [tilespmem:s31+$0x0]  }
0x4bd: {  	s18 =	sld [smem:$0x7C8];
	s3 =	sor.u32 s22, s23;
	v8 =	vmul.f32 $6.499999760e-01, v8;
	v11 =	vld [tilespmem:s0+$0x0];
	[tilespmem:s28+$0x1AD00] =	vst v3;
	v3 =	vmul.f32 $3.499999940e-01, v14  }
0x4be: {  	[smem:$0x7CB] =	sst s25;
	s25 =	sor.u32 s24, s23;
	[tilespmem:s29+$0x1AD00] =	vst v7;
	v7 =	vld [tilespmem:s3+$0x0]  }
0x4bf: {  	p0 =	por !p0, !p0;
	s10 =	sld [smem:$0x7C9];
	s0 =	simm.s32 $0x1;
	v6 =	vmul.f32 $6.499999760e-01, v6;
	v57 =	vld [tilespmem:s25+$0x0];
	v12 =	vmul.f32 $3.499999940e-01, v56;
	v3 =	vadd.f32 v3, v8  }
0x4c0: {  	s0 =	simm.s32 @!p0 $0x0;
	v8 =	vld [tilespmem:s18+$0xEC00]  }
0x4c1: {  	s0 =	sshll.u32 s0, $0x6;
	v6 =	vadd.f32 v12, v6;
	[tilespmem:s16+$0x1AC00] =	vst v3;
	v3 =	vld [tilespmem:s8+$0x0]  }
0x4c2: {  	v10 =	vmul.f32 $6.499999760e-01, v10;
	s4 =	sadd.s32 s0, s2;
	v9 =	vmul.f32 $3.499999940e-01, v9;
	v58 =	vld [tilespmem:s10+$0xEC00]  }
0x4c3: {  	s25 =	sadd.s32 $0x30, s4;
	v5 =	vmul.f32 $6.499999760e-01, v5;
	v11 =	vmul.f32 $3.499999940e-01, v11;
	[tilespmem:s21+$0x1AD80] =	vst v6;
	v6 =	vld [tilespmem:s6+$0x0]  }
0x4c4: {  	s14 =	sadd.s32 $0x10E00, s15;
	v4 =	vmul.f32 $6.499999760e-01, v4;
	s11 =	sor.u32 $0x200, s25;
	v9 =	vadd.f32 v9, v10;
	v7 =	vmul.f32 $3.499999940e-01, v7  }
0x4c5: {  	v13 =	vmul.f32 $6.499999760e-01, v55;
	s23 =	sor.u32 s5, s14;
	s9 =	sadd.s32 $0x10, s4;
	v5 =	vadd.f32 v11, v5;
	v10 =	vmul.f32 $3.499999940e-01, v57;
	v59 =	vld [tilespmem:s11+$0xEC00]  }
0x4c6: {  	s8 =	sor.u32 $0x200, s9;
	[tilespmem:s12+$0x1AD80] =	vst v9;
	v4 =	vadd.f32 v7, v4;
	v7 =	vld [tilespmem:s23+$0x0]  }
0x4c7: {  	v8 =	vmul.f32 $6.499999760e-01, v8;
	v9 =	vadd.f32 v10, v13;
	v10 =	vld [tilespmem:s8+$0xEC00];
	[tilespmem:s1+$0x1AC00] =	vst v5;
	v3 =	vmul.f32 $3.499999940e-01, v3  }
0x4c8: {  	s31 =	sor.u32 s26, s14;
	s16 =	sadd.s32 $0x20, s4;
	[tilespmem:s28+$0x1AD80] =	vst v4;
	v4 =	vmul.f32 $6.499999760e-01, v58;
	v6 =	vmul.f32 $3.499999940e-01, v6  }
0x4c9: {  	s3 =	sor.u32 $0x200, s16;
	v5 =	vld [tilespmem:s31+$0x0];
	v3 =	vadd.f32 v3, v8  }
0x4ca: {  	s7 =	sor.u32 $0x200, s4;
	[tilespmem:s29+$0x1AD80] =	vst v9;
	v9 =	vld [tilespmem:s3+$0xEC00];
	v4 =	vadd.f32 v6, v4  }
0x4cb: {  	s20 =	sor.u32 s24, s14;
	v8 =	vld [tilespmem:s7+$0xEC00];
	v60 =	vmul.f32 $6.499999760e-01, v59;
	[tilespmem:s18+$0x1AC00] =	vst v3  }
0x4cc: {  	s17 =	sadd.s32 $0x4, s17;
	s21 =	sor.u32 s22, s14;
	v11 =	vld [tilespmem:s20+$0x0];
	v7 =	vmul.f32 $3.499999940e-01, v7;
	[tilespmem:s10+$0x1AC00] =	vst v4;
	s10 =	sld [smem:$0x7CA]  }
0x4cd: {  	p1 =	slt.u32 s17, $0x3C;
	s0 =	sor.u32 $0x280, s9;
	s30 =	sor.u32 $0x380, s16;
	v6 =	vld [tilespmem:s21+$0x0]  }
0x4ce: {  	v3 =	vmul.f32 $6.499999760e-01, v10;
	v5 =	vmul.f32 $3.499999940e-01, v5;
	v7 =	vadd.f32 v7, v60;
	v4 =	vld [tilespmem:s13+$0xEC00]  }
0x4cf: {  	s14 =	sor.u32 $0x280, s4;
	s12 =	sadd.s32 $0x10E80, s15;
	s21 =	rddreg [dreg:$0x15];
	v61 =	vld [tilespmem:s10+$0x0]  }
0x4d0: {  	s6 =	sor.u32 $0x280, s16;
	s31 =	sor.u32 $0x300, s9;
	s20 =	sor.u32 $0x280, s25;
	v10 =	vmul.f32 $6.499999760e-01, v9;
	v3 =	vadd.f32 v5, v3;
	[tilespmem:s11+$0x1AC00] =	vst v7;
	v5 =	vld [tilespmem:s21+$0xEC00]  }
0x4d1: {  	s19 =	sadd.s32 $0x40, s19;
	[dreg:$0xe] =	wrdreg s31;
	s29 =	sor.u32 s5, s12;
	v9 =	vmul.f32 $6.499999760e-01, v8;
	v11 =	vmul.f32 $3.499999940e-01, v11;
	v8 =	vld [tilespmem:s20+$0xEC00]  }
.Ltmp3:
0x4d2: {  	s23 =	sor.u32 $0x300, s4;
	s31 =	sld [smem:$0x7CB];
	v7 =	vld [tilespmem:s29+$0x0];
	[tilespmem:s8+$0x1AC00] =	vst v3;
	v3 =	vmul.f32 $3.499999940e-01, v6;
	(pc) =	sbr.rel @p1 .LBB2_9-.Ltmp3, $4  }
0x4d3: {  	[dreg:$0x10] =	wrdreg s23;
	s18 =	smov.u32 s26;
	s26 =	sor.u32 s26, s12;
	v11 =	vadd.f32 v11, v9;
	v9 =	vld [tilespmem:s0+$0xEC00]  }
0x4d4: {  	s1 =	sor.u32 $0x300, s16;
	s23 =	sor.u32 $0x380, s9;
	s9 =	rddreg [dreg:$0x1d];
	v62 =	vmul.f32 $6.499999760e-01, v4;
	v6 =	vld [tilespmem:s26+$0x0];
	v63 =	vadd.f32 v3, v10;
	v12 =	vmul.f32 $3.499999940e-01, v61  }
0x4d5: {  	s28 =	smov.u32 s1;
	s16 =	smov.u32 s9;
	s1 =	smov.u32 s21;
	v4 =	vld [tilespmem:s31+$0x0];
	[tilespmem:s7+$0x1AC00] =	vst v11  }
0x4d6: {  	s11 =	sor.u32 s24, s12;
	s10 =	smov.u32 s24;
	s8 =	sor.u32 s22, s12;
	v3 =	vmul.f32 $6.499999760e-01, v5;
	v10 =	vld [tilespmem:s14+$0xEC00];
	[tilespmem:s3+$0x1AC00] =	vst v63;
	v5 =	vadd.f32 v12, v62  }
0x4d7: {  	v11 =	vld [tilespmem:s11+$0x0];
	_ =	sdelay $0x1  }
0x4d8: {  	v12 =	vld [tilespmem:s6+$0xEC00]  }
0x4d9: {  	v8 =	vmul.f32 $6.499999760e-01, v8;
	v7 =	vmul.f32 $3.499999940e-01, v7;
	v13 =	vld [tilespmem:s8+$0x0];
	_ =	sdelay $0x1  }
0x4da: {  	v7 =	vadd.f32 v7, v8;
	v8 =	vmul.f32 $6.499999760e-01, v10;
	v10 =	vmul.f32 $3.499999940e-01, v11  }
0x4db: {  	v9 =	vmul.f32 $6.499999760e-01, v9;
	v6 =	vmul.f32 $3.499999940e-01, v6  }
0x4dc: {  	s2 =	sadd.s32 $0x10F00, s15;
	s3 =	sor.u32 $0x300, s25;
	[tilespmem:s20+$0x1AC00] =	vst v7;
	v7 =	vadd.f32 v10, v8  }
0x4dd: {  	s4 =	sor.u32 s5, s2;
	v6 =	vadd.f32 v6, v9;
	v9 =	vmul.f32 $6.499999760e-01, v12;
	v11 =	vmul.f32 $3.499999940e-01, v13;
	v8 =	vld [tilespmem:s3+$0xEC00]  }
0x4de: {  	s9 =	sor.u32 s10, s2;
	v10 =	vld [tilespmem:s4+$0x0];
	[tilespmem:s14+$0x1AC00] =	vst v7  }
0x4df: {  	s7 =	rddreg [dreg:$0x10];
	[tilespmem:s0+$0x1AC00] =	vst v6;
	v6 =	vadd.f32 v11, v9;
	v9 =	vld [tilespmem:s9+$0x0]  }
0x4e0: {  	v7 =	vld [tilespmem:s7+$0xEC00];
	s12 =	rddreg [dreg:$0xe]  }
0x4e1: {  	s11 =	sor.u32 s18, s2;
	v11 =	vld [tilespmem:s12+$0xEC00]  }
0x4e2: {  	[tilespmem:s6+$0x1AC00] =	vst v6;
	v6 =	vld [tilespmem:s11+$0x0]  }
0x4e3: {  	s14 =	sor.u32 s22, s2;
	v8 =	vmul.f32 $6.499999760e-01, v8;
	v10 =	vmul.f32 $3.499999940e-01, v10;
	v36 =	vld [tilespmem:s28+$0xEC00]  }
0x4e4: {  	v37 =	vld [tilespmem:s14+$0x0]  }
0x4e5: {  	v8 =	vadd.f32 v10, v8;
	v9 =	vmul.f32 $3.499999940e-01, v9;
	v7 =	vmul.f32 $6.499999760e-01, v7  }
0x4e6: {  	s17 =	sadd.s32 $0x10F80, s15  }
0x4e7: {  	s20 =	sor.u32 s5, s17;
	[tilespmem:s3+$0x1AC00] =	vst v8;
	v8 =	vmul.f32 $6.499999760e-01, v11;
	v6 =	vmul.f32 $3.499999940e-01, v6;
	v7 =	vadd.f32 v9, v7  }
0x4e8: {  	s19 =	sor.u32 $0x380, s25;
	v10 =	vld [tilespmem:s20+$0x0]  }
0x4e9: {  	v9 =	vld [tilespmem:s19+$0xEC00];
	v6 =	vadd.f32 v6, v8;
	v8 =	vmul.f32 $3.499999940e-01, v37;
	[tilespmem:s7+$0x1AC00] =	vst v7;
	v7 =	vmul.f32 $6.499999760e-01, v36  }
0x4ea: {  	s21 =	sor.u32 s10, s17;
	v11 =	vld [tilespmem:s16+$0xEC00]  }
0x4eb: {  	v38 =	vld [tilespmem:s21+$0x0];
	[tilespmem:s12+$0x1AC00] =	vst v6;
	v6 =	vadd.f32 v8, v7  }
0x4ec: {  	s24 =	sor.u32 s18, s17;
	v7 =	vld [tilespmem:s23+$0xEC00]  }
0x4ed: {  	[tilespmem:s28+$0x1AC00] =	vst v6;
	v6 =	vld [tilespmem:s24+$0x0]  }
0x4ee: {  	v4 =	vmul.f32 $3.499999940e-01, v4;
	s0 =	sor.u32 s22, s17;
	v8 =	vld [tilespmem:s30+$0xEC00]  }
0x4ef: {  	v10 =	vmul.f32 $3.499999940e-01, v10;
	v9 =	vmul.f32 $6.499999760e-01, v9;
	v39 =	vld [tilespmem:s0+$0x0]  }
0x4f0: {  	v3 =	vadd.f32 v4, v3  }
0x4f1: {  	[tilespmem:s13+$0x1AC00] =	vst v5;
	v5 =	vadd.f32 v10, v9  }
0x4f2: {  	[tilespmem:s1+$0x1AC00] =	vst v3;
	v4 =	vmul.f32 $6.499999760e-01, v11;
	v11 =	vmul.f32 $3.499999940e-01, v38  }
0x4f3: {  	v7 =	vmul.f32 $6.499999760e-01, v7;
	[tilespmem:s19+$0x1AC00] =	vst v5;
	v6 =	vmul.f32 $3.499999940e-01, v6  }
0x4f4: {  	v3 =	vadd.f32 v11, v4;
	s25 =	sld [smem:$0x7FC];
	v4 =	vmul.f32 $6.499999760e-01, v8;
	v8 =	vmul.f32 $3.499999940e-01, v39  }
0x4f5: {  	s1 =	sld [smem:$0x7CC];
	v5 =	vadd.f32 v6, v7  }
0x4f6: {  	[tilespmem:s16+$0x1AC00] =	vst v3;
	v3 =	vadd.f32 v8, v4  }
0x4f7: {  	[tilespmem:s23+$0x1AC00] =	vst v5  }
0x4f8: {  	s0 =	sadd.s32 s25, s1;
	[tilespmem:s30+$0x1AC00] =	vst v3  }
0x4f9: {  	s0 =	smin.u32 s0, $0x2AA;
	s4 =	sld [smem:$0x7F9]  }
0x4fa: {  	p0 =	seq.s32 s0, $0x2AA  }
0x4fb: {  	s1 =	simm.s32 @p0 $0x0;
	s2 =	simm.s32 @p0 $0x1AC00  }
0x4fc: {  	[hbm4b:s4+s1] =	stream.linear.scatter @p0 [tilespmem:s2], [sflag:$0x9], $0x280, $0x38;
	[tilespmem:$0x1F380] =	vst v63  }
0x4fd: {  	s3 =	simm.s32 @p0 $0x1B000;
	s2 =	sadd.s32 @p0 $0x80, s4  }
0x4fe: {  	[hbm4b:s2+s1] =	stream.linear.scatter @p0 [tilespmem:s3], [sflag:$0x9], $0x280, $0x38;
	[tilespmem:$0x1F380] =	vst v63  }
0x4ff: {  	s2 =	sadd.s32 @p0 $0x100, s4;
	s3 =	simm.s32 @p0 $0x1B400  }
0x500: {  	[hbm4b:s2+s1] =	stream.linear.scatter @p0 [tilespmem:s3], [sflag:$0x9], $0x280, $0x38;
	[tilespmem:$0x1F380] =	vst v63  }
0x501: {  	s2 =	sadd.s32 @p0 $0x180, s4;
	s3 =	simm.s32 @p0 $0x1B800  }
0x502: {  	[hbm4b:s2+s1] =	stream.linear.scatter @p0 [tilespmem:s3], [sflag:$0x9], $0x280, $0x38;
	[tilespmem:$0x1F380] =	vst v63  }
0x503: {  	s2 =	sadd.s32 @p0 $0x200, s4;
	s3 =	simm.s32 @p0 $0x1BC00  }
0x504: {  	[hbm4b:s2+s1] =	stream.linear.scatter @p0 [tilespmem:s3], [sflag:$0x9], $0x280, $0x38;
	[tilespmem:$0x1F380] =	vst v63  }
0x505: {  	s2 =	sadd.s32 @p0 $0x280, s4;
	s3 =	simm.s32 @p0 $0x1C000  }
0x506: {  	[hbm4b:s2+s1] =	stream.linear.scatter @p0 [tilespmem:s3], [sflag:$0x9], $0x280, $0x38;
	[tilespmem:$0x1F380] =	vst v63  }
0x507: {  	s2 =	sadd.s32 @p0 $0x300, s4;
	s3 =	simm.s32 @p0 $0x1C400  }
0x508: {  	[hbm4b:s2+s1] =	stream.linear.scatter @p0 [tilespmem:s3], [sflag:$0x9], $0x280, $0x38;
	[tilespmem:$0x1F380] =	vst v63  }
0x509: {  	s2 =	sadd.s32 @p0 $0x380, s4;
	s3 =	simm.s32 @p0 $0x1C800  }
0x50a: {  	[hbm4b:s2+s1] =	stream.linear.scatter @p0 [tilespmem:s3], [sflag:$0x9], $0x280, $0x38;
	[tilespmem:$0x1F380] =	vst v63  }
0x50b: {  	s1 =	simm.s32 @p0 $0x9  }
0x50c: {  	_ =	swait.ge @p0 [sflag:s1], $0x1400  }
0x50d: {  	s26 =	simm.s32 $0x1AC00;
	[sflag:s1] =	ssyncset.done @p0 $0x0  }
0x50e: {  	s2 =	sshll.u32 @!p0 s0, $0xA;
	s0 =	rddreg [dreg:$0x8];
	[sflag:s1] =	ssyncadd.s32 @p0 $0xFFFFEC00  }
0x50f: {  	s28 =	simm.s32 $0x6;
	s0 =	sadd.s32 @!p0 s0, s2;
	s1 =	rddreg [dreg:$0xb]  }
0x510: {  	s4 =	simm.s32 $0x0;
	[smem:$0x7C7] =	sst s2;
	s0 =	smov.u32 @p0 s1  }
0x511: {  	[hbm4b:s0+s4] =	stream.linear.scatter [tilespmem:s26], [sflag:$0x5], $0x2000, $0x38;
	[tilespmem:$0x1F380] =	vst v63  }
0x512: {  	s9 =	sand.u32 $0x40, s4;
	_ =	swait.ge [sflag:s28], $0x2000  }
0x513: {  	s18 =	sand.u32 $0x1C00, s4;
	s17 =	sor.u32 $0x30, s9;
	[sflag:s28] =	ssyncset.done $0x0  }
0x514: {  	s29 =	sadd.s32 $0x14C00, s18;
	s5 =	sor.u32 s18, s17;
	[sflag:s28] =	ssyncadd.s32 $0xFFFFE000  }
0x515: {  	s1 =	sor.u32 s17, s29;
	v3 =	vld [tilespmem:s5+$0x12C00]  }
0x516: {  	v4 =	vld [tilespmem:s1+$0x0];
	_ =	sdelay $0x2  }
0x517: {  	s3 =	sor.u32 $0x10, s9  }
0x518: {  	s2 =	sor.u32 s18, s3  }
0x519: {  	s14 =	sor.u32 s3, s29;
	v5 =	vld [tilespmem:s2+$0x12C00];
	v3 =	vmul.f32 $6.499999760e-01, v3;
	v4 =	vmul.f32 $3.499999940e-01, v4  }
0x51a: {  	s15 =	sor.u32 s9, s29;
	v6 =	vld [tilespmem:s14+$0x0]  }
0x51b: {  	s16 =	sor.u32 s9, s18;
	v7 =	vld [tilespmem:s15+$0x0];
	v3 =	vadd.f32 v4, v3  }
0x51c: {  	s19 =	sadd.s32 $0x14C80, s18;
	v4 =	vld [tilespmem:s16+$0x12C00]  }
0x51d: {  	s20 =	sor.u32 s17, s19;
	[tilespmem:s5+$0x1CC00] =	vst v3;
	v3 =	vld [tilespmem:s5+$0x12C80]  }
0x51e: {  	v8 =	vld [tilespmem:s20+$0x0]  }
0x51f: {  	s30 =	sor.u32 $0x20, s9;
	v5 =	vmul.f32 $6.499999760e-01, v5;
	v6 =	vmul.f32 $3.499999940e-01, v6  }
0x520: {  	s0 =	sor.u32 s18, s30  }
0x521: {  	s6 =	sor.u32 s30, s29;
	v9 =	vld [tilespmem:s0+$0x12C00];
	v7 =	vmul.f32 $3.499999940e-01, v7;
	v5 =	vadd.f32 v6, v5;
	v4 =	vmul.f32 $6.499999760e-01, v4  }
0x522: {  	v6 =	vld [tilespmem:s6+$0x0]  }
0x523: {  	s21 =	sor.u32 s3, s19;
	v10 =	vld [tilespmem:s2+$0x12C80];
	[tilespmem:s2+$0x1CC00] =	vst v5;
	v4 =	vadd.f32 v7, v4;
	v3 =	vmul.f32 $6.499999760e-01, v3;
	v5 =	vmul.f32 $3.499999940e-01, v8  }
0x524: {  	v7 =	vld [tilespmem:s21+$0x0]  }
0x525: {  	s22 =	sor.u32 s9, s19;
	v8 =	vld [tilespmem:s16+$0x12C80];
	[tilespmem:s16+$0x1CC00] =	vst v4;
	v3 =	vadd.f32 v5, v3  }
0x526: {  	s23 =	sadd.s32 $0x14D00, s18;
	v4 =	vld [tilespmem:s22+$0x0]  }
0x527: {  	s24 =	sor.u32 s17, s23;
	v6 =	vmul.f32 $3.499999940e-01, v6;
	v5 =	vmul.f32 $6.499999760e-01, v9;
	[tilespmem:s5+$0x1CC80] =	vst v3;
	v3 =	vld [tilespmem:s5+$0x12D00]  }
0x528: {  	v9 =	vld [tilespmem:s24+$0x0]  }
0x529: {  	v5 =	vadd.f32 v6, v5;
	v6 =	vmul.f32 $6.499999760e-01, v10;
	v7 =	vmul.f32 $3.499999940e-01, v7;
	_ =	sdelay $0x1  }
0x52a: {  	v10 =	vld [tilespmem:s0+$0x12C80];
	[tilespmem:s0+$0x1CC00] =	vst v5;
	v5 =	vmul.f32 $6.499999760e-01, v8;
	v6 =	vadd.f32 v7, v6;
	v4 =	vmul.f32 $3.499999940e-01, v4  }
0x52b: {  	s7 =	sor.u32 s30, s19;
	v7 =	vld [tilespmem:s2+$0x12D00]  }
0x52c: {  	s25 =	sor.u32 s3, s23;
	v8 =	vld [tilespmem:s7+$0x0];
	[tilespmem:s2+$0x1CC80] =	vst v6;
	v4 =	vadd.f32 v4, v5;
	v3 =	vmul.f32 $6.499999760e-01, v3;
	v5 =	vmul.f32 $3.499999940e-01, v9  }
0x52d: {  	v6 =	vld [tilespmem:s25+$0x0]  }
0x52e: {  	s26 =	sor.u32 s9, s23;
	v9 =	vld [tilespmem:s16+$0x12D00];
	[tilespmem:s16+$0x1CC80] =	vst v4;
	v3 =	vadd.f32 v5, v3  }
0x52f: {  	s28 =	sadd.s32 $0x14D80, s18;
	v4 =	vld [tilespmem:s26+$0x0]  }
0x530: {  	s29 =	sor.u32 s17, s28;
	[tilespmem:s5+$0x1CD00] =	vst v3;
	v3 =	vld [tilespmem:s5+$0x12D80]  }
0x531: {  	v5 =	vld [tilespmem:s29+$0x0];
	_ =	sdelay $0x1  }
0x532: {  	v10 =	vmul.f32 $6.499999760e-01, v10;
	v8 =	vmul.f32 $3.499999940e-01, v8  }
0x533: {  	v7 =	vmul.f32 $6.499999760e-01, v7;
	v6 =	vmul.f32 $3.499999940e-01, v6  }
0x534: {  	p1 =	por $0x0, $0x0;
	s8 =	simm.s32 $0x1;
	v11 =	vld [tilespmem:s2+$0x12D80];
	v8 =	vadd.f32 v8, v10;
	v9 =	vmul.f32 $6.499999760e-01, v9;
	v4 =	vmul.f32 $3.499999940e-01, v4  }
0x535: {  	s8 =	simm.s32 @!p1 $0x0;
	v10 =	vld [tilespmem:s0+$0x12D00];
	v6 =	vadd.f32 v6, v7;
	v3 =	vmul.f32 $6.499999760e-01, v3;
	v5 =	vmul.f32 $3.499999940e-01, v5  }
0x536: {  	s10 =	sshll.u32 s8, $0x6;
	s6 =	sor.u32 s30, s23;
	[tilespmem:s0+$0x1CC80] =	vst v8;
	v8 =	vld [tilespmem:s16+$0x12D80];
	v4 =	vadd.f32 v4, v9  }
0x537: {  	s11 =	sor.u32 s3, s28;
	s23 =	sadd.s32 $0x0, s10;
	v7 =	vld [tilespmem:s6+$0x0];
	[tilespmem:s2+$0x1CD00] =	vst v6;
	v3 =	vadd.f32 v5, v3  }
0x538: {  	s12 =	sor.u32 s9, s28;
	s24 =	sadd.s32 $0x30, s23;
	[tilespmem:s16+$0x1CD00] =	vst v4;
	v5 =	vld [tilespmem:s11+$0x0]  }
0x539: {  	s13 =	sadd.s32 $0x14E00, s18;
	s19 =	sor.u32 $0x200, s24;
	v4 =	vld [tilespmem:s12+$0x0];
	[tilespmem:s5+$0x1CD80] =	vst v3  }
0x53a: {  	s20 =	sor.u32 s17, s13;
	v3 =	vld [tilespmem:s19+$0x12C00]  }
0x53b: {  	v6 =	vld [tilespmem:s20+$0x0]  }
0x53c: {  	v9 =	vmul.f32 $6.499999760e-01, v10;
	v7 =	vmul.f32 $3.499999940e-01, v7  }
0x53d: {  	v10 =	vmul.f32 $6.499999760e-01, v11;
	v5 =	vmul.f32 $3.499999940e-01, v5  }
0x53e: {  	v8 =	vmul.f32 $6.499999760e-01, v8;
	v7 =	vadd.f32 v7, v9;
	v4 =	vmul.f32 $3.499999940e-01, v4  }
0x53f: {  	v5 =	vadd.f32 v5, v10  }
0x540: {  	s21 =	sor.u32 s30, s28;
	v9 =	vld [tilespmem:s0+$0x12D80];
	[tilespmem:s0+$0x1CD00] =	vst v7;
	v4 =	vadd.f32 v4, v8;
	v3 =	vmul.f32 $6.499999760e-01, v3;
	v6 =	vmul.f32 $3.499999940e-01, v6  }
0x541: {  	s22 =	sor.u32 s3, s13;
	v7 =	vld [tilespmem:s21+$0x0];
	[tilespmem:s2+$0x1CD80] =	vst v5  }
0x542: {  	s6 =	sor.u32 $0x200, s23;
	[tilespmem:s16+$0x1CD80] =	vst v4;
	s16 =	simm.s32 $0x40;
	v5 =	vld [tilespmem:s22+$0x0];
	v3 =	vadd.f32 v6, v3  }
0x543: {  	s25 =	sor.u32 s9, s13;
	s2 =	simm.s32 $0x200;
	v4 =	vld [tilespmem:s6+$0x12C00];
	s31 =	sand.u32 $0x40, s16  }
0x544: {  	s14 =	sor.u32 $0x280, s24;
	v6 =	vld [tilespmem:s25+$0x0];
	s15 =	sand.u32 $0x1C00, s2;
	s5 =	sor.u32 $0x30, s31;
	[tilespmem:s19+$0x1CC00] =	vst v3  }
0x545: {  	s26 =	sadd.s32 $0x14C00, s15;
	s19 =	sor.u32 s15, s5;
	v3 =	vld [tilespmem:s14+$0x12C00]  }
0x546: {  	s10 =	sor.u32 $0x10, s31;
	s28 =	sor.u32 s5, s26;
	v8 =	vld [tilespmem:s19+$0x12C00]  }
0x547: {  	s7 =	sadd.s32 $0x14E80, s18;
	s12 =	sor.u32 s15, s10;
	v10 =	vld [tilespmem:s28+$0x0]  }
0x548: {  	v9 =	vmul.f32 $6.499999760e-01, v9;
	v7 =	vmul.f32 $3.499999940e-01, v7;
	s29 =	sor.u32 s10, s26;
	v11 =	vld [tilespmem:s12+$0x12C00]  }
0x549: {  	s21 =	sor.u32 s17, s7;
	s22 =	sor.u32 $0x20, s31;
	v40 =	vld [tilespmem:s29+$0x0]  }
0x54a: {  	v7 =	vadd.f32 v7, v9;
	s11 =	sor.u32 s15, s22;
	v9 =	vld [tilespmem:s21+$0x0]  }
0x54b: {  	v41 =	vld [tilespmem:s11+$0x12C00]  }
0x54c: {  	v47 =	vld [tilespmem:s19+$0x12D00]  }
0x54d: {  	v52 =	vld [tilespmem:s12+$0x12D80]  }
0x54e: {  	v54 =	vld [tilespmem:s19+$0x12D80]  }
0x54f: {  	s1 =	sor.u32 s22, s26;
	v55 =	vld [tilespmem:s11+$0x12D80]  }
0x550: {  	s21 =	sor.u32 s31, s15;
	[tilespmem:s0+$0x1CD80] =	vst v7;
	v7 =	vld [tilespmem:s1+$0x0];
	v4 =	vmul.f32 $6.499999760e-01, v4;
	v6 =	vmul.f32 $3.499999940e-01, v6  }
0x551: {  	s8 =	sor.u32 s30, s13;
	v16 =	vld [tilespmem:s21+$0x12C00];
	v8 =	vmul.f32 $6.499999760e-01, v8;
	v10 =	vmul.f32 $3.499999940e-01, v10  }
0x552: {  	v14 =	vld [tilespmem:s8+$0x0];
	s8 =	sor.u32 s31, s26;
	v4 =	vadd.f32 v6, v4;
	v11 =	vmul.f32 $6.499999760e-01, v11;
	v12 =	vmul.f32 $3.499999940e-01, v40  }
0x553: {  	v15 =	vld [tilespmem:s8+$0x0];
	v3 =	vmul.f32 $6.499999760e-01, v3;
	v9 =	vmul.f32 $3.499999940e-01, v9;
	v8 =	vadd.f32 v10, v8  }
0x554: {  	s13 =	sadd.s32 $0x14C80, s15;
	v6 =	vld [tilespmem:s19+$0x12C80];
	[tilespmem:s6+$0x1CC00] =	vst v4;
	v11 =	vadd.f32 v12, v11  }
0x555: {  	s20 =	sor.u32 s5, s13;
	v7 =	vmul.f32 $3.499999940e-01, v7;
	v10 =	vld [tilespmem:s12+$0x12C80];
	v3 =	vadd.f32 v9, v3;
	[tilespmem:s19+$0x1CC00] =	vst v8;
	v8 =	vmul.f32 $6.499999760e-01, v41  }
0x556: {  	s25 =	sor.u32 s10, s13;
	s0 =	sadd.s32 $0x14F00, s18;
	[tilespmem:s12+$0x1CC00] =	vst v11;
	v9 =	vld [tilespmem:s20+$0x0]  }
0x557: {  	s28 =	sor.u32 s17, s0;
	[tilespmem:s14+$0x1CC00] =	vst v3;
	v4 =	vadd.f32 v7, v8;
	v7 =	vld [tilespmem:s25+$0x0]  }
0x558: {  	s26 =	sor.u32 s9, s7;
	v3 =	vmul.f32 $3.499999940e-01, v15;
	v11 =	vmul.f32 $6.499999760e-01, v16;
	s14 =	sadd.s32 $0x10, s23;
	v42 =	vld [tilespmem:s28+$0x0]  }
0x559: {  	s6 =	sadd.s32 $0x20, s23;
	s20 =	sor.u32 $0x200, s14;
	v8 =	vld [tilespmem:s26+$0x0]  }
0x55a: {  	v3 =	vadd.f32 v3, v11;
	v11 =	vld [tilespmem:s20+$0x12C00];
	s25 =	sor.u32 $0x200, s6  }
0x55b: {  	s29 =	sor.u32 s22, s13;
	v6 =	vmul.f32 $6.499999760e-01, v6;
	v43 =	vld [tilespmem:s25+$0x12C00];
	[tilespmem:s11+$0x1CC00] =	vst v4;
	v9 =	vmul.f32 $3.499999940e-01, v9  }
0x55c: {  	s26 =	sor.u32 $0x300, s24;
	v10 =	vmul.f32 $6.499999760e-01, v10;
	[tilespmem:s21+$0x1CC00] =	vst v3;
	v4 =	vld [tilespmem:s29+$0x0];
	v3 =	vmul.f32 $3.499999940e-01, v7  }
0x55d: {  	v6 =	vadd.f32 v9, v6;
	v9 =	vld [tilespmem:s26+$0x12C00]  }
0x55e: {  	s8 =	sor.u32 s31, s13;
	v3 =	vadd.f32 v3, v10;
	v10 =	vld [tilespmem:s11+$0x12C80]  }
0x55f: {  	v7 =	vld [tilespmem:s8+$0x0]  }
0x560: {  	v46 =	vld [tilespmem:s21+$0x12C80];
	v45 =	vmul.f32 $3.499999940e-01, v14;
	s28 =	sadd.s32 $0x14D00, s15;
	v12 =	vmul.f32 $3.499999940e-01, v42;
	[tilespmem:s19+$0x1CC80] =	vst v6  }
0x561: {  	v50 =	vld [tilespmem:s21+$0x12D00];
	s1 =	sor.u32 s5, s28;
	v11 =	vmul.f32 $6.499999760e-01, v11;
	[tilespmem:s12+$0x1CC80] =	vst v3;
	v3 =	vmul.f32 $3.499999940e-01, v5  }
0x562: {  	s29 =	sor.u32 $0x280, s23;
	v4 =	vmul.f32 $3.499999940e-01, v4;
	v6 =	vld [tilespmem:s1+$0x0];
	v5 =	vmul.f32 $6.499999760e-01, v43  }
0x563: {  	s13 =	sor.u32 s10, s28;
	v3 =	vadd.f32 v3, v11;
	v11 =	vld [tilespmem:s29+$0x12C00];
	v9 =	vmul.f32 $6.499999760e-01, v9;
	v10 =	vmul.f32 $6.499999760e-01, v10  }
0x564: {  	v44 =	vld [tilespmem:s13+$0x0];
	v7 =	vmul.f32 $3.499999940e-01, v7;
	v5 =	vadd.f32 v45, v5  }
0x565: {  	[tilespmem:s20+$0x1CC00] =	vst v3;
	v3 =	vadd.f32 v12, v9;
	v9 =	vld [tilespmem:s12+$0x12D00];
	s20 =	sor.u32 s3, s7;
	v4 =	vadd.f32 v4, v10;
	v10 =	vmul.f32 $6.499999760e-01, v46  }
0x566: {  	v8 =	vmul.f32 $3.499999940e-01, v8;
	[tilespmem:s25+$0x1CC00] =	vst v5;
	s7 =	sor.u32 s30, s7;
	v48 =	vld [tilespmem:s20+$0x0]  }
0x567: {  	v5 =	vld [tilespmem:s7+$0x0];
	s7 =	sor.u32 $0x280, s14;
	v6 =	vmul.f32 $3.499999940e-01, v6;
	v7 =	vadd.f32 v7, v10;
	v10 =	vmul.f32 $6.499999760e-01, v47  }
0x568: {  	s1 =	sor.u32 s31, s28;
	[tilespmem:s26+$0x1CC00] =	vst v3;
	s26 =	sor.u32 s22, s28;
	v49 =	vld [tilespmem:s7+$0x12C00];
	s28 =	sor.u32 $0x280, s6;
	v11 =	vmul.f32 $6.499999760e-01, v11  }
0x569: {  	[tilespmem:s21+$0x1CC80] =	vst v7;
	v6 =	vadd.f32 v6, v10;
	v10 =	vld [tilespmem:s28+$0x12C00]  }
0x56a: {  	[tilespmem:s11+$0x1CC80] =	vst v4;
	v8 =	vadd.f32 v8, v11;
	v9 =	vmul.f32 $6.499999760e-01, v9;
	v11 =	vmul.f32 $3.499999940e-01, v44;
	v7 =	vld [tilespmem:s1+$0x0]  }
0x56b: {  	s8 =	sadd.s32 $0x14F80, s18;
	v4 =	vld [tilespmem:s26+$0x0]  }
0x56c: {  	s25 =	sor.u32 s17, s8;
	[tilespmem:s29+$0x1CC00] =	vst v8;
	v8 =	vadd.f32 v11, v9;
	v11 =	vld [tilespmem:s11+$0x12D00]  }
0x56d: {  	s13 =	sor.u32 s9, s0;
	v3 =	vld [tilespmem:s25+$0x0];
	v12 =	vmul.f32 $3.499999940e-01, v48;
	v13 =	vmul.f32 $6.499999760e-01, v49  }
0x56e: {  	s23 =	sor.u32 $0x300, s23;
	s20 =	sadd.s32 $0x14D80, s15;
	v5 =	vmul.f32 $3.499999940e-01, v5;
	v9 =	vld [tilespmem:s13+$0x0];
	v10 =	vmul.f32 $6.499999760e-01, v10  }
0x56f: {  	v14 =	vmul.f32 $6.499999760e-01, v50;
	s25 =	sor.u32 s5, s20;
	[tilespmem:s19+$0x1CD00] =	vst v6;
	v53 =	vld [tilespmem:s23+$0x12C00];
	v12 =	vadd.f32 v12, v13;
	v7 =	vmul.f32 $3.499999940e-01, v7  }
0x570: {  	s26 =	sor.u32 s10, s20;
	v6 =	vld [tilespmem:s25+$0x0];
	[tilespmem:s12+$0x1CD00] =	vst v8;
	v5 =	vadd.f32 v5, v10  }
0x571: {  	v4 =	vmul.f32 $3.499999940e-01, v4;
	v8 =	vld [tilespmem:s26+$0x0];
	[tilespmem:s7+$0x1CC00] =	vst v12;
	v11 =	vmul.f32 $6.499999760e-01, v11;
	v7 =	vadd.f32 v7, v14  }
0x572: {  	s29 =	sor.u32 s3, s0;
	v10 =	vld [tilespmem:s21+$0x12D80];
	[tilespmem:s28+$0x1CC00] =	vst v5  }
0x573: {  	s17 =	sor.u32 s22, s20;
	s1 =	sor.u32 s31, s20;
	s20 =	sor.u32 $0x300, s6;
	v4 =	vadd.f32 v4, v11;
	[tilespmem:s21+$0x1CD00] =	vst v7;
	v7 =	vld [tilespmem:s29+$0x0]  }
0x574: {  	v13 =	vmul.f32 $6.499999760e-01, v53;
	v9 =	vmul.f32 $3.499999940e-01, v9;
	v57 =	vld [tilespmem:s20+$0x12C00]  }
0x575: {  	v14 =	vmul.f32 $6.499999760e-01, v54;
	v6 =	vmul.f32 $3.499999940e-01, v6;
	v11 =	vld [tilespmem:s1+$0x0];
	[tilespmem:s11+$0x1CD00] =	vst v4  }
0x576: {  	p1 =	por !p1, !p1;
	s13 =	sor.u32 $0x300, s14;
	s7 =	simm.s32 $0x1;
	v5 =	vmul.f32 $6.499999760e-01, v52;
	v9 =	vadd.f32 v9, v13;
	v8 =	vmul.f32 $3.499999940e-01, v8;
	v56 =	vld [tilespmem:s17+$0x0]  }
0x577: {  	s0 =	sor.u32 s30, s0;
	s7 =	simm.s32 @!p1 $0x0;
	v6 =	vadd.f32 v6, v14;
	v4 =	vld [tilespmem:s13+$0x12C00]  }
0x578: {  	s9 =	sor.u32 s9, s8;
	s7 =	sshll.u32 s7, $0x6;
	s28 =	sadd.s32 $0x14E00, s15;
	[tilespmem:s23+$0x1CC00] =	vst v9;
	v9 =	vld [tilespmem:s0+$0x0];
	v5 =	vadd.f32 v8, v5  }
0x579: {  	s7 =	sadd.s32 $0x200, s7;
	s29 =	sor.u32 s5, s28;
	[tilespmem:s19+$0x1CD80] =	vst v6;
	v6 =	vld [tilespmem:s9+$0x0]  }
0x57a: {  	s1 =	sor.u32 s10, s28;
	v10 =	vmul.f32 $6.499999760e-01, v10;
	[tilespmem:s12+$0x1CD80] =	vst v5;
	v5 =	vld [tilespmem:s29+$0x0];
	s12 =	sadd.s32 $0x10, s7;
	v11 =	vmul.f32 $3.499999940e-01, v11  }
0x57b: {  	s25 =	sadd.s32 $0x30, s7;
	v8 =	vmul.f32 $6.499999760e-01, v55;
	v59 =	vld [tilespmem:s1+$0x0];
	s19 =	sor.u32 $0x200, s12;
	v58 =	vmul.f32 $3.499999940e-01, v56  }
0x57c: {  	s18 =	sor.u32 $0x380, s24;
	s9 =	sor.u32 $0x200, s25;
	v60 =	vld [tilespmem:s19+$0x12C00];
	v10 =	vadd.f32 v11, v10  }
0x57d: {  	s4 =	sor.u32 s4, s4;
	v7 =	vmul.f32 $3.499999940e-01, v7;
	v4 =	vmul.f32 $6.499999760e-01, v4;
	v11 =	vld [tilespmem:s9+$0x12C00];
	v8 =	vadd.f32 v58, v8  }
0x57e: {  	v51 =	vld [tilespmem:s18+$0x12C00];
	s23 =	sor.u32 $0x380, s4;
	[tilespmem:s21+$0x1CD80] =	vst v10  }
0x57f: {  	v9 =	vmul.f32 $3.499999940e-01, v9;
	v4 =	vadd.f32 v7, v4;
	v7 =	vld [tilespmem:s23+$0x12C00];
	s21 =	sor.u32 s31, s28;
	[tilespmem:s11+$0x1CD80] =	vst v8;
	v8 =	vmul.f32 $6.499999760e-01, v57  }
0x580: {  	s0 =	sor.u32 s22, s28;
	v10 =	vld [tilespmem:s21+$0x0]  }
0x581: {  	s24 =	sor.u32 $0x200, s7;
	[tilespmem:s13+$0x1CC00] =	vst v4;
	v13 =	vmul.f32 $3.499999940e-01, v59;
	s11 =	sadd.s32 $0x20, s7;
	v12 =	vmul.f32 $6.499999760e-01, v60;
	v4 =	vld [tilespmem:s0+$0x0];
	v8 =	vadd.f32 v9, v8  }
0x582: {  	v5 =	vmul.f32 $3.499999940e-01, v5;
	s26 =	sor.u32 $0x200, s11;
	v9 =	vld [tilespmem:s24+$0x12C00];
	v11 =	vmul.f32 $6.499999760e-01, v11  }
0x583: {  	v3 =	vmul.f32 $3.499999940e-01, v3;
	s28 =	sor.u32 s3, s8;
	v61 =	vld [tilespmem:s26+$0x12C00];
	v12 =	vadd.f32 v13, v12;
	[tilespmem:s20+$0x1CC00] =	vst v8;
	v8 =	vmul.f32 $6.499999760e-01, v51  }
0x584: {  	s29 =	sor.u32 $0x380, s6;
	s6 =	sor.u32 s2, s16;
	v6 =	vmul.f32 $3.499999940e-01, v6;
	s13 =	sor.u32 $0x380, s14;
	v62 =	vld [tilespmem:s28+$0x0];
	v7 =	vmul.f32 $6.499999760e-01, v7;
	v5 =	vadd.f32 v5, v11  }
0x585: {  	s16 =	sor.u32 $0x380, s6;
	s28 =	sadd.s32 $0x14E80, s15;
	v11 =	vld [tilespmem:s13+$0x12C00];
	[tilespmem:s19+$0x1CC00] =	vst v12;
	v3 =	vadd.f32 v3, v8  }
0x586: {  	s14 =	sor.u32 s10, s28;
	s0 =	sor.u32 $0x280, s12;
	s6 =	sor.u32 $0x280, s11;
	v10 =	vmul.f32 $3.499999940e-01, v10;
	[tilespmem:s9+$0x1CC00] =	vst v5;
	v5 =	vld [tilespmem:s29+$0x12C00];
	v8 =	vadd.f32 v6, v7  }
0x587: {  	s1 =	smov.u32 s29;
	s9 =	sor.u32 s5, s28;
	v4 =	vmul.f32 $3.499999940e-01, v4;
	v6 =	vld [tilespmem:s14+$0x0];
	v9 =	vmul.f32 $6.499999760e-01, v9;
	[tilespmem:s18+$0x1CC00] =	vst v3  }
0x588: {  	s20 =	sor.u32 $0x280, s25;
	s19 =	sor.u32 s30, s8;
	s29 =	sor.u32 $0x300, s7;
	v7 =	vld [tilespmem:s9+$0x0];
	v3 =	vmul.f32 $6.499999760e-01, v61;
	[tilespmem:s23+$0x1CC00] =	vst v8  }
0x589: {  	s30 =	smov.u32 s31;
	s31 =	sor.u32 $0x300, s12;
	v8 =	vld [tilespmem:s20+$0x12C00];
	v10 =	vadd.f32 v10, v9;
	[dreg:$0x11] =	wrdreg s29  }
0x58a: {  	s17 =	simm.s32 $0x4;
	s8 =	sor.u32 s22, s28;
	v13 =	vmul.f32 $3.499999940e-01, v62;
	v11 =	vmul.f32 $6.499999760e-01, v11;
	v9 =	vld [tilespmem:s0+$0x12C00];
	v63 =	vadd.f32 v4, v3  }
0x58b: {  	s14 =	sor.u32 $0x280, s7;
	s18 =	sor.u32 $0x300, s11;
	s23 =	sor.u32 $0x380, s11;
	v4 =	vld [tilespmem:s19+$0x0];
	[tilespmem:s24+$0x1CC00] =	vst v10  }
0x58c: {  	s11 =	sor.u32 s30, s28;
	s19 =	simm.s32 $0x80;
	s24 =	sor.u32 $0x380, s12;
	v3 =	vmul.f32 $6.499999760e-01, v5;
	v5 =	vadd.f32 v13, v11;
	v10 =	vld [tilespmem:s14+$0x12C00];
	[tilespmem:s26+$0x1CC00] =	vst v63  }
.LBB2_11:
0x58d: {  	s2 =	sadd.s32 $0x200, s2  }
0x58e: {  	[smem:$0x7C1] =	sst s31;
	s31 =	sand.u32 $0x40, s19;
	v11 =	vld [tilespmem:s11+$0x0];
	s26 =	sand.u32 $0x1C00, s2  }
0x58f: {  	v12 =	vld [tilespmem:s6+$0x12C00];
	s3 =	sor.u32 $0x30, s31;
	s9 =	sadd.s32 $0x14C00, s26;
	v8 =	vmul.f32 $6.499999760e-01, v8;
	v7 =	vmul.f32 $3.499999940e-01, v7  }
0x590: {  	[tilespmem:s13+$0x1CC00] =	vst v5;
	s28 =	sor.u32 s3, s9;
	v5 =	vmul.f32 $3.499999940e-01, v6;
	v6 =	vld [tilespmem:s8+$0x0]  }
0x591: {  	s21 =	sor.u32 s26, s3;
	v9 =	vmul.f32 $6.499999760e-01, v9;
	v13 =	vld [tilespmem:s28+$0x0];
	v7 =	vadd.f32 v7, v8  }
0x592: {  	[smem:$0x7C2] =	sst s18;
	s18 =	smov.u32 s10;
	s8 =	sor.u32 s31, s9;
	v4 =	vmul.f32 $3.499999940e-01, v4;
	v8 =	vld [tilespmem:s21+$0x12C00]  }
0x593: {  	s10 =	smov.u32 s30;
	s30 =	sor.u32 $0x300, s25;
	s13 =	sadd.s32 $0x14F00, s15;
	v5 =	vadd.f32 v5, v9;
	[tilespmem:s20+$0x1CC00] =	vst v7;
	v7 =	vmul.f32 $3.499999940e-01, v11;
	v11 =	vld [tilespmem:s8+$0x0]  }
0x594: {  	[smem:$0x7C3] =	sst s16;
	s7 =	sor.u32 $0x10, s31;
	s16 =	sor.u32 s5, s13;
	v3 =	vadd.f32 v4, v3;
	v9 =	vld [tilespmem:s30+$0x12C00]  }
0x595: {  	s11 =	sor.u32 $0x20, s31;
	s12 =	sor.u32 s26, s7;
	v10 =	vmul.f32 $6.499999760e-01, v10;
	[tilespmem:s0+$0x1CC00] =	vst v5;
	v5 =	vld [tilespmem:s16+$0x0]  }
0x596: {  	s4 =	sor.u32 s7, s9;
	s9 =	sor.u32 s11, s9;
	v4 =	vmul.f32 $6.499999760e-01, v12;
	s20 =	sor.u32 s10, s13;
	[tilespmem:s1+$0x1CC00] =	vst v3;
	v6 =	vmul.f32 $3.499999940e-01, v6;
	v3 =	vld [tilespmem:s12+$0x12C00]  }
0x597: {  	s0 =	sor.u32 s18, s13;
	s8 =	sor.u32 s22, s13;
	s13 =	smov.u32 s24;
	v7 =	vadd.f32 v7, v10;
	v10 =	vld [tilespmem:s4+$0x0]  }
0x598: {  	s28 =	sor.u32 s26, s11;
	[smem:$0x7C4] =	sst s13;
	v50 =	vld [tilespmem:s9+$0x0];
	v4 =	vadd.f32 v6, v4  }
0x599: {  	s29 =	sor.u32 s31, s26;
	v6 =	vld [tilespmem:s28+$0x12C00];
	[tilespmem:s14+$0x1CC00] =	vst v7;
	v7 =	vmul.f32 $6.499999760e-01, v8;
	v8 =	vmul.f32 $3.499999940e-01, v13  }
0x59a: {  	s16 =	sor.u32 s2, s19;
	s13 =	smov.u32 s23;
	[tilespmem:s6+$0x1CC00] =	vst v4;
	v4 =	vmul.f32 $6.499999760e-01, v9;
	v5 =	vmul.f32 $3.499999940e-01, v5;
	v9 =	vld [tilespmem:s29+$0x12C00]  }
0x59b: {  	s24 =	sor.u32 $0x380, s16;
	[dreg:$0x16] =	wrdreg s13;
	s13 =	sor.u32 $0x380, s25;
	v7 =	vadd.f32 v8, v7  }
0x59c: {  	s14 =	sadd.s32 $0x14C80, s26;
	v3 =	vmul.f32 $6.499999760e-01, v3;
	v8 =	vld [tilespmem:s12+$0x12C80];
	v4 =	vadd.f32 v5, v4;
	v5 =	vmul.f32 $3.499999940e-01, v10  }
0x59d: {  	[dreg:$0x1e] =	wrdreg s24;
	s24 =	sadd.s32 $0x14F80, s15;
	s23 =	sor.u32 s3, s14;
	[tilespmem:s21+$0x1CC00] =	vst v7;
	v7 =	vld [tilespmem:s21+$0x12C80]  }
0x59e: {  	v11 =	vmul.f32 $3.499999940e-01, v11;
	v6 =	vmul.f32 $6.499999760e-01, v6;
	v10 =	vld [tilespmem:s23+$0x0];
	[tilespmem:s30+$0x1CC00] =	vst v4;
	v3 =	vadd.f32 v5, v3  }
0x59f: {  	s23 =	sor.u32 s5, s24;
	v4 =	vmul.f32 $3.499999940e-01, v50;
	v5 =	vld [tilespmem:s13+$0x12C00];
	v9 =	vmul.f32 $6.499999760e-01, v9  }
0x5a0: {  	s16 =	sor.u32 s7, s14;
	v51 =	vld [tilespmem:s23+$0x0];
	[tilespmem:s12+$0x1CC00] =	vst v3  }
0x5a1: {  	v3 =	vmul.f32 $6.499999760e-01, v8;
	v4 =	vadd.f32 v4, v6;
	v8 =	vadd.f32 v11, v9;
	v9 =	vld [tilespmem:s16+$0x0]  }
0x5a2: {  	v6 =	vld [tilespmem:s28+$0x12C80]  }
0x5a3: {  	s4 =	sor.u32 s11, s14;
	v11 =	vld [tilespmem:s29+$0x12C80];
	[tilespmem:s28+$0x1CC00] =	vst v4  }
0x5a4: {  	s9 =	sor.u32 s31, s14;
	v7 =	vmul.f32 $6.499999760e-01, v7;
	[tilespmem:s29+$0x1CC00] =	vst v8;
	v4 =	vld [tilespmem:s4+$0x0];
	v8 =	vmul.f32 $3.499999940e-01, v10  }
0x5a5: {  	v10 =	vld [tilespmem:s9+$0x0];
	v5 =	vmul.f32 $6.499999760e-01, v5;
	v12 =	vmul.f32 $3.499999940e-01, v51  }
0x5a6: {  	v52 =	vld [tilespmem:s12+$0x12D00];
	v7 =	vadd.f32 v8, v7;
	v8 =	vmul.f32 $3.499999940e-01, v9  }
0x5a7: {  	s15 =	smov.u32 s26;
	v53 =	vld [tilespmem:s29+$0x12D00];
	v5 =	vadd.f32 v12, v5  }
0x5a8: {  	s25 =	sadd.s32 $0x14D00, s15;
	v55 =	vld [tilespmem:s29+$0x12D80];
	s5 =	smov.u32 s3;
	[tilespmem:s21+$0x1CC80] =	vst v7;
	v3 =	vadd.f32 v8, v3  }
0x5a9: {  	s6 =	sor.u32 s10, s24;
	s10 =	smov.u32 s7;
	s1 =	sor.u32 s5, s25;
	v6 =	vmul.f32 $6.499999760e-01, v6;
	v7 =	vld [tilespmem:s21+$0x12D00];
	v4 =	vmul.f32 $3.499999940e-01, v4;
	[tilespmem:s13+$0x1CC00] =	vst v5  }
0x5aa: {  	s7 =	sor.u32 s10, s25;
	v11 =	vmul.f32 $6.499999760e-01, v11;
	v5 =	vmul.f32 $3.499999940e-01, v10;
	v8 =	vld [tilespmem:s1+$0x0];
	[tilespmem:s12+$0x1CC80] =	vst v3  }
0x5ab: {  	v4 =	vadd.f32 v4, v6;
	v6 =	vld [tilespmem:s7+$0x0]  }
0x5ac: {  	s18 =	sor.u32 s18, s24;
	s24 =	sor.u32 s22, s24;
	s22 =	smov.u32 s11;
	v9 =	vld [tilespmem:s28+$0x12D00];
	v5 =	vadd.f32 v5, v11  }
0x5ad: {  	s30 =	smov.u32 s31;
	s3 =	sor.u32 s22, s25;
	v10 =	vld [tilespmem:s12+$0x12D80];
	[tilespmem:s28+$0x1CC80] =	vst v4  }
0x5ae: {  	s26 =	sor.u32 s30, s25;
	[tilespmem:s29+$0x1CC80] =	vst v5;
	v5 =	vld [tilespmem:s3+$0x0]  }
0x5af: {  	v7 =	vmul.f32 $6.499999760e-01, v7;
	v54 =	vld [tilespmem:s26+$0x0];
	v8 =	vmul.f32 $3.499999940e-01, v8  }
0x5b0: {  	[smem:$0x7C5] =	sst s18;
	v3 =	vmul.f32 $6.499999760e-01, v52;
	v4 =	vld [tilespmem:s28+$0x12D80];
	v6 =	vmul.f32 $3.499999940e-01, v6  }
0x5b1: {  	s11 =	rddreg [dreg:$0x11];
	v14 =	vld [tilespmem:s20+$0x0];
	v7 =	vadd.f32 v8, v7  }
0x5b2: {  	s14 =	sadd.s32 $0x14D80, s15;
	s18 =	sld [smem:$0x7C1];
	v8 =	vld [tilespmem:s11+$0x12C00];
	v3 =	vadd.f32 v6, v3  }
0x5b3: {  	s23 =	sor.u32 s5, s14;
	v9 =	vmul.f32 $6.499999760e-01, v9;
	v5 =	vmul.f32 $3.499999940e-01, v5;
	[tilespmem:s21+$0x1CD00] =	vst v7;
	v6 =	vld [tilespmem:s21+$0x12D80]  }
0x5b4: {  	v11 =	vmul.f32 $6.499999760e-01, v53;
	v7 =	vmul.f32 $3.499999940e-01, v54;
	v56 =	vld [tilespmem:s23+$0x0];
	[tilespmem:s12+$0x1CD00] =	vst v3  }
0x5b5: {  	s20 =	sor.u32 s10, s14;
	v3 =	vadd.f32 v5, v9;
	v5 =	vld [tilespmem:s18+$0x12C00]  }
0x5b6: {  	v7 =	vadd.f32 v7, v11;
	v9 =	vld [tilespmem:s20+$0x0]  }
0x5b7: {  	s13 =	sld [smem:$0x7C2];
	s3 =	sor.u32 s22, s14;
	v8 =	vmul.f32 $6.499999760e-01, v8;
	v11 =	vld [tilespmem:s0+$0x0];
	[tilespmem:s28+$0x1CD00] =	vst v3;
	v3 =	vmul.f32 $3.499999940e-01, v14  }
0x5b8: {  	p1 =	por !p1, !p1;
	s16 =	sor.u32 s30, s14;
	s0 =	simm.s32 $0x1;
	[tilespmem:s29+$0x1CD00] =	vst v7;
	v7 =	vld [tilespmem:s3+$0x0]  }
0x5b9: {  	s26 =	sld [smem:$0x7C3];
	s0 =	simm.s32 @!p1 $0x0;
	v6 =	vmul.f32 $6.499999760e-01, v6;
	v57 =	vld [tilespmem:s16+$0x0];
	v12 =	vmul.f32 $3.499999940e-01, v56;
	v3 =	vadd.f32 v3, v8  }
0x5ba: {  	[smem:$0x7C6] =	sst s24;
	v10 =	vmul.f32 $6.499999760e-01, v10;
	s0 =	sshll.u32 s0, $0x6;
	v8 =	vld [tilespmem:s13+$0x12C00]  }
0x5bb: {  	v4 =	vmul.f32 $6.499999760e-01, v4;
	s24 =	sadd.s32 s0, s2;
	v9 =	vmul.f32 $3.499999940e-01, v9;
	v6 =	vadd.f32 v12, v6;
	[tilespmem:s11+$0x1CC00] =	vst v3;
	v3 =	vld [tilespmem:s8+$0x0]  }
0x5bc: {  	s25 =	sadd.s32 $0x30, s24;
	v5 =	vmul.f32 $6.499999760e-01, v5;
	v11 =	vmul.f32 $3.499999940e-01, v11;
	v58 =	vld [tilespmem:s26+$0x12C00]  }
0x5bd: {  	s1 =	sadd.s32 $0x14E00, s15;
	s11 =	sor.u32 $0x200, s25;
	v9 =	vadd.f32 v9, v10;
	v7 =	vmul.f32 $3.499999940e-01, v7;
	[tilespmem:s21+$0x1CD80] =	vst v6;
	v6 =	vld [tilespmem:s6+$0x0]  }
0x5be: {  	v13 =	vmul.f32 $6.499999760e-01, v55;
	s14 =	sor.u32 s5, s1;
	s9 =	sadd.s32 $0x10, s24;
	s16 =	sadd.s32 $0x20, s24;
	v5 =	vadd.f32 v11, v5;
	v10 =	vmul.f32 $3.499999940e-01, v57;
	v59 =	vld [tilespmem:s11+$0x12C00]  }
0x5bf: {  	s7 =	sor.u32 $0x200, s24;
	s8 =	sor.u32 $0x200, s9;
	s3 =	sor.u32 $0x200, s16;
	[tilespmem:s12+$0x1CD80] =	vst v9;
	v4 =	vadd.f32 v7, v4;
	v7 =	vld [tilespmem:s14+$0x0]  }
0x5c0: {  	s23 =	sor.u32 s10, s1;
	v8 =	vmul.f32 $6.499999760e-01, v8;
	v9 =	vadd.f32 v10, v13;
	v10 =	vld [tilespmem:s8+$0x12C00];
	[tilespmem:s18+$0x1CC00] =	vst v5;
	v3 =	vmul.f32 $3.499999940e-01, v3  }
0x5c1: {  	s0 =	sor.u32 $0x280, s9;
	s14 =	sor.u32 $0x280, s24;
	s24 =	sor.u32 $0x300, s24;
	v5 =	vld [tilespmem:s23+$0x0];
	[tilespmem:s28+$0x1CD80] =	vst v4  }
0x5c2: {  	s31 =	sor.u32 $0x300, s9;
	[dreg:$0x11] =	wrdreg s24;
	s24 =	sor.u32 $0x380, s9;
	v4 =	vmul.f32 $6.499999760e-01, v58;
	[tilespmem:s29+$0x1CD80] =	vst v9;
	v9 =	vld [tilespmem:s3+$0x12C00];
	v3 =	vadd.f32 v3, v8  }
0x5c3: {  	s20 =	sor.u32 s30, s1;
	s9 =	sld [smem:$0x7C5];
	v6 =	vmul.f32 $3.499999940e-01, v6;
	v8 =	vld [tilespmem:s7+$0x12C00];
	v60 =	vmul.f32 $6.499999760e-01, v59  }
0x5c4: {  	s21 =	sor.u32 s22, s1;
	v11 =	vld [tilespmem:s20+$0x0];
	v7 =	vmul.f32 $3.499999940e-01, v7;
	[tilespmem:s13+$0x1CC00] =	vst v3;
	s13 =	sld [smem:$0x7C4]  }
0x5c5: {  	v4 =	vadd.f32 v6, v4;
	v6 =	vld [tilespmem:s21+$0x0]  }
0x5c6: {  	s17 =	sadd.s32 $0x4, s17;
	v61 =	vld [tilespmem:s9+$0x0];
	v3 =	vmul.f32 $6.499999760e-01, v10;
	v5 =	vmul.f32 $3.499999940e-01, v5;
	v7 =	vadd.f32 v7, v60  }
0x5c7: {  	p2 =	slt.u32 s17, $0x3C;
	s21 =	rddreg [dreg:$0x16];
	[tilespmem:s26+$0x1CC00] =	vst v4;
	v4 =	vld [tilespmem:s13+$0x12C00]  }
0x5c8: {  	s12 =	sadd.s32 $0x14E80, s15;
	s20 =	sor.u32 $0x280, s25;
	v10 =	vmul.f32 $6.499999760e-01, v9;
	v3 =	vadd.f32 v5, v3;
	[tilespmem:s11+$0x1CC00] =	vst v7;
	v5 =	vld [tilespmem:s21+$0x12C00]  }
0x5c9: {  	s28 =	sor.u32 s5, s12;
	v9 =	vmul.f32 $6.499999760e-01, v8;
	v11 =	vmul.f32 $3.499999940e-01, v11;
	v8 =	vld [tilespmem:s20+$0x12C00]  }
.Ltmp4:
0x5ca: {  	s29 =	sld [smem:$0x7C6];
	v7 =	vld [tilespmem:s28+$0x0];
	[tilespmem:s8+$0x1CC00] =	vst v3;
	v3 =	vmul.f32 $3.499999940e-01, v6;
	(pc) =	sbr.rel @p2 .LBB2_11-.Ltmp4, $4  }
0x5cb: {  	s19 =	sadd.s32 $0x40, s19;
	s26 =	sor.u32 s10, s12;
	v11 =	vadd.f32 v11, v9;
	v9 =	vld [tilespmem:s0+$0x12C00]  }
0x5cc: {  	s4 =	rddreg [dreg:$0x1e];
	s6 =	sor.u32 $0x280, s16;
	s1 =	sor.u32 $0x300, s16;
	v12 =	vmul.f32 $3.499999940e-01, v61;
	v6 =	vld [tilespmem:s26+$0x0];
	v62 =	vmul.f32 $6.499999760e-01, v4;
	v63 =	vadd.f32 v3, v10  }
0x5cd: {  	s18 =	smov.u32 s1;
	s23 =	sor.u32 $0x380, s16;
	s16 =	smov.u32 s4;
	[tilespmem:s7+$0x1CC00] =	vst v11;
	v4 =	vld [tilespmem:s29+$0x0]  }
0x5ce: {  	s1 =	smov.u32 s21;
	s11 =	sor.u32 s30, s12;
	s8 =	sor.u32 s22, s12;
	v3 =	vmul.f32 $6.499999760e-01, v5;
	v10 =	vld [tilespmem:s14+$0x12C00];
	[tilespmem:s3+$0x1CC00] =	vst v63;
	v5 =	vadd.f32 v12, v62  }
0x5cf: {  	v11 =	vld [tilespmem:s11+$0x0];
	_ =	sdelay $0x1  }
0x5d0: {  	v12 =	vld [tilespmem:s6+$0x12C00]  }
0x5d1: {  	v8 =	vmul.f32 $6.499999760e-01, v8;
	v7 =	vmul.f32 $3.499999940e-01, v7;
	v13 =	vld [tilespmem:s8+$0x0];
	_ =	sdelay $0x1  }
0x5d2: {  	v7 =	vadd.f32 v7, v8;
	v8 =	vmul.f32 $6.499999760e-01, v10;
	v10 =	vmul.f32 $3.499999940e-01, v11  }
0x5d3: {  	v9 =	vmul.f32 $6.499999760e-01, v9;
	v6 =	vmul.f32 $3.499999940e-01, v6  }
0x5d4: {  	s2 =	sadd.s32 $0x14F00, s15;
	s3 =	sor.u32 $0x300, s25;
	[tilespmem:s20+$0x1CC00] =	vst v7;
	v7 =	vadd.f32 v10, v8  }
0x5d5: {  	s4 =	sor.u32 s5, s2;
	v6 =	vadd.f32 v6, v9;
	v9 =	vmul.f32 $6.499999760e-01, v12;
	v11 =	vmul.f32 $3.499999940e-01, v13;
	v8 =	vld [tilespmem:s3+$0x12C00]  }
0x5d6: {  	s29 =	sor.u32 s30, s2;
	v10 =	vld [tilespmem:s4+$0x0];
	[tilespmem:s14+$0x1CC00] =	vst v7  }
0x5d7: {  	s7 =	rddreg [dreg:$0x11];
	[tilespmem:s0+$0x1CC00] =	vst v6;
	v6 =	vadd.f32 v11, v9;
	v9 =	vld [tilespmem:s29+$0x0]  }
0x5d8: {  	v7 =	vld [tilespmem:s7+$0x12C00]  }
0x5d9: {  	s4 =	sor.u32 s10, s2;
	v11 =	vld [tilespmem:s31+$0x12C00]  }
0x5da: {  	[tilespmem:s6+$0x1CC00] =	vst v6;
	v6 =	vld [tilespmem:s4+$0x0]  }
0x5db: {  	s8 =	sor.u32 s22, s2;
	v8 =	vmul.f32 $6.499999760e-01, v8;
	v10 =	vmul.f32 $3.499999940e-01, v10;
	v36 =	vld [tilespmem:s18+$0x12C00]  }
0x5dc: {  	v37 =	vld [tilespmem:s8+$0x0]  }
0x5dd: {  	v8 =	vadd.f32 v10, v8;
	v9 =	vmul.f32 $3.499999940e-01, v9;
	v7 =	vmul.f32 $6.499999760e-01, v7  }
0x5de: {  	s9 =	sadd.s32 $0x14F80, s15  }
0x5df: {  	s12 =	sor.u32 s5, s9;
	[tilespmem:s3+$0x1CC00] =	vst v8;
	v8 =	vmul.f32 $6.499999760e-01, v11;
	v6 =	vmul.f32 $3.499999940e-01, v6;
	v7 =	vadd.f32 v9, v7  }
0x5e0: {  	s11 =	sor.u32 $0x380, s25;
	v10 =	vld [tilespmem:s12+$0x0]  }
0x5e1: {  	v9 =	vld [tilespmem:s11+$0x12C00];
	v6 =	vadd.f32 v6, v8;
	v8 =	vmul.f32 $3.499999940e-01, v37;
	[tilespmem:s7+$0x1CC00] =	vst v7;
	v7 =	vmul.f32 $6.499999760e-01, v36  }
0x5e2: {  	s14 =	sor.u32 s30, s9;
	v11 =	vld [tilespmem:s16+$0x12C00]  }
0x5e3: {  	v38 =	vld [tilespmem:s14+$0x0];
	[tilespmem:s31+$0x1CC00] =	vst v6;
	v6 =	vadd.f32 v8, v7  }
0x5e4: {  	s15 =	sor.u32 s10, s9;
	v7 =	vld [tilespmem:s24+$0x12C00]  }
0x5e5: {  	[tilespmem:s18+$0x1CC00] =	vst v6;
	v6 =	vld [tilespmem:s15+$0x0]  }
0x5e6: {  	s0 =	sor.u32 s22, s9;
	v8 =	vld [tilespmem:s23+$0x12C00]  }
0x5e7: {  	v39 =	vld [tilespmem:s0+$0x0]  }
0x5e8: {  	v4 =	vmul.f32 $3.499999940e-01, v4  }
0x5e9: {  	v10 =	vmul.f32 $3.499999940e-01, v10;
	v9 =	vmul.f32 $6.499999760e-01, v9  }
0x5ea: {  	v3 =	vadd.f32 v4, v3;
	v4 =	vmul.f32 $6.499999760e-01, v11;
	v11 =	vmul.f32 $3.499999940e-01, v38  }
0x5eb: {  	[tilespmem:s13+$0x1CC00] =	vst v5;
	v5 =	vadd.f32 v10, v9;
	v7 =	vmul.f32 $6.499999760e-01, v7;
	v6 =	vmul.f32 $3.499999940e-01, v6  }
0x5ec: {  	[tilespmem:s1+$0x1CC00] =	vst v3;
	v3 =	vadd.f32 v11, v4;
	v4 =	vmul.f32 $6.499999760e-01, v8;
	v8 =	vmul.f32 $3.499999940e-01, v39  }
0x5ed: {  	[tilespmem:s11+$0x1CC00] =	vst v5;
	v5 =	vadd.f32 v6, v7  }
0x5ee: {  	[tilespmem:s16+$0x1CC00] =	vst v3;
	v3 =	vadd.f32 v8, v4  }
0x5ef: {  	[tilespmem:s24+$0x1CC00] =	vst v5  }
0x5f0: {  	[tilespmem:s23+$0x1CC00] =	vst v3  }
0x5f1: {  	s3 =	sld [smem:$0x7FA];
	_ =	sdelay $0x1  }
0x5f2: {  	s1 =	simm.s32 @p0 $0x1CC00;
	s0 =	simm.s32 @p0 $0x0  }
0x5f3: {  	[hbm4b:s3+s0] =	stream.linear.scatter @p0 [tilespmem:s1], [sflag:$0x9], $0x280, $0x38;
	[tilespmem:$0x1F380] =	vst v63  }
0x5f4: {  	s2 =	simm.s32 @p0 $0x1D000;
	s1 =	sadd.s32 @p0 $0x80, s3  }
0x5f5: {  	[hbm4b:s1+s0] =	stream.linear.scatter @p0 [tilespmem:s2], [sflag:$0x9], $0x280, $0x38;
	[tilespmem:$0x1F380] =	vst v63  }
0x5f6: {  	s1 =	sadd.s32 @p0 $0x100, s3;
	s2 =	simm.s32 @p0 $0x1D400  }
0x5f7: {  	[hbm4b:s1+s0] =	stream.linear.scatter @p0 [tilespmem:s2], [sflag:$0x9], $0x280, $0x38;
	[tilespmem:$0x1F380] =	vst v63  }
0x5f8: {  	s1 =	sadd.s32 @p0 $0x180, s3;
	s2 =	simm.s32 @p0 $0x1D800  }
0x5f9: {  	[hbm4b:s1+s0] =	stream.linear.scatter @p0 [tilespmem:s2], [sflag:$0x9], $0x280, $0x38;
	[tilespmem:$0x1F380] =	vst v63  }
0x5fa: {  	s1 =	sadd.s32 @p0 $0x200, s3;
	s2 =	simm.s32 @p0 $0x1DC00  }
0x5fb: {  	[hbm4b:s1+s0] =	stream.linear.scatter @p0 [tilespmem:s2], [sflag:$0x9], $0x280, $0x38;
	[tilespmem:$0x1F380] =	vst v63  }
0x5fc: {  	s1 =	sadd.s32 @p0 $0x280, s3;
	s2 =	simm.s32 @p0 $0x1E000  }
0x5fd: {  	[hbm4b:s1+s0] =	stream.linear.scatter @p0 [tilespmem:s2], [sflag:$0x9], $0x280, $0x38;
	[tilespmem:$0x1F380] =	vst v63  }
0x5fe: {  	s1 =	sadd.s32 @p0 $0x300, s3;
	s2 =	simm.s32 @p0 $0x1E400  }
0x5ff: {  	[hbm4b:s1+s0] =	stream.linear.scatter @p0 [tilespmem:s2], [sflag:$0x9], $0x280, $0x38;
	[tilespmem:$0x1F380] =	vst v63  }
0x600: {  	s1 =	sadd.s32 @p0 $0x380, s3;
	s2 =	simm.s32 @p0 $0x1E800  }
0x601: {  	[hbm4b:s1+s0] =	stream.linear.scatter @p0 [tilespmem:s2], [sflag:$0x9], $0x280, $0x38;
	[tilespmem:$0x1F380] =	vst v63  }
0x602: {  	s0 =	simm.s32 @p0 $0x9  }
0x603: {  	_ =	swait.ge @p0 [sflag:s0], $0x1400  }
0x604: {  	s2 =	sld [smem:$0x7C7]  }
0x605: {  	[sflag:s0] =	ssyncset.done @p0 $0x0  }
0x606: {  	s1 =	rddreg [dreg:$0x9];
	[sflag:s0] =	ssyncadd.s32 @p0 $0xFFFFEC00  }
0x607: {  	s17 =	simm.s32 $0x1CC00;
	s0 =	rddreg [dreg:$0xb];
	s1 =	sadd.s32 @!p0 s1, s2  }
0x608: {  	s4 =	simm.s32 $0x0;
	s18 =	simm.s32 $0x5;
	s1 =	smov.u32 @p0 s0  }
0x609: {  	[hbm4b:s1+s4] =	stream.linear.scatter [tilespmem:s17], [sflag:$0x6], $0x2000, $0x38;
	[tilespmem:$0x1F380] =	vst v63  }
0x60a: {  	s9 =	sand.u32 $0x40, s4;
	_ =	swait.ge [sflag:s18], $0x2000  }
0x60b: {  	s16 =	sor.u32 $0x30, s9;
	s17 =	sand.u32 $0x1C00, s4;
	[sflag:s18] =	ssyncset.done $0x0  }
0x60c: {  	s19 =	sadd.s32 $0x18C00, s17;
	s20 =	sor.u32 s17, s16;
	[sflag:s18] =	ssyncadd.s32 $0xFFFFE000  }
0x60d: {  	s21 =	sor.u32 s16, s19;
	v3 =	vld [tilespmem:s20+$0x16C00]  }
0x60e: {  	v4 =	vld [tilespmem:s21+$0x0];
	_ =	sdelay $0x2  }
0x60f: {  	s3 =	sor.u32 $0x10, s9  }
0x610: {  	s1 =	sor.u32 s17, s3  }
0x611: {  	s22 =	sor.u32 s3, s19;
	v5 =	vld [tilespmem:s1+$0x16C00];
	v3 =	vmul.f32 $6.499999760e-01, v3;
	v4 =	vmul.f32 $3.499999940e-01, v4  }
0x612: {  	s23 =	sor.u32 s9, s19;
	v6 =	vld [tilespmem:s22+$0x0]  }
0x613: {  	s2 =	sor.u32 s9, s17;
	v7 =	vld [tilespmem:s23+$0x0];
	v3 =	vadd.f32 v4, v3  }
0x614: {  	s24 =	sadd.s32 $0x18C80, s17;
	v4 =	vld [tilespmem:s2+$0x16C00]  }
0x615: {  	s25 =	sor.u32 s16, s24;
	[tilespmem:s20+$0x1AC00] =	vst v3;
	v3 =	vld [tilespmem:s20+$0x16C80]  }
0x616: {  	v8 =	vld [tilespmem:s25+$0x0]  }
0x617: {  	s30 =	sor.u32 $0x20, s9;
	v5 =	vmul.f32 $6.499999760e-01, v5;
	v6 =	vmul.f32 $3.499999940e-01, v6  }
0x618: {  	s0 =	sor.u32 s17, s30  }
0x619: {  	s6 =	sor.u32 s30, s19;
	v9 =	vld [tilespmem:s0+$0x16C00];
	v7 =	vmul.f32 $3.499999940e-01, v7;
	v5 =	vadd.f32 v6, v5;
	v4 =	vmul.f32 $6.499999760e-01, v4  }
0x61a: {  	v6 =	vld [tilespmem:s6+$0x0]  }
0x61b: {  	s26 =	sor.u32 s3, s24;
	v10 =	vld [tilespmem:s1+$0x16C80];
	[tilespmem:s1+$0x1AC00] =	vst v5;
	v4 =	vadd.f32 v7, v4;
	v3 =	vmul.f32 $6.499999760e-01, v3;
	v5 =	vmul.f32 $3.499999940e-01, v8  }
0x61c: {  	v7 =	vld [tilespmem:s26+$0x0]  }
0x61d: {  	s28 =	sor.u32 s9, s24;
	v8 =	vld [tilespmem:s2+$0x16C80];
	[tilespmem:s2+$0x1AC00] =	vst v4;
	v3 =	vadd.f32 v5, v3  }
0x61e: {  	s29 =	sadd.s32 $0x18D00, s17;
	v4 =	vld [tilespmem:s28+$0x0]  }
0x61f: {  	s10 =	sor.u32 s16, s29;
	v6 =	vmul.f32 $3.499999940e-01, v6;
	v5 =	vmul.f32 $6.499999760e-01, v9;
	[tilespmem:s20+$0x1AC80] =	vst v3;
	v3 =	vld [tilespmem:s20+$0x16D00]  }
0x620: {  	v9 =	vld [tilespmem:s10+$0x0]  }
0x621: {  	v5 =	vadd.f32 v6, v5;
	v6 =	vmul.f32 $6.499999760e-01, v10;
	v7 =	vmul.f32 $3.499999940e-01, v7;
	_ =	sdelay $0x1  }
0x622: {  	v10 =	vld [tilespmem:s0+$0x16C80];
	[tilespmem:s0+$0x1AC00] =	vst v5;
	v5 =	vmul.f32 $6.499999760e-01, v8;
	v6 =	vadd.f32 v7, v6;
	v4 =	vmul.f32 $3.499999940e-01, v4  }
0x623: {  	s7 =	sor.u32 s30, s24;
	v7 =	vld [tilespmem:s1+$0x16D00]  }
0x624: {  	s11 =	sor.u32 s3, s29;
	v8 =	vld [tilespmem:s7+$0x0];
	[tilespmem:s1+$0x1AC80] =	vst v6;
	v4 =	vadd.f32 v4, v5;
	v3 =	vmul.f32 $6.499999760e-01, v3;
	v5 =	vmul.f32 $3.499999940e-01, v9  }
0x625: {  	v6 =	vld [tilespmem:s11+$0x0]  }
0x626: {  	s12 =	sor.u32 s9, s29;
	v9 =	vld [tilespmem:s2+$0x16D00];
	[tilespmem:s2+$0x1AC80] =	vst v4;
	v3 =	vadd.f32 v5, v3  }
0x627: {  	s13 =	sadd.s32 $0x18D80, s17;
	v4 =	vld [tilespmem:s12+$0x0]  }
0x628: {  	s14 =	sor.u32 s16, s13;
	[tilespmem:s20+$0x1AD00] =	vst v3;
	v3 =	vld [tilespmem:s20+$0x16D80]  }
0x629: {  	v5 =	vld [tilespmem:s14+$0x0]  }
0x62a: {  	v10 =	vmul.f32 $6.499999760e-01, v10;
	v8 =	vmul.f32 $3.499999940e-01, v8  }
0x62b: {  	v7 =	vmul.f32 $6.499999760e-01, v7;
	v6 =	vmul.f32 $3.499999940e-01, v6  }
0x62c: {  	v11 =	vld [tilespmem:s1+$0x16D80];
	v8 =	vadd.f32 v8, v10;
	v9 =	vmul.f32 $6.499999760e-01, v9;
	v4 =	vmul.f32 $3.499999940e-01, v4  }
0x62d: {  	v10 =	vld [tilespmem:s0+$0x16D00];
	v6 =	vadd.f32 v6, v7  }
0x62e: {  	p1 =	por $0x0, $0x0;
	s8 =	simm.s32 $0x1;
	s6 =	sor.u32 s30, s29;
	[tilespmem:s0+$0x1AC80] =	vst v8;
	v8 =	vld [tilespmem:s2+$0x16D80];
	v3 =	vmul.f32 $6.499999760e-01, v3;
	v4 =	vadd.f32 v4, v9;
	v5 =	vmul.f32 $3.499999940e-01, v5  }
0x62f: {  	s8 =	simm.s32 @!p1 $0x0;
	s18 =	sor.u32 s3, s13;
	v7 =	vld [tilespmem:s6+$0x0];
	[tilespmem:s1+$0x1AD00] =	vst v6  }
0x630: {  	s15 =	sshll.u32 s8, $0x6;
	s19 =	sor.u32 s9, s13;
	[tilespmem:s2+$0x1AD00] =	vst v4;
	v3 =	vadd.f32 v5, v3;
	v5 =	vld [tilespmem:s18+$0x0]  }
0x631: {  	s21 =	sadd.s32 $0x0, s15;
	v4 =	vld [tilespmem:s19+$0x0]  }
0x632: {  	s23 =	sadd.s32 $0x30, s21  }
0x633: {  	s8 =	sadd.s32 $0x18E00, s17;
	[tilespmem:s20+$0x1AD80] =	vst v3;
	s20 =	sor.u32 $0x200, s23  }
0x634: {  	s22 =	sor.u32 s16, s8;
	v9 =	vmul.f32 $6.499999760e-01, v10;
	v7 =	vmul.f32 $3.499999940e-01, v7;
	v3 =	vld [tilespmem:s20+$0x16C00]  }
0x635: {  	v10 =	vmul.f32 $6.499999760e-01, v11;
	v6 =	vld [tilespmem:s22+$0x0];
	v5 =	vmul.f32 $3.499999940e-01, v5  }
0x636: {  	v8 =	vmul.f32 $6.499999760e-01, v8;
	v7 =	vadd.f32 v7, v9;
	v4 =	vmul.f32 $3.499999940e-01, v4  }
0x637: {  	v5 =	vadd.f32 v5, v10  }
0x638: {  	s24 =	sor.u32 s30, s13;
	v9 =	vld [tilespmem:s0+$0x16D80];
	[tilespmem:s0+$0x1AD00] =	vst v7;
	v4 =	vadd.f32 v4, v8  }
0x639: {  	s15 =	simm.s32 $0x40;
	s25 =	sor.u32 s3, s8;
	v7 =	vld [tilespmem:s24+$0x0];
	v3 =	vmul.f32 $6.499999760e-01, v3;
	[tilespmem:s1+$0x1AD80] =	vst v5  }
0x63a: {  	s31 =	sand.u32 $0x40, s15;
	s6 =	sor.u32 $0x200, s21;
	v6 =	vmul.f32 $3.499999940e-01, v6;
	[tilespmem:s2+$0x1AD80] =	vst v4;
	s2 =	simm.s32 $0x200;
	v5 =	vld [tilespmem:s25+$0x0]  }
0x63b: {  	s5 =	sor.u32 $0x30, s31;
	s26 =	sor.u32 s9, s8;
	v4 =	vld [tilespmem:s6+$0x16C00];
	s25 =	sand.u32 $0x1C00, s2  }
0x63c: {  	s10 =	sor.u32 $0x10, s31;
	v3 =	vadd.f32 v6, v3;
	v6 =	vld [tilespmem:s26+$0x0];
	s18 =	sor.u32 s25, s5  }
0x63d: {  	s22 =	sor.u32 $0x20, s31;
	s12 =	sor.u32 s25, s10;
	v8 =	vld [tilespmem:s18+$0x16C00]  }
0x63e: {  	s11 =	sor.u32 s25, s22;
	v11 =	vld [tilespmem:s12+$0x16C00]  }
0x63f: {  	v41 =	vld [tilespmem:s11+$0x16C00]  }
0x640: {  	v47 =	vld [tilespmem:s18+$0x16D00]  }
0x641: {  	v52 =	vld [tilespmem:s12+$0x16D80]  }
0x642: {  	v54 =	vld [tilespmem:s18+$0x16D80]  }
0x643: {  	s14 =	sor.u32 $0x280, s23;
	s19 =	sadd.s32 $0x18C00, s25;
	[tilespmem:s20+$0x1AC00] =	vst v3;
	v55 =	vld [tilespmem:s11+$0x16D80]  }
0x644: {  	s28 =	sor.u32 s5, s19;
	v3 =	vld [tilespmem:s14+$0x16C00]  }
0x645: {  	s7 =	sadd.s32 $0x18E80, s17;
	v9 =	vmul.f32 $6.499999760e-01, v9;
	v7 =	vmul.f32 $3.499999940e-01, v7;
	s29 =	sor.u32 s10, s19;
	v10 =	vld [tilespmem:s28+$0x0]  }
0x646: {  	s1 =	sor.u32 s16, s7;
	v40 =	vld [tilespmem:s29+$0x0]  }
0x647: {  	v7 =	vadd.f32 v7, v9;
	s20 =	sor.u32 s31, s19;
	v9 =	vld [tilespmem:s1+$0x0]  }
0x648: {  	s13 =	sor.u32 s22, s19;
	v15 =	vld [tilespmem:s20+$0x0]  }
0x649: {  	s19 =	sor.u32 s31, s25;
	[tilespmem:s0+$0x1AD80] =	vst v7;
	v7 =	vld [tilespmem:s13+$0x0];
	v4 =	vmul.f32 $6.499999760e-01, v4;
	v6 =	vmul.f32 $3.499999940e-01, v6  }
0x64a: {  	v16 =	vld [tilespmem:s19+$0x16C00];
	v8 =	vmul.f32 $6.499999760e-01, v8;
	v10 =	vmul.f32 $3.499999940e-01, v10  }
0x64b: {  	s8 =	sor.u32 s30, s8;
	v46 =	vld [tilespmem:s19+$0x16C80];
	v11 =	vmul.f32 $6.499999760e-01, v11;
	v12 =	vmul.f32 $3.499999940e-01, v40  }
0x64c: {  	v14 =	vld [tilespmem:s8+$0x0];
	v4 =	vadd.f32 v6, v4;
	v8 =	vadd.f32 v10, v8  }
0x64d: {  	s8 =	sadd.s32 $0x18C80, s25;
	v6 =	vld [tilespmem:s18+$0x16C80];
	v3 =	vmul.f32 $6.499999760e-01, v3;
	v9 =	vmul.f32 $3.499999940e-01, v9;
	v11 =	vadd.f32 v12, v11  }
0x64e: {  	s24 =	sor.u32 s5, s8;
	v7 =	vmul.f32 $3.499999940e-01, v7;
	v10 =	vld [tilespmem:s12+$0x16C80];
	[tilespmem:s18+$0x1AC00] =	vst v8;
	v8 =	vmul.f32 $6.499999760e-01, v41  }
0x64f: {  	s26 =	sor.u32 s10, s8;
	v3 =	vadd.f32 v9, v3;
	[tilespmem:s12+$0x1AC00] =	vst v11;
	v9 =	vld [tilespmem:s24+$0x0]  }
0x650: {  	s0 =	sadd.s32 $0x18F00, s17;
	[tilespmem:s6+$0x1AC00] =	vst v4;
	s6 =	sadd.s32 $0x20, s21;
	v4 =	vadd.f32 v7, v8;
	v7 =	vld [tilespmem:s26+$0x0]  }
0x651: {  	s20 =	sor.u32 $0x200, s6;
	[tilespmem:s14+$0x1AC00] =	vst v3;
	v3 =	vmul.f32 $3.499999940e-01, v15;
	v11 =	vmul.f32 $6.499999760e-01, v16  }
0x652: {  	s29 =	sor.u32 s16, s0;
	v43 =	vld [tilespmem:s20+$0x16C00];
	s14 =	sadd.s32 $0x10, s21  }
0x653: {  	v42 =	vld [tilespmem:s29+$0x0];
	s13 =	sor.u32 $0x200, s14;
	v3 =	vadd.f32 v3, v11  }
0x654: {  	s1 =	sor.u32 s22, s8;
	v6 =	vmul.f32 $6.499999760e-01, v6;
	v11 =	vld [tilespmem:s13+$0x16C00];
	[tilespmem:s11+$0x1AC00] =	vst v4;
	v9 =	vmul.f32 $3.499999940e-01, v9  }
0x655: {  	s26 =	sor.u32 $0x300, s23;
	v10 =	vmul.f32 $6.499999760e-01, v10;
	[tilespmem:s19+$0x1AC00] =	vst v3;
	v4 =	vld [tilespmem:s1+$0x0];
	v3 =	vmul.f32 $3.499999940e-01, v7  }
0x656: {  	v6 =	vadd.f32 v9, v6;
	v9 =	vld [tilespmem:s26+$0x16C00]  }
0x657: {  	s8 =	sor.u32 s31, s8;
	v3 =	vadd.f32 v3, v10;
	v10 =	vld [tilespmem:s11+$0x16C80]  }
0x658: {  	s28 =	sor.u32 s9, s7;
	v7 =	vld [tilespmem:s8+$0x0]  }
0x659: {  	v45 =	vmul.f32 $3.499999940e-01, v14;
	v8 =	vld [tilespmem:s28+$0x0];
	s28 =	sadd.s32 $0x18D00, s25;
	v12 =	vmul.f32 $3.499999940e-01, v42;
	[tilespmem:s18+$0x1AC80] =	vst v6  }
0x65a: {  	v50 =	vld [tilespmem:s19+$0x16D00];
	s29 =	sor.u32 s5, s28;
	v11 =	vmul.f32 $6.499999760e-01, v11;
	[tilespmem:s12+$0x1AC80] =	vst v3;
	v3 =	vmul.f32 $3.499999940e-01, v5  }
0x65b: {  	v4 =	vmul.f32 $3.499999940e-01, v4;
	v6 =	vld [tilespmem:s29+$0x0];
	v5 =	vmul.f32 $6.499999760e-01, v43;
	s29 =	sor.u32 $0x280, s21  }
0x65c: {  	s1 =	sor.u32 s10, s28;
	v3 =	vadd.f32 v3, v11;
	v11 =	vld [tilespmem:s29+$0x16C00];
	v9 =	vmul.f32 $6.499999760e-01, v9;
	v10 =	vmul.f32 $6.499999760e-01, v10  }
0x65d: {  	v44 =	vld [tilespmem:s1+$0x0];
	v7 =	vmul.f32 $3.499999940e-01, v7;
	v5 =	vadd.f32 v45, v5  }
0x65e: {  	[tilespmem:s13+$0x1AC00] =	vst v3;
	v3 =	vadd.f32 v12, v9;
	v9 =	vld [tilespmem:s12+$0x16D00];
	s13 =	sor.u32 s3, s7;
	v4 =	vadd.f32 v4, v10;
	v10 =	vmul.f32 $6.499999760e-01, v46  }
0x65f: {  	v8 =	vmul.f32 $3.499999940e-01, v8;
	[tilespmem:s20+$0x1AC00] =	vst v5;
	s7 =	sor.u32 s30, s7;
	v48 =	vld [tilespmem:s13+$0x0]  }
0x660: {  	v5 =	vld [tilespmem:s7+$0x0];
	s7 =	sor.u32 $0x280, s14;
	v6 =	vmul.f32 $3.499999940e-01, v6;
	v7 =	vadd.f32 v7, v10;
	v10 =	vmul.f32 $6.499999760e-01, v47  }
0x661: {  	s1 =	sor.u32 s31, s28;
	[tilespmem:s26+$0x1AC00] =	vst v3;
	s26 =	sor.u32 s22, s28;
	v49 =	vld [tilespmem:s7+$0x16C00];
	s28 =	sor.u32 $0x280, s6;
	v11 =	vmul.f32 $6.499999760e-01, v11  }
0x662: {  	[tilespmem:s19+$0x1AC80] =	vst v7;
	v6 =	vadd.f32 v6, v10;
	v10 =	vld [tilespmem:s28+$0x16C00]  }
0x663: {  	[tilespmem:s11+$0x1AC80] =	vst v4;
	v8 =	vadd.f32 v8, v11;
	v9 =	vmul.f32 $6.499999760e-01, v9;
	v11 =	vmul.f32 $3.499999940e-01, v44;
	v7 =	vld [tilespmem:s1+$0x0]  }
0x664: {  	s8 =	sadd.s32 $0x18F80, s17;
	v4 =	vld [tilespmem:s26+$0x0]  }
0x665: {  	s24 =	sor.u32 s16, s8;
	[tilespmem:s29+$0x1AC00] =	vst v8;
	v8 =	vadd.f32 v11, v9;
	v11 =	vld [tilespmem:s11+$0x16D00]  }
0x666: {  	s13 =	sor.u32 s9, s0;
	v3 =	vld [tilespmem:s24+$0x0];
	v12 =	vmul.f32 $3.499999940e-01, v48;
	v13 =	vmul.f32 $6.499999760e-01, v49  }
0x667: {  	s21 =	sor.u32 $0x300, s21;
	s20 =	sadd.s32 $0x18D80, s25;
	v5 =	vmul.f32 $3.499999940e-01, v5;
	v9 =	vld [tilespmem:s13+$0x0];
	v10 =	vmul.f32 $6.499999760e-01, v10  }
0x668: {  	v14 =	vmul.f32 $6.499999760e-01, v50;
	s24 =	sor.u32 s5, s20;
	[tilespmem:s18+$0x1AD00] =	vst v6;
	v53 =	vld [tilespmem:s21+$0x16C00];
	v12 =	vadd.f32 v12, v13;
	v7 =	vmul.f32 $3.499999940e-01, v7  }
0x669: {  	s26 =	sor.u32 s10, s20;
	v6 =	vld [tilespmem:s24+$0x0];
	[tilespmem:s12+$0x1AD00] =	vst v8;
	v5 =	vadd.f32 v5, v10  }
0x66a: {  	v4 =	vmul.f32 $3.499999940e-01, v4;
	v8 =	vld [tilespmem:s26+$0x0];
	[tilespmem:s7+$0x1AC00] =	vst v12;
	v11 =	vmul.f32 $6.499999760e-01, v11;
	v7 =	vadd.f32 v7, v14  }
0x66b: {  	s29 =	sor.u32 s3, s0;
	v10 =	vld [tilespmem:s19+$0x16D80];
	[tilespmem:s28+$0x1AC00] =	vst v5  }
0x66c: {  	s16 =	sor.u32 $0x300, s6;
	v4 =	vadd.f32 v4, v11;
	[tilespmem:s19+$0x1AD00] =	vst v7;
	v7 =	vld [tilespmem:s29+$0x0]  }
0x66d: {  	s1 =	sor.u32 s31, s20;
	v13 =	vmul.f32 $6.499999760e-01, v53;
	v9 =	vmul.f32 $3.499999940e-01, v9;
	v57 =	vld [tilespmem:s16+$0x16C00]  }
0x66e: {  	s26 =	sor.u32 s22, s20;
	v14 =	vmul.f32 $6.499999760e-01, v54;
	v6 =	vmul.f32 $3.499999940e-01, v6;
	v11 =	vld [tilespmem:s1+$0x0];
	[tilespmem:s11+$0x1AD00] =	vst v4  }
0x66f: {  	p1 =	por !p1, !p1;
	s13 =	sor.u32 $0x300, s14;
	s7 =	simm.s32 $0x1;
	v5 =	vmul.f32 $6.499999760e-01, v52;
	v9 =	vadd.f32 v9, v13;
	v8 =	vmul.f32 $3.499999940e-01, v8;
	v56 =	vld [tilespmem:s26+$0x0]  }
0x670: {  	s0 =	sor.u32 s30, s0;
	s7 =	simm.s32 @!p1 $0x0;
	v6 =	vadd.f32 v6, v14;
	v4 =	vld [tilespmem:s13+$0x16C00]  }
0x671: {  	s9 =	sor.u32 s9, s8;
	s7 =	sshll.u32 s7, $0x6;
	s28 =	sadd.s32 $0x18E00, s25;
	[tilespmem:s21+$0x1AC00] =	vst v9;
	v9 =	vld [tilespmem:s0+$0x0];
	v5 =	vadd.f32 v8, v5  }
0x672: {  	s7 =	sadd.s32 $0x200, s7;
	s29 =	sor.u32 s5, s28;
	[tilespmem:s18+$0x1AD80] =	vst v6;
	v6 =	vld [tilespmem:s9+$0x0]  }
0x673: {  	s1 =	sor.u32 s10, s28;
	v10 =	vmul.f32 $6.499999760e-01, v10;
	[tilespmem:s12+$0x1AD80] =	vst v5;
	v5 =	vld [tilespmem:s29+$0x0];
	s12 =	sadd.s32 $0x10, s7;
	v11 =	vmul.f32 $3.499999940e-01, v11  }
0x674: {  	v8 =	vmul.f32 $6.499999760e-01, v55;
	s18 =	sadd.s32 $0x30, s7;
	v59 =	vld [tilespmem:s1+$0x0];
	s20 =	sor.u32 $0x200, s12;
	v58 =	vmul.f32 $3.499999940e-01, v56  }
0x675: {  	s17 =	sor.u32 $0x380, s23;
	s9 =	sor.u32 $0x200, s18;
	v60 =	vld [tilespmem:s20+$0x16C00];
	v10 =	vadd.f32 v11, v10  }
0x676: {  	s4 =	sor.u32 s4, s4;
	v7 =	vmul.f32 $3.499999940e-01, v7;
	v4 =	vmul.f32 $6.499999760e-01, v4;
	v11 =	vld [tilespmem:s9+$0x16C00];
	v8 =	vadd.f32 v58, v8  }
0x677: {  	v51 =	vld [tilespmem:s17+$0x16C00];
	s24 =	sor.u32 $0x380, s4;
	[tilespmem:s19+$0x1AD80] =	vst v10  }
0x678: {  	v9 =	vmul.f32 $3.499999940e-01, v9;
	v4 =	vadd.f32 v7, v4;
	v7 =	vld [tilespmem:s24+$0x16C00];
	s19 =	sor.u32 s31, s28;
	[tilespmem:s11+$0x1AD80] =	vst v8;
	v8 =	vmul.f32 $6.499999760e-01, v57  }
0x679: {  	s0 =	sor.u32 s22, s28;
	v10 =	vld [tilespmem:s19+$0x0]  }
0x67a: {  	s23 =	sor.u32 $0x200, s7;
	[tilespmem:s13+$0x1AC00] =	vst v4;
	v13 =	vmul.f32 $3.499999940e-01, v59;
	s11 =	sadd.s32 $0x20, s7;
	v12 =	vmul.f32 $6.499999760e-01, v60;
	v4 =	vld [tilespmem:s0+$0x0];
	v8 =	vadd.f32 v9, v8  }
0x67b: {  	v5 =	vmul.f32 $3.499999940e-01, v5;
	s26 =	sor.u32 $0x200, s11;
	v9 =	vld [tilespmem:s23+$0x16C00];
	v11 =	vmul.f32 $6.499999760e-01, v11  }
0x67c: {  	v3 =	vmul.f32 $3.499999940e-01, v3;
	s28 =	sor.u32 s3, s8;
	v61 =	vld [tilespmem:s26+$0x16C00];
	v12 =	vadd.f32 v13, v12;
	[tilespmem:s16+$0x1AC00] =	vst v8;
	v8 =	vmul.f32 $6.499999760e-01, v51  }
0x67d: {  	v6 =	vmul.f32 $3.499999940e-01, v6;
	s13 =	sor.u32 $0x380, s14;
	v62 =	vld [tilespmem:s28+$0x0];
	v7 =	vmul.f32 $6.499999760e-01, v7;
	v5 =	vadd.f32 v5, v11  }
0x67e: {  	s29 =	sor.u32 $0x380, s6;
	s6 =	sor.u32 s2, s15;
	s28 =	sadd.s32 $0x18E80, s25;
	v11 =	vld [tilespmem:s13+$0x16C00];
	[tilespmem:s20+$0x1AC00] =	vst v12;
	v3 =	vadd.f32 v3, v8  }
0x67f: {  	s21 =	sor.u32 s30, s8;
	s15 =	sor.u32 $0x380, s6;
	s14 =	sor.u32 s10, s28;
	v10 =	vmul.f32 $3.499999940e-01, v10;
	[tilespmem:s9+$0x1AC00] =	vst v5;
	v5 =	vld [tilespmem:s29+$0x16C00];
	v8 =	vadd.f32 v6, v7  }
0x680: {  	s30 =	smov.u32 s31;
	s1 =	smov.u32 s29;
	s9 =	sor.u32 s5, s28;
	v4 =	vmul.f32 $3.499999940e-01, v4;
	v6 =	vld [tilespmem:s14+$0x0];
	v9 =	vmul.f32 $6.499999760e-01, v9;
	[tilespmem:s17+$0x1AC00] =	vst v3  }
0x681: {  	s31 =	sor.u32 $0x300, s12;
	s20 =	sor.u32 $0x280, s18;
	s29 =	sor.u32 $0x300, s7;
	v7 =	vld [tilespmem:s9+$0x0];
	v3 =	vmul.f32 $6.499999760e-01, v61;
	[tilespmem:s24+$0x1AC00] =	vst v8  }
0x682: {  	s0 =	sor.u32 $0x280, s12;
	s6 =	sor.u32 $0x280, s11;
	v8 =	vld [tilespmem:s20+$0x16C00];
	v10 =	vadd.f32 v10, v9;
	[dreg:$0xf] =	wrdreg s29  }
0x683: {  	s19 =	simm.s32 $0x80;
	s8 =	sor.u32 s22, s28;
	v13 =	vmul.f32 $3.499999940e-01, v62;
	v11 =	vmul.f32 $6.499999760e-01, v11;
	v9 =	vld [tilespmem:s0+$0x16C00];
	v63 =	vadd.f32 v4, v3  }
0x684: {  	s16 =	simm.s32 $0x4;
	s14 =	sor.u32 $0x280, s7;
	s17 =	sor.u32 $0x300, s11;
	v4 =	vld [tilespmem:s21+$0x0];
	[tilespmem:s23+$0x1AC00] =	vst v10  }
0x685: {  	s24 =	sor.u32 $0x380, s12;
	s23 =	sor.u32 $0x380, s11;
	s11 =	sor.u32 s30, s28;
	v3 =	vmul.f32 $6.499999760e-01, v5;
	v5 =	vadd.f32 v13, v11;
	v10 =	vld [tilespmem:s14+$0x16C00];
	[tilespmem:s26+$0x1AC00] =	vst v63  }
.LBB2_13:
0x686: {  	s2 =	sadd.s32 $0x200, s2  }
0x687: {  	s7 =	sand.u32 $0x40, s19;
	v11 =	vld [tilespmem:s11+$0x0];
	s26 =	sand.u32 $0x1C00, s2  }
0x688: {  	v12 =	vld [tilespmem:s6+$0x16C00];
	s3 =	sor.u32 $0x30, s7;
	s9 =	sadd.s32 $0x18C00, s26;
	v8 =	vmul.f32 $6.499999760e-01, v8;
	v7 =	vmul.f32 $3.499999940e-01, v7  }
0x689: {  	[tilespmem:s13+$0x1AC00] =	vst v5;
	s28 =	sor.u32 s3, s9;
	v5 =	vmul.f32 $3.499999940e-01, v6;
	v6 =	vld [tilespmem:s8+$0x0]  }
0x68a: {  	[smem:$0x7BC] =	sst s17;
	s21 =	sor.u32 s26, s3;
	v9 =	vmul.f32 $6.499999760e-01, v9;
	v13 =	vld [tilespmem:s28+$0x0];
	v7 =	vadd.f32 v7, v8  }
0x68b: {  	[smem:$0x7BB] =	sst s31;
	s8 =	sor.u32 s7, s9;
	v4 =	vmul.f32 $3.499999940e-01, v4;
	v8 =	vld [tilespmem:s21+$0x16C00]  }
0x68c: {  	s17 =	smov.u32 s30;
	s30 =	sor.u32 $0x300, s18;
	s13 =	sadd.s32 $0x18F00, s25;
	v5 =	vadd.f32 v5, v9;
	[tilespmem:s20+$0x1AC00] =	vst v7;
	v7 =	vmul.f32 $3.499999940e-01, v11;
	v11 =	vld [tilespmem:s8+$0x0]  }
0x68d: {  	[smem:$0x7BD] =	sst s15;
	s31 =	sor.u32 $0x10, s7;
	s15 =	sor.u32 s5, s13;
	v3 =	vadd.f32 v4, v3;
	v9 =	vld [tilespmem:s30+$0x16C00]  }
0x68e: {  	s12 =	sor.u32 s26, s31;
	v10 =	vmul.f32 $6.499999760e-01, v10;
	[tilespmem:s0+$0x1AC00] =	vst v5;
	v5 =	vld [tilespmem:s15+$0x0]  }
0x68f: {  	s11 =	sor.u32 $0x20, s7;
	s4 =	sor.u32 s31, s9;
	v4 =	vmul.f32 $6.499999760e-01, v12;
	[tilespmem:s1+$0x1AC00] =	vst v3;
	v6 =	vmul.f32 $3.499999940e-01, v6;
	v3 =	vld [tilespmem:s12+$0x16C00]  }
0x690: {  	s9 =	sor.u32 s11, s9;
	v7 =	vadd.f32 v7, v10;
	v10 =	vld [tilespmem:s4+$0x0]  }
0x691: {  	s28 =	sor.u32 s26, s11;
	v50 =	vld [tilespmem:s9+$0x0];
	v4 =	vadd.f32 v6, v4  }
0x692: {  	s29 =	sor.u32 s7, s26;
	s20 =	sor.u32 s17, s13;
	v6 =	vld [tilespmem:s28+$0x16C00];
	[tilespmem:s14+$0x1AC00] =	vst v7;
	v7 =	vmul.f32 $6.499999760e-01, v8;
	v8 =	vmul.f32 $3.499999940e-01, v13  }
0x693: {  	s0 =	sor.u32 s10, s13;
	s8 =	sor.u32 s22, s13;
	s13 =	smov.u32 s24;
	[tilespmem:s6+$0x1AC00] =	vst v4;
	v4 =	vmul.f32 $6.499999760e-01, v9;
	v5 =	vmul.f32 $3.499999940e-01, v5;
	v9 =	vld [tilespmem:s29+$0x16C00]  }
0x694: {  	s24 =	sadd.s32 $0x18C80, s26;
	s15 =	sor.u32 s2, s19;
	[smem:$0x7BE] =	sst s13;
	v7 =	vadd.f32 v8, v7  }
0x695: {  	s18 =	sor.u32 $0x380, s18;
	s13 =	sor.u32 $0x380, s15;
	v3 =	vmul.f32 $6.499999760e-01, v3;
	v8 =	vld [tilespmem:s12+$0x16C80];
	v4 =	vadd.f32 v5, v4;
	v5 =	vmul.f32 $3.499999940e-01, v10  }
0x696: {  	s1 =	sor.u32 s3, s24;
	[dreg:$0x1f] =	wrdreg s13;
	s13 =	sadd.s32 $0x18F80, s25;
	[tilespmem:s21+$0x1AC00] =	vst v7;
	v7 =	vld [tilespmem:s21+$0x16C80]  }
0x697: {  	s9 =	sor.u32 s7, s24;
	v11 =	vmul.f32 $3.499999940e-01, v11;
	v6 =	vmul.f32 $6.499999760e-01, v6;
	v10 =	vld [tilespmem:s1+$0x0];
	[tilespmem:s30+$0x1AC00] =	vst v4;
	v3 =	vadd.f32 v5, v3  }
0x698: {  	s4 =	sor.u32 s11, s24;
	s14 =	sor.u32 s31, s24;
	s24 =	sor.u32 s5, s13;
	v4 =	vmul.f32 $3.499999940e-01, v50;
	v5 =	vld [tilespmem:s18+$0x16C00];
	v9 =	vmul.f32 $6.499999760e-01, v9  }
0x699: {  	v51 =	vld [tilespmem:s24+$0x0];
	[tilespmem:s12+$0x1AC00] =	vst v3  }
0x69a: {  	v3 =	vmul.f32 $6.499999760e-01, v8;
	v4 =	vadd.f32 v4, v6;
	v8 =	vadd.f32 v11, v9;
	v9 =	vld [tilespmem:s14+$0x0]  }
0x69b: {  	v6 =	vld [tilespmem:s28+$0x16C80]  }
0x69c: {  	v11 =	vld [tilespmem:s29+$0x16C80];
	[tilespmem:s28+$0x1AC00] =	vst v4  }
0x69d: {  	v7 =	vmul.f32 $6.499999760e-01, v7;
	[tilespmem:s29+$0x1AC00] =	vst v8;
	v4 =	vld [tilespmem:s4+$0x0];
	v8 =	vmul.f32 $3.499999940e-01, v10  }
0x69e: {  	v10 =	vld [tilespmem:s9+$0x0];
	v5 =	vmul.f32 $6.499999760e-01, v5;
	v12 =	vmul.f32 $3.499999940e-01, v51  }
0x69f: {  	v52 =	vld [tilespmem:s12+$0x16D00];
	s25 =	sor.u32 s22, s13;
	v7 =	vadd.f32 v8, v7;
	v8 =	vmul.f32 $3.499999940e-01, v9  }
0x6a0: {  	[smem:$0x7C0] =	sst s25;
	s25 =	smov.u32 s26;
	v53 =	vld [tilespmem:s29+$0x16D00];
	v5 =	vadd.f32 v12, v5  }
0x6a1: {  	s15 =	smov.u32 s23;
	s5 =	smov.u32 s3;
	v55 =	vld [tilespmem:s29+$0x16D80];
	s9 =	sadd.s32 $0x18D00, s25;
	[tilespmem:s21+$0x1AC80] =	vst v7;
	v3 =	vadd.f32 v8, v3  }
0x6a2: {  	s23 =	sor.u32 s10, s13;
	s10 =	smov.u32 s31;
	v6 =	vmul.f32 $6.499999760e-01, v6;
	s14 =	sor.u32 s5, s9;
	v7 =	vld [tilespmem:s21+$0x16D00];
	v4 =	vmul.f32 $3.499999940e-01, v4;
	[tilespmem:s18+$0x1AC00] =	vst v5  }
0x6a3: {  	s6 =	sor.u32 s17, s13;
	s13 =	sor.u32 s10, s9;
	v11 =	vmul.f32 $6.499999760e-01, v11;
	v5 =	vmul.f32 $3.499999940e-01, v10;
	v8 =	vld [tilespmem:s14+$0x0];
	[tilespmem:s12+$0x1AC80] =	vst v3  }
0x6a4: {  	v4 =	vadd.f32 v4, v6;
	v6 =	vld [tilespmem:s13+$0x0]  }
0x6a5: {  	s22 =	smov.u32 s11;
	v9 =	vld [tilespmem:s28+$0x16D00];
	v5 =	vadd.f32 v5, v11  }
0x6a6: {  	s30 =	smov.u32 s7;
	s3 =	sor.u32 s22, s9;
	v10 =	vld [tilespmem:s12+$0x16D80];
	[tilespmem:s28+$0x1AC80] =	vst v4  }
0x6a7: {  	s11 =	sor.u32 s30, s9;
	[tilespmem:s29+$0x1AC80] =	vst v5;
	v5 =	vld [tilespmem:s3+$0x0]  }
0x6a8: {  	[dreg:$0x17] =	wrdreg s15;
	v7 =	vmul.f32 $6.499999760e-01, v7;
	v54 =	vld [tilespmem:s11+$0x0];
	v8 =	vmul.f32 $3.499999940e-01, v8  }
0x6a9: {  	s15 =	rddreg [dreg:$0xf];
	s17 =	sadd.s32 $0x18D80, s25;
	v3 =	vmul.f32 $6.499999760e-01, v52;
	v4 =	vld [tilespmem:s28+$0x16D80];
	v6 =	vmul.f32 $3.499999940e-01, v6  }
0x6aa: {  	[smem:$0x7BF] =	sst s23;
	s23 =	sor.u32 s5, s17;
	s18 =	sor.u32 s30, s17;
	v14 =	vld [tilespmem:s20+$0x0];
	v7 =	vadd.f32 v8, v7  }
0x6ab: {  	s3 =	sor.u32 s22, s17;
	s20 =	sor.u32 s10, s17;
	s17 =	sld [smem:$0x7BB];
	v8 =	vld [tilespmem:s15+$0x16C00];
	v3 =	vadd.f32 v6, v3  }
0x6ac: {  	v9 =	vmul.f32 $6.499999760e-01, v9;
	v5 =	vmul.f32 $3.499999940e-01, v5;
	[tilespmem:s21+$0x1AD00] =	vst v7;
	v6 =	vld [tilespmem:s21+$0x16D80]  }
0x6ad: {  	v11 =	vmul.f32 $6.499999760e-01, v53;
	v7 =	vmul.f32 $3.499999940e-01, v54;
	v56 =	vld [tilespmem:s23+$0x0];
	[tilespmem:s12+$0x1AD00] =	vst v3  }
0x6ae: {  	v3 =	vadd.f32 v5, v9;
	v5 =	vld [tilespmem:s17+$0x16C00]  }
0x6af: {  	v7 =	vadd.f32 v7, v11;
	v9 =	vld [tilespmem:s20+$0x0]  }
0x6b0: {  	s13 =	sld [smem:$0x7BC];
	v8 =	vmul.f32 $6.499999760e-01, v8;
	v11 =	vld [tilespmem:s0+$0x0];
	[tilespmem:s28+$0x1AD00] =	vst v3;
	v3 =	vmul.f32 $3.499999940e-01, v14  }
0x6b1: {  	p1 =	por !p1, !p1;
	s0 =	simm.s32 $0x1;
	[tilespmem:s29+$0x1AD00] =	vst v7;
	v7 =	vld [tilespmem:s3+$0x0]  }
0x6b2: {  	s26 =	sld [smem:$0x7BD];
	s0 =	simm.s32 @!p1 $0x0;
	v6 =	vmul.f32 $6.499999760e-01, v6;
	v57 =	vld [tilespmem:s18+$0x0];
	v12 =	vmul.f32 $3.499999940e-01, v56;
	v3 =	vadd.f32 v3, v8  }
0x6b3: {  	v10 =	vmul.f32 $6.499999760e-01, v10;
	s0 =	sshll.u32 s0, $0x6;
	v8 =	vld [tilespmem:s13+$0x16C00]  }
0x6b4: {  	v4 =	vmul.f32 $6.499999760e-01, v4;
	s24 =	sadd.s32 s0, s2;
	v9 =	vmul.f32 $3.499999940e-01, v9;
	v6 =	vadd.f32 v12, v6;
	[tilespmem:s15+$0x1AC00] =	vst v3;
	v3 =	vld [tilespmem:s8+$0x0]  }
0x6b5: {  	s18 =	sadd.s32 $0x30, s24;
	v5 =	vmul.f32 $6.499999760e-01, v5;
	v11 =	vmul.f32 $3.499999940e-01, v11;
	v58 =	vld [tilespmem:s26+$0x16C00]  }
0x6b6: {  	s1 =	sadd.s32 $0x18E00, s25;
	s11 =	sor.u32 $0x200, s18;
	v9 =	vadd.f32 v9, v10;
	v7 =	vmul.f32 $3.499999940e-01, v7;
	[tilespmem:s21+$0x1AD80] =	vst v6;
	v6 =	vld [tilespmem:s6+$0x0]  }
0x6b7: {  	v13 =	vmul.f32 $6.499999760e-01, v55;
	s14 =	sor.u32 s5, s1;
	s9 =	sadd.s32 $0x10, s24;
	v5 =	vadd.f32 v11, v5;
	v10 =	vmul.f32 $3.499999940e-01, v57;
	v59 =	vld [tilespmem:s11+$0x16C00]  }
0x6b8: {  	s7 =	sor.u32 $0x200, s24;
	s8 =	sor.u32 $0x200, s9;
	s0 =	sor.u32 $0x280, s9;
	[tilespmem:s12+$0x1AD80] =	vst v9;
	v4 =	vadd.f32 v7, v4;
	v7 =	vld [tilespmem:s14+$0x0]  }
0x6b9: {  	s23 =	sor.u32 s10, s1;
	s15 =	sadd.s32 $0x20, s24;
	v8 =	vmul.f32 $6.499999760e-01, v8;
	v9 =	vadd.f32 v10, v13;
	v10 =	vld [tilespmem:s8+$0x16C00];
	[tilespmem:s17+$0x1AC00] =	vst v5;
	v3 =	vmul.f32 $3.499999940e-01, v3  }
0x6ba: {  	s3 =	sor.u32 $0x200, s15;
	s14 =	sor.u32 $0x280, s24;
	s24 =	sor.u32 $0x300, s24;
	v5 =	vld [tilespmem:s23+$0x0];
	[tilespmem:s28+$0x1AD80] =	vst v4  }
0x6bb: {  	s31 =	sor.u32 $0x300, s9;
	[dreg:$0xf] =	wrdreg s24;
	s24 =	sor.u32 $0x380, s9;
	v4 =	vmul.f32 $6.499999760e-01, v58;
	[tilespmem:s29+$0x1AD80] =	vst v9;
	v9 =	vld [tilespmem:s3+$0x16C00];
	v3 =	vadd.f32 v3, v8  }
0x6bc: {  	s20 =	sor.u32 s30, s1;
	s9 =	sld [smem:$0x7BF];
	v6 =	vmul.f32 $3.499999940e-01, v6;
	v8 =	vld [tilespmem:s7+$0x16C00];
	v60 =	vmul.f32 $6.499999760e-01, v59  }
0x6bd: {  	s21 =	sor.u32 s22, s1;
	v11 =	vld [tilespmem:s20+$0x0];
	v7 =	vmul.f32 $3.499999940e-01, v7;
	[tilespmem:s13+$0x1AC00] =	vst v3;
	s13 =	sld [smem:$0x7BE]  }
0x6be: {  	v4 =	vadd.f32 v6, v4;
	v6 =	vld [tilespmem:s21+$0x0]  }
0x6bf: {  	s16 =	sadd.s32 $0x4, s16;
	v61 =	vld [tilespmem:s9+$0x0];
	v3 =	vmul.f32 $6.499999760e-01, v10;
	v5 =	vmul.f32 $3.499999940e-01, v5;
	v7 =	vadd.f32 v7, v60  }
0x6c0: {  	p2 =	slt.u32 s16, $0x3C;
	s21 =	rddreg [dreg:$0x17];
	[tilespmem:s26+$0x1AC00] =	vst v4;
	v4 =	vld [tilespmem:s13+$0x16C00]  }
0x6c1: {  	s12 =	sadd.s32 $0x18E80, s25;
	s20 =	sor.u32 $0x280, s18;
	v10 =	vmul.f32 $6.499999760e-01, v9;
	v3 =	vadd.f32 v5, v3;
	[tilespmem:s11+$0x1AC00] =	vst v7;
	v5 =	vld [tilespmem:s21+$0x16C00]  }
0x6c2: {  	s28 =	sor.u32 s5, s12;
	v9 =	vmul.f32 $6.499999760e-01, v8;
	v11 =	vmul.f32 $3.499999940e-01, v11;
	v8 =	vld [tilespmem:s20+$0x16C00]  }
.Ltmp5:
0x6c3: {  	s29 =	sld [smem:$0x7C0];
	v7 =	vld [tilespmem:s28+$0x0];
	[tilespmem:s8+$0x1AC00] =	vst v3;
	v3 =	vmul.f32 $3.499999940e-01, v6;
	(pc) =	sbr.rel @p2 .LBB2_13-.Ltmp5, $4  }
0x6c4: {  	s19 =	sadd.s32 $0x40, s19;
	s26 =	sor.u32 s10, s12;
	v11 =	vadd.f32 v11, v9;
	v9 =	vld [tilespmem:s0+$0x16C00]  }
0x6c5: {  	s4 =	rddreg [dreg:$0x1f];
	s6 =	sor.u32 $0x280, s15;
	s1 =	sor.u32 $0x300, s15;
	v12 =	vmul.f32 $3.499999940e-01, v61;
	v6 =	vld [tilespmem:s26+$0x0];
	v62 =	vmul.f32 $6.499999760e-01, v4;
	v63 =	vadd.f32 v3, v10  }
0x6c6: {  	s17 =	smov.u32 s1;
	s23 =	sor.u32 $0x380, s15;
	s15 =	smov.u32 s4;
	[tilespmem:s7+$0x1AC00] =	vst v11;
	v4 =	vld [tilespmem:s29+$0x0]  }
0x6c7: {  	s1 =	smov.u32 s21;
	s11 =	sor.u32 s30, s12;
	s8 =	sor.u32 s22, s12;
	v3 =	vmul.f32 $6.499999760e-01, v5;
	v10 =	vld [tilespmem:s14+$0x16C00];
	[tilespmem:s3+$0x1AC00] =	vst v63;
	v5 =	vadd.f32 v12, v62  }
0x6c8: {  	v11 =	vld [tilespmem:s11+$0x0]  }
0x6c9: {  	v12 =	vld [tilespmem:s6+$0x16C00]  }
0x6ca: {  	v13 =	vld [tilespmem:s8+$0x0];
	v8 =	vmul.f32 $6.499999760e-01, v8;
	v7 =	vmul.f32 $3.499999940e-01, v7;
	_ =	sdelay $0x1  }
0x6cb: {  	v9 =	vmul.f32 $6.499999760e-01, v9;
	v6 =	vmul.f32 $3.499999940e-01, v6;
	v7 =	vadd.f32 v7, v8  }
0x6cc: {  	s2 =	sadd.s32 $0x18F00, s25;
	v10 =	vmul.f32 $6.499999760e-01, v10;
	v11 =	vmul.f32 $3.499999940e-01, v11  }
0x6cd: {  	s3 =	sor.u32 s5, s2;
	v6 =	vadd.f32 v6, v9;
	[tilespmem:s20+$0x1AC00] =	vst v7  }
0x6ce: {  	s19 =	sor.u32 $0x300, s18;
	v38 =	vmul.f32 $6.499999760e-01, v12;
	v39 =	vmul.f32 $3.499999940e-01, v13;
	v7 =	vld [tilespmem:s3+$0x0];
	v10 =	vadd.f32 v11, v10  }
0x6cf: {  	v43 =	vld [tilespmem:s19+$0x16C00];
	[tilespmem:s0+$0x1AC00] =	vst v6  }
0x6d0: {  	s12 =	sor.u32 s30, s2;
	v8 =	vadd.f32 v39, v38;
	v45 =	vld [tilespmem:s31+$0x16C00];
	[tilespmem:s14+$0x1AC00] =	vst v10  }
0x6d1: {  	s14 =	sor.u32 s10, s2;
	v40 =	vld [tilespmem:s12+$0x0]  }
0x6d2: {  	s16 =	sor.u32 s22, s2;
	[tilespmem:s6+$0x1AC00] =	vst v8;
	v41 =	vld [tilespmem:s14+$0x0]  }
0x6d3: {  	v42 =	vld [tilespmem:s16+$0x0]  }
0x6d4: {  	s20 =	rddreg [dreg:$0xf];
	v46 =	vld [tilespmem:s17+$0x16C00]  }
0x6d5: {  	v44 =	vld [tilespmem:s20+$0x16C00]  }
0x6d6: {  	v10 =	vmul.f32 $6.499999760e-01, v43;
	v7 =	vmul.f32 $3.499999940e-01, v7;
	_ =	sdelay $0x1  }
0x6d7: {  	v7 =	vadd.f32 v7, v10;
	v47 =	vmul.f32 $6.499999760e-01, v45;
	v8 =	vmul.f32 $3.499999940e-01, v41  }
0x6d8: {  	s21 =	sadd.s32 $0x18F80, s25;
	v48 =	vmul.f32 $6.499999760e-01, v46;
	v9 =	vmul.f32 $3.499999940e-01, v42  }
0x6d9: {  	s25 =	sor.u32 s5, s21;
	[tilespmem:s19+$0x1AC00] =	vst v7;
	v6 =	vmul.f32 $3.499999940e-01, v40;
	v11 =	vmul.f32 $6.499999760e-01, v44;
	v49 =	vadd.f32 v8, v47  }
0x6da: {  	s29 =	sor.u32 $0x380, s18;
	v50 =	vld [tilespmem:s25+$0x0];
	v51 =	vadd.f32 v9, v48  }
0x6db: {  	s28 =	sor.u32 s10, s21;
	v55 =	vld [tilespmem:s29+$0x16C00];
	v6 =	vadd.f32 v6, v11;
	[tilespmem:s31+$0x1AC00] =	vst v49  }
0x6dc: {  	s2 =	sor.u32 s22, s21;
	[tilespmem:s17+$0x1AC00] =	vst v51;
	v53 =	vld [tilespmem:s28+$0x0]  }
0x6dd: {  	s26 =	sor.u32 s30, s21;
	[tilespmem:s20+$0x1AC00] =	vst v6;
	v54 =	vld [tilespmem:s2+$0x0]  }
0x6de: {  	v52 =	vld [tilespmem:s26+$0x0]  }
0x6df: {  	v56 =	vld [tilespmem:s15+$0x16C00]  }
0x6e0: {  	v57 =	vld [tilespmem:s24+$0x16C00]  }
0x6e1: {  	v58 =	vld [tilespmem:s23+$0x16C00]  }
0x6e2: {  	v4 =	vmul.f32 $3.499999940e-01, v4  }
0x6e3: {  	v10 =	vmul.f32 $6.499999760e-01, v55;
	v8 =	vmul.f32 $3.499999940e-01, v50  }
0x6e4: {  	v3 =	vadd.f32 v4, v3;
	v59 =	vmul.f32 $6.499999760e-01, v56;
	v9 =	vmul.f32 $3.499999940e-01, v52  }
0x6e5: {  	[tilespmem:s13+$0x1AC00] =	vst v5;
	v60 =	vadd.f32 v8, v10;
	v61 =	vmul.f32 $6.499999760e-01, v57;
	v6 =	vmul.f32 $3.499999940e-01, v53  }
0x6e6: {  	[tilespmem:s1+$0x1AC00] =	vst v3;
	v62 =	vmul.f32 $6.499999760e-01, v58;
	v7 =	vmul.f32 $3.499999940e-01, v54;
	v3 =	vadd.f32 v9, v59  }
0x6e7: {  	[tilespmem:s29+$0x1AC00] =	vst v60;
	v63 =	vadd.f32 v6, v61  }
0x6e8: {  	[tilespmem:s15+$0x1AC00] =	vst v3;
	v3 =	vadd.f32 v7, v62  }
0x6e9: {  	[tilespmem:s24+$0x1AC00] =	vst v63  }
0x6ea: {  	[tilespmem:s23+$0x1AC00] =	vst v3  }
0x6eb: {  	s3 =	sld [smem:$0x7FB];
	_ =	sdelay $0x1  }
0x6ec: {  	s0 =	simm.s32 @p0 $0x0;
	s1 =	simm.s32 @p0 $0x1AC00  }
0x6ed: {  	[hbm4b:s3+s0] =	stream.linear.scatter @p0 [tilespmem:s1], [sflag:$0x9], $0x280, $0x38;
	[tilespmem:$0x1F380] =	vst v63  }
0x6ee: {  	s2 =	simm.s32 @p0 $0x1B000;
	s1 =	sadd.s32 @p0 $0x80, s3  }
0x6ef: {  	[hbm4b:s1+s0] =	stream.linear.scatter @p0 [tilespmem:s2], [sflag:$0x9], $0x280, $0x38;
	[tilespmem:$0x1F380] =	vst v63  }
0x6f0: {  	s1 =	sadd.s32 @p0 $0x100, s3;
	s2 =	simm.s32 @p0 $0x1B400  }
0x6f1: {  	[hbm4b:s1+s0] =	stream.linear.scatter @p0 [tilespmem:s2], [sflag:$0x9], $0x280, $0x38;
	[tilespmem:$0x1F380] =	vst v63  }
0x6f2: {  	s1 =	sadd.s32 @p0 $0x180, s3;
	s2 =	simm.s32 @p0 $0x1B800  }
0x6f3: {  	[hbm4b:s1+s0] =	stream.linear.scatter @p0 [tilespmem:s2], [sflag:$0x9], $0x280, $0x38;
	[tilespmem:$0x1F380] =	vst v63  }
0x6f4: {  	s1 =	sadd.s32 @p0 $0x200, s3;
	s2 =	simm.s32 @p0 $0x1BC00  }
0x6f5: {  	[hbm4b:s1+s0] =	stream.linear.scatter @p0 [tilespmem:s2], [sflag:$0x9], $0x280, $0x38;
	[tilespmem:$0x1F380] =	vst v63  }
0x6f6: {  	s1 =	sadd.s32 @p0 $0x280, s3;
	s2 =	simm.s32 @p0 $0x1C000  }
0x6f7: {  	[hbm4b:s1+s0] =	stream.linear.scatter @p0 [tilespmem:s2], [sflag:$0x9], $0x280, $0x38;
	[tilespmem:$0x1F380] =	vst v63  }
0x6f8: {  	s1 =	sadd.s32 @p0 $0x300, s3;
	s2 =	simm.s32 @p0 $0x1C400  }
0x6f9: {  	[hbm4b:s1+s0] =	stream.linear.scatter @p0 [tilespmem:s2], [sflag:$0x9], $0x280, $0x38;
	[tilespmem:$0x1F380] =	vst v63  }
0x6fa: {  	s1 =	sadd.s32 @p0 $0x380, s3;
	s2 =	simm.s32 @p0 $0x1C800  }
0x6fb: {  	[hbm4b:s1+s0] =	stream.linear.scatter @p0 [tilespmem:s2], [sflag:$0x9], $0x280, $0x38;
	[tilespmem:$0x1F380] =	vst v63  }
0x6fc: {  	s0 =	simm.s32 @p0 $0x9  }
0x6fd: {  	_ =	swait.ge @p0 [sflag:s0], $0x1400  }
0x6fe: {  	s2 =	sld [smem:$0x7C7]  }
0x6ff: {  	s31 =	sld [smem:$0x7E3]  }
0x700: {  	[sflag:s0] =	ssyncset.done @p0 $0x0  }
0x701: {  	s1 =	rddreg [dreg:$0xa];
	[sflag:s0] =	ssyncadd.s32 @p0 $0xFFFFEC00  }
0x702: {  	s0 =	rddreg [dreg:$0xb];
	s1 =	sadd.s32 @!p0 s1, s2;
	s5 =	sadd.s32 $0x1, s31  }
0x703: {  	s1 =	smov.u32 @p0 s0;
	p0 =	sne.s32 s5, $0xB  }
.Ltmp6:
0x704: {  	_ = 	snop;
	(pc) =	sbr.rel @p0 .LBB2_2-.Ltmp6, $3  }
0x705: {  	_ =	sdelay $0x1  }
0x706: {  	s30 =	simm.s32 $0x1AC00;
	s13 =	simm.s32 $0x0  }
0x707: {  	[hbm4b:s1+s13] =	stream.linear.scatter [tilespmem:s30], [sflag:$0x5], $0x2000, $0x38;
	[tilespmem:$0x1F380] =	vst v63  }
0x708: {  	s0 =	simm.s32 $0x2  }
0x709: {  	_ =	swait.ge [sflag:s0], $0x10  }
0x70a: {  	[sflag:s0] =	ssyncset.done $0x0  }
0x70b: {  	s22 =	simm.s32 $0x3;
	[sflag:s0] =	ssyncadd.s32 $0xFFFFFFF0  }
0x70c: {  	_ =	swait.ge [sflag:s22], $0x4000  }
0x70d: {  	[sflag:s22] =	ssyncset.done $0x0  }
0x70e: {  	[sflag:s22] =	ssyncadd.s32 $0xFFFFC000  }
0x70f: {  	_ =	swait.ge [sflag:s22], $0x4000  }
0x710: {  	[sflag:s22] =	ssyncset.done $0x0  }
0x711: {  	[sflag:s22] =	ssyncadd.s32 $0xFFFFC000  }
0x712: {  	_ =	swait.ge [sflag:s22], $0x4000  }
0x713: {  	[sflag:s22] =	ssyncset.done $0x0  }
0x714: {  	s23 =	simm.s32 $0x7;
	[sflag:s22] =	ssyncadd.s32 $0xFFFFC000  }
0x715: {  	_ =	swait.ge [sflag:s23], $0x10  }
0x716: {  	[sflag:s23] =	ssyncset.done $0x0  }
0x717: {  	[sflag:s23] =	ssyncadd.s32 $0xFFFFFFF0  }
0x718: {  	_ =	swait.ge [sflag:s23], $0x10  }
0x719: {  	[sflag:s23] =	ssyncset.done $0x0  }
0x71a: {  	[sflag:s23] =	ssyncadd.s32 $0xFFFFFFF0  }
0x71b: {  	_ =	swait.ge [sflag:s23], $0x10  }
0x71c: {  	s24 =	sld [smem:$0x7ED]  }
0x71d: {  	[sflag:s23] =	ssyncset.done $0x0  }
0x71e: {  	s1 =	simm.s32 $0x1EF00;
	[sflag:s23] =	ssyncadd.s32 $0xFFFFFFF0  }
0x71f: {  	[hbm4b:s24+s13] =	stream.linear.scatter [tilespmem:s1], [sflag:$0x9], $0x160, $0x38;
	[tilespmem:$0x1F380] =	vst v63  }
0x720: {  	s1 =	simm.s32 $0x9  }
0x721: {  	_ =	swait.ge [sflag:s1], $0x160  }
0x722: {  	s25 =	sld [smem:$0x7EE]  }
0x723: {  	[sflag:s1] =	ssyncset.done $0x0  }
0x724: {  	s2 =	simm.s32 $0x1F080;
	[sflag:s1] =	ssyncadd.s32 $0xFFFFFEA0  }
0x725: {  	[hbm4b:s25+s13] =	stream.linear.scatter [tilespmem:s2], [sflag:$0x9], $0x160, $0x38;
	[tilespmem:$0x1F380] =	vst v63  }
0x726: {  	_ =	swait.ge [sflag:s1], $0x160  }
0x727: {  	s26 =	sld [smem:$0x7EF]  }
0x728: {  	[sflag:s1] =	ssyncset.done $0x0  }
0x729: {  	s28 =	simm.s32 $0x1F200;
	[sflag:s1] =	ssyncadd.s32 $0xFFFFFEA0  }
0x72a: {  	[hbm4b:s26+s13] =	stream.linear.scatter [tilespmem:s28], [sflag:$0x9], $0x160, $0x38;
	[tilespmem:$0x1F380] =	vst v63  }
0x72b: {  	_ =	swait.ge [sflag:s1], $0x160  }
0x72c: {  	[sflag:s1] =	ssyncset.done $0x0  }
0x72d: {  	s29 =	simm.s32 $0x5;
	[sflag:s1] =	ssyncadd.s32 $0xFFFFFEA0  }
0x72e: {  	_ =	swait.ge [sflag:s29], $0x2000  }
0x72f: {  	[sflag:s29] =	ssyncset.done $0x0  }
0x730: {  	s30 =	simm.s32 $0x6;
	[sflag:s29] =	ssyncadd.s32 $0xFFFFE000  }
0x731: {  	_ =	swait.ge [sflag:s30], $0x2000  }
0x732: {  	s3 =	sld [smem:$0x7E8]  }
0x733: {  	s31 =	sld [smem:$0x7F0];
	_ =	sdelay $0x1  }
0x734: {  	s3 =	sadd.s32 $0x1, s3  }
0x735: {  	p0 =	sne.s32 s3, s31  }
.Ltmp7:
0x736: {  	_ = 	snop;
	(pc) =	sbr.rel @p0 .LBB2_1-.Ltmp7, $3  }
0x737: {  	_ =	sdelay $0x1  }
0x738: {  	[sflag:s30] =	ssyncset.done $0x0  }
0x739: {  	[sflag:s30] =	ssyncadd.s32 $0xFFFFE000  }
0x73a: {  	_ =	sfence.sel $0x180000  }
0x73b: {  	[bflag:$0x0] =	sbarrier.arrive $0xFFFF  }
0x73c: {  	_ =	strace $0x90000047  }
0x73d: {  	s0 =	stileid.u32;
	[bflag:$0x2] =	sbarrier.arrive $0xFFFF  }
0x73e: {  	p0 =	sne.s32 s0, $0x0;
	s0 =	rddreg [dreg:$0xd]  }
0x73f: {  	s0 =	sadd.s32 @!p0 $0x100000, s0  }
0x740: {  	[sflag:s0] =	ssyncadd.tile.s32 @!p0 $0x1;
	_ =	shalt  }
.Lfunc_end2:
_tile_overlayer_lowered:
.L_overlay_start_2:
0x741: {  	(tag) =	ssettag $0x2  }
0x742: {  	s0 =	rddreg [dreg:$0x0];
	s2 =	stileid.u32  }
0x743: {  	s1 =	rddreg [dreg:$0x1];
	p0 =	sne.s32 s2, $0x0  }
0x744: {  	s3 =	rddreg [dreg:$0x2];
	[bflag:$0x3] =	sbarrier.arrive $0xFFFF;
	s2 =	simm.s32 @!p0 $0x1C09  }
0x745: {  	[timem:s3], [sflag:s2] =	dma.local @!p0 [hbm:s0], s1  }
0x746: {  	s0 =	simm.s32 @!p0 $0x9  }
0x747: {  	_ =	swait.ge @!p0 [sflag:s0], s1  }
0x748: {  	s1 =	ssub.s32 @!p0 $0x0, s1;
	[sflag:s0] =	ssyncset.done @!p0 $0x0  }
0x749: {  	[sflag:s0] =	ssyncadd.s32 @!p0 s1  }
0x74a: {  	[bflag:$0x3] =	sbarrier.arrive $0xFFFF  }
0x74b: {  	_ =	shalt  }

</sc_bundles>
